<compile_context>
chip_gen: v7x
topology: tpu7x:2x2x1
jax: 0.10.2.dev20260603
libtpu: 0.0.44.dev20260713+nightly
codegen_flags: <defaults>
</compile_context>

<pallas_src>
import functools

import jax
import jax.numpy as jnp
from jax import lax
from jax.experimental import pallas as pl
from jax.experimental.pallas import tpu as pltpu
from jax.experimental.pallas import tpu_sc as plsc

_NUM_CORES = 2
_NUM_SUBCORES = 16
_LANES = 16
_WIDE = 128
_CHUNK = 128
_PHASES = 4


def _build_sc_kernel(q_len, v_len, vocab, dim):
  mp = (vocab - 1) // 2
  group = _WIDE // dim
  assert group * dim == _WIDE and _PHASES == group
  t4_rows = vocab + group - 1
  toff = -(q_len - 1 - mp)
  g_flat = (q_len + v_len - 1) * dim
  rows_per_phase = -(-g_flat // _WIDE)
  assert rows_per_phase % (_NUM_SUBCORES // _PHASES * 2) == 0
  n_workers = _NUM_CORES * _NUM_SUBCORES
  assert q_len % n_workers == 0
  rows_per_worker = q_len // n_workers
  out_mid = v_len * dim // _WIDE
  win_rows = out_mid
  quarters = _NUM_SUBCORES // _PHASES
  chunks_per_tile = rows_per_phase // _CHUNK // quarters

  mesh = plsc.VectorSubcoreMesh(
      core_axis_name="c", subcore_axis_name="s")

  @functools.partial(
      pl.kernel,
      out_type=[
          jax.ShapeDtypeStruct((q_len, out_mid, _WIDE), jnp.float32),
          jax.ShapeDtypeStruct((_PHASES * rows_per_phase, _WIDE),
                               jnp.float32),
      ],
      mesh=mesh,
      scratch_types=[
          pltpu.VMEM((chunks_per_tile, _CHUNK), jnp.int32),
          pltpu.VMEM((chunks_per_tile * _CHUNK, _WIDE), jnp.float32),
          pltpu.VMEM_SHARED((_PHASES * rows_per_phase, _WIDE),
                            jnp.float32),
          pltpu.SemaphoreType.DMA,
      ],
      compiler_params=pltpu.CompilerParams(use_tc_tiling_on_sc=False),
  )
  def body(t4_hbm, out_hbm, stage_hbm, idx_v, buf_v, g_all, sem):
    c = lax.axis_index("c")
    s = lax.axis_index("s")

    phase = s // quarters
    quarter = s % quarters
    k0_tile = quarter * (chunks_per_tile * _CHUNK)
    lanes = lax.iota(jnp.int32, _LANES)
    for ci in range(chunks_per_tile):
      for kk in range(_CHUNK // _LANES):
        k = k0_tile + ci * _CHUNK + kk * _LANES
        vals = jnp.clip((lanes + k) * group + phase + toff,
                        -(group - 1), 2 * mp) + (group - 1)
        idx_v[ci, pl.ds(kk * _LANES, _LANES)] = vals
    gathers = [
        pltpu.async_copy(
            t4_hbm.at[idx_v.at[ci]],
            buf_v.at[pl.ds(ci * _CHUNK, _CHUNK)],
            sem)
        for ci in range(chunks_per_tile)
    ]
    for cp in gathers:
      cp.wait()
    stages = [
        pltpu.async_copy(
            buf_v.at[pl.ds(ci * _CHUNK, _CHUNK)],
            stage_hbm.at[pl.ds(phase * rows_per_phase + k0_tile + ci * _CHUNK,
                               _CHUNK)],
            sem)
        for ci in range(chunks_per_tile)
    ]
    for cp in stages:
      cp.wait()

    plsc.subcore_barrier()

    @pl.when(s == 0)
    def _pull():
      pltpu.sync_copy(stage_hbm, g_all)

    plsc.subcore_barrier()

    wid = s * _NUM_CORES + c
    base = wid * rows_per_worker
    row_copies = []
    for r in range(rows_per_worker):
      i = base + r
      p = (q_len - 1 - r) % _PHASES
      k0 = (q_len - 1 - i - p) // _PHASES
      row_copies.append(
          pltpu.async_copy(
              g_all.at[pl.ds(p * rows_per_phase + k0, win_rows)],
              out_hbm.at[i],
              sem))
    for cp in row_copies:
      cp.wait()

  return body


def kernel(query, value, weight):
  q_len = query.shape[1]
  v_len = value.shape[1]
  vocab, dim = weight.shape
  group = _WIDE // dim
  vidx = jnp.clip(
      jnp.arange(-(group - 1), vocab)[:, None] + jnp.arange(group)[None, :],
      0, vocab - 1)
  t4 = jnp.reshape(weight[vidx], (vocab + group - 1, group * dim))
  sc = _build_sc_kernel(q_len, v_len, vocab, dim)
  out, _ = sc(t4)
  return jnp.reshape(out, (q_len, v_len, dim))

# --- scband reference (transcript-rebuilt; emitter-appended) ---
"""Pipeline reference for scband-relative-position-embedding-5480378269959 (READ-ONLY COPY).

The authoritative reference and input builder live on the scoring server;
editing this copy changes nothing except your own understanding.
"""

import jax, jax.numpy as jnp
import numpy as np

INPUT_DIM = 129
OUTPUT_DIM = 32

def setup_inputs(seed: int = 0) -> dict:
    key = jax.random.key(seed)
    k1, k2, k3 = jax.random.split(key, 3)
    query = jax.random.normal(k1, (2, 2048, 1024), dtype=jnp.float32)
    value = jax.random.normal(k2, (2, 2048, 1024), dtype=jnp.float32)
    # truncated-normal-style init for the relative position embedding table
    weight = jax.random.truncated_normal(k3, -2.0, 2.0, (INPUT_DIM, OUTPUT_DIM), dtype=jnp.float32) * 0.02
    return {"query": query, "value": value, "weight": weight}

def reference(query, value, weight):
    # pos_ids[i, j] = clamp(j - i, -max_position, max_position) + max_position
    query_idx = jnp.arange(query.shape[1])[:, None]
    value_idx = jnp.arange(value.shape[1])[None, :]
    pos_ids = value_idx - query_idx
    max_position = (weight.shape[0] - 1) // 2
    pos_ids = jnp.clip(pos_ids, -max_position, max_position)
    pos_ids = pos_ids + max_position
    # gather rows of the table: [q_len, v_len, output_dim]
    return jnp.take(weight, pos_ids, axis=0)

if __name__ == "__main__":
    import jax
    _d = setup_inputs()
    print(jax.jit(kernel)(*tuple(_d.values())))

</pallas_src>

<mosaic_0001>
#map = affine_map<(d0, d1) -> (0, 0)>
#map1 = affine_map<(d0, d1) -> (0, 0, 0)>
module attributes {stable_mosaic.version = 14 : i64} {
  func.func @body(%arg0: i32, %arg1: i32, %arg2: memref<132x128xf32, #tpu.memory_space<hbm>>, %arg3: memref<2048x512x128xf32, #tpu.memory_space<hbm>>, %arg4: memref<4096x128xf32, #tpu.memory_space<hbm>>, %arg5: memref<2x128xi32, #tpu.memory_space<vmem>>, %arg6: memref<256x128xf32, #tpu.memory_space<vmem>>, %arg7: memref<4096x128xf32, #tpu.memory_space<vmem_shared>>, %arg8: memref<!tpu.dma_semaphore, #tpu.memory_space<semaphore_mem>>) attributes {dimension_semantics = [#tpu.dimension_semantics<core_parallel>, #tpu.dimension_semantics<subcore_parallel>], iteration_bounds = array<i64: 2, 16>, scalar_prefetch = 0 : i64, scratch_operands = 4 : i64, tpu.core_type = #tpu.core_type<sc_vector_subcore>, window_params = [{transform_indices = #map}, {transform_indices = #map1}, {transform_indices = #map}]} {
    %jit3A = arith.constant 4 : i32
    %div3A = arith.divsi %arg1, %jit3A : i32
    %sign3A = arith.constant 0 : i32
    %sign3A_0 = arith.cmpi sgt, %arg1, %sign3A : i32
    %sign3A_1 = arith.extui %sign3A_0 : i1 to i32
    %sign3A_2 = arith.constant 0 : i32
    %sign3A_3 = arith.cmpi slt, %arg1, %sign3A_2 : i32
    %sign3A_4 = arith.extui %sign3A_3 : i1 to i32
    %sign3A_5 = arith.subi %sign3A_1, %sign3A_4 : i32
    %sign3A_6 = arith.constant 0 : i32
    %sign3A_7 = arith.cmpi sgt, %jit3A, %sign3A_6 : i32
    %sign3A_8 = arith.extui %sign3A_7 : i1 to i32
    %sign3A_9 = arith.constant 0 : i32
    %sign3A_10 = arith.cmpi slt, %jit3A, %sign3A_9 : i32
    %sign3A_11 = arith.extui %sign3A_10 : i1 to i32
    %sign3A_12 = arith.subi %sign3A_8, %sign3A_11 : i32
    %ne3A = arith.cmpi ne, %sign3A_5, %sign3A_12 : i32
    %rem3A = arith.remsi %arg1, %jit3A : i32
    %ne3A_13 = arith.constant 0 : i32
    %ne3A_14 = arith.cmpi ne, %rem3A, %ne3A_13 : i32
    %and3A = arith.andi %ne3A, %ne3A_14 : i1
    %sub3A = arith.constant 1 : i32
    %sub3A_15 = arith.subi %div3A, %sub3A : i32
    %select_n3A = arith.select %and3A, %sub3A_15, %div3A : i32
    %jit3A_16 = arith.constant 4 : i32
    %eq3A = arith.constant 0 : i32
    %eq3A_17 = arith.cmpi eq, %jit3A_16, %eq3A : i32
    %jit3A_18 = arith.constant 1 : i32
    %select_n3A_19 = arith.select %eq3A_17, %jit3A_18, %jit3A_16 : i32
    %rem3A_20 = arith.remsi %arg1, %select_n3A_19 : i32
    %ne3A_21 = arith.constant 0 : i32
    %ne3A_22 = arith.cmpi ne, %rem3A_20, %ne3A_21 : i32
    %lt3A = arith.constant 0 : i32
    %lt3A_23 = arith.cmpi slt, %rem3A_20, %lt3A : i32
    %lt3A_24 = arith.constant 0 : i32
    %lt3A_25 = arith.cmpi slt, %select_n3A_19, %lt3A_24 : i32
    %ne3A_26 = arith.xori %lt3A_23, %lt3A_25 : i1
    %and3A_27 = arith.andi %ne3A_26, %ne3A_22 : i1
    %add3A = arith.addi %rem3A_20, %select_n3A_19 : i32
    %select_n3A_28 = arith.select %and3A_27, %add3A, %rem3A_20 : i32
    %mul3A = arith.constant 256 : i32
    %mul3A_29 = arith.muli %select_n3A_28, %mul3A : i32
    %iota3A = tpu.iota {dimensions = array<i32: 0>} : vector<16xi32>
    %add3A_30 = arith.constant 0 : i32
    %add3A_31 = arith.addi %mul3A_29, %add3A_30 : i32
    %add3A_32 = arith.constant 0 : i32
    %add3A_33 = arith.addi %add3A_31, %add3A_32 : i32
    %add3A_34 = vector.broadcast %add3A_33 : i32 to vector<16xi32>
    %add3A_35 = arith.addi %iota3A, %add3A_34 : vector<16xi32>
    %mul3A_36 = arith.constant 4 : i32
    %mul3A_37 = vector.broadcast %mul3A_36 : i32 to vector<16xi32>
    %mul3A_38 = arith.muli %add3A_35, %mul3A_37 : vector<16xi32>
    %add3A_39 = vector.broadcast %select_n3A : i32 to vector<16xi32>
    %add3A_40 = arith.addi %mul3A_38, %add3A_39 : vector<16xi32>
    %add3A_41 = arith.constant -1983 : i32
    %add3A_42 = vector.broadcast %add3A_41 : i32 to vector<16xi32>
    %add3A_43 = arith.addi %add3A_40, %add3A_42 : vector<16xi32>
    %jit3A_44 = arith.constant -3 : i32
    %jit3A_45 = arith.constant 128 : i32
    %max3A = vector.broadcast %jit3A_44 : i32 to vector<16xi32>
    %max3A_46 = arith.maxsi %max3A, %add3A_43 : vector<16xi32>
    %min3A = vector.broadcast %jit3A_45 : i32 to vector<16xi32>
    %min3A_47 = arith.minsi %min3A, %max3A_46 : vector<16xi32>
    %add3A_48 = arith.constant 3 : i32
    %add3A_49 = vector.broadcast %add3A_48 : i32 to vector<16xi32>
    %add3A_50 = arith.addi %min3A_47, %add3A_49 : vector<16xi32>
    %swap3A = arith.constant 0 : i32
    %swap3A_51 = arith.index_cast %swap3A : i32 to index
    %swap3A_52 = arith.constant 0 : index
    %swap3A_53 = tpu.vector_load %arg5[%swap3A_51, %swap3A_52] {strides = array<i32>} : memref<2x128xi32, #tpu.memory_space<vmem>>, vector<1x16xi32>,
    %swap3A_54 = vector.shape_cast %swap3A_53 : vector<1x16xi32> to vector<16xi32>
    %swap3A_55 = vector.shape_cast %add3A_50 : vector<16xi32> to vector<1x16xi32>
    tpu.vector_store %arg5[%swap3A_51, %swap3A_52], %swap3A_55 {strides = array<i32>} : memref<2x128xi32, #tpu.memory_space<vmem>>, vector<1x16xi32>,
    %add3A_56 = arith.constant 0 : i32
    %add3A_57 = arith.addi %mul3A_29, %add3A_56 : i32
    %add3A_58 = arith.constant 16 : i32
    %add3A_59 = arith.addi %add3A_57, %add3A_58 : i32
    %add3A_60 = vector.broadcast %add3A_59 : i32 to vector<16xi32>
    %add3A_61 = arith.addi %iota3A, %add3A_60 : vector<16xi32>
    %mul3A_62 = arith.constant 4 : i32
    %mul3A_63 = vector.broadcast %mul3A_62 : i32 to vector<16xi32>
    %mul3A_64 = arith.muli %add3A_61, %mul3A_63 : vector<16xi32>
    %add3A_65 = vector.broadcast %select_n3A : i32 to vector<16xi32>
    %add3A_66 = arith.addi %mul3A_64, %add3A_65 : vector<16xi32>
    %add3A_67 = arith.constant -1983 : i32
    %add3A_68 = vector.broadcast %add3A_67 : i32 to vector<16xi32>
    %add3A_69 = arith.addi %add3A_66, %add3A_68 : vector<16xi32>
    %jit3A_70 = arith.constant -3 : i32
    %jit3A_71 = arith.constant 128 : i32
    %max3A_72 = vector.broadcast %jit3A_70 : i32 to vector<16xi32>
    %max3A_73 = arith.maxsi %max3A_72, %add3A_69 : vector<16xi32>
    %min3A_74 = vector.broadcast %jit3A_71 : i32 to vector<16xi32>
    %min3A_75 = arith.minsi %min3A_74, %max3A_73 : vector<16xi32>
    %add3A_76 = arith.constant 3 : i32
    %add3A_77 = vector.broadcast %add3A_76 : i32 to vector<16xi32>
    %add3A_78 = arith.addi %min3A_75, %add3A_77 : vector<16xi32>
    %swap3A_79 = arith.constant 0 : i32
    %swap3A_80 = arith.index_cast %swap3A_79 : i32 to index
    %swap3A_81 = arith.constant 16 : index
    %swap3A_82 = tpu.vector_load %arg5[%swap3A_80, %swap3A_81] {strides = array<i32>} : memref<2x128xi32, #tpu.memory_space<vmem>>, vector<1x16xi32>,
    %swap3A_83 = vector.shape_cast %swap3A_82 : vector<1x16xi32> to vector<16xi32>
    %swap3A_84 = vector.shape_cast %add3A_78 : vector<16xi32> to vector<1x16xi32>
    tpu.vector_store %arg5[%swap3A_80, %swap3A_81], %swap3A_84 {strides = array<i32>} : memref<2x128xi32, #tpu.memory_space<vmem>>, vector<1x16xi32>,
    %add3A_85 = arith.constant 0 : i32
    %add3A_86 = arith.addi %mul3A_29, %add3A_85 : i32
    %add3A_87 = arith.constant 32 : i32
    %add3A_88 = arith.addi %add3A_86, %add3A_87 : i32
    %add3A_89 = vector.broadcast %add3A_88 : i32 to vector<16xi32>
    %add3A_90 = arith.addi %iota3A, %add3A_89 : vector<16xi32>
    %mul3A_91 = arith.constant 4 : i32
    %mul3A_92 = vector.broadcast %mul3A_91 : i32 to vector<16xi32>
    %mul3A_93 = arith.muli %add3A_90, %mul3A_92 : vector<16xi32>
    %add3A_94 = vector.broadcast %select_n3A : i32 to vector<16xi32>
    %add3A_95 = arith.addi %mul3A_93, %add3A_94 : vector<16xi32>
    %add3A_96 = arith.constant -1983 : i32
    %add3A_97 = vector.broadcast %add3A_96 : i32 to vector<16xi32>
    %add3A_98 = arith.addi %add3A_95, %add3A_97 : vector<16xi32>
    %jit3A_99 = arith.constant -3 : i32
    %jit3A_100 = arith.constant 128 : i32
    %max3A_101 = vector.broadcast %jit3A_99 : i32 to vector<16xi32>
    %max3A_102 = arith.maxsi %max3A_101, %add3A_98 : vector<16xi32>
    %min3A_103 = vector.broadcast %jit3A_100 : i32 to vector<16xi32>
    %min3A_104 = arith.minsi %min3A_103, %max3A_102 : vector<16xi32>
    %add3A_105 = arith.constant 3 : i32
    %add3A_106 = vector.broadcast %add3A_105 : i32 to vector<16xi32>
    %add3A_107 = arith.addi %min3A_104, %add3A_106 : vector<16xi32>
    %swap3A_108 = arith.constant 0 : i32
    %swap3A_109 = arith.index_cast %swap3A_108 : i32 to index
    %swap3A_110 = arith.constant 32 : index
    %swap3A_111 = tpu.vector_load %arg5[%swap3A_109, %swap3A_110] {strides = array<i32>} : memref<2x128xi32, #tpu.memory_space<vmem>>, vector<1x16xi32>,
    %swap3A_112 = vector.shape_cast %swap3A_111 : vector<1x16xi32> to vector<16xi32>
    %swap3A_113 = vector.shape_cast %add3A_107 : vector<16xi32> to vector<1x16xi32>
    tpu.vector_store %arg5[%swap3A_109, %swap3A_110], %swap3A_113 {strides = array<i32>} : memref<2x128xi32, #tpu.memory_space<vmem>>, vector<1x16xi32>,
    %add3A_114 = arith.constant 0 : i32
    %add3A_115 = arith.addi %mul3A_29, %add3A_114 : i32
    %add3A_116 = arith.constant 48 : i32
    %add3A_117 = arith.addi %add3A_115, %add3A_116 : i32
    %add3A_118 = vector.broadcast %add3A_117 : i32 to vector<16xi32>
    %add3A_119 = arith.addi %iota3A, %add3A_118 : vector<16xi32>
    %mul3A_120 = arith.constant 4 : i32
    %mul3A_121 = vector.broadcast %mul3A_120 : i32 to vector<16xi32>
    %mul3A_122 = arith.muli %add3A_119, %mul3A_121 : vector<16xi32>
    %add3A_123 = vector.broadcast %select_n3A : i32 to vector<16xi32>
    %add3A_124 = arith.addi %mul3A_122, %add3A_123 : vector<16xi32>
    %add3A_125 = arith.constant -1983 : i32
    %add3A_126 = vector.broadcast %add3A_125 : i32 to vector<16xi32>
    %add3A_127 = arith.addi %add3A_124, %add3A_126 : vector<16xi32>
    %jit3A_128 = arith.constant -3 : i32
    %jit3A_129 = arith.constant 128 : i32
    %max3A_130 = vector.broadcast %jit3A_128 : i32 to vector<16xi32>
    %max3A_131 = arith.maxsi %max3A_130, %add3A_127 : vector<16xi32>
    %min3A_132 = vector.broadcast %jit3A_129 : i32 to vector<16xi32>
    %min3A_133 = arith.minsi %min3A_132, %max3A_131 : vector<16xi32>
    %add3A_134 = arith.constant 3 : i32
    %add3A_135 = vector.broadcast %add3A_134 : i32 to vector<16xi32>
    %add3A_136 = arith.addi %min3A_133, %add3A_135 : vector<16xi32>
    %swap3A_137 = arith.constant 0 : i32
    %swap3A_138 = arith.index_cast %swap3A_137 : i32 to index
    %swap3A_139 = arith.constant 48 : index
    %swap3A_140 = tpu.vector_load %arg5[%swap3A_138, %swap3A_139] {strides = array<i32>} : memref<2x128xi32, #tpu.memory_space<vmem>>, vector<1x16xi32>,
    %swap3A_141 = vector.shape_cast %swap3A_140 : vector<1x16xi32> to vector<16xi32>
    %swap3A_142 = vector.shape_cast %add3A_136 : vector<16xi32> to vector<1x16xi32>
    tpu.vector_store %arg5[%swap3A_138, %swap3A_139], %swap3A_142 {strides = array<i32>} : memref<2x128xi32, #tpu.memory_space<vmem>>, vector<1x16xi32>,
    %add3A_143 = arith.constant 0 : i32
    %add3A_144 = arith.addi %mul3A_29, %add3A_143 : i32
    %add3A_145 = arith.constant 64 : i32
    %add3A_146 = arith.addi %add3A_144, %add3A_145 : i32
    %add3A_147 = vector.broadcast %add3A_146 : i32 to vector<16xi32>
    %add3A_148 = arith.addi %iota3A, %add3A_147 : vector<16xi32>
    %mul3A_149 = arith.constant 4 : i32
    %mul3A_150 = vector.broadcast %mul3A_149 : i32 to vector<16xi32>
    %mul3A_151 = arith.muli %add3A_148, %mul3A_150 : vector<16xi32>
    %add3A_152 = vector.broadcast %select_n3A : i32 to vector<16xi32>
    %add3A_153 = arith.addi %mul3A_151, %add3A_152 : vector<16xi32>
    %add3A_154 = arith.constant -1983 : i32
    %add3A_155 = vector.broadcast %add3A_154 : i32 to vector<16xi32>
    %add3A_156 = arith.addi %add3A_153, %add3A_155 : vector<16xi32>
    %jit3A_157 = arith.constant -3 : i32
    %jit3A_158 = arith.constant 128 : i32
    %max3A_159 = vector.broadcast %jit3A_157 : i32 to vector<16xi32>
    %max3A_160 = arith.maxsi %max3A_159, %add3A_156 : vector<16xi32>
    %min3A_161 = vector.broadcast %jit3A_158 : i32 to vector<16xi32>
    %min3A_162 = arith.minsi %min3A_161, %max3A_160 : vector<16xi32>
    %add3A_163 = arith.constant 3 : i32
    %add3A_164 = vector.broadcast %add3A_163 : i32 to vector<16xi32>
    %add3A_165 = arith.addi %min3A_162, %add3A_164 : vector<16xi32>
    %swap3A_166 = arith.constant 0 : i32
    %swap3A_167 = arith.index_cast %swap3A_166 : i32 to index
    %swap3A_168 = arith.constant 64 : index
    %swap3A_169 = tpu.vector_load %arg5[%swap3A_167, %swap3A_168] {strides = array<i32>} : memref<2x128xi32, #tpu.memory_space<vmem>>, vector<1x16xi32>,
    %swap3A_170 = vector.shape_cast %swap3A_169 : vector<1x16xi32> to vector<16xi32>
    %swap3A_171 = vector.shape_cast %add3A_165 : vector<16xi32> to vector<1x16xi32>
    tpu.vector_store %arg5[%swap3A_167, %swap3A_168], %swap3A_171 {strides = array<i32>} : memref<2x128xi32, #tpu.memory_space<vmem>>, vector<1x16xi32>,
    %add3A_172 = arith.constant 0 : i32
    %add3A_173 = arith.addi %mul3A_29, %add3A_172 : i32
    %add3A_174 = arith.constant 80 : i32
    %add3A_175 = arith.addi %add3A_173, %add3A_174 : i32
    %add3A_176 = vector.broadcast %add3A_175 : i32 to vector<16xi32>
    %add3A_177 = arith.addi %iota3A, %add3A_176 : vector<16xi32>
    %mul3A_178 = arith.constant 4 : i32
    %mul3A_179 = vector.broadcast %mul3A_178 : i32 to vector<16xi32>
    %mul3A_180 = arith.muli %add3A_177, %mul3A_179 : vector<16xi32>
    %add3A_181 = vector.broadcast %select_n3A : i32 to vector<16xi32>
    %add3A_182 = arith.addi %mul3A_180, %add3A_181 : vector<16xi32>
    %add3A_183 = arith.constant -1983 : i32
    %add3A_184 = vector.broadcast %add3A_183 : i32 to vector<16xi32>
    %add3A_185 = arith.addi %add3A_182, %add3A_184 : vector<16xi32>
    %jit3A_186 = arith.constant -3 : i32
    %jit3A_187 = arith.constant 128 : i32
    %max3A_188 = vector.broadcast %jit3A_186 : i32 to vector<16xi32>
    %max3A_189 = arith.maxsi %max3A_188, %add3A_185 : vector<16xi32>
    %min3A_190 = vector.broadcast %jit3A_187 : i32 to vector<16xi32>
    %min3A_191 = arith.minsi %min3A_190, %max3A_189 : vector<16xi32>
    %add3A_192 = arith.constant 3 : i32
    %add3A_193 = vector.broadcast %add3A_192 : i32 to vector<16xi32>
    %add3A_194 = arith.addi %min3A_191, %add3A_193 : vector<16xi32>
    %swap3A_195 = arith.constant 0 : i32
    %swap3A_196 = arith.index_cast %swap3A_195 : i32 to index
    %swap3A_197 = arith.constant 80 : index
    %swap3A_198 = tpu.vector_load %arg5[%swap3A_196, %swap3A_197] {strides = array<i32>} : memref<2x128xi32, #tpu.memory_space<vmem>>, vector<1x16xi32>,
    %swap3A_199 = vector.shape_cast %swap3A_198 : vector<1x16xi32> to vector<16xi32>
    %swap3A_200 = vector.shape_cast %add3A_194 : vector<16xi32> to vector<1x16xi32>
    tpu.vector_store %arg5[%swap3A_196, %swap3A_197], %swap3A_200 {strides = array<i32>} : memref<2x128xi32, #tpu.memory_space<vmem>>, vector<1x16xi32>,
    %add3A_201 = arith.constant 0 : i32
    %add3A_202 = arith.addi %mul3A_29, %add3A_201 : i32
    %add3A_203 = arith.constant 96 : i32
    %add3A_204 = arith.addi %add3A_202, %add3A_203 : i32
    %add3A_205 = vector.broadcast %add3A_204 : i32 to vector<16xi32>
    %add3A_206 = arith.addi %iota3A, %add3A_205 : vector<16xi32>
    %mul3A_207 = arith.constant 4 : i32
    %mul3A_208 = vector.broadcast %mul3A_207 : i32 to vector<16xi32>
    %mul3A_209 = arith.muli %add3A_206, %mul3A_208 : vector<16xi32>
    %add3A_210 = vector.broadcast %select_n3A : i32 to vector<16xi32>
    %add3A_211 = arith.addi %mul3A_209, %add3A_210 : vector<16xi32>
    %add3A_212 = arith.constant -1983 : i32
    %add3A_213 = vector.broadcast %add3A_212 : i32 to vector<16xi32>
    %add3A_214 = arith.addi %add3A_211, %add3A_213 : vector<16xi32>
    %jit3A_215 = arith.constant -3 : i32
    %jit3A_216 = arith.constant 128 : i32
    %max3A_217 = vector.broadcast %jit3A_215 : i32 to vector<16xi32>
    %max3A_218 = arith.maxsi %max3A_217, %add3A_214 : vector<16xi32>
    %min3A_219 = vector.broadcast %jit3A_216 : i32 to vector<16xi32>
    %min3A_220 = arith.minsi %min3A_219, %max3A_218 : vector<16xi32>
    %add3A_221 = arith.constant 3 : i32
    %add3A_222 = vector.broadcast %add3A_221 : i32 to vector<16xi32>
    %add3A_223 = arith.addi %min3A_220, %add3A_222 : vector<16xi32>
    %swap3A_224 = arith.constant 0 : i32
    %swap3A_225 = arith.index_cast %swap3A_224 : i32 to index
    %swap3A_226 = arith.constant 96 : index
    %swap3A_227 = tpu.vector_load %arg5[%swap3A_225, %swap3A_226] {strides = array<i32>} : memref<2x128xi32, #tpu.memory_space<vmem>>, vector<1x16xi32>,
    %swap3A_228 = vector.shape_cast %swap3A_227 : vector<1x16xi32> to vector<16xi32>
    %swap3A_229 = vector.shape_cast %add3A_223 : vector<16xi32> to vector<1x16xi32>
    tpu.vector_store %arg5[%swap3A_225, %swap3A_226], %swap3A_229 {strides = array<i32>} : memref<2x128xi32, #tpu.memory_space<vmem>>, vector<1x16xi32>,
    %add3A_230 = arith.constant 0 : i32
    %add3A_231 = arith.addi %mul3A_29, %add3A_230 : i32
    %add3A_232 = arith.constant 112 : i32
    %add3A_233 = arith.addi %add3A_231, %add3A_232 : i32
    %add3A_234 = vector.broadcast %add3A_233 : i32 to vector<16xi32>
    %add3A_235 = arith.addi %iota3A, %add3A_234 : vector<16xi32>
    %mul3A_236 = arith.constant 4 : i32
    %mul3A_237 = vector.broadcast %mul3A_236 : i32 to vector<16xi32>
    %mul3A_238 = arith.muli %add3A_235, %mul3A_237 : vector<16xi32>
    %add3A_239 = vector.broadcast %select_n3A : i32 to vector<16xi32>
    %add3A_240 = arith.addi %mul3A_238, %add3A_239 : vector<16xi32>
    %add3A_241 = arith.constant -1983 : i32
    %add3A_242 = vector.broadcast %add3A_241 : i32 to vector<16xi32>
    %add3A_243 = arith.addi %add3A_240, %add3A_242 : vector<16xi32>
    %jit3A_244 = arith.constant -3 : i32
    %jit3A_245 = arith.constant 128 : i32
    %max3A_246 = vector.broadcast %jit3A_244 : i32 to vector<16xi32>
    %max3A_247 = arith.maxsi %max3A_246, %add3A_243 : vector<16xi32>
    %min3A_248 = vector.broadcast %jit3A_245 : i32 to vector<16xi32>
    %min3A_249 = arith.minsi %min3A_248, %max3A_247 : vector<16xi32>
    %add3A_250 = arith.constant 3 : i32
    %add3A_251 = vector.broadcast %add3A_250 : i32 to vector<16xi32>
    %add3A_252 = arith.addi %min3A_249, %add3A_251 : vector<16xi32>
    %swap3A_253 = arith.constant 0 : i32
    %swap3A_254 = arith.index_cast %swap3A_253 : i32 to index
    %swap3A_255 = arith.constant 112 : index
    %swap3A_256 = tpu.vector_load %arg5[%swap3A_254, %swap3A_255] {strides = array<i32>} : memref<2x128xi32, #tpu.memory_space<vmem>>, vector<1x16xi32>,
    %swap3A_257 = vector.shape_cast %swap3A_256 : vector<1x16xi32> to vector<16xi32>
    %swap3A_258 = vector.shape_cast %add3A_252 : vector<16xi32> to vector<1x16xi32>
    tpu.vector_store %arg5[%swap3A_254, %swap3A_255], %swap3A_258 {strides = array<i32>} : memref<2x128xi32, #tpu.memory_space<vmem>>, vector<1x16xi32>,
    %add3A_259 = arith.constant 128 : i32
    %add3A_260 = arith.addi %mul3A_29, %add3A_259 : i32
    %add3A_261 = arith.constant 0 : i32
    %add3A_262 = arith.addi %add3A_260, %add3A_261 : i32
    %add3A_263 = vector.broadcast %add3A_262 : i32 to vector<16xi32>
    %add3A_264 = arith.addi %iota3A, %add3A_263 : vector<16xi32>
    %mul3A_265 = arith.constant 4 : i32
    %mul3A_266 = vector.broadcast %mul3A_265 : i32 to vector<16xi32>
    %mul3A_267 = arith.muli %add3A_264, %mul3A_266 : vector<16xi32>
    %add3A_268 = vector.broadcast %select_n3A : i32 to vector<16xi32>
    %add3A_269 = arith.addi %mul3A_267, %add3A_268 : vector<16xi32>
    %add3A_270 = arith.constant -1983 : i32
    %add3A_271 = vector.broadcast %add3A_270 : i32 to vector<16xi32>
    %add3A_272 = arith.addi %add3A_269, %add3A_271 : vector<16xi32>
    %jit3A_273 = arith.constant -3 : i32
    %jit3A_274 = arith.constant 128 : i32
    %max3A_275 = vector.broadcast %jit3A_273 : i32 to vector<16xi32>
    %max3A_276 = arith.maxsi %max3A_275, %add3A_272 : vector<16xi32>
    %min3A_277 = vector.broadcast %jit3A_274 : i32 to vector<16xi32>
    %min3A_278 = arith.minsi %min3A_277, %max3A_276 : vector<16xi32>
    %add3A_279 = arith.constant 3 : i32
    %add3A_280 = vector.broadcast %add3A_279 : i32 to vector<16xi32>
    %add3A_281 = arith.addi %min3A_278, %add3A_280 : vector<16xi32>
    %swap3A_282 = arith.constant 1 : i32
    %swap3A_283 = arith.index_cast %swap3A_282 : i32 to index
    %swap3A_284 = arith.constant 0 : index
    %swap3A_285 = tpu.vector_load %arg5[%swap3A_283, %swap3A_284] {strides = array<i32>} : memref<2x128xi32, #tpu.memory_space<vmem>>, vector<1x16xi32>,
    %swap3A_286 = vector.shape_cast %swap3A_285 : vector<1x16xi32> to vector<16xi32>
    %swap3A_287 = vector.shape_cast %add3A_281 : vector<16xi32> to vector<1x16xi32>
    tpu.vector_store %arg5[%swap3A_283, %swap3A_284], %swap3A_287 {strides = array<i32>} : memref<2x128xi32, #tpu.memory_space<vmem>>, vector<1x16xi32>,
    %add3A_288 = arith.constant 128 : i32
    %add3A_289 = arith.addi %mul3A_29, %add3A_288 : i32
    %add3A_290 = arith.constant 16 : i32
    %add3A_291 = arith.addi %add3A_289, %add3A_290 : i32
    %add3A_292 = vector.broadcast %add3A_291 : i32 to vector<16xi32>
    %add3A_293 = arith.addi %iota3A, %add3A_292 : vector<16xi32>
    %mul3A_294 = arith.constant 4 : i32
    %mul3A_295 = vector.broadcast %mul3A_294 : i32 to vector<16xi32>
    %mul3A_296 = arith.muli %add3A_293, %mul3A_295 : vector<16xi32>
    %add3A_297 = vector.broadcast %select_n3A : i32 to vector<16xi32>
    %add3A_298 = arith.addi %mul3A_296, %add3A_297 : vector<16xi32>
    %add3A_299 = arith.constant -1983 : i32
    %add3A_300 = vector.broadcast %add3A_299 : i32 to vector<16xi32>
    %add3A_301 = arith.addi %add3A_298, %add3A_300 : vector<16xi32>
    %jit3A_302 = arith.constant -3 : i32
    %jit3A_303 = arith.constant 128 : i32
    %max3A_304 = vector.broadcast %jit3A_302 : i32 to vector<16xi32>
    %max3A_305 = arith.maxsi %max3A_304, %add3A_301 : vector<16xi32>
    %min3A_306 = vector.broadcast %jit3A_303 : i32 to vector<16xi32>
    %min3A_307 = arith.minsi %min3A_306, %max3A_305 : vector<16xi32>
    %add3A_308 = arith.constant 3 : i32
    %add3A_309 = vector.broadcast %add3A_308 : i32 to vector<16xi32>
    %add3A_310 = arith.addi %min3A_307, %add3A_309 : vector<16xi32>
    %swap3A_311 = arith.constant 1 : i32
    %swap3A_312 = arith.index_cast %swap3A_311 : i32 to index
    %swap3A_313 = arith.constant 16 : index
    %swap3A_314 = tpu.vector_load %arg5[%swap3A_312, %swap3A_313] {strides = array<i32>} : memref<2x128xi32, #tpu.memory_space<vmem>>, vector<1x16xi32>,
    %swap3A_315 = vector.shape_cast %swap3A_314 : vector<1x16xi32> to vector<16xi32>
    %swap3A_316 = vector.shape_cast %add3A_310 : vector<16xi32> to vector<1x16xi32>
    tpu.vector_store %arg5[%swap3A_312, %swap3A_313], %swap3A_316 {strides = array<i32>} : memref<2x128xi32, #tpu.memory_space<vmem>>, vector<1x16xi32>,
    %add3A_317 = arith.constant 128 : i32
    %add3A_318 = arith.addi %mul3A_29, %add3A_317 : i32
    %add3A_319 = arith.constant 32 : i32
    %add3A_320 = arith.addi %add3A_318, %add3A_319 : i32
    %add3A_321 = vector.broadcast %add3A_320 : i32 to vector<16xi32>
    %add3A_322 = arith.addi %iota3A, %add3A_321 : vector<16xi32>
    %mul3A_323 = arith.constant 4 : i32
    %mul3A_324 = vector.broadcast %mul3A_323 : i32 to vector<16xi32>
    %mul3A_325 = arith.muli %add3A_322, %mul3A_324 : vector<16xi32>
    %add3A_326 = vector.broadcast %select_n3A : i32 to vector<16xi32>
    %add3A_327 = arith.addi %mul3A_325, %add3A_326 : vector<16xi32>
    %add3A_328 = arith.constant -1983 : i32
    %add3A_329 = vector.broadcast %add3A_328 : i32 to vector<16xi32>
    %add3A_330 = arith.addi %add3A_327, %add3A_329 : vector<16xi32>
    %jit3A_331 = arith.constant -3 : i32
    %jit3A_332 = arith.constant 128 : i32
    %max3A_333 = vector.broadcast %jit3A_331 : i32 to vector<16xi32>
    %max3A_334 = arith.maxsi %max3A_333, %add3A_330 : vector<16xi32>
    %min3A_335 = vector.broadcast %jit3A_332 : i32 to vector<16xi32>
    %min3A_336 = arith.minsi %min3A_335, %max3A_334 : vector<16xi32>
    %add3A_337 = arith.constant 3 : i32
    %add3A_338 = vector.broadcast %add3A_337 : i32 to vector<16xi32>
    %add3A_339 = arith.addi %min3A_336, %add3A_338 : vector<16xi32>
    %swap3A_340 = arith.constant 1 : i32
    %swap3A_341 = arith.index_cast %swap3A_340 : i32 to index
    %swap3A_342 = arith.constant 32 : index
    %swap3A_343 = tpu.vector_load %arg5[%swap3A_341, %swap3A_342] {strides = array<i32>} : memref<2x128xi32, #tpu.memory_space<vmem>>, vector<1x16xi32>,
    %swap3A_344 = vector.shape_cast %swap3A_343 : vector<1x16xi32> to vector<16xi32>
    %swap3A_345 = vector.shape_cast %add3A_339 : vector<16xi32> to vector<1x16xi32>
    tpu.vector_store %arg5[%swap3A_341, %swap3A_342], %swap3A_345 {strides = array<i32>} : memref<2x128xi32, #tpu.memory_space<vmem>>, vector<1x16xi32>,
    %add3A_346 = arith.constant 128 : i32
    %add3A_347 = arith.addi %mul3A_29, %add3A_346 : i32
    %add3A_348 = arith.constant 48 : i32
    %add3A_349 = arith.addi %add3A_347, %add3A_348 : i32
    %add3A_350 = vector.broadcast %add3A_349 : i32 to vector<16xi32>
    %add3A_351 = arith.addi %iota3A, %add3A_350 : vector<16xi32>
    %mul3A_352 = arith.constant 4 : i32
    %mul3A_353 = vector.broadcast %mul3A_352 : i32 to vector<16xi32>
    %mul3A_354 = arith.muli %add3A_351, %mul3A_353 : vector<16xi32>
    %add3A_355 = vector.broadcast %select_n3A : i32 to vector<16xi32>
    %add3A_356 = arith.addi %mul3A_354, %add3A_355 : vector<16xi32>
    %add3A_357 = arith.constant -1983 : i32
    %add3A_358 = vector.broadcast %add3A_357 : i32 to vector<16xi32>
    %add3A_359 = arith.addi %add3A_356, %add3A_358 : vector<16xi32>
    %jit3A_360 = arith.constant -3 : i32
    %jit3A_361 = arith.constant 128 : i32
    %max3A_362 = vector.broadcast %jit3A_360 : i32 to vector<16xi32>
    %max3A_363 = arith.maxsi %max3A_362, %add3A_359 : vector<16xi32>
    %min3A_364 = vector.broadcast %jit3A_361 : i32 to vector<16xi32>
    %min3A_365 = arith.minsi %min3A_364, %max3A_363 : vector<16xi32>
    %add3A_366 = arith.constant 3 : i32
    %add3A_367 = vector.broadcast %add3A_366 : i32 to vector<16xi32>
    %add3A_368 = arith.addi %min3A_365, %add3A_367 : vector<16xi32>
    %swap3A_369 = arith.constant 1 : i32
    %swap3A_370 = arith.index_cast %swap3A_369 : i32 to index
    %swap3A_371 = arith.constant 48 : index
    %swap3A_372 = tpu.vector_load %arg5[%swap3A_370, %swap3A_371] {strides = array<i32>} : memref<2x128xi32, #tpu.memory_space<vmem>>, vector<1x16xi32>,
    %swap3A_373 = vector.shape_cast %swap3A_372 : vector<1x16xi32> to vector<16xi32>
    %swap3A_374 = vector.shape_cast %add3A_368 : vector<16xi32> to vector<1x16xi32>
    tpu.vector_store %arg5[%swap3A_370, %swap3A_371], %swap3A_374 {strides = array<i32>} : memref<2x128xi32, #tpu.memory_space<vmem>>, vector<1x16xi32>,
    %add3A_375 = arith.constant 128 : i32
    %add3A_376 = arith.addi %mul3A_29, %add3A_375 : i32
    %add3A_377 = arith.constant 64 : i32
    %add3A_378 = arith.addi %add3A_376, %add3A_377 : i32
    %add3A_379 = vector.broadcast %add3A_378 : i32 to vector<16xi32>
    %add3A_380 = arith.addi %iota3A, %add3A_379 : vector<16xi32>
    %mul3A_381 = arith.constant 4 : i32
    %mul3A_382 = vector.broadcast %mul3A_381 : i32 to vector<16xi32>
    %mul3A_383 = arith.muli %add3A_380, %mul3A_382 : vector<16xi32>
    %add3A_384 = vector.broadcast %select_n3A : i32 to vector<16xi32>
    %add3A_385 = arith.addi %mul3A_383, %add3A_384 : vector<16xi32>
    %add3A_386 = arith.constant -1983 : i32
    %add3A_387 = vector.broadcast %add3A_386 : i32 to vector<16xi32>
    %add3A_388 = arith.addi %add3A_385, %add3A_387 : vector<16xi32>
    %jit3A_389 = arith.constant -3 : i32
    %jit3A_390 = arith.constant 128 : i32
    %max3A_391 = vector.broadcast %jit3A_389 : i32 to vector<16xi32>
    %max3A_392 = arith.maxsi %max3A_391, %add3A_388 : vector<16xi32>
    %min3A_393 = vector.broadcast %jit3A_390 : i32 to vector<16xi32>
    %min3A_394 = arith.minsi %min3A_393, %max3A_392 : vector<16xi32>
    %add3A_395 = arith.constant 3 : i32
    %add3A_396 = vector.broadcast %add3A_395 : i32 to vector<16xi32>
    %add3A_397 = arith.addi %min3A_394, %add3A_396 : vector<16xi32>
    %swap3A_398 = arith.constant 1 : i32
    %swap3A_399 = arith.index_cast %swap3A_398 : i32 to index
    %swap3A_400 = arith.constant 64 : index
    %swap3A_401 = tpu.vector_load %arg5[%swap3A_399, %swap3A_400] {strides = array<i32>} : memref<2x128xi32, #tpu.memory_space<vmem>>, vector<1x16xi32>,
    %swap3A_402 = vector.shape_cast %swap3A_401 : vector<1x16xi32> to vector<16xi32>
    %swap3A_403 = vector.shape_cast %add3A_397 : vector<16xi32> to vector<1x16xi32>
    tpu.vector_store %arg5[%swap3A_399, %swap3A_400], %swap3A_403 {strides = array<i32>} : memref<2x128xi32, #tpu.memory_space<vmem>>, vector<1x16xi32>,
    %add3A_404 = arith.constant 128 : i32
    %add3A_405 = arith.addi %mul3A_29, %add3A_404 : i32
    %add3A_406 = arith.constant 80 : i32
    %add3A_407 = arith.addi %add3A_405, %add3A_406 : i32
    %add3A_408 = vector.broadcast %add3A_407 : i32 to vector<16xi32>
    %add3A_409 = arith.addi %iota3A, %add3A_408 : vector<16xi32>
    %mul3A_410 = arith.constant 4 : i32
    %mul3A_411 = vector.broadcast %mul3A_410 : i32 to vector<16xi32>
    %mul3A_412 = arith.muli %add3A_409, %mul3A_411 : vector<16xi32>
    %add3A_413 = vector.broadcast %select_n3A : i32 to vector<16xi32>
    %add3A_414 = arith.addi %mul3A_412, %add3A_413 : vector<16xi32>
    %add3A_415 = arith.constant -1983 : i32
    %add3A_416 = vector.broadcast %add3A_415 : i32 to vector<16xi32>
    %add3A_417 = arith.addi %add3A_414, %add3A_416 : vector<16xi32>
    %jit3A_418 = arith.constant -3 : i32
    %jit3A_419 = arith.constant 128 : i32
    %max3A_420 = vector.broadcast %jit3A_418 : i32 to vector<16xi32>
    %max3A_421 = arith.maxsi %max3A_420, %add3A_417 : vector<16xi32>
    %min3A_422 = vector.broadcast %jit3A_419 : i32 to vector<16xi32>
    %min3A_423 = arith.minsi %min3A_422, %max3A_421 : vector<16xi32>
    %add3A_424 = arith.constant 3 : i32
    %add3A_425 = vector.broadcast %add3A_424 : i32 to vector<16xi32>
    %add3A_426 = arith.addi %min3A_423, %add3A_425 : vector<16xi32>
    %swap3A_427 = arith.constant 1 : i32
    %swap3A_428 = arith.index_cast %swap3A_427 : i32 to index
    %swap3A_429 = arith.constant 80 : index
    %swap3A_430 = tpu.vector_load %arg5[%swap3A_428, %swap3A_429] {strides = array<i32>} : memref<2x128xi32, #tpu.memory_space<vmem>>, vector<1x16xi32>,
    %swap3A_431 = vector.shape_cast %swap3A_430 : vector<1x16xi32> to vector<16xi32>
    %swap3A_432 = vector.shape_cast %add3A_426 : vector<16xi32> to vector<1x16xi32>
    tpu.vector_store %arg5[%swap3A_428, %swap3A_429], %swap3A_432 {strides = array<i32>} : memref<2x128xi32, #tpu.memory_space<vmem>>, vector<1x16xi32>,
    %add3A_433 = arith.constant 128 : i32
    %add3A_434 = arith.addi %mul3A_29, %add3A_433 : i32
    %add3A_435 = arith.constant 96 : i32
    %add3A_436 = arith.addi %add3A_434, %add3A_435 : i32
    %add3A_437 = vector.broadcast %add3A_436 : i32 to vector<16xi32>
    %add3A_438 = arith.addi %iota3A, %add3A_437 : vector<16xi32>
    %mul3A_439 = arith.constant 4 : i32
    %mul3A_440 = vector.broadcast %mul3A_439 : i32 to vector<16xi32>
    %mul3A_441 = arith.muli %add3A_438, %mul3A_440 : vector<16xi32>
    %add3A_442 = vector.broadcast %select_n3A : i32 to vector<16xi32>
    %add3A_443 = arith.addi %mul3A_441, %add3A_442 : vector<16xi32>
    %add3A_444 = arith.constant -1983 : i32
    %add3A_445 = vector.broadcast %add3A_444 : i32 to vector<16xi32>
    %add3A_446 = arith.addi %add3A_443, %add3A_445 : vector<16xi32>
    %jit3A_447 = arith.constant -3 : i32
    %jit3A_448 = arith.constant 128 : i32
    %max3A_449 = vector.broadcast %jit3A_447 : i32 to vector<16xi32>
    %max3A_450 = arith.maxsi %max3A_449, %add3A_446 : vector<16xi32>
    %min3A_451 = vector.broadcast %jit3A_448 : i32 to vector<16xi32>
    %min3A_452 = arith.minsi %min3A_451, %max3A_450 : vector<16xi32>
    %add3A_453 = arith.constant 3 : i32
    %add3A_454 = vector.broadcast %add3A_453 : i32 to vector<16xi32>
    %add3A_455 = arith.addi %min3A_452, %add3A_454 : vector<16xi32>
    %swap3A_456 = arith.constant 1 : i32
    %swap3A_457 = arith.index_cast %swap3A_456 : i32 to index
    %swap3A_458 = arith.constant 96 : index
    %swap3A_459 = tpu.vector_load %arg5[%swap3A_457, %swap3A_458] {strides = array<i32>} : memref<2x128xi32, #tpu.memory_space<vmem>>, vector<1x16xi32>,
    %swap3A_460 = vector.shape_cast %swap3A_459 : vector<1x16xi32> to vector<16xi32>
    %swap3A_461 = vector.shape_cast %add3A_455 : vector<16xi32> to vector<1x16xi32>
    tpu.vector_store %arg5[%swap3A_457, %swap3A_458], %swap3A_461 {strides = array<i32>} : memref<2x128xi32, #tpu.memory_space<vmem>>, vector<1x16xi32>,
    %add3A_462 = arith.constant 128 : i32
    %add3A_463 = arith.addi %mul3A_29, %add3A_462 : i32
    %add3A_464 = arith.constant 112 : i32
    %add3A_465 = arith.addi %add3A_463, %add3A_464 : i32
    %add3A_466 = vector.broadcast %add3A_465 : i32 to vector<16xi32>
    %add3A_467 = arith.addi %iota3A, %add3A_466 : vector<16xi32>
    %mul3A_468 = arith.constant 4 : i32
    %mul3A_469 = vector.broadcast %mul3A_468 : i32 to vector<16xi32>
    %mul3A_470 = arith.muli %add3A_467, %mul3A_469 : vector<16xi32>
    %add3A_471 = vector.broadcast %select_n3A : i32 to vector<16xi32>
    %add3A_472 = arith.addi %mul3A_470, %add3A_471 : vector<16xi32>
    %add3A_473 = arith.constant -1983 : i32
    %add3A_474 = vector.broadcast %add3A_473 : i32 to vector<16xi32>
    %add3A_475 = arith.addi %add3A_472, %add3A_474 : vector<16xi32>
    %jit3A_476 = arith.constant -3 : i32
    %jit3A_477 = arith.constant 128 : i32
    %max3A_478 = vector.broadcast %jit3A_476 : i32 to vector<16xi32>
    %max3A_479 = arith.maxsi %max3A_478, %add3A_475 : vector<16xi32>
    %min3A_480 = vector.broadcast %jit3A_477 : i32 to vector<16xi32>
    %min3A_481 = arith.minsi %min3A_480, %max3A_479 : vector<16xi32>
    %add3A_482 = arith.constant 3 : i32
    %add3A_483 = vector.broadcast %add3A_482 : i32 to vector<16xi32>
    %add3A_484 = arith.addi %min3A_481, %add3A_483 : vector<16xi32>
    %swap3A_485 = arith.constant 1 : i32
    %swap3A_486 = arith.index_cast %swap3A_485 : i32 to index
    %swap3A_487 = arith.constant 112 : index
    %swap3A_488 = tpu.vector_load %arg5[%swap3A_486, %swap3A_487] {strides = array<i32>} : memref<2x128xi32, #tpu.memory_space<vmem>>, vector<1x16xi32>,
    %swap3A_489 = vector.shape_cast %swap3A_488 : vector<1x16xi32> to vector<16xi32>
    %swap3A_490 = vector.shape_cast %add3A_484 : vector<16xi32> to vector<1x16xi32>
    tpu.vector_store %arg5[%swap3A_486, %swap3A_487], %swap3A_490 {strides = array<i32>} : memref<2x128xi32, #tpu.memory_space<vmem>>, vector<1x16xi32>,
    %dma_start3A = arith.constant 0 : i32
    %dma_start3A_491 = arith.constant 0 : i32
    %dma_start3A_492 = arith.constant 0 : i32
    %dma_start3A_493 = tpu.memref_slice %arg6[%dma_start3A_491, %dma_start3A_492] : memref<256x128xf32, #tpu.memory_space<vmem>> -> memref<128x128xf32, #tpu.memory_space<vmem>>
    %dma_start3A_494 = arith.constant 0 : i32
    %dma_start3A_495 = tpu.memref_slice %arg5[%dma_start3A, %dma_start3A_494] : memref<2x128xi32, #tpu.memory_space<vmem>> -> memref<1x128xi32, #tpu.memory_space<vmem>>
    %dma_start3A_496 = tpu.memref_squeeze %dma_start3A_495 : memref<1x128xi32, #tpu.memory_space<vmem>> -> memref<128xi32, #tpu.memory_space<vmem>>
    %dma_start3A_497 = arith.constant 0 : i32
    %dma_start3A_498 = arith.constant 0 : i32
    %dma_start3A_499 = tpu.memref_slice %arg2[%dma_start3A_497, %dma_start3A_498] : memref<132x128xf32, #tpu.memory_space<hbm>> -> memref<132x128xf32, #tpu.memory_space<hbm>>
    tpu.enqueue_indirect_dma source(%dma_start3A_499 : memref<132x128xf32, #tpu.memory_space<hbm>>) target(%dma_start3A_493 : memref<128x128xf32, #tpu.memory_space<vmem>>) offsets(%dma_start3A_496 : memref<128xi32, #tpu.memory_space<vmem>>) semaphore(%arg8 : memref<!tpu.dma_semaphore, #tpu.memory_space<semaphore_mem>>)
    %dma_start3A_500 = arith.constant 1 : i32
    %dma_start3A_501 = arith.constant 128 : i32
    %dma_start3A_502 = arith.constant 0 : i32
    %dma_start3A_503 = tpu.memref_slice %arg6[%dma_start3A_501, %dma_start3A_502] : memref<256x128xf32, #tpu.memory_space<vmem>> -> memref<128x128xf32, #tpu.memory_space<vmem>>
    %dma_start3A_504 = arith.constant 0 : i32
    %dma_start3A_505 = tpu.memref_slice %arg5[%dma_start3A_500, %dma_start3A_504] : memref<2x128xi32, #tpu.memory_space<vmem>> -> memref<1x128xi32, #tpu.memory_space<vmem>>
    %dma_start3A_506 = tpu.memref_squeeze %dma_start3A_505 : memref<1x128xi32, #tpu.memory_space<vmem>> -> memref<128xi32, #tpu.memory_space<vmem>>
    %dma_start3A_507 = arith.constant 0 : i32
    %dma_start3A_508 = arith.constant 0 : i32
    %dma_start3A_509 = tpu.memref_slice %arg2[%dma_start3A_507, %dma_start3A_508] : memref<132x128xf32, #tpu.memory_space<hbm>> -> memref<132x128xf32, #tpu.memory_space<hbm>>
    tpu.enqueue_indirect_dma source(%dma_start3A_509 : memref<132x128xf32, #tpu.memory_space<hbm>>) target(%dma_start3A_503 : memref<128x128xf32, #tpu.memory_space<vmem>>) offsets(%dma_start3A_506 : memref<128xi32, #tpu.memory_space<vmem>>) semaphore(%arg8 : memref<!tpu.dma_semaphore, #tpu.memory_space<semaphore_mem>>)
    %dma_wait3A = arith.constant 0 : i32
    %dma_wait3A_510 = arith.constant 0 : i32
    %dma_wait3A_511 = arith.constant 0 : i32
    %dma_wait3A_512 = tpu.memref_slice %arg6[%dma_wait3A_510, %dma_wait3A_511] : memref<256x128xf32, #tpu.memory_space<vmem>> -> memref<128x128xf32, #tpu.memory_space<vmem>>
    %dma_wait3A_513 = arith.constant 0 : i32
    %dma_wait3A_514 = tpu.memref_slice %arg5[%dma_wait3A, %dma_wait3A_513] : memref<2x128xi32, #tpu.memory_space<vmem>> -> memref<1x128xi32, #tpu.memory_space<vmem>>
    %dma_wait3A_515 = tpu.memref_squeeze %dma_wait3A_514 : memref<1x128xi32, #tpu.memory_space<vmem>> -> memref<128xi32, #tpu.memory_space<vmem>>
    %dma_wait3A_516 = arith.constant 0 : i32
    %dma_wait3A_517 = arith.constant 0 : i32
    %dma_wait3A_518 = tpu.memref_slice %arg2[%dma_wait3A_516, %dma_wait3A_517] : memref<132x128xf32, #tpu.memory_space<hbm>> -> memref<132x128xf32, #tpu.memory_space<hbm>>
    tpu.wait_indirect_dma semaphore(%arg8 : memref<!tpu.dma_semaphore, #tpu.memory_space<semaphore_mem>>) src(%dma_wait3A_518 : memref<132x128xf32, #tpu.memory_space<hbm>>) dst(%dma_wait3A_512 : memref<128x128xf32, #tpu.memory_space<vmem>>)
    %dma_wait3A_519 = arith.constant 1 : i32
    %dma_wait3A_520 = arith.constant 128 : i32
    %dma_wait3A_521 = arith.constant 0 : i32
    %dma_wait3A_522 = tpu.memref_slice %arg6[%dma_wait3A_520, %dma_wait3A_521] : memref<256x128xf32, #tpu.memory_space<vmem>> -> memref<128x128xf32, #tpu.memory_space<vmem>>
    %dma_wait3A_523 = arith.constant 0 : i32
    %dma_wait3A_524 = tpu.memref_slice %arg5[%dma_wait3A_519, %dma_wait3A_523] : memref<2x128xi32, #tpu.memory_space<vmem>> -> memref<1x128xi32, #tpu.memory_space<vmem>>
    %dma_wait3A_525 = tpu.memref_squeeze %dma_wait3A_524 : memref<1x128xi32, #tpu.memory_space<vmem>> -> memref<128xi32, #tpu.memory_space<vmem>>
    %dma_wait3A_526 = arith.constant 0 : i32
    %dma_wait3A_527 = arith.constant 0 : i32
    %dma_wait3A_528 = tpu.memref_slice %arg2[%dma_wait3A_526, %dma_wait3A_527] : memref<132x128xf32, #tpu.memory_space<hbm>> -> memref<132x128xf32, #tpu.memory_space<hbm>>
    tpu.wait_indirect_dma semaphore(%arg8 : memref<!tpu.dma_semaphore, #tpu.memory_space<semaphore_mem>>) src(%dma_wait3A_528 : memref<132x128xf32, #tpu.memory_space<hbm>>) dst(%dma_wait3A_522 : memref<128x128xf32, #tpu.memory_space<vmem>>)
    %mul3A_529 = arith.constant 1024 : i32
    %mul3A_530 = arith.muli %select_n3A, %mul3A_529 : i32
    %add3A_531 = arith.addi %mul3A_530, %mul3A_29 : i32
    %add3A_532 = arith.constant 0 : i32
    %add3A_533 = arith.addi %add3A_531, %add3A_532 : i32
    %dma_start3A_534 = arith.constant 0 : i32
    %dma_start3A_535 = arith.constant 0 : i32
    %dma_start3A_536 = tpu.memref_slice %arg6[%dma_start3A_534, %dma_start3A_535] : memref<256x128xf32, #tpu.memory_space<vmem>> -> memref<128x128xf32, #tpu.memory_space<vmem>>
    %dma_start3A_537 = arith.constant 0 : i32
    %dma_start3A_538 = tpu.memref_slice %arg4[%add3A_533, %dma_start3A_537] : memref<4096x128xf32, #tpu.memory_space<hbm>> -> memref<128x128xf32, #tpu.memory_space<hbm>>
    %dma_start3A_539 = arith.constant 0 : i32
    %dma_start3A_540 = tpu.memref_slice %arg4[%add3A_533, %dma_start3A_539] : memref<4096x128xf32, #tpu.memory_space<hbm>> -> memref<128x128xf32, #tpu.memory_space<hbm>>
    %dma_start3A_541 = arith.constant 0 : i32
    %dma_start3A_542 = arith.constant 0 : i32
    %dma_start3A_543 = tpu.memref_slice %arg6[%dma_start3A_541, %dma_start3A_542] : memref<256x128xf32, #tpu.memory_space<vmem>> -> memref<128x128xf32, #tpu.memory_space<vmem>>
    tpu.enqueue_dma source(%dma_start3A_543 : memref<128x128xf32, #tpu.memory_space<vmem>>) target(%dma_start3A_540 : memref<128x128xf32, #tpu.memory_space<hbm>>) target_semaphore(%arg8 : memref<!tpu.dma_semaphore, #tpu.memory_space<semaphore_mem>>)
    %mul3A_544 = arith.constant 1024 : i32
    %mul3A_545 = arith.muli %select_n3A, %mul3A_544 : i32
    %add3A_546 = arith.addi %mul3A_545, %mul3A_29 : i32
    %add3A_547 = arith.constant 128 : i32
    %add3A_548 = arith.addi %add3A_546, %add3A_547 : i32
    %dma_start3A_549 = arith.constant 128 : i32
    %dma_start3A_550 = arith.constant 0 : i32
    %dma_start3A_551 = tpu.memref_slice %arg6[%dma_start3A_549, %dma_start3A_550] : memref<256x128xf32, #tpu.memory_space<vmem>> -> memref<128x128xf32, #tpu.memory_space<vmem>>
    %dma_start3A_552 = arith.constant 0 : i32
    %dma_start3A_553 = tpu.memref_slice %arg4[%add3A_548, %dma_start3A_552] : memref<4096x128xf32, #tpu.memory_space<hbm>> -> memref<128x128xf32, #tpu.memory_space<hbm>>
    %dma_start3A_554 = arith.constant 0 : i32
    %dma_start3A_555 = tpu.memref_slice %arg4[%add3A_548, %dma_start3A_554] : memref<4096x128xf32, #tpu.memory_space<hbm>> -> memref<128x128xf32, #tpu.memory_space<hbm>>
    %dma_start3A_556 = arith.constant 128 : i32
    %dma_start3A_557 = arith.constant 0 : i32
    %dma_start3A_558 = tpu.memref_slice %arg6[%dma_start3A_556, %dma_start3A_557] : memref<256x128xf32, #tpu.memory_space<vmem>> -> memref<128x128xf32, #tpu.memory_space<vmem>>
    tpu.enqueue_dma source(%dma_start3A_558 : memref<128x128xf32, #tpu.memory_space<vmem>>) target(%dma_start3A_555 : memref<128x128xf32, #tpu.memory_space<hbm>>) target_semaphore(%arg8 : memref<!tpu.dma_semaphore, #tpu.memory_space<semaphore_mem>>)
    %dma_wait3A_559 = arith.constant 0 : i32
    %dma_wait3A_560 = arith.constant 0 : i32
    %dma_wait3A_561 = tpu.memref_slice %arg6[%dma_wait3A_559, %dma_wait3A_560] : memref<256x128xf32, #tpu.memory_space<vmem>> -> memref<128x128xf32, #tpu.memory_space<vmem>>
    %dma_wait3A_562 = arith.constant 0 : i32
    %dma_wait3A_563 = tpu.memref_slice %arg4[%add3A_533, %dma_wait3A_562] : memref<4096x128xf32, #tpu.memory_space<hbm>> -> memref<128x128xf32, #tpu.memory_space<hbm>>
    %dma_wait3A_564 = arith.constant 0 : i32
    %dma_wait3A_565 = tpu.memref_slice %arg4[%add3A_533, %dma_wait3A_564] : memref<4096x128xf32, #tpu.memory_space<hbm>> -> memref<128x128xf32, #tpu.memory_space<hbm>>
    %dma_wait3A_566 = arith.constant 0 : i32
    %dma_wait3A_567 = arith.constant 0 : i32
    %dma_wait3A_568 = tpu.memref_slice %arg6[%dma_wait3A_566, %dma_wait3A_567] : memref<256x128xf32, #tpu.memory_space<vmem>> -> memref<128x128xf32, #tpu.memory_space<vmem>>
    tpu.wait_dma2 semaphore(%arg8 : memref<!tpu.dma_semaphore, #tpu.memory_space<semaphore_mem>>) src(%dma_wait3A_568 : memref<128x128xf32, #tpu.memory_space<vmem>>) dst(%dma_wait3A_565 : memref<128x128xf32, #tpu.memory_space<hbm>>)
    %dma_wait3A_569 = arith.constant 128 : i32
    %dma_wait3A_570 = arith.constant 0 : i32
    %dma_wait3A_571 = tpu.memref_slice %arg6[%dma_wait3A_569, %dma_wait3A_570] : memref<256x128xf32, #tpu.memory_space<vmem>> -> memref<128x128xf32, #tpu.memory_space<vmem>>
    %dma_wait3A_572 = arith.constant 0 : i32
    %dma_wait3A_573 = tpu.memref_slice %arg4[%add3A_548, %dma_wait3A_572] : memref<4096x128xf32, #tpu.memory_space<hbm>> -> memref<128x128xf32, #tpu.memory_space<hbm>>
    %dma_wait3A_574 = arith.constant 0 : i32
    %dma_wait3A_575 = tpu.memref_slice %arg4[%add3A_548, %dma_wait3A_574] : memref<4096x128xf32, #tpu.memory_space<hbm>> -> memref<128x128xf32, #tpu.memory_space<hbm>>
    %dma_wait3A_576 = arith.constant 128 : i32
    %dma_wait3A_577 = arith.constant 0 : i32
    %dma_wait3A_578 = tpu.memref_slice %arg6[%dma_wait3A_576, %dma_wait3A_577] : memref<256x128xf32, #tpu.memory_space<vmem>> -> memref<128x128xf32, #tpu.memory_space<vmem>>
    tpu.wait_dma2 semaphore(%arg8 : memref<!tpu.dma_semaphore, #tpu.memory_space<semaphore_mem>>) src(%dma_wait3A_578 : memref<128x128xf32, #tpu.memory_space<vmem>>) dst(%dma_wait3A_575 : memref<128x128xf32, #tpu.memory_space<hbm>>)
    %barrier3A = arith.constant 0 : index
    tpu.barrier barrier_id(%barrier3A)
    %eq3A_579 = arith.constant 0 : i32
    %eq3A_580 = arith.cmpi eq, %arg1, %eq3A_579 : i32
    %convert_element_type3A = arith.extui %eq3A_580 : i1 to i32
    %cond3A = arith.constant 0 : i32
    %cond3A_581 = arith.cmpi ne, %convert_element_type3A, %cond3A : i32
    scf.if %cond3A_581 {
      "tpu.region"() ({
        %run_scoped3A = tpu.sem_alloc : memref<!tpu.dma_semaphore, #tpu.memory_space<semaphore_mem>>
        tpu.enqueue_dma source(%arg4 : memref<4096x128xf32, #tpu.memory_space<hbm>>) target(%arg7 : memref<4096x128xf32, #tpu.memory_space<vmem_shared>>) target_semaphore(%run_scoped3A : memref<!tpu.dma_semaphore, #tpu.memory_space<semaphore_mem>>)
        tpu.wait_dma2 semaphore(%run_scoped3A : memref<!tpu.dma_semaphore, #tpu.memory_space<semaphore_mem>>) src(%arg4 : memref<4096x128xf32, #tpu.memory_space<hbm>>) dst(%arg7 : memref<4096x128xf32, #tpu.memory_space<vmem_shared>>)
        tpu.yield
      }) : () -> ()
    } else {
    }
    %barrier3A_582 = arith.constant 0 : index
    tpu.barrier barrier_id(%barrier3A_582)
    %mul3A_583 = arith.constant 2 : i32
    %mul3A_584 = arith.muli %arg1, %mul3A_583 : i32
    %add3A_585 = arith.addi %mul3A_584, %arg0 : i32
    %mul3A_586 = arith.constant 64 : i32
    %mul3A_587 = arith.muli %add3A_585, %mul3A_586 : i32
    %add3A_588 = arith.constant 0 : i32
    %add3A_589 = arith.addi %mul3A_587, %add3A_588 : i32
    %sub3A_590 = arith.constant 2047 : i32
    %sub3A_591 = arith.subi %sub3A_590, %add3A_589 : i32
    %sub3A_592 = arith.constant 3 : i32
    %sub3A_593 = arith.subi %sub3A_591, %sub3A_592 : i32
    %jit3A_594 = arith.constant 4 : i32
    %div3A_595 = arith.divsi %sub3A_593, %jit3A_594 : i32
    %sign3A_596 = arith.constant 0 : i32
    %sign3A_597 = arith.cmpi sgt, %sub3A_593, %sign3A_596 : i32
    %sign3A_598 = arith.extui %sign3A_597 : i1 to i32
    %sign3A_599 = arith.constant 0 : i32
    %sign3A_600 = arith.cmpi slt, %sub3A_593, %sign3A_599 : i32
    %sign3A_601 = arith.extui %sign3A_600 : i1 to i32
    %sign3A_602 = arith.subi %sign3A_598, %sign3A_601 : i32
    %sign3A_603 = arith.constant 0 : i32
    %sign3A_604 = arith.cmpi sgt, %jit3A_594, %sign3A_603 : i32
    %sign3A_605 = arith.extui %sign3A_604 : i1 to i32
    %sign3A_606 = arith.constant 0 : i32
    %sign3A_607 = arith.cmpi slt, %jit3A_594, %sign3A_606 : i32
    %sign3A_608 = arith.extui %sign3A_607 : i1 to i32
    %sign3A_609 = arith.subi %sign3A_605, %sign3A_608 : i32
    %ne3A_610 = arith.cmpi ne, %sign3A_602, %sign3A_609 : i32
    %rem3A_611 = arith.remsi %sub3A_593, %jit3A_594 : i32
    %ne3A_612 = arith.constant 0 : i32
    %ne3A_613 = arith.cmpi ne, %rem3A_611, %ne3A_612 : i32
    %and3A_614 = arith.andi %ne3A_610, %ne3A_613 : i1
    %sub3A_615 = arith.constant 1 : i32
    %sub3A_616 = arith.subi %div3A_595, %sub3A_615 : i32
    %select_n3A_617 = arith.select %and3A_614, %sub3A_616, %div3A_595 : i32
    %add3A_618 = arith.constant 3072 : i32
    %add3A_619 = arith.addi %add3A_618, %select_n3A_617 : i32
    %dma_start3A_620 = arith.constant 0 : i32
    %dma_start3A_621 = arith.constant 0 : i32
    %dma_start3A_622 = tpu.memref_slice %arg3[%add3A_589, %dma_start3A_620, %dma_start3A_621] : memref<2048x512x128xf32, #tpu.memory_space<hbm>> -> memref<1x512x128xf32, #tpu.memory_space<hbm>>
    %dma_start3A_623 = tpu.memref_squeeze %dma_start3A_622 : memref<1x512x128xf32, #tpu.memory_space<hbm>> -> memref<512x128xf32, #tpu.memory_space<hbm>>
    %dma_start3A_624 = arith.constant 0 : i32
    %dma_start3A_625 = tpu.memref_slice %arg7[%add3A_619, %dma_start3A_624] : memref<4096x128xf32, #tpu.memory_space<vmem_shared>> -> memref<512x128xf32, #tpu.memory_space<vmem_shared>>
    tpu.enqueue_dma source(%dma_start3A_625 : memref<512x128xf32, #tpu.memory_space<vmem_shared>>) target(%dma_start3A_623 : memref<512x128xf32, #tpu.memory_space<hbm>>) target_semaphore(%arg8 : memref<!tpu.dma_semaphore, #tpu.memory_space<semaphore_mem>>)
    %add3A_626 = arith.constant 1 : i32
    %add3A_627 = arith.addi %mul3A_587, %add3A_626 : i32
    %sub3A_628 = arith.constant 2047 : i32
    %sub3A_629 = arith.subi %sub3A_628, %add3A_627 : i32
    %sub3A_630 = arith.constant 2 : i32
    %sub3A_631 = arith.subi %sub3A_629, %sub3A_630 : i32
    %jit3A_632 = arith.constant 4 : i32
    %div3A_633 = arith.divsi %sub3A_631, %jit3A_632 : i32
    %sign3A_634 = arith.constant 0 : i32
    %sign3A_635 = arith.cmpi sgt, %sub3A_631, %sign3A_634 : i32
    %sign3A_636 = arith.extui %sign3A_635 : i1 to i32
    %sign3A_637 = arith.constant 0 : i32
    %sign3A_638 = arith.cmpi slt, %sub3A_631, %sign3A_637 : i32
    %sign3A_639 = arith.extui %sign3A_638 : i1 to i32
    %sign3A_640 = arith.subi %sign3A_636, %sign3A_639 : i32
    %sign3A_641 = arith.constant 0 : i32
    %sign3A_642 = arith.cmpi sgt, %jit3A_632, %sign3A_641 : i32
    %sign3A_643 = arith.extui %sign3A_642 : i1 to i32
    %sign3A_644 = arith.constant 0 : i32
    %sign3A_645 = arith.cmpi slt, %jit3A_632, %sign3A_644 : i32
    %sign3A_646 = arith.extui %sign3A_645 : i1 to i32
    %sign3A_647 = arith.subi %sign3A_643, %sign3A_646 : i32
    %ne3A_648 = arith.cmpi ne, %sign3A_640, %sign3A_647 : i32
    %rem3A_649 = arith.remsi %sub3A_631, %jit3A_632 : i32
    %ne3A_650 = arith.constant 0 : i32
    %ne3A_651 = arith.cmpi ne, %rem3A_649, %ne3A_650 : i32
    %and3A_652 = arith.andi %ne3A_648, %ne3A_651 : i1
    %sub3A_653 = arith.constant 1 : i32
    %sub3A_654 = arith.subi %div3A_633, %sub3A_653 : i32
    %select_n3A_655 = arith.select %and3A_652, %sub3A_654, %div3A_633 : i32
    %add3A_656 = arith.constant 2048 : i32
    %add3A_657 = arith.addi %add3A_656, %select_n3A_655 : i32
    %dma_start3A_658 = arith.constant 0 : i32
    %dma_start3A_659 = arith.constant 0 : i32
    %dma_start3A_660 = tpu.memref_slice %arg3[%add3A_627, %dma_start3A_658, %dma_start3A_659] : memref<2048x512x128xf32, #tpu.memory_space<hbm>> -> memref<1x512x128xf32, #tpu.memory_space<hbm>>
    %dma_start3A_661 = tpu.memref_squeeze %dma_start3A_660 : memref<1x512x128xf32, #tpu.memory_space<hbm>> -> memref<512x128xf32, #tpu.memory_space<hbm>>
    %dma_start3A_662 = arith.constant 0 : i32
    %dma_start3A_663 = tpu.memref_slice %arg7[%add3A_657, %dma_start3A_662] : memref<4096x128xf32, #tpu.memory_space<vmem_shared>> -> memref<512x128xf32, #tpu.memory_space<vmem_shared>>
    tpu.enqueue_dma source(%dma_start3A_663 : memref<512x128xf32, #tpu.memory_space<vmem_shared>>) target(%dma_start3A_661 : memref<512x128xf32, #tpu.memory_space<hbm>>) target_semaphore(%arg8 : memref<!tpu.dma_semaphore, #tpu.memory_space<semaphore_mem>>)
    %add3A_664 = arith.constant 2 : i32
    %add3A_665 = arith.addi %mul3A_587, %add3A_664 : i32
    %sub3A_666 = arith.constant 2047 : i32
    %sub3A_667 = arith.subi %sub3A_666, %add3A_665 : i32
    %sub3A_668 = arith.constant 1 : i32
    %sub3A_669 = arith.subi %sub3A_667, %sub3A_668 : i32
    %jit3A_670 = arith.constant 4 : i32
    %div3A_671 = arith.divsi %sub3A_669, %jit3A_670 : i32
    %sign3A_672 = arith.constant 0 : i32
    %sign3A_673 = arith.cmpi sgt, %sub3A_669, %sign3A_672 : i32
    %sign3A_674 = arith.extui %sign3A_673 : i1 to i32
    %sign3A_675 = arith.constant 0 : i32
    %sign3A_676 = arith.cmpi slt, %sub3A_669, %sign3A_675 : i32
    %sign3A_677 = arith.extui %sign3A_676 : i1 to i32
    %sign3A_678 = arith.subi %sign3A_674, %sign3A_677 : i32
    %sign3A_679 = arith.constant 0 : i32
    %sign3A_680 = arith.cmpi sgt, %jit3A_670, %sign3A_679 : i32
    %sign3A_681 = arith.extui %sign3A_680 : i1 to i32
    %sign3A_682 = arith.constant 0 : i32
    %sign3A_683 = arith.cmpi slt, %jit3A_670, %sign3A_682 : i32
    %sign3A_684 = arith.extui %sign3A_683 : i1 to i32
    %sign3A_685 = arith.subi %sign3A_681, %sign3A_684 : i32
    %ne3A_686 = arith.cmpi ne, %sign3A_678, %sign3A_685 : i32
    %rem3A_687 = arith.remsi %sub3A_669, %jit3A_670 : i32
    %ne3A_688 = arith.constant 0 : i32
    %ne3A_689 = arith.cmpi ne, %rem3A_687, %ne3A_688 : i32
    %and3A_690 = arith.andi %ne3A_686, %ne3A_689 : i1
    %sub3A_691 = arith.constant 1 : i32
    %sub3A_692 = arith.subi %div3A_671, %sub3A_691 : i32
    %select_n3A_693 = arith.select %and3A_690, %sub3A_692, %div3A_671 : i32
    %add3A_694 = arith.constant 1024 : i32
    %add3A_695 = arith.addi %add3A_694, %select_n3A_693 : i32
    %dma_start3A_696 = arith.constant 0 : i32
    %dma_start3A_697 = arith.constant 0 : i32
    %dma_start3A_698 = tpu.memref_slice %arg3[%add3A_665, %dma_start3A_696, %dma_start3A_697] : memref<2048x512x128xf32, #tpu.memory_space<hbm>> -> memref<1x512x128xf32, #tpu.memory_space<hbm>>
    %dma_start3A_699 = tpu.memref_squeeze %dma_start3A_698 : memref<1x512x128xf32, #tpu.memory_space<hbm>> -> memref<512x128xf32, #tpu.memory_space<hbm>>
    %dma_start3A_700 = arith.constant 0 : i32
    %dma_start3A_701 = tpu.memref_slice %arg7[%add3A_695, %dma_start3A_700] : memref<4096x128xf32, #tpu.memory_space<vmem_shared>> -> memref<512x128xf32, #tpu.memory_space<vmem_shared>>
    tpu.enqueue_dma source(%dma_start3A_701 : memref<512x128xf32, #tpu.memory_space<vmem_shared>>) target(%dma_start3A_699 : memref<512x128xf32, #tpu.memory_space<hbm>>) target_semaphore(%arg8 : memref<!tpu.dma_semaphore, #tpu.memory_space<semaphore_mem>>)
    %add3A_702 = arith.constant 3 : i32
    %add3A_703 = arith.addi %mul3A_587, %add3A_702 : i32
    %sub3A_704 = arith.constant 2047 : i32
    %sub3A_705 = arith.subi %sub3A_704, %add3A_703 : i32
    %sub3A_706 = arith.constant 0 : i32
    %sub3A_707 = arith.subi %sub3A_705, %sub3A_706 : i32
    %jit3A_708 = arith.constant 4 : i32
    %div3A_709 = arith.divsi %sub3A_707, %jit3A_708 : i32
    %sign3A_710 = arith.constant 0 : i32
    %sign3A_711 = arith.cmpi sgt, %sub3A_707, %sign3A_710 : i32
    %sign3A_712 = arith.extui %sign3A_711 : i1 to i32
    %sign3A_713 = arith.constant 0 : i32
    %sign3A_714 = arith.cmpi slt, %sub3A_707, %sign3A_713 : i32
    %sign3A_715 = arith.extui %sign3A_714 : i1 to i32
    %sign3A_716 = arith.subi %sign3A_712, %sign3A_715 : i32
    %sign3A_717 = arith.constant 0 : i32
    %sign3A_718 = arith.cmpi sgt, %jit3A_708, %sign3A_717 : i32
    %sign3A_719 = arith.extui %sign3A_718 : i1 to i32
    %sign3A_720 = arith.constant 0 : i32
    %sign3A_721 = arith.cmpi slt, %jit3A_708, %sign3A_720 : i32
    %sign3A_722 = arith.extui %sign3A_721 : i1 to i32
    %sign3A_723 = arith.subi %sign3A_719, %sign3A_722 : i32
    %ne3A_724 = arith.cmpi ne, %sign3A_716, %sign3A_723 : i32
    %rem3A_725 = arith.remsi %sub3A_707, %jit3A_708 : i32
    %ne3A_726 = arith.constant 0 : i32
    %ne3A_727 = arith.cmpi ne, %rem3A_725, %ne3A_726 : i32
    %and3A_728 = arith.andi %ne3A_724, %ne3A_727 : i1
    %sub3A_729 = arith.constant 1 : i32
    %sub3A_730 = arith.subi %div3A_709, %sub3A_729 : i32
    %select_n3A_731 = arith.select %and3A_728, %sub3A_730, %div3A_709 : i32
    %add3A_732 = arith.constant 0 : i32
    %add3A_733 = arith.addi %add3A_732, %select_n3A_731 : i32
    %dma_start3A_734 = arith.constant 0 : i32
    %dma_start3A_735 = arith.constant 0 : i32
    %dma_start3A_736 = tpu.memref_slice %arg3[%add3A_703, %dma_start3A_734, %dma_start3A_735] : memref<2048x512x128xf32, #tpu.memory_space<hbm>> -> memref<1x512x128xf32, #tpu.memory_space<hbm>>
    %dma_start3A_737 = tpu.memref_squeeze %dma_start3A_736 : memref<1x512x128xf32, #tpu.memory_space<hbm>> -> memref<512x128xf32, #tpu.memory_space<hbm>>
    %dma_start3A_738 = arith.constant 0 : i32
    %dma_start3A_739 = tpu.memref_slice %arg7[%add3A_733, %dma_start3A_738] : memref<4096x128xf32, #tpu.memory_space<vmem_shared>> -> memref<512x128xf32, #tpu.memory_space<vmem_shared>>
    tpu.enqueue_dma source(%dma_start3A_739 : memref<512x128xf32, #tpu.memory_space<vmem_shared>>) target(%dma_start3A_737 : memref<512x128xf32, #tpu.memory_space<hbm>>) target_semaphore(%arg8 : memref<!tpu.dma_semaphore, #tpu.memory_space<semaphore_mem>>)
    %add3A_740 = arith.constant 4 : i32
    %add3A_741 = arith.addi %mul3A_587, %add3A_740 : i32
    %sub3A_742 = arith.constant 2047 : i32
    %sub3A_743 = arith.subi %sub3A_742, %add3A_741 : i32
    %sub3A_744 = arith.constant 3 : i32
    %sub3A_745 = arith.subi %sub3A_743, %sub3A_744 : i32
    %jit3A_746 = arith.constant 4 : i32
    %div3A_747 = arith.divsi %sub3A_745, %jit3A_746 : i32
    %sign3A_748 = arith.constant 0 : i32
    %sign3A_749 = arith.cmpi sgt, %sub3A_745, %sign3A_748 : i32
    %sign3A_750 = arith.extui %sign3A_749 : i1 to i32
    %sign3A_751 = arith.constant 0 : i32
    %sign3A_752 = arith.cmpi slt, %sub3A_745, %sign3A_751 : i32
    %sign3A_753 = arith.extui %sign3A_752 : i1 to i32
    %sign3A_754 = arith.subi %sign3A_750, %sign3A_753 : i32
    %sign3A_755 = arith.constant 0 : i32
    %sign3A_756 = arith.cmpi sgt, %jit3A_746, %sign3A_755 : i32
    %sign3A_757 = arith.extui %sign3A_756 : i1 to i32
    %sign3A_758 = arith.constant 0 : i32
    %sign3A_759 = arith.cmpi slt, %jit3A_746, %sign3A_758 : i32
    %sign3A_760 = arith.extui %sign3A_759 : i1 to i32
    %sign3A_761 = arith.subi %sign3A_757, %sign3A_760 : i32
    %ne3A_762 = arith.cmpi ne, %sign3A_754, %sign3A_761 : i32
    %rem3A_763 = arith.remsi %sub3A_745, %jit3A_746 : i32
    %ne3A_764 = arith.constant 0 : i32
    %ne3A_765 = arith.cmpi ne, %rem3A_763, %ne3A_764 : i32
    %and3A_766 = arith.andi %ne3A_762, %ne3A_765 : i1
    %sub3A_767 = arith.constant 1 : i32
    %sub3A_768 = arith.subi %div3A_747, %sub3A_767 : i32
    %select_n3A_769 = arith.select %and3A_766, %sub3A_768, %div3A_747 : i32
    %add3A_770 = arith.constant 3072 : i32
    %add3A_771 = arith.addi %add3A_770, %select_n3A_769 : i32
    %dma_start3A_772 = arith.constant 0 : i32
    %dma_start3A_773 = arith.constant 0 : i32
    %dma_start3A_774 = tpu.memref_slice %arg3[%add3A_741, %dma_start3A_772, %dma_start3A_773] : memref<2048x512x128xf32, #tpu.memory_space<hbm>> -> memref<1x512x128xf32, #tpu.memory_space<hbm>>
    %dma_start3A_775 = tpu.memref_squeeze %dma_start3A_774 : memref<1x512x128xf32, #tpu.memory_space<hbm>> -> memref<512x128xf32, #tpu.memory_space<hbm>>
    %dma_start3A_776 = arith.constant 0 : i32
    %dma_start3A_777 = tpu.memref_slice %arg7[%add3A_771, %dma_start3A_776] : memref<4096x128xf32, #tpu.memory_space<vmem_shared>> -> memref<512x128xf32, #tpu.memory_space<vmem_shared>>
    tpu.enqueue_dma source(%dma_start3A_777 : memref<512x128xf32, #tpu.memory_space<vmem_shared>>) target(%dma_start3A_775 : memref<512x128xf32, #tpu.memory_space<hbm>>) target_semaphore(%arg8 : memref<!tpu.dma_semaphore, #tpu.memory_space<semaphore_mem>>)
    %add3A_778 = arith.constant 5 : i32
    %add3A_779 = arith.addi %mul3A_587, %add3A_778 : i32
    %sub3A_780 = arith.constant 2047 : i32
    %sub3A_781 = arith.subi %sub3A_780, %add3A_779 : i32
    %sub3A_782 = arith.constant 2 : i32
    %sub3A_783 = arith.subi %sub3A_781, %sub3A_782 : i32
    %jit3A_784 = arith.constant 4 : i32
    %div3A_785 = arith.divsi %sub3A_783, %jit3A_784 : i32
    %sign3A_786 = arith.constant 0 : i32
    %sign3A_787 = arith.cmpi sgt, %sub3A_783, %sign3A_786 : i32
    %sign3A_788 = arith.extui %sign3A_787 : i1 to i32
    %sign3A_789 = arith.constant 0 : i32
    %sign3A_790 = arith.cmpi slt, %sub3A_783, %sign3A_789 : i32
    %sign3A_791 = arith.extui %sign3A_790 : i1 to i32
    %sign3A_792 = arith.subi %sign3A_788, %sign3A_791 : i32
    %sign3A_793 = arith.constant 0 : i32
    %sign3A_794 = arith.cmpi sgt, %jit3A_784, %sign3A_793 : i32
    %sign3A_795 = arith.extui %sign3A_794 : i1 to i32
    %sign3A_796 = arith.constant 0 : i32
    %sign3A_797 = arith.cmpi slt, %jit3A_784, %sign3A_796 : i32
    %sign3A_798 = arith.extui %sign3A_797 : i1 to i32
    %sign3A_799 = arith.subi %sign3A_795, %sign3A_798 : i32
    %ne3A_800 = arith.cmpi ne, %sign3A_792, %sign3A_799 : i32
    %rem3A_801 = arith.remsi %sub3A_783, %jit3A_784 : i32
    %ne3A_802 = arith.constant 0 : i32
    %ne3A_803 = arith.cmpi ne, %rem3A_801, %ne3A_802 : i32
    %and3A_804 = arith.andi %ne3A_800, %ne3A_803 : i1
    %sub3A_805 = arith.constant 1 : i32
    %sub3A_806 = arith.subi %div3A_785, %sub3A_805 : i32
    %select_n3A_807 = arith.select %and3A_804, %sub3A_806, %div3A_785 : i32
    %add3A_808 = arith.constant 2048 : i32
    %add3A_809 = arith.addi %add3A_808, %select_n3A_807 : i32
    %dma_start3A_810 = arith.constant 0 : i32
    %dma_start3A_811 = arith.constant 0 : i32
    %dma_start3A_812 = tpu.memref_slice %arg3[%add3A_779, %dma_start3A_810, %dma_start3A_811] : memref<2048x512x128xf32, #tpu.memory_space<hbm>> -> memref<1x512x128xf32, #tpu.memory_space<hbm>>
    %dma_start3A_813 = tpu.memref_squeeze %dma_start3A_812 : memref<1x512x128xf32, #tpu.memory_space<hbm>> -> memref<512x128xf32, #tpu.memory_space<hbm>>
    %dma_start3A_814 = arith.constant 0 : i32
    %dma_start3A_815 = tpu.memref_slice %arg7[%add3A_809, %dma_start3A_814] : memref<4096x128xf32, #tpu.memory_space<vmem_shared>> -> memref<512x128xf32, #tpu.memory_space<vmem_shared>>
    tpu.enqueue_dma source(%dma_start3A_815 : memref<512x128xf32, #tpu.memory_space<vmem_shared>>) target(%dma_start3A_813 : memref<512x128xf32, #tpu.memory_space<hbm>>) target_semaphore(%arg8 : memref<!tpu.dma_semaphore, #tpu.memory_space<semaphore_mem>>)
    %add3A_816 = arith.constant 6 : i32
    %add3A_817 = arith.addi %mul3A_587, %add3A_816 : i32
    %sub3A_818 = arith.constant 2047 : i32
    %sub3A_819 = arith.subi %sub3A_818, %add3A_817 : i32
    %sub3A_820 = arith.constant 1 : i32
    %sub3A_821 = arith.subi %sub3A_819, %sub3A_820 : i32
    %jit3A_822 = arith.constant 4 : i32
    %div3A_823 = arith.divsi %sub3A_821, %jit3A_822 : i32
    %sign3A_824 = arith.constant 0 : i32
    %sign3A_825 = arith.cmpi sgt, %sub3A_821, %sign3A_824 : i32
    %sign3A_826 = arith.extui %sign3A_825 : i1 to i32
    %sign3A_827 = arith.constant 0 : i32
    %sign3A_828 = arith.cmpi slt, %sub3A_821, %sign3A_827 : i32
    %sign3A_829 = arith.extui %sign3A_828 : i1 to i32
    %sign3A_830 = arith.subi %sign3A_826, %sign3A_829 : i32
    %sign3A_831 = arith.constant 0 : i32
    %sign3A_832 = arith.cmpi sgt, %jit3A_822, %sign3A_831 : i32
    %sign3A_833 = arith.extui %sign3A_832 : i1 to i32
    %sign3A_834 = arith.constant 0 : i32
    %sign3A_835 = arith.cmpi slt, %jit3A_822, %sign3A_834 : i32
    %sign3A_836 = arith.extui %sign3A_835 : i1 to i32
    %sign3A_837 = arith.subi %sign3A_833, %sign3A_836 : i32
    %ne3A_838 = arith.cmpi ne, %sign3A_830, %sign3A_837 : i32
    %rem3A_839 = arith.remsi %sub3A_821, %jit3A_822 : i32
    %ne3A_840 = arith.constant 0 : i32
    %ne3A_841 = arith.cmpi ne, %rem3A_839, %ne3A_840 : i32
    %and3A_842 = arith.andi %ne3A_838, %ne3A_841 : i1
    %sub3A_843 = arith.constant 1 : i32
    %sub3A_844 = arith.subi %div3A_823, %sub3A_843 : i32
    %select_n3A_845 = arith.select %and3A_842, %sub3A_844, %div3A_823 : i32
    %add3A_846 = arith.constant 1024 : i32
    %add3A_847 = arith.addi %add3A_846, %select_n3A_845 : i32
    %dma_start3A_848 = arith.constant 0 : i32
    %dma_start3A_849 = arith.constant 0 : i32
    %dma_start3A_850 = tpu.memref_slice %arg3[%add3A_817, %dma_start3A_848, %dma_start3A_849] : memref<2048x512x128xf32, #tpu.memory_space<hbm>> -> memref<1x512x128xf32, #tpu.memory_space<hbm>>
    %dma_start3A_851 = tpu.memref_squeeze %dma_start3A_850 : memref<1x512x128xf32, #tpu.memory_space<hbm>> -> memref<512x128xf32, #tpu.memory_space<hbm>>
    %dma_start3A_852 = arith.constant 0 : i32
    %dma_start3A_853 = tpu.memref_slice %arg7[%add3A_847, %dma_start3A_852] : memref<4096x128xf32, #tpu.memory_space<vmem_shared>> -> memref<512x128xf32, #tpu.memory_space<vmem_shared>>
    tpu.enqueue_dma source(%dma_start3A_853 : memref<512x128xf32, #tpu.memory_space<vmem_shared>>) target(%dma_start3A_851 : memref<512x128xf32, #tpu.memory_space<hbm>>) target_semaphore(%arg8 : memref<!tpu.dma_semaphore, #tpu.memory_space<semaphore_mem>>)
    %add3A_854 = arith.constant 7 : i32
    %add3A_855 = arith.addi %mul3A_587, %add3A_854 : i32
    %sub3A_856 = arith.constant 2047 : i32
    %sub3A_857 = arith.subi %sub3A_856, %add3A_855 : i32
    %sub3A_858 = arith.constant 0 : i32
    %sub3A_859 = arith.subi %sub3A_857, %sub3A_858 : i32
    %jit3A_860 = arith.constant 4 : i32
    %div3A_861 = arith.divsi %sub3A_859, %jit3A_860 : i32
    %sign3A_862 = arith.constant 0 : i32
    %sign3A_863 = arith.cmpi sgt, %sub3A_859, %sign3A_862 : i32
    %sign3A_864 = arith.extui %sign3A_863 : i1 to i32
    %sign3A_865 = arith.constant 0 : i32
    %sign3A_866 = arith.cmpi slt, %sub3A_859, %sign3A_865 : i32
    %sign3A_867 = arith.extui %sign3A_866 : i1 to i32
    %sign3A_868 = arith.subi %sign3A_864, %sign3A_867 : i32
    %sign3A_869 = arith.constant 0 : i32
    %sign3A_870 = arith.cmpi sgt, %jit3A_860, %sign3A_869 : i32
    %sign3A_871 = arith.extui %sign3A_870 : i1 to i32
    %sign3A_872 = arith.constant 0 : i32
    %sign3A_873 = arith.cmpi slt, %jit3A_860, %sign3A_872 : i32
    %sign3A_874 = arith.extui %sign3A_873 : i1 to i32
    %sign3A_875 = arith.subi %sign3A_871, %sign3A_874 : i32
    %ne3A_876 = arith.cmpi ne, %sign3A_868, %sign3A_875 : i32
    %rem3A_877 = arith.remsi %sub3A_859, %jit3A_860 : i32
    %ne3A_878 = arith.constant 0 : i32
    %ne3A_879 = arith.cmpi ne, %rem3A_877, %ne3A_878 : i32
    %and3A_880 = arith.andi %ne3A_876, %ne3A_879 : i1
    %sub3A_881 = arith.constant 1 : i32
    %sub3A_882 = arith.subi %div3A_861, %sub3A_881 : i32
    %select_n3A_883 = arith.select %and3A_880, %sub3A_882, %div3A_861 : i32
    %add3A_884 = arith.constant 0 : i32
    %add3A_885 = arith.addi %add3A_884, %select_n3A_883 : i32
    %dma_start3A_886 = arith.constant 0 : i32
    %dma_start3A_887 = arith.constant 0 : i32
    %dma_start3A_888 = tpu.memref_slice %arg3[%add3A_855, %dma_start3A_886, %dma_start3A_887] : memref<2048x512x128xf32, #tpu.memory_space<hbm>> -> memref<1x512x128xf32, #tpu.memory_space<hbm>>
    %dma_start3A_889 = tpu.memref_squeeze %dma_start3A_888 : memref<1x512x128xf32, #tpu.memory_space<hbm>> -> memref<512x128xf32, #tpu.memory_space<hbm>>
    %dma_start3A_890 = arith.constant 0 : i32
    %dma_start3A_891 = tpu.memref_slice %arg7[%add3A_885, %dma_start3A_890] : memref<4096x128xf32, #tpu.memory_space<vmem_shared>> -> memref<512x128xf32, #tpu.memory_space<vmem_shared>>
    tpu.enqueue_dma source(%dma_start3A_891 : memref<512x128xf32, #tpu.memory_space<vmem_shared>>) target(%dma_start3A_889 : memref<512x128xf32, #tpu.memory_space<hbm>>) target_semaphore(%arg8 : memref<!tpu.dma_semaphore, #tpu.memory_space<semaphore_mem>>)
    %add3A_892 = arith.constant 8 : i32
    %add3A_893 = arith.addi %mul3A_587, %add3A_892 : i32
    %sub3A_894 = arith.constant 2047 : i32
    %sub3A_895 = arith.subi %sub3A_894, %add3A_893 : i32
    %sub3A_896 = arith.constant 3 : i32
    %sub3A_897 = arith.subi %sub3A_895, %sub3A_896 : i32
    %jit3A_898 = arith.constant 4 : i32
    %div3A_899 = arith.divsi %sub3A_897, %jit3A_898 : i32
    %sign3A_900 = arith.constant 0 : i32
    %sign3A_901 = arith.cmpi sgt, %sub3A_897, %sign3A_900 : i32
    %sign3A_902 = arith.extui %sign3A_901 : i1 to i32
    %sign3A_903 = arith.constant 0 : i32
    %sign3A_904 = arith.cmpi slt, %sub3A_897, %sign3A_903 : i32
    %sign3A_905 = arith.extui %sign3A_904 : i1 to i32
    %sign3A_906 = arith.subi %sign3A_902, %sign3A_905 : i32
    %sign3A_907 = arith.constant 0 : i32
    %sign3A_908 = arith.cmpi sgt, %jit3A_898, %sign3A_907 : i32
    %sign3A_909 = arith.extui %sign3A_908 : i1 to i32
    %sign3A_910 = arith.constant 0 : i32
    %sign3A_911 = arith.cmpi slt, %jit3A_898, %sign3A_910 : i32
    %sign3A_912 = arith.extui %sign3A_911 : i1 to i32
    %sign3A_913 = arith.subi %sign3A_909, %sign3A_912 : i32
    %ne3A_914 = arith.cmpi ne, %sign3A_906, %sign3A_913 : i32
    %rem3A_915 = arith.remsi %sub3A_897, %jit3A_898 : i32
    %ne3A_916 = arith.constant 0 : i32
    %ne3A_917 = arith.cmpi ne, %rem3A_915, %ne3A_916 : i32
    %and3A_918 = arith.andi %ne3A_914, %ne3A_917 : i1
    %sub3A_919 = arith.constant 1 : i32
    %sub3A_920 = arith.subi %div3A_899, %sub3A_919 : i32
    %select_n3A_921 = arith.select %and3A_918, %sub3A_920, %div3A_899 : i32
    %add3A_922 = arith.constant 3072 : i32
    %add3A_923 = arith.addi %add3A_922, %select_n3A_921 : i32
    %dma_start3A_924 = arith.constant 0 : i32
    %dma_start3A_925 = arith.constant 0 : i32
    %dma_start3A_926 = tpu.memref_slice %arg3[%add3A_893, %dma_start3A_924, %dma_start3A_925] : memref<2048x512x128xf32, #tpu.memory_space<hbm>> -> memref<1x512x128xf32, #tpu.memory_space<hbm>>
    %dma_start3A_927 = tpu.memref_squeeze %dma_start3A_926 : memref<1x512x128xf32, #tpu.memory_space<hbm>> -> memref<512x128xf32, #tpu.memory_space<hbm>>
    %dma_start3A_928 = arith.constant 0 : i32
    %dma_start3A_929 = tpu.memref_slice %arg7[%add3A_923, %dma_start3A_928] : memref<4096x128xf32, #tpu.memory_space<vmem_shared>> -> memref<512x128xf32, #tpu.memory_space<vmem_shared>>
    tpu.enqueue_dma source(%dma_start3A_929 : memref<512x128xf32, #tpu.memory_space<vmem_shared>>) target(%dma_start3A_927 : memref<512x128xf32, #tpu.memory_space<hbm>>) target_semaphore(%arg8 : memref<!tpu.dma_semaphore, #tpu.memory_space<semaphore_mem>>)
    %add3A_930 = arith.constant 9 : i32
    %add3A_931 = arith.addi %mul3A_587, %add3A_930 : i32
    %sub3A_932 = arith.constant 2047 : i32
    %sub3A_933 = arith.subi %sub3A_932, %add3A_931 : i32
    %sub3A_934 = arith.constant 2 : i32
    %sub3A_935 = arith.subi %sub3A_933, %sub3A_934 : i32
    %jit3A_936 = arith.constant 4 : i32
    %div3A_937 = arith.divsi %sub3A_935, %jit3A_936 : i32
    %sign3A_938 = arith.constant 0 : i32
    %sign3A_939 = arith.cmpi sgt, %sub3A_935, %sign3A_938 : i32
    %sign3A_940 = arith.extui %sign3A_939 : i1 to i32
    %sign3A_941 = arith.constant 0 : i32
    %sign3A_942 = arith.cmpi slt, %sub3A_935, %sign3A_941 : i32
    %sign3A_943 = arith.extui %sign3A_942 : i1 to i32
    %sign3A_944 = arith.subi %sign3A_940, %sign3A_943 : i32
    %sign3A_945 = arith.constant 0 : i32
    %sign3A_946 = arith.cmpi sgt, %jit3A_936, %sign3A_945 : i32
    %sign3A_947 = arith.extui %sign3A_946 : i1 to i32
    %sign3A_948 = arith.constant 0 : i32
    %sign3A_949 = arith.cmpi slt, %jit3A_936, %sign3A_948 : i32
    %sign3A_950 = arith.extui %sign3A_949 : i1 to i32
    %sign3A_951 = arith.subi %sign3A_947, %sign3A_950 : i32
    %ne3A_952 = arith.cmpi ne, %sign3A_944, %sign3A_951 : i32
    %rem3A_953 = arith.remsi %sub3A_935, %jit3A_936 : i32
    %ne3A_954 = arith.constant 0 : i32
    %ne3A_955 = arith.cmpi ne, %rem3A_953, %ne3A_954 : i32
    %and3A_956 = arith.andi %ne3A_952, %ne3A_955 : i1
    %sub3A_957 = arith.constant 1 : i32
    %sub3A_958 = arith.subi %div3A_937, %sub3A_957 : i32
    %select_n3A_959 = arith.select %and3A_956, %sub3A_958, %div3A_937 : i32
    %add3A_960 = arith.constant 2048 : i32
    %add3A_961 = arith.addi %add3A_960, %select_n3A_959 : i32
    %dma_start3A_962 = arith.constant 0 : i32
    %dma_start3A_963 = arith.constant 0 : i32
    %dma_start3A_964 = tpu.memref_slice %arg3[%add3A_931, %dma_start3A_962, %dma_start3A_963] : memref<2048x512x128xf32, #tpu.memory_space<hbm>> -> memref<1x512x128xf32, #tpu.memory_space<hbm>>
    %dma_start3A_965 = tpu.memref_squeeze %dma_start3A_964 : memref<1x512x128xf32, #tpu.memory_space<hbm>> -> memref<512x128xf32, #tpu.memory_space<hbm>>
    %dma_start3A_966 = arith.constant 0 : i32
    %dma_start3A_967 = tpu.memref_slice %arg7[%add3A_961, %dma_start3A_966] : memref<4096x128xf32, #tpu.memory_space<vmem_shared>> -> memref<512x128xf32, #tpu.memory_space<vmem_shared>>
    tpu.enqueue_dma source(%dma_start3A_967 : memref<512x128xf32, #tpu.memory_space<vmem_shared>>) target(%dma_start3A_965 : memref<512x128xf32, #tpu.memory_space<hbm>>) target_semaphore(%arg8 : memref<!tpu.dma_semaphore, #tpu.memory_space<semaphore_mem>>)
    %add3A_968 = arith.constant 10 : i32
    %add3A_969 = arith.addi %mul3A_587, %add3A_968 : i32
    %sub3A_970 = arith.constant 2047 : i32
    %sub3A_971 = arith.subi %sub3A_970, %add3A_969 : i32
    %sub3A_972 = arith.constant 1 : i32
    %sub3A_973 = arith.subi %sub3A_971, %sub3A_972 : i32
    %jit3A_974 = arith.constant 4 : i32
    %div3A_975 = arith.divsi %sub3A_973, %jit3A_974 : i32
    %sign3A_976 = arith.constant 0 : i32
    %sign3A_977 = arith.cmpi sgt, %sub3A_973, %sign3A_976 : i32
    %sign3A_978 = arith.extui %sign3A_977 : i1 to i32
    %sign3A_979 = arith.constant 0 : i32
    %sign3A_980 = arith.cmpi slt, %sub3A_973, %sign3A_979 : i32
    %sign3A_981 = arith.extui %sign3A_980 : i1 to i32
    %sign3A_982 = arith.subi %sign3A_978, %sign3A_981 : i32
    %sign3A_983 = arith.constant 0 : i32
    %sign3A_984 = arith.cmpi sgt, %jit3A_974, %sign3A_983 : i32
    %sign3A_985 = arith.extui %sign3A_984 : i1 to i32
    %sign3A_986 = arith.constant 0 : i32
    %sign3A_987 = arith.cmpi slt, %jit3A_974, %sign3A_986 : i32
    %sign3A_988 = arith.extui %sign3A_987 : i1 to i32
    %sign3A_989 = arith.subi %sign3A_985, %sign3A_988 : i32
    %ne3A_990 = arith.cmpi ne, %sign3A_982, %sign3A_989 : i32
    %rem3A_991 = arith.remsi %sub3A_973, %jit3A_974 : i32
    %ne3A_992 = arith.constant 0 : i32
    %ne3A_993 = arith.cmpi ne, %rem3A_991, %ne3A_992 : i32
    %and3A_994 = arith.andi %ne3A_990, %ne3A_993 : i1
    %sub3A_995 = arith.constant 1 : i32
    %sub3A_996 = arith.subi %div3A_975, %sub3A_995 : i32
    %select_n3A_997 = arith.select %and3A_994, %sub3A_996, %div3A_975 : i32
    %add3A_998 = arith.constant 1024 : i32
    %add3A_999 = arith.addi %add3A_998, %select_n3A_997 : i32
    %dma_start3A_1000 = arith.constant 0 : i32
    %dma_start3A_1001 = arith.constant 0 : i32
    %dma_start3A_1002 = tpu.memref_slice %arg3[%add3A_969, %dma_start3A_1000, %dma_start3A_1001] : memref<2048x512x128xf32, #tpu.memory_space<hbm>> -> memref<1x512x128xf32, #tpu.memory_space<hbm>>
    %dma_start3A_1003 = tpu.memref_squeeze %dma_start3A_1002 : memref<1x512x128xf32, #tpu.memory_space<hbm>> -> memref<512x128xf32, #tpu.memory_space<hbm>>
    %dma_start3A_1004 = arith.constant 0 : i32
    %dma_start3A_1005 = tpu.memref_slice %arg7[%add3A_999, %dma_start3A_1004] : memref<4096x128xf32, #tpu.memory_space<vmem_shared>> -> memref<512x128xf32, #tpu.memory_space<vmem_shared>>
    tpu.enqueue_dma source(%dma_start3A_1005 : memref<512x128xf32, #tpu.memory_space<vmem_shared>>) target(%dma_start3A_1003 : memref<512x128xf32, #tpu.memory_space<hbm>>) target_semaphore(%arg8 : memref<!tpu.dma_semaphore, #tpu.memory_space<semaphore_mem>>)
    %add3A_1006 = arith.constant 11 : i32
    %add3A_1007 = arith.addi %mul3A_587, %add3A_1006 : i32
    %sub3A_1008 = arith.constant 2047 : i32
    %sub3A_1009 = arith.subi %sub3A_1008, %add3A_1007 : i32
    %sub3A_1010 = arith.constant 0 : i32
    %sub3A_1011 = arith.subi %sub3A_1009, %sub3A_1010 : i32
    %jit3A_1012 = arith.constant 4 : i32
    %div3A_1013 = arith.divsi %sub3A_1011, %jit3A_1012 : i32
    %sign3A_1014 = arith.constant 0 : i32
    %sign3A_1015 = arith.cmpi sgt, %sub3A_1011, %sign3A_1014 : i32
    %sign3A_1016 = arith.extui %sign3A_1015 : i1 to i32
    %sign3A_1017 = arith.constant 0 : i32
    %sign3A_1018 = arith.cmpi slt, %sub3A_1011, %sign3A_1017 : i32
    %sign3A_1019 = arith.extui %sign3A_1018 : i1 to i32
    %sign3A_1020 = arith.subi %sign3A_1016, %sign3A_1019 : i32
    %sign3A_1021 = arith.constant 0 : i32
    %sign3A_1022 = arith.cmpi sgt, %jit3A_1012, %sign3A_1021 : i32
    %sign3A_1023 = arith.extui %sign3A_1022 : i1 to i32
    %sign3A_1024 = arith.constant 0 : i32
    %sign3A_1025 = arith.cmpi slt, %jit3A_1012, %sign3A_1024 : i32
    %sign3A_1026 = arith.extui %sign3A_1025 : i1 to i32
    %sign3A_1027 = arith.subi %sign3A_1023, %sign3A_1026 : i32
    %ne3A_1028 = arith.cmpi ne, %sign3A_1020, %sign3A_1027 : i32
    %rem3A_1029 = arith.remsi %sub3A_1011, %jit3A_1012 : i32
    %ne3A_1030 = arith.constant 0 : i32
    %ne3A_1031 = arith.cmpi ne, %rem3A_1029, %ne3A_1030 : i32
    %and3A_1032 = arith.andi %ne3A_1028, %ne3A_1031 : i1
    %sub3A_1033 = arith.constant 1 : i32
    %sub3A_1034 = arith.subi %div3A_1013, %sub3A_1033 : i32
    %select_n3A_1035 = arith.select %and3A_1032, %sub3A_1034, %div3A_1013 : i32
    %add3A_1036 = arith.constant 0 : i32
    %add3A_1037 = arith.addi %add3A_1036, %select_n3A_1035 : i32
    %dma_start3A_1038 = arith.constant 0 : i32
    %dma_start3A_1039 = arith.constant 0 : i32
    %dma_start3A_1040 = tpu.memref_slice %arg3[%add3A_1007, %dma_start3A_1038, %dma_start3A_1039] : memref<2048x512x128xf32, #tpu.memory_space<hbm>> -> memref<1x512x128xf32, #tpu.memory_space<hbm>>
    %dma_start3A_1041 = tpu.memref_squeeze %dma_start3A_1040 : memref<1x512x128xf32, #tpu.memory_space<hbm>> -> memref<512x128xf32, #tpu.memory_space<hbm>>
    %dma_start3A_1042 = arith.constant 0 : i32
    %dma_start3A_1043 = tpu.memref_slice %arg7[%add3A_1037, %dma_start3A_1042] : memref<4096x128xf32, #tpu.memory_space<vmem_shared>> -> memref<512x128xf32, #tpu.memory_space<vmem_shared>>
    tpu.enqueue_dma source(%dma_start3A_1043 : memref<512x128xf32, #tpu.memory_space<vmem_shared>>) target(%dma_start3A_1041 : memref<512x128xf32, #tpu.memory_space<hbm>>) target_semaphore(%arg8 : memref<!tpu.dma_semaphore, #tpu.memory_space<semaphore_mem>>)
    %add3A_1044 = arith.constant 12 : i32
    %add3A_1045 = arith.addi %mul3A_587, %add3A_1044 : i32
    %sub3A_1046 = arith.constant 2047 : i32
    %sub3A_1047 = arith.subi %sub3A_1046, %add3A_1045 : i32
    %sub3A_1048 = arith.constant 3 : i32
    %sub3A_1049 = arith.subi %sub3A_1047, %sub3A_1048 : i32
    %jit3A_1050 = arith.constant 4 : i32
    %div3A_1051 = arith.divsi %sub3A_1049, %jit3A_1050 : i32
    %sign3A_1052 = arith.constant 0 : i32
    %sign3A_1053 = arith.cmpi sgt, %sub3A_1049, %sign3A_1052 : i32
    %sign3A_1054 = arith.extui %sign3A_1053 : i1 to i32
    %sign3A_1055 = arith.constant 0 : i32
    %sign3A_1056 = arith.cmpi slt, %sub3A_1049, %sign3A_1055 : i32
    %sign3A_1057 = arith.extui %sign3A_1056 : i1 to i32
    %sign3A_1058 = arith.subi %sign3A_1054, %sign3A_1057 : i32
    %sign3A_1059 = arith.constant 0 : i32
    %sign3A_1060 = arith.cmpi sgt, %jit3A_1050, %sign3A_1059 : i32
    %sign3A_1061 = arith.extui %sign3A_1060 : i1 to i32
    %sign3A_1062 = arith.constant 0 : i32
    %sign3A_1063 = arith.cmpi slt, %jit3A_1050, %sign3A_1062 : i32
    %sign3A_1064 = arith.extui %sign3A_1063 : i1 to i32
    %sign3A_1065 = arith.subi %sign3A_1061, %sign3A_1064 : i32
    %ne3A_1066 = arith.cmpi ne, %sign3A_1058, %sign3A_1065 : i32
    %rem3A_1067 = arith.remsi %sub3A_1049, %jit3A_1050 : i32
    %ne3A_1068 = arith.constant 0 : i32
    %ne3A_1069 = arith.cmpi ne, %rem3A_1067, %ne3A_1068 : i32
    %and3A_1070 = arith.andi %ne3A_1066, %ne3A_1069 : i1
    %sub3A_1071 = arith.constant 1 : i32
    %sub3A_1072 = arith.subi %div3A_1051, %sub3A_1071 : i32
    %select_n3A_1073 = arith.select %and3A_1070, %sub3A_1072, %div3A_1051 : i32
    %add3A_1074 = arith.constant 3072 : i32
    %add3A_1075 = arith.addi %add3A_1074, %select_n3A_1073 : i32
    %dma_start3A_1076 = arith.constant 0 : i32
    %dma_start3A_1077 = arith.constant 0 : i32
    %dma_start3A_1078 = tpu.memref_slice %arg3[%add3A_1045, %dma_start3A_1076, %dma_start3A_1077] : memref<2048x512x128xf32, #tpu.memory_space<hbm>> -> memref<1x512x128xf32, #tpu.memory_space<hbm>>
    %dma_start3A_1079 = tpu.memref_squeeze %dma_start3A_1078 : memref<1x512x128xf32, #tpu.memory_space<hbm>> -> memref<512x128xf32, #tpu.memory_space<hbm>>
    %dma_start3A_1080 = arith.constant 0 : i32
    %dma_start3A_1081 = tpu.memref_slice %arg7[%add3A_1075, %dma_start3A_1080] : memref<4096x128xf32, #tpu.memory_space<vmem_shared>> -> memref<512x128xf32, #tpu.memory_space<vmem_shared>>
    tpu.enqueue_dma source(%dma_start3A_1081 : memref<512x128xf32, #tpu.memory_space<vmem_shared>>) target(%dma_start3A_1079 : memref<512x128xf32, #tpu.memory_space<hbm>>) target_semaphore(%arg8 : memref<!tpu.dma_semaphore, #tpu.memory_space<semaphore_mem>>)
    %add3A_1082 = arith.constant 13 : i32
    %add3A_1083 = arith.addi %mul3A_587, %add3A_1082 : i32
    %sub3A_1084 = arith.constant 2047 : i32
    %sub3A_1085 = arith.subi %sub3A_1084, %add3A_1083 : i32
    %sub3A_1086 = arith.constant 2 : i32
    %sub3A_1087 = arith.subi %sub3A_1085, %sub3A_1086 : i32
    %jit3A_1088 = arith.constant 4 : i32
    %div3A_1089 = arith.divsi %sub3A_1087, %jit3A_1088 : i32
    %sign3A_1090 = arith.constant 0 : i32
    %sign3A_1091 = arith.cmpi sgt, %sub3A_1087, %sign3A_1090 : i32
    %sign3A_1092 = arith.extui %sign3A_1091 : i1 to i32
    %sign3A_1093 = arith.constant 0 : i32
    %sign3A_1094 = arith.cmpi slt, %sub3A_1087, %sign3A_1093 : i32
    %sign3A_1095 = arith.extui %sign3A_1094 : i1 to i32
    %sign3A_1096 = arith.subi %sign3A_1092, %sign3A_1095 : i32
    %sign3A_1097 = arith.constant 0 : i32
    %sign3A_1098 = arith.cmpi sgt, %jit3A_1088, %sign3A_1097 : i32
    %sign3A_1099 = arith.extui %sign3A_1098 : i1 to i32
    %sign3A_1100 = arith.constant 0 : i32
    %sign3A_1101 = arith.cmpi slt, %jit3A_1088, %sign3A_1100 : i32
    %sign3A_1102 = arith.extui %sign3A_1101 : i1 to i32
    %sign3A_1103 = arith.subi %sign3A_1099, %sign3A_1102 : i32
    %ne3A_1104 = arith.cmpi ne, %sign3A_1096, %sign3A_1103 : i32
    %rem3A_1105 = arith.remsi %sub3A_1087, %jit3A_1088 : i32
    %ne3A_1106 = arith.constant 0 : i32
    %ne3A_1107 = arith.cmpi ne, %rem3A_1105, %ne3A_1106 : i32
    %and3A_1108 = arith.andi %ne3A_1104, %ne3A_1107 : i1
    %sub3A_1109 = arith.constant 1 : i32
    %sub3A_1110 = arith.subi %div3A_1089, %sub3A_1109 : i32
    %select_n3A_1111 = arith.select %and3A_1108, %sub3A_1110, %div3A_1089 : i32
    %add3A_1112 = arith.constant 2048 : i32
    %add3A_1113 = arith.addi %add3A_1112, %select_n3A_1111 : i32
    %dma_start3A_1114 = arith.constant 0 : i32
    %dma_start3A_1115 = arith.constant 0 : i32
    %dma_start3A_1116 = tpu.memref_slice %arg3[%add3A_1083, %dma_start3A_1114, %dma_start3A_1115] : memref<2048x512x128xf32, #tpu.memory_space<hbm>> -> memref<1x512x128xf32, #tpu.memory_space<hbm>>
    %dma_start3A_1117 = tpu.memref_squeeze %dma_start3A_1116 : memref<1x512x128xf32, #tpu.memory_space<hbm>> -> memref<512x128xf32, #tpu.memory_space<hbm>>
    %dma_start3A_1118 = arith.constant 0 : i32
    %dma_start3A_1119 = tpu.memref_slice %arg7[%add3A_1113, %dma_start3A_1118] : memref<4096x128xf32, #tpu.memory_space<vmem_shared>> -> memref<512x128xf32, #tpu.memory_space<vmem_shared>>
    tpu.enqueue_dma source(%dma_start3A_1119 : memref<512x128xf32, #tpu.memory_space<vmem_shared>>) target(%dma_start3A_1117 : memref<512x128xf32, #tpu.memory_space<hbm>>) target_semaphore(%arg8 : memref<!tpu.dma_semaphore, #tpu.memory_space<semaphore_mem>>)
    %add3A_1120 = arith.constant 14 : i32
    %add3A_1121 = arith.addi %mul3A_587, %add3A_1120 : i32
    %sub3A_1122 = arith.constant 2047 : i32
    %sub3A_1123 = arith.subi %sub3A_1122, %add3A_1121 : i32
    %sub3A_1124 = arith.constant 1 : i32
    %sub3A_1125 = arith.subi %sub3A_1123, %sub3A_1124 : i32
    %jit3A_1126 = arith.constant 4 : i32
    %div3A_1127 = arith.divsi %sub3A_1125, %jit3A_1126 : i32
    %sign3A_1128 = arith.constant 0 : i32
    %sign3A_1129 = arith.cmpi sgt, %sub3A_1125, %sign3A_1128 : i32
    %sign3A_1130 = arith.extui %sign3A_1129 : i1 to i32
    %sign3A_1131 = arith.constant 0 : i32
    %sign3A_1132 = arith.cmpi slt, %sub3A_1125, %sign3A_1131 : i32
    %sign3A_1133 = arith.extui %sign3A_1132 : i1 to i32
    %sign3A_1134 = arith.subi %sign3A_1130, %sign3A_1133 : i32
    %sign3A_1135 = arith.constant 0 : i32
    %sign3A_1136 = arith.cmpi sgt, %jit3A_1126, %sign3A_1135 : i32
    %sign3A_1137 = arith.extui %sign3A_1136 : i1 to i32
    %sign3A_1138 = arith.constant 0 : i32
    %sign3A_1139 = arith.cmpi slt, %jit3A_1126, %sign3A_1138 : i32
    %sign3A_1140 = arith.extui %sign3A_1139 : i1 to i32
    %sign3A_1141 = arith.subi %sign3A_1137, %sign3A_1140 : i32
    %ne3A_1142 = arith.cmpi ne, %sign3A_1134, %sign3A_1141 : i32
    %rem3A_1143 = arith.remsi %sub3A_1125, %jit3A_1126 : i32
    %ne3A_1144 = arith.constant 0 : i32
    %ne3A_1145 = arith.cmpi ne, %rem3A_1143, %ne3A_1144 : i32
    %and3A_1146 = arith.andi %ne3A_1142, %ne3A_1145 : i1
    %sub3A_1147 = arith.constant 1 : i32
    %sub3A_1148 = arith.subi %div3A_1127, %sub3A_1147 : i32
    %select_n3A_1149 = arith.select %and3A_1146, %sub3A_1148, %div3A_1127 : i32
    %add3A_1150 = arith.constant 1024 : i32
    %add3A_1151 = arith.addi %add3A_1150, %select_n3A_1149 : i32
    %dma_start3A_1152 = arith.constant 0 : i32
    %dma_start3A_1153 = arith.constant 0 : i32
    %dma_start3A_1154 = tpu.memref_slice %arg3[%add3A_1121, %dma_start3A_1152, %dma_start3A_1153] : memref<2048x512x128xf32, #tpu.memory_space<hbm>> -> memref<1x512x128xf32, #tpu.memory_space<hbm>>
    %dma_start3A_1155 = tpu.memref_squeeze %dma_start3A_1154 : memref<1x512x128xf32, #tpu.memory_space<hbm>> -> memref<512x128xf32, #tpu.memory_space<hbm>>
    %dma_start3A_1156 = arith.constant 0 : i32
    %dma_start3A_1157 = tpu.memref_slice %arg7[%add3A_1151, %dma_start3A_1156] : memref<4096x128xf32, #tpu.memory_space<vmem_shared>> -> memref<512x128xf32, #tpu.memory_space<vmem_shared>>
    tpu.enqueue_dma source(%dma_start3A_1157 : memref<512x128xf32, #tpu.memory_space<vmem_shared>>) target(%dma_start3A_1155 : memref<512x128xf32, #tpu.memory_space<hbm>>) target_semaphore(%arg8 : memref<!tpu.dma_semaphore, #tpu.memory_space<semaphore_mem>>)
    %add3A_1158 = arith.constant 15 : i32
    %add3A_1159 = arith.addi %mul3A_587, %add3A_1158 : i32
    %sub3A_1160 = arith.constant 2047 : i32
    %sub3A_1161 = arith.subi %sub3A_1160, %add3A_1159 : i32
    %sub3A_1162 = arith.constant 0 : i32
    %sub3A_1163 = arith.subi %sub3A_1161, %sub3A_1162 : i32
    %jit3A_1164 = arith.constant 4 : i32
    %div3A_1165 = arith.divsi %sub3A_1163, %jit3A_1164 : i32
    %sign3A_1166 = arith.constant 0 : i32
    %sign3A_1167 = arith.cmpi sgt, %sub3A_1163, %sign3A_1166 : i32
    %sign3A_1168 = arith.extui %sign3A_1167 : i1 to i32
    %sign3A_1169 = arith.constant 0 : i32
    %sign3A_1170 = arith.cmpi slt, %sub3A_1163, %sign3A_1169 : i32
    %sign3A_1171 = arith.extui %sign3A_1170 : i1 to i32
    %sign3A_1172 = arith.subi %sign3A_1168, %sign3A_1171 : i32
    %sign3A_1173 = arith.constant 0 : i32
    %sign3A_1174 = arith.cmpi sgt, %jit3A_1164, %sign3A_1173 : i32
    %sign3A_1175 = arith.extui %sign3A_1174 : i1 to i32
    %sign3A_1176 = arith.constant 0 : i32
    %sign3A_1177 = arith.cmpi slt, %jit3A_1164, %sign3A_1176 : i32
    %sign3A_1178 = arith.extui %sign3A_1177 : i1 to i32
    %sign3A_1179 = arith.subi %sign3A_1175, %sign3A_1178 : i32
    %ne3A_1180 = arith.cmpi ne, %sign3A_1172, %sign3A_1179 : i32
    %rem3A_1181 = arith.remsi %sub3A_1163, %jit3A_1164 : i32
    %ne3A_1182 = arith.constant 0 : i32
    %ne3A_1183 = arith.cmpi ne, %rem3A_1181, %ne3A_1182 : i32
    %and3A_1184 = arith.andi %ne3A_1180, %ne3A_1183 : i1
    %sub3A_1185 = arith.constant 1 : i32
    %sub3A_1186 = arith.subi %div3A_1165, %sub3A_1185 : i32
    %select_n3A_1187 = arith.select %and3A_1184, %sub3A_1186, %div3A_1165 : i32
    %add3A_1188 = arith.constant 0 : i32
    %add3A_1189 = arith.addi %add3A_1188, %select_n3A_1187 : i32
    %dma_start3A_1190 = arith.constant 0 : i32
    %dma_start3A_1191 = arith.constant 0 : i32
    %dma_start3A_1192 = tpu.memref_slice %arg3[%add3A_1159, %dma_start3A_1190, %dma_start3A_1191] : memref<2048x512x128xf32, #tpu.memory_space<hbm>> -> memref<1x512x128xf32, #tpu.memory_space<hbm>>
    %dma_start3A_1193 = tpu.memref_squeeze %dma_start3A_1192 : memref<1x512x128xf32, #tpu.memory_space<hbm>> -> memref<512x128xf32, #tpu.memory_space<hbm>>
    %dma_start3A_1194 = arith.constant 0 : i32
    %dma_start3A_1195 = tpu.memref_slice %arg7[%add3A_1189, %dma_start3A_1194] : memref<4096x128xf32, #tpu.memory_space<vmem_shared>> -> memref<512x128xf32, #tpu.memory_space<vmem_shared>>
    tpu.enqueue_dma source(%dma_start3A_1195 : memref<512x128xf32, #tpu.memory_space<vmem_shared>>) target(%dma_start3A_1193 : memref<512x128xf32, #tpu.memory_space<hbm>>) target_semaphore(%arg8 : memref<!tpu.dma_semaphore, #tpu.memory_space<semaphore_mem>>)
    %add3A_1196 = arith.constant 16 : i32
    %add3A_1197 = arith.addi %mul3A_587, %add3A_1196 : i32
    %sub3A_1198 = arith.constant 2047 : i32
    %sub3A_1199 = arith.subi %sub3A_1198, %add3A_1197 : i32
    %sub3A_1200 = arith.constant 3 : i32
    %sub3A_1201 = arith.subi %sub3A_1199, %sub3A_1200 : i32
    %jit3A_1202 = arith.constant 4 : i32
    %div3A_1203 = arith.divsi %sub3A_1201, %jit3A_1202 : i32
    %sign3A_1204 = arith.constant 0 : i32
    %sign3A_1205 = arith.cmpi sgt, %sub3A_1201, %sign3A_1204 : i32
    %sign3A_1206 = arith.extui %sign3A_1205 : i1 to i32
    %sign3A_1207 = arith.constant 0 : i32
    %sign3A_1208 = arith.cmpi slt, %sub3A_1201, %sign3A_1207 : i32
    %sign3A_1209 = arith.extui %sign3A_1208 : i1 to i32
    %sign3A_1210 = arith.subi %sign3A_1206, %sign3A_1209 : i32
    %sign3A_1211 = arith.constant 0 : i32
    %sign3A_1212 = arith.cmpi sgt, %jit3A_1202, %sign3A_1211 : i32
    %sign3A_1213 = arith.extui %sign3A_1212 : i1 to i32
    %sign3A_1214 = arith.constant 0 : i32
    %sign3A_1215 = arith.cmpi slt, %jit3A_1202, %sign3A_1214 : i32
    %sign3A_1216 = arith.extui %sign3A_1215 : i1 to i32
    %sign3A_1217 = arith.subi %sign3A_1213, %sign3A_1216 : i32
    %ne3A_1218 = arith.cmpi ne, %sign3A_1210, %sign3A_1217 : i32
    %rem3A_1219 = arith.remsi %sub3A_1201, %jit3A_1202 : i32
    %ne3A_1220 = arith.constant 0 : i32
    %ne3A_1221 = arith.cmpi ne, %rem3A_1219, %ne3A_1220 : i32
    %and3A_1222 = arith.andi %ne3A_1218, %ne3A_1221 : i1
    %sub3A_1223 = arith.constant 1 : i32
    %sub3A_1224 = arith.subi %div3A_1203, %sub3A_1223 : i32
    %select_n3A_1225 = arith.select %and3A_1222, %sub3A_1224, %div3A_1203 : i32
    %add3A_1226 = arith.constant 3072 : i32
    %add3A_1227 = arith.addi %add3A_1226, %select_n3A_1225 : i32
    %dma_start3A_1228 = arith.constant 0 : i32
    %dma_start3A_1229 = arith.constant 0 : i32
    %dma_start3A_1230 = tpu.memref_slice %arg3[%add3A_1197, %dma_start3A_1228, %dma_start3A_1229] : memref<2048x512x128xf32, #tpu.memory_space<hbm>> -> memref<1x512x128xf32, #tpu.memory_space<hbm>>
    %dma_start3A_1231 = tpu.memref_squeeze %dma_start3A_1230 : memref<1x512x128xf32, #tpu.memory_space<hbm>> -> memref<512x128xf32, #tpu.memory_space<hbm>>
    %dma_start3A_1232 = arith.constant 0 : i32
    %dma_start3A_1233 = tpu.memref_slice %arg7[%add3A_1227, %dma_start3A_1232] : memref<4096x128xf32, #tpu.memory_space<vmem_shared>> -> memref<512x128xf32, #tpu.memory_space<vmem_shared>>
    tpu.enqueue_dma source(%dma_start3A_1233 : memref<512x128xf32, #tpu.memory_space<vmem_shared>>) target(%dma_start3A_1231 : memref<512x128xf32, #tpu.memory_space<hbm>>) target_semaphore(%arg8 : memref<!tpu.dma_semaphore, #tpu.memory_space<semaphore_mem>>)
    %add3A_1234 = arith.constant 17 : i32
    %add3A_1235 = arith.addi %mul3A_587, %add3A_1234 : i32
    %sub3A_1236 = arith.constant 2047 : i32
    %sub3A_1237 = arith.subi %sub3A_1236, %add3A_1235 : i32
    %sub3A_1238 = arith.constant 2 : i32
    %sub3A_1239 = arith.subi %sub3A_1237, %sub3A_1238 : i32
    %jit3A_1240 = arith.constant 4 : i32
    %div3A_1241 = arith.divsi %sub3A_1239, %jit3A_1240 : i32
    %sign3A_1242 = arith.constant 0 : i32
    %sign3A_1243 = arith.cmpi sgt, %sub3A_1239, %sign3A_1242 : i32
    %sign3A_1244 = arith.extui %sign3A_1243 : i1 to i32
    %sign3A_1245 = arith.constant 0 : i32
    %sign3A_1246 = arith.cmpi slt, %sub3A_1239, %sign3A_1245 : i32
    %sign3A_1247 = arith.extui %sign3A_1246 : i1 to i32
    %sign3A_1248 = arith.subi %sign3A_1244, %sign3A_1247 : i32
    %sign3A_1249 = arith.constant 0 : i32
    %sign3A_1250 = arith.cmpi sgt, %jit3A_1240, %sign3A_1249 : i32
    %sign3A_1251 = arith.extui %sign3A_1250 : i1 to i32
    %sign3A_1252 = arith.constant 0 : i32
    %sign3A_1253 = arith.cmpi slt, %jit3A_1240, %sign3A_1252 : i32
    %sign3A_1254 = arith.extui %sign3A_1253 : i1 to i32
    %sign3A_1255 = arith.subi %sign3A_1251, %sign3A_1254 : i32
    %ne3A_1256 = arith.cmpi ne, %sign3A_1248, %sign3A_1255 : i32
    %rem3A_1257 = arith.remsi %sub3A_1239, %jit3A_1240 : i32
    %ne3A_1258 = arith.constant 0 : i32
    %ne3A_1259 = arith.cmpi ne, %rem3A_1257, %ne3A_1258 : i32
    %and3A_1260 = arith.andi %ne3A_1256, %ne3A_1259 : i1
    %sub3A_1261 = arith.constant 1 : i32
    %sub3A_1262 = arith.subi %div3A_1241, %sub3A_1261 : i32
    %select_n3A_1263 = arith.select %and3A_1260, %sub3A_1262, %div3A_1241 : i32
    %add3A_1264 = arith.constant 2048 : i32
    %add3A_1265 = arith.addi %add3A_1264, %select_n3A_1263 : i32
    %dma_start3A_1266 = arith.constant 0 : i32
    %dma_start3A_1267 = arith.constant 0 : i32
    %dma_start3A_1268 = tpu.memref_slice %arg3[%add3A_1235, %dma_start3A_1266, %dma_start3A_1267] : memref<2048x512x128xf32, #tpu.memory_space<hbm>> -> memref<1x512x128xf32, #tpu.memory_space<hbm>>
    %dma_start3A_1269 = tpu.memref_squeeze %dma_start3A_1268 : memref<1x512x128xf32, #tpu.memory_space<hbm>> -> memref<512x128xf32, #tpu.memory_space<hbm>>
    %dma_start3A_1270 = arith.constant 0 : i32
    %dma_start3A_1271 = tpu.memref_slice %arg7[%add3A_1265, %dma_start3A_1270] : memref<4096x128xf32, #tpu.memory_space<vmem_shared>> -> memref<512x128xf32, #tpu.memory_space<vmem_shared>>
    tpu.enqueue_dma source(%dma_start3A_1271 : memref<512x128xf32, #tpu.memory_space<vmem_shared>>) target(%dma_start3A_1269 : memref<512x128xf32, #tpu.memory_space<hbm>>) target_semaphore(%arg8 : memref<!tpu.dma_semaphore, #tpu.memory_space<semaphore_mem>>)
    %add3A_1272 = arith.constant 18 : i32
    %add3A_1273 = arith.addi %mul3A_587, %add3A_1272 : i32
    %sub3A_1274 = arith.constant 2047 : i32
    %sub3A_1275 = arith.subi %sub3A_1274, %add3A_1273 : i32
    %sub3A_1276 = arith.constant 1 : i32
    %sub3A_1277 = arith.subi %sub3A_1275, %sub3A_1276 : i32
    %jit3A_1278 = arith.constant 4 : i32
    %div3A_1279 = arith.divsi %sub3A_1277, %jit3A_1278 : i32
    %sign3A_1280 = arith.constant 0 : i32
    %sign3A_1281 = arith.cmpi sgt, %sub3A_1277, %sign3A_1280 : i32
    %sign3A_1282 = arith.extui %sign3A_1281 : i1 to i32
    %sign3A_1283 = arith.constant 0 : i32
    %sign3A_1284 = arith.cmpi slt, %sub3A_1277, %sign3A_1283 : i32
    %sign3A_1285 = arith.extui %sign3A_1284 : i1 to i32
    %sign3A_1286 = arith.subi %sign3A_1282, %sign3A_1285 : i32
    %sign3A_1287 = arith.constant 0 : i32
    %sign3A_1288 = arith.cmpi sgt, %jit3A_1278, %sign3A_1287 : i32
    %sign3A_1289 = arith.extui %sign3A_1288 : i1 to i32
    %sign3A_1290 = arith.constant 0 : i32
    %sign3A_1291 = arith.cmpi slt, %jit3A_1278, %sign3A_1290 : i32
    %sign3A_1292 = arith.extui %sign3A_1291 : i1 to i32
    %sign3A_1293 = arith.subi %sign3A_1289, %sign3A_1292 : i32
    %ne3A_1294 = arith.cmpi ne, %sign3A_1286, %sign3A_1293 : i32
    %rem3A_1295 = arith.remsi %sub3A_1277, %jit3A_1278 : i32
    %ne3A_1296 = arith.constant 0 : i32
    %ne3A_1297 = arith.cmpi ne, %rem3A_1295, %ne3A_1296 : i32
    %and3A_1298 = arith.andi %ne3A_1294, %ne3A_1297 : i1
    %sub3A_1299 = arith.constant 1 : i32
    %sub3A_1300 = arith.subi %div3A_1279, %sub3A_1299 : i32
    %select_n3A_1301 = arith.select %and3A_1298, %sub3A_1300, %div3A_1279 : i32
    %add3A_1302 = arith.constant 1024 : i32
    %add3A_1303 = arith.addi %add3A_1302, %select_n3A_1301 : i32
    %dma_start3A_1304 = arith.constant 0 : i32
    %dma_start3A_1305 = arith.constant 0 : i32
    %dma_start3A_1306 = tpu.memref_slice %arg3[%add3A_1273, %dma_start3A_1304, %dma_start3A_1305] : memref<2048x512x128xf32, #tpu.memory_space<hbm>> -> memref<1x512x128xf32, #tpu.memory_space<hbm>>
    %dma_start3A_1307 = tpu.memref_squeeze %dma_start3A_1306 : memref<1x512x128xf32, #tpu.memory_space<hbm>> -> memref<512x128xf32, #tpu.memory_space<hbm>>
    %dma_start3A_1308 = arith.constant 0 : i32
    %dma_start3A_1309 = tpu.memref_slice %arg7[%add3A_1303, %dma_start3A_1308] : memref<4096x128xf32, #tpu.memory_space<vmem_shared>> -> memref<512x128xf32, #tpu.memory_space<vmem_shared>>
    tpu.enqueue_dma source(%dma_start3A_1309 : memref<512x128xf32, #tpu.memory_space<vmem_shared>>) target(%dma_start3A_1307 : memref<512x128xf32, #tpu.memory_space<hbm>>) target_semaphore(%arg8 : memref<!tpu.dma_semaphore, #tpu.memory_space<semaphore_mem>>)
    %add3A_1310 = arith.constant 19 : i32
    %add3A_1311 = arith.addi %mul3A_587, %add3A_1310 : i32
    %sub3A_1312 = arith.constant 2047 : i32
    %sub3A_1313 = arith.subi %sub3A_1312, %add3A_1311 : i32
    %sub3A_1314 = arith.constant 0 : i32
    %sub3A_1315 = arith.subi %sub3A_1313, %sub3A_1314 : i32
    %jit3A_1316 = arith.constant 4 : i32
    %div3A_1317 = arith.divsi %sub3A_1315, %jit3A_1316 : i32
    %sign3A_1318 = arith.constant 0 : i32
    %sign3A_1319 = arith.cmpi sgt, %sub3A_1315, %sign3A_1318 : i32
    %sign3A_1320 = arith.extui %sign3A_1319 : i1 to i32
    %sign3A_1321 = arith.constant 0 : i32
    %sign3A_1322 = arith.cmpi slt, %sub3A_1315, %sign3A_1321 : i32
    %sign3A_1323 = arith.extui %sign3A_1322 : i1 to i32
    %sign3A_1324 = arith.subi %sign3A_1320, %sign3A_1323 : i32
    %sign3A_1325 = arith.constant 0 : i32
    %sign3A_1326 = arith.cmpi sgt, %jit3A_1316, %sign3A_1325 : i32
    %sign3A_1327 = arith.extui %sign3A_1326 : i1 to i32
    %sign3A_1328 = arith.constant 0 : i32
    %sign3A_1329 = arith.cmpi slt, %jit3A_1316, %sign3A_1328 : i32
    %sign3A_1330 = arith.extui %sign3A_1329 : i1 to i32
    %sign3A_1331 = arith.subi %sign3A_1327, %sign3A_1330 : i32
    %ne3A_1332 = arith.cmpi ne, %sign3A_1324, %sign3A_1331 : i32
    %rem3A_1333 = arith.remsi %sub3A_1315, %jit3A_1316 : i32
    %ne3A_1334 = arith.constant 0 : i32
    %ne3A_1335 = arith.cmpi ne, %rem3A_1333, %ne3A_1334 : i32
    %and3A_1336 = arith.andi %ne3A_1332, %ne3A_1335 : i1
    %sub3A_1337 = arith.constant 1 : i32
    %sub3A_1338 = arith.subi %div3A_1317, %sub3A_1337 : i32
    %select_n3A_1339 = arith.select %and3A_1336, %sub3A_1338, %div3A_1317 : i32
    %add3A_1340 = arith.constant 0 : i32
    %add3A_1341 = arith.addi %add3A_1340, %select_n3A_1339 : i32
    %dma_start3A_1342 = arith.constant 0 : i32
    %dma_start3A_1343 = arith.constant 0 : i32
    %dma_start3A_1344 = tpu.memref_slice %arg3[%add3A_1311, %dma_start3A_1342, %dma_start3A_1343] : memref<2048x512x128xf32, #tpu.memory_space<hbm>> -> memref<1x512x128xf32, #tpu.memory_space<hbm>>
    %dma_start3A_1345 = tpu.memref_squeeze %dma_start3A_1344 : memref<1x512x128xf32, #tpu.memory_space<hbm>> -> memref<512x128xf32, #tpu.memory_space<hbm>>
    %dma_start3A_1346 = arith.constant 0 : i32
    %dma_start3A_1347 = tpu.memref_slice %arg7[%add3A_1341, %dma_start3A_1346] : memref<4096x128xf32, #tpu.memory_space<vmem_shared>> -> memref<512x128xf32, #tpu.memory_space<vmem_shared>>
    tpu.enqueue_dma source(%dma_start3A_1347 : memref<512x128xf32, #tpu.memory_space<vmem_shared>>) target(%dma_start3A_1345 : memref<512x128xf32, #tpu.memory_space<hbm>>) target_semaphore(%arg8 : memref<!tpu.dma_semaphore, #tpu.memory_space<semaphore_mem>>)
    %add3A_1348 = arith.constant 20 : i32
    %add3A_1349 = arith.addi %mul3A_587, %add3A_1348 : i32
    %sub3A_1350 = arith.constant 2047 : i32
    %sub3A_1351 = arith.subi %sub3A_1350, %add3A_1349 : i32
    %sub3A_1352 = arith.constant 3 : i32
    %sub3A_1353 = arith.subi %sub3A_1351, %sub3A_1352 : i32
    %jit3A_1354 = arith.constant 4 : i32
    %div3A_1355 = arith.divsi %sub3A_1353, %jit3A_1354 : i32
    %sign3A_1356 = arith.constant 0 : i32
    %sign3A_1357 = arith.cmpi sgt, %sub3A_1353, %sign3A_1356 : i32
    %sign3A_1358 = arith.extui %sign3A_1357 : i1 to i32
    %sign3A_1359 = arith.constant 0 : i32
    %sign3A_1360 = arith.cmpi slt, %sub3A_1353, %sign3A_1359 : i32
    %sign3A_1361 = arith.extui %sign3A_1360 : i1 to i32
    %sign3A_1362 = arith.subi %sign3A_1358, %sign3A_1361 : i32
    %sign3A_1363 = arith.constant 0 : i32
    %sign3A_1364 = arith.cmpi sgt, %jit3A_1354, %sign3A_1363 : i32
    %sign3A_1365 = arith.extui %sign3A_1364 : i1 to i32
    %sign3A_1366 = arith.constant 0 : i32
    %sign3A_1367 = arith.cmpi slt, %jit3A_1354, %sign3A_1366 : i32
    %sign3A_1368 = arith.extui %sign3A_1367 : i1 to i32
    %sign3A_1369 = arith.subi %sign3A_1365, %sign3A_1368 : i32
    %ne3A_1370 = arith.cmpi ne, %sign3A_1362, %sign3A_1369 : i32
    %rem3A_1371 = arith.remsi %sub3A_1353, %jit3A_1354 : i32
    %ne3A_1372 = arith.constant 0 : i32
    %ne3A_1373 = arith.cmpi ne, %rem3A_1371, %ne3A_1372 : i32
    %and3A_1374 = arith.andi %ne3A_1370, %ne3A_1373 : i1
    %sub3A_1375 = arith.constant 1 : i32
    %sub3A_1376 = arith.subi %div3A_1355, %sub3A_1375 : i32
    %select_n3A_1377 = arith.select %and3A_1374, %sub3A_1376, %div3A_1355 : i32
    %add3A_1378 = arith.constant 3072 : i32
    %add3A_1379 = arith.addi %add3A_1378, %select_n3A_1377 : i32
    %dma_start3A_1380 = arith.constant 0 : i32
    %dma_start3A_1381 = arith.constant 0 : i32
    %dma_start3A_1382 = tpu.memref_slice %arg3[%add3A_1349, %dma_start3A_1380, %dma_start3A_1381] : memref<2048x512x128xf32, #tpu.memory_space<hbm>> -> memref<1x512x128xf32, #tpu.memory_space<hbm>>
    %dma_start3A_1383 = tpu.memref_squeeze %dma_start3A_1382 : memref<1x512x128xf32, #tpu.memory_space<hbm>> -> memref<512x128xf32, #tpu.memory_space<hbm>>
    %dma_start3A_1384 = arith.constant 0 : i32
    %dma_start3A_1385 = tpu.memref_slice %arg7[%add3A_1379, %dma_start3A_1384] : memref<4096x128xf32, #tpu.memory_space<vmem_shared>> -> memref<512x128xf32, #tpu.memory_space<vmem_shared>>
    tpu.enqueue_dma source(%dma_start3A_1385 : memref<512x128xf32, #tpu.memory_space<vmem_shared>>) target(%dma_start3A_1383 : memref<512x128xf32, #tpu.memory_space<hbm>>) target_semaphore(%arg8 : memref<!tpu.dma_semaphore, #tpu.memory_space<semaphore_mem>>)
    %add3A_1386 = arith.constant 21 : i32
    %add3A_1387 = arith.addi %mul3A_587, %add3A_1386 : i32
    %sub3A_1388 = arith.constant 2047 : i32
    %sub3A_1389 = arith.subi %sub3A_1388, %add3A_1387 : i32
    %sub3A_1390 = arith.constant 2 : i32
    %sub3A_1391 = arith.subi %sub3A_1389, %sub3A_1390 : i32
    %jit3A_1392 = arith.constant 4 : i32
    %div3A_1393 = arith.divsi %sub3A_1391, %jit3A_1392 : i32
    %sign3A_1394 = arith.constant 0 : i32
    %sign3A_1395 = arith.cmpi sgt, %sub3A_1391, %sign3A_1394 : i32
    %sign3A_1396 = arith.extui %sign3A_1395 : i1 to i32
    %sign3A_1397 = arith.constant 0 : i32
    %sign3A_1398 = arith.cmpi slt, %sub3A_1391, %sign3A_1397 : i32
    %sign3A_1399 = arith.extui %sign3A_1398 : i1 to i32
    %sign3A_1400 = arith.subi %sign3A_1396, %sign3A_1399 : i32
    %sign3A_1401 = arith.constant 0 : i32
    %sign3A_1402 = arith.cmpi sgt, %jit3A_1392, %sign3A_1401 : i32
    %sign3A_1403 = arith.extui %sign3A_1402 : i1 to i32
    %sign3A_1404 = arith.constant 0 : i32
    %sign3A_1405 = arith.cmpi slt, %jit3A_1392, %sign3A_1404 : i32
    %sign3A_1406 = arith.extui %sign3A_1405 : i1 to i32
    %sign3A_1407 = arith.subi %sign3A_1403, %sign3A_1406 : i32
    %ne3A_1408 = arith.cmpi ne, %sign3A_1400, %sign3A_1407 : i32
    %rem3A_1409 = arith.remsi %sub3A_1391, %jit3A_1392 : i32
    %ne3A_1410 = arith.constant 0 : i32
    %ne3A_1411 = arith.cmpi ne, %rem3A_1409, %ne3A_1410 : i32
    %and3A_1412 = arith.andi %ne3A_1408, %ne3A_1411 : i1
    %sub3A_1413 = arith.constant 1 : i32
    %sub3A_1414 = arith.subi %div3A_1393, %sub3A_1413 : i32
    %select_n3A_1415 = arith.select %and3A_1412, %sub3A_1414, %div3A_1393 : i32
    %add3A_1416 = arith.constant 2048 : i32
    %add3A_1417 = arith.addi %add3A_1416, %select_n3A_1415 : i32
    %dma_start3A_1418 = arith.constant 0 : i32
    %dma_start3A_1419 = arith.constant 0 : i32
    %dma_start3A_1420 = tpu.memref_slice %arg3[%add3A_1387, %dma_start3A_1418, %dma_start3A_1419] : memref<2048x512x128xf32, #tpu.memory_space<hbm>> -> memref<1x512x128xf32, #tpu.memory_space<hbm>>
    %dma_start3A_1421 = tpu.memref_squeeze %dma_start3A_1420 : memref<1x512x128xf32, #tpu.memory_space<hbm>> -> memref<512x128xf32, #tpu.memory_space<hbm>>
    %dma_start3A_1422 = arith.constant 0 : i32
    %dma_start3A_1423 = tpu.memref_slice %arg7[%add3A_1417, %dma_start3A_1422] : memref<4096x128xf32, #tpu.memory_space<vmem_shared>> -> memref<512x128xf32, #tpu.memory_space<vmem_shared>>
    tpu.enqueue_dma source(%dma_start3A_1423 : memref<512x128xf32, #tpu.memory_space<vmem_shared>>) target(%dma_start3A_1421 : memref<512x128xf32, #tpu.memory_space<hbm>>) target_semaphore(%arg8 : memref<!tpu.dma_semaphore, #tpu.memory_space<semaphore_mem>>)
    %add3A_1424 = arith.constant 22 : i32
    %add3A_1425 = arith.addi %mul3A_587, %add3A_1424 : i32
    %sub3A_1426 = arith.constant 2047 : i32
    %sub3A_1427 = arith.subi %sub3A_1426, %add3A_1425 : i32
    %sub3A_1428 = arith.constant 1 : i32
    %sub3A_1429 = arith.subi %sub3A_1427, %sub3A_1428 : i32
    %jit3A_1430 = arith.constant 4 : i32
    %div3A_1431 = arith.divsi %sub3A_1429, %jit3A_1430 : i32
    %sign3A_1432 = arith.constant 0 : i32
    %sign3A_1433 = arith.cmpi sgt, %sub3A_1429, %sign3A_1432 : i32
    %sign3A_1434 = arith.extui %sign3A_1433 : i1 to i32
    %sign3A_1435 = arith.constant 0 : i32
    %sign3A_1436 = arith.cmpi slt, %sub3A_1429, %sign3A_1435 : i32
    %sign3A_1437 = arith.extui %sign3A_1436 : i1 to i32
    %sign3A_1438 = arith.subi %sign3A_1434, %sign3A_1437 : i32
    %sign3A_1439 = arith.constant 0 : i32
    %sign3A_1440 = arith.cmpi sgt, %jit3A_1430, %sign3A_1439 : i32
    %sign3A_1441 = arith.extui %sign3A_1440 : i1 to i32
    %sign3A_1442 = arith.constant 0 : i32
    %sign3A_1443 = arith.cmpi slt, %jit3A_1430, %sign3A_1442 : i32
    %sign3A_1444 = arith.extui %sign3A_1443 : i1 to i32
    %sign3A_1445 = arith.subi %sign3A_1441, %sign3A_1444 : i32
    %ne3A_1446 = arith.cmpi ne, %sign3A_1438, %sign3A_1445 : i32
    %rem3A_1447 = arith.remsi %sub3A_1429, %jit3A_1430 : i32
    %ne3A_1448 = arith.constant 0 : i32
    %ne3A_1449 = arith.cmpi ne, %rem3A_1447, %ne3A_1448 : i32
    %and3A_1450 = arith.andi %ne3A_1446, %ne3A_1449 : i1
    %sub3A_1451 = arith.constant 1 : i32
    %sub3A_1452 = arith.subi %div3A_1431, %sub3A_1451 : i32
    %select_n3A_1453 = arith.select %and3A_1450, %sub3A_1452, %div3A_1431 : i32
    %add3A_1454 = arith.constant 1024 : i32
    %add3A_1455 = arith.addi %add3A_1454, %select_n3A_1453 : i32
    %dma_start3A_1456 = arith.constant 0 : i32
    %dma_start3A_1457 = arith.constant 0 : i32
    %dma_start3A_1458 = tpu.memref_slice %arg3[%add3A_1425, %dma_start3A_1456, %dma_start3A_1457] : memref<2048x512x128xf32, #tpu.memory_space<hbm>> -> memref<1x512x128xf32, #tpu.memory_space<hbm>>
    %dma_start3A_1459 = tpu.memref_squeeze %dma_start3A_1458 : memref<1x512x128xf32, #tpu.memory_space<hbm>> -> memref<512x128xf32, #tpu.memory_space<hbm>>
    %dma_start3A_1460 = arith.constant 0 : i32
    %dma_start3A_1461 = tpu.memref_slice %arg7[%add3A_1455, %dma_start3A_1460] : memref<4096x128xf32, #tpu.memory_space<vmem_shared>> -> memref<512x128xf32, #tpu.memory_space<vmem_shared>>
    tpu.enqueue_dma source(%dma_start3A_1461 : memref<512x128xf32, #tpu.memory_space<vmem_shared>>) target(%dma_start3A_1459 : memref<512x128xf32, #tpu.memory_space<hbm>>) target_semaphore(%arg8 : memref<!tpu.dma_semaphore, #tpu.memory_space<semaphore_mem>>)
    %add3A_1462 = arith.constant 23 : i32
    %add3A_1463 = arith.addi %mul3A_587, %add3A_1462 : i32
    %sub3A_1464 = arith.constant 2047 : i32
    %sub3A_1465 = arith.subi %sub3A_1464, %add3A_1463 : i32
    %sub3A_1466 = arith.constant 0 : i32
    %sub3A_1467 = arith.subi %sub3A_1465, %sub3A_1466 : i32
    %jit3A_1468 = arith.constant 4 : i32
    %div3A_1469 = arith.divsi %sub3A_1467, %jit3A_1468 : i32
    %sign3A_1470 = arith.constant 0 : i32
    %sign3A_1471 = arith.cmpi sgt, %sub3A_1467, %sign3A_1470 : i32
    %sign3A_1472 = arith.extui %sign3A_1471 : i1 to i32
    %sign3A_1473 = arith.constant 0 : i32
    %sign3A_1474 = arith.cmpi slt, %sub3A_1467, %sign3A_1473 : i32
    %sign3A_1475 = arith.extui %sign3A_1474 : i1 to i32
    %sign3A_1476 = arith.subi %sign3A_1472, %sign3A_1475 : i32
    %sign3A_1477 = arith.constant 0 : i32
    %sign3A_1478 = arith.cmpi sgt, %jit3A_1468, %sign3A_1477 : i32
    %sign3A_1479 = arith.extui %sign3A_1478 : i1 to i32
    %sign3A_1480 = arith.constant 0 : i32
    %sign3A_1481 = arith.cmpi slt, %jit3A_1468, %sign3A_1480 : i32
    %sign3A_1482 = arith.extui %sign3A_1481 : i1 to i32
    %sign3A_1483 = arith.subi %sign3A_1479, %sign3A_1482 : i32
    %ne3A_1484 = arith.cmpi ne, %sign3A_1476, %sign3A_1483 : i32
    %rem3A_1485 = arith.remsi %sub3A_1467, %jit3A_1468 : i32
    %ne3A_1486 = arith.constant 0 : i32
    %ne3A_1487 = arith.cmpi ne, %rem3A_1485, %ne3A_1486 : i32
    %and3A_1488 = arith.andi %ne3A_1484, %ne3A_1487 : i1
    %sub3A_1489 = arith.constant 1 : i32
    %sub3A_1490 = arith.subi %div3A_1469, %sub3A_1489 : i32
    %select_n3A_1491 = arith.select %and3A_1488, %sub3A_1490, %div3A_1469 : i32
    %add3A_1492 = arith.constant 0 : i32
    %add3A_1493 = arith.addi %add3A_1492, %select_n3A_1491 : i32
    %dma_start3A_1494 = arith.constant 0 : i32
    %dma_start3A_1495 = arith.constant 0 : i32
    %dma_start3A_1496 = tpu.memref_slice %arg3[%add3A_1463, %dma_start3A_1494, %dma_start3A_1495] : memref<2048x512x128xf32, #tpu.memory_space<hbm>> -> memref<1x512x128xf32, #tpu.memory_space<hbm>>
    %dma_start3A_1497 = tpu.memref_squeeze %dma_start3A_1496 : memref<1x512x128xf32, #tpu.memory_space<hbm>> -> memref<512x128xf32, #tpu.memory_space<hbm>>
    %dma_start3A_1498 = arith.constant 0 : i32
    %dma_start3A_1499 = tpu.memref_slice %arg7[%add3A_1493, %dma_start3A_1498] : memref<4096x128xf32, #tpu.memory_space<vmem_shared>> -> memref<512x128xf32, #tpu.memory_space<vmem_shared>>
    tpu.enqueue_dma source(%dma_start3A_1499 : memref<512x128xf32, #tpu.memory_space<vmem_shared>>) target(%dma_start3A_1497 : memref<512x128xf32, #tpu.memory_space<hbm>>) target_semaphore(%arg8 : memref<!tpu.dma_semaphore, #tpu.memory_space<semaphore_mem>>)
    %add3A_1500 = arith.constant 24 : i32
    %add3A_1501 = arith.addi %mul3A_587, %add3A_1500 : i32
    %sub3A_1502 = arith.constant 2047 : i32
    %sub3A_1503 = arith.subi %sub3A_1502, %add3A_1501 : i32
    %sub3A_1504 = arith.constant 3 : i32
    %sub3A_1505 = arith.subi %sub3A_1503, %sub3A_1504 : i32
    %jit3A_1506 = arith.constant 4 : i32
    %div3A_1507 = arith.divsi %sub3A_1505, %jit3A_1506 : i32
    %sign3A_1508 = arith.constant 0 : i32
    %sign3A_1509 = arith.cmpi sgt, %sub3A_1505, %sign3A_1508 : i32
    %sign3A_1510 = arith.extui %sign3A_1509 : i1 to i32
    %sign3A_1511 = arith.constant 0 : i32
    %sign3A_1512 = arith.cmpi slt, %sub3A_1505, %sign3A_1511 : i32
    %sign3A_1513 = arith.extui %sign3A_1512 : i1 to i32
    %sign3A_1514 = arith.subi %sign3A_1510, %sign3A_1513 : i32
    %sign3A_1515 = arith.constant 0 : i32
    %sign3A_1516 = arith.cmpi sgt, %jit3A_1506, %sign3A_1515 : i32
    %sign3A_1517 = arith.extui %sign3A_1516 : i1 to i32
    %sign3A_1518 = arith.constant 0 : i32
    %sign3A_1519 = arith.cmpi slt, %jit3A_1506, %sign3A_1518 : i32
    %sign3A_1520 = arith.extui %sign3A_1519 : i1 to i32
    %sign3A_1521 = arith.subi %sign3A_1517, %sign3A_1520 : i32
    %ne3A_1522 = arith.cmpi ne, %sign3A_1514, %sign3A_1521 : i32
    %rem3A_1523 = arith.remsi %sub3A_1505, %jit3A_1506 : i32
    %ne3A_1524 = arith.constant 0 : i32
    %ne3A_1525 = arith.cmpi ne, %rem3A_1523, %ne3A_1524 : i32
    %and3A_1526 = arith.andi %ne3A_1522, %ne3A_1525 : i1
    %sub3A_1527 = arith.constant 1 : i32
    %sub3A_1528 = arith.subi %div3A_1507, %sub3A_1527 : i32
    %select_n3A_1529 = arith.select %and3A_1526, %sub3A_1528, %div3A_1507 : i32
    %add3A_1530 = arith.constant 3072 : i32
    %add3A_1531 = arith.addi %add3A_1530, %select_n3A_1529 : i32
    %dma_start3A_1532 = arith.constant 0 : i32
    %dma_start3A_1533 = arith.constant 0 : i32
    %dma_start3A_1534 = tpu.memref_slice %arg3[%add3A_1501, %dma_start3A_1532, %dma_start3A_1533] : memref<2048x512x128xf32, #tpu.memory_space<hbm>> -> memref<1x512x128xf32, #tpu.memory_space<hbm>>
    %dma_start3A_1535 = tpu.memref_squeeze %dma_start3A_1534 : memref<1x512x128xf32, #tpu.memory_space<hbm>> -> memref<512x128xf32, #tpu.memory_space<hbm>>
    %dma_start3A_1536 = arith.constant 0 : i32
    %dma_start3A_1537 = tpu.memref_slice %arg7[%add3A_1531, %dma_start3A_1536] : memref<4096x128xf32, #tpu.memory_space<vmem_shared>> -> memref<512x128xf32, #tpu.memory_space<vmem_shared>>
    tpu.enqueue_dma source(%dma_start3A_1537 : memref<512x128xf32, #tpu.memory_space<vmem_shared>>) target(%dma_start3A_1535 : memref<512x128xf32, #tpu.memory_space<hbm>>) target_semaphore(%arg8 : memref<!tpu.dma_semaphore, #tpu.memory_space<semaphore_mem>>)
    %add3A_1538 = arith.constant 25 : i32
    %add3A_1539 = arith.addi %mul3A_587, %add3A_1538 : i32
    %sub3A_1540 = arith.constant 2047 : i32
    %sub3A_1541 = arith.subi %sub3A_1540, %add3A_1539 : i32
    %sub3A_1542 = arith.constant 2 : i32
    %sub3A_1543 = arith.subi %sub3A_1541, %sub3A_1542 : i32
    %jit3A_1544 = arith.constant 4 : i32
    %div3A_1545 = arith.divsi %sub3A_1543, %jit3A_1544 : i32
    %sign3A_1546 = arith.constant 0 : i32
    %sign3A_1547 = arith.cmpi sgt, %sub3A_1543, %sign3A_1546 : i32
    %sign3A_1548 = arith.extui %sign3A_1547 : i1 to i32
    %sign3A_1549 = arith.constant 0 : i32
    %sign3A_1550 = arith.cmpi slt, %sub3A_1543, %sign3A_1549 : i32
    %sign3A_1551 = arith.extui %sign3A_1550 : i1 to i32
    %sign3A_1552 = arith.subi %sign3A_1548, %sign3A_1551 : i32
    %sign3A_1553 = arith.constant 0 : i32
    %sign3A_1554 = arith.cmpi sgt, %jit3A_1544, %sign3A_1553 : i32
    %sign3A_1555 = arith.extui %sign3A_1554 : i1 to i32
    %sign3A_1556 = arith.constant 0 : i32
    %sign3A_1557 = arith.cmpi slt, %jit3A_1544, %sign3A_1556 : i32
    %sign3A_1558 = arith.extui %sign3A_1557 : i1 to i32
    %sign3A_1559 = arith.subi %sign3A_1555, %sign3A_1558 : i32
    %ne3A_1560 = arith.cmpi ne, %sign3A_1552, %sign3A_1559 : i32
    %rem3A_1561 = arith.remsi %sub3A_1543, %jit3A_1544 : i32
    %ne3A_1562 = arith.constant 0 : i32
    %ne3A_1563 = arith.cmpi ne, %rem3A_1561, %ne3A_1562 : i32
    %and3A_1564 = arith.andi %ne3A_1560, %ne3A_1563 : i1
    %sub3A_1565 = arith.constant 1 : i32
    %sub3A_1566 = arith.subi %div3A_1545, %sub3A_1565 : i32
    %select_n3A_1567 = arith.select %and3A_1564, %sub3A_1566, %div3A_1545 : i32
    %add3A_1568 = arith.constant 2048 : i32
    %add3A_1569 = arith.addi %add3A_1568, %select_n3A_1567 : i32
    %dma_start3A_1570 = arith.constant 0 : i32
    %dma_start3A_1571 = arith.constant 0 : i32
    %dma_start3A_1572 = tpu.memref_slice %arg3[%add3A_1539, %dma_start3A_1570, %dma_start3A_1571] : memref<2048x512x128xf32, #tpu.memory_space<hbm>> -> memref<1x512x128xf32, #tpu.memory_space<hbm>>
    %dma_start3A_1573 = tpu.memref_squeeze %dma_start3A_1572 : memref<1x512x128xf32, #tpu.memory_space<hbm>> -> memref<512x128xf32, #tpu.memory_space<hbm>>
    %dma_start3A_1574 = arith.constant 0 : i32
    %dma_start3A_1575 = tpu.memref_slice %arg7[%add3A_1569, %dma_start3A_1574] : memref<4096x128xf32, #tpu.memory_space<vmem_shared>> -> memref<512x128xf32, #tpu.memory_space<vmem_shared>>
    tpu.enqueue_dma source(%dma_start3A_1575 : memref<512x128xf32, #tpu.memory_space<vmem_shared>>) target(%dma_start3A_1573 : memref<512x128xf32, #tpu.memory_space<hbm>>) target_semaphore(%arg8 : memref<!tpu.dma_semaphore, #tpu.memory_space<semaphore_mem>>)
    %add3A_1576 = arith.constant 26 : i32
    %add3A_1577 = arith.addi %mul3A_587, %add3A_1576 : i32
    %sub3A_1578 = arith.constant 2047 : i32
    %sub3A_1579 = arith.subi %sub3A_1578, %add3A_1577 : i32
    %sub3A_1580 = arith.constant 1 : i32
    %sub3A_1581 = arith.subi %sub3A_1579, %sub3A_1580 : i32
    %jit3A_1582 = arith.constant 4 : i32
    %div3A_1583 = arith.divsi %sub3A_1581, %jit3A_1582 : i32
    %sign3A_1584 = arith.constant 0 : i32
    %sign3A_1585 = arith.cmpi sgt, %sub3A_1581, %sign3A_1584 : i32
    %sign3A_1586 = arith.extui %sign3A_1585 : i1 to i32
    %sign3A_1587 = arith.constant 0 : i32
    %sign3A_1588 = arith.cmpi slt, %sub3A_1581, %sign3A_1587 : i32
    %sign3A_1589 = arith.extui %sign3A_1588 : i1 to i32
    %sign3A_1590 = arith.subi %sign3A_1586, %sign3A_1589 : i32
    %sign3A_1591 = arith.constant 0 : i32
    %sign3A_1592 = arith.cmpi sgt, %jit3A_1582, %sign3A_1591 : i32
    %sign3A_1593 = arith.extui %sign3A_1592 : i1 to i32
    %sign3A_1594 = arith.constant 0 : i32
    %sign3A_1595 = arith.cmpi slt, %jit3A_1582, %sign3A_1594 : i32
    %sign3A_1596 = arith.extui %sign3A_1595 : i1 to i32
    %sign3A_1597 = arith.subi %sign3A_1593, %sign3A_1596 : i32
    %ne3A_1598 = arith.cmpi ne, %sign3A_1590, %sign3A_1597 : i32
    %rem3A_1599 = arith.remsi %sub3A_1581, %jit3A_1582 : i32
    %ne3A_1600 = arith.constant 0 : i32
    %ne3A_1601 = arith.cmpi ne, %rem3A_1599, %ne3A_1600 : i32
    %and3A_1602 = arith.andi %ne3A_1598, %ne3A_1601 : i1
    %sub3A_1603 = arith.constant 1 : i32
    %sub3A_1604 = arith.subi %div3A_1583, %sub3A_1603 : i32
    %select_n3A_1605 = arith.select %and3A_1602, %sub3A_1604, %div3A_1583 : i32
    %add3A_1606 = arith.constant 1024 : i32
    %add3A_1607 = arith.addi %add3A_1606, %select_n3A_1605 : i32
    %dma_start3A_1608 = arith.constant 0 : i32
    %dma_start3A_1609 = arith.constant 0 : i32
    %dma_start3A_1610 = tpu.memref_slice %arg3[%add3A_1577, %dma_start3A_1608, %dma_start3A_1609] : memref<2048x512x128xf32, #tpu.memory_space<hbm>> -> memref<1x512x128xf32, #tpu.memory_space<hbm>>
    %dma_start3A_1611 = tpu.memref_squeeze %dma_start3A_1610 : memref<1x512x128xf32, #tpu.memory_space<hbm>> -> memref<512x128xf32, #tpu.memory_space<hbm>>
    %dma_start3A_1612 = arith.constant 0 : i32
    %dma_start3A_1613 = tpu.memref_slice %arg7[%add3A_1607, %dma_start3A_1612] : memref<4096x128xf32, #tpu.memory_space<vmem_shared>> -> memref<512x128xf32, #tpu.memory_space<vmem_shared>>
    tpu.enqueue_dma source(%dma_start3A_1613 : memref<512x128xf32, #tpu.memory_space<vmem_shared>>) target(%dma_start3A_1611 : memref<512x128xf32, #tpu.memory_space<hbm>>) target_semaphore(%arg8 : memref<!tpu.dma_semaphore, #tpu.memory_space<semaphore_mem>>)
    %add3A_1614 = arith.constant 27 : i32
    %add3A_1615 = arith.addi %mul3A_587, %add3A_1614 : i32
    %sub3A_1616 = arith.constant 2047 : i32
    %sub3A_1617 = arith.subi %sub3A_1616, %add3A_1615 : i32
    %sub3A_1618 = arith.constant 0 : i32
    %sub3A_1619 = arith.subi %sub3A_1617, %sub3A_1618 : i32
    %jit3A_1620 = arith.constant 4 : i32
    %div3A_1621 = arith.divsi %sub3A_1619, %jit3A_1620 : i32
    %sign3A_1622 = arith.constant 0 : i32
    %sign3A_1623 = arith.cmpi sgt, %sub3A_1619, %sign3A_1622 : i32
    %sign3A_1624 = arith.extui %sign3A_1623 : i1 to i32
    %sign3A_1625 = arith.constant 0 : i32
    %sign3A_1626 = arith.cmpi slt, %sub3A_1619, %sign3A_1625 : i32
    %sign3A_1627 = arith.extui %sign3A_1626 : i1 to i32
    %sign3A_1628 = arith.subi %sign3A_1624, %sign3A_1627 : i32
    %sign3A_1629 = arith.constant 0 : i32
    %sign3A_1630 = arith.cmpi sgt, %jit3A_1620, %sign3A_1629 : i32
    %sign3A_1631 = arith.extui %sign3A_1630 : i1 to i32
    %sign3A_1632 = arith.constant 0 : i32
    %sign3A_1633 = arith.cmpi slt, %jit3A_1620, %sign3A_1632 : i32
    %sign3A_1634 = arith.extui %sign3A_1633 : i1 to i32
    %sign3A_1635 = arith.subi %sign3A_1631, %sign3A_1634 : i32
    %ne3A_1636 = arith.cmpi ne, %sign3A_1628, %sign3A_1635 : i32
    %rem3A_1637 = arith.remsi %sub3A_1619, %jit3A_1620 : i32
    %ne3A_1638 = arith.constant 0 : i32
    %ne3A_1639 = arith.cmpi ne, %rem3A_1637, %ne3A_1638 : i32
    %and3A_1640 = arith.andi %ne3A_1636, %ne3A_1639 : i1
    %sub3A_1641 = arith.constant 1 : i32
    %sub3A_1642 = arith.subi %div3A_1621, %sub3A_1641 : i32
    %select_n3A_1643 = arith.select %and3A_1640, %sub3A_1642, %div3A_1621 : i32
    %add3A_1644 = arith.constant 0 : i32
    %add3A_1645 = arith.addi %add3A_1644, %select_n3A_1643 : i32
    %dma_start3A_1646 = arith.constant 0 : i32
    %dma_start3A_1647 = arith.constant 0 : i32
    %dma_start3A_1648 = tpu.memref_slice %arg3[%add3A_1615, %dma_start3A_1646, %dma_start3A_1647] : memref<2048x512x128xf32, #tpu.memory_space<hbm>> -> memref<1x512x128xf32, #tpu.memory_space<hbm>>
    %dma_start3A_1649 = tpu.memref_squeeze %dma_start3A_1648 : memref<1x512x128xf32, #tpu.memory_space<hbm>> -> memref<512x128xf32, #tpu.memory_space<hbm>>
    %dma_start3A_1650 = arith.constant 0 : i32
    %dma_start3A_1651 = tpu.memref_slice %arg7[%add3A_1645, %dma_start3A_1650] : memref<4096x128xf32, #tpu.memory_space<vmem_shared>> -> memref<512x128xf32, #tpu.memory_space<vmem_shared>>
    tpu.enqueue_dma source(%dma_start3A_1651 : memref<512x128xf32, #tpu.memory_space<vmem_shared>>) target(%dma_start3A_1649 : memref<512x128xf32, #tpu.memory_space<hbm>>) target_semaphore(%arg8 : memref<!tpu.dma_semaphore, #tpu.memory_space<semaphore_mem>>)
    %add3A_1652 = arith.constant 28 : i32
    %add3A_1653 = arith.addi %mul3A_587, %add3A_1652 : i32
    %sub3A_1654 = arith.constant 2047 : i32
    %sub3A_1655 = arith.subi %sub3A_1654, %add3A_1653 : i32
    %sub3A_1656 = arith.constant 3 : i32
    %sub3A_1657 = arith.subi %sub3A_1655, %sub3A_1656 : i32
    %jit3A_1658 = arith.constant 4 : i32
    %div3A_1659 = arith.divsi %sub3A_1657, %jit3A_1658 : i32
    %sign3A_1660 = arith.constant 0 : i32
    %sign3A_1661 = arith.cmpi sgt, %sub3A_1657, %sign3A_1660 : i32
    %sign3A_1662 = arith.extui %sign3A_1661 : i1 to i32
    %sign3A_1663 = arith.constant 0 : i32
    %sign3A_1664 = arith.cmpi slt, %sub3A_1657, %sign3A_1663 : i32
    %sign3A_1665 = arith.extui %sign3A_1664 : i1 to i32
    %sign3A_1666 = arith.subi %sign3A_1662, %sign3A_1665 : i32
    %sign3A_1667 = arith.constant 0 : i32
    %sign3A_1668 = arith.cmpi sgt, %jit3A_1658, %sign3A_1667 : i32
    %sign3A_1669 = arith.extui %sign3A_1668 : i1 to i32
    %sign3A_1670 = arith.constant 0 : i32
    %sign3A_1671 = arith.cmpi slt, %jit3A_1658, %sign3A_1670 : i32
    %sign3A_1672 = arith.extui %sign3A_1671 : i1 to i32
    %sign3A_1673 = arith.subi %sign3A_1669, %sign3A_1672 : i32
    %ne3A_1674 = arith.cmpi ne, %sign3A_1666, %sign3A_1673 : i32
    %rem3A_1675 = arith.remsi %sub3A_1657, %jit3A_1658 : i32
    %ne3A_1676 = arith.constant 0 : i32
    %ne3A_1677 = arith.cmpi ne, %rem3A_1675, %ne3A_1676 : i32
    %and3A_1678 = arith.andi %ne3A_1674, %ne3A_1677 : i1
    %sub3A_1679 = arith.constant 1 : i32
    %sub3A_1680 = arith.subi %div3A_1659, %sub3A_1679 : i32
    %select_n3A_1681 = arith.select %and3A_1678, %sub3A_1680, %div3A_1659 : i32
    %add3A_1682 = arith.constant 3072 : i32
    %add3A_1683 = arith.addi %add3A_1682, %select_n3A_1681 : i32
    %dma_start3A_1684 = arith.constant 0 : i32
    %dma_start3A_1685 = arith.constant 0 : i32
    %dma_start3A_1686 = tpu.memref_slice %arg3[%add3A_1653, %dma_start3A_1684, %dma_start3A_1685] : memref<2048x512x128xf32, #tpu.memory_space<hbm>> -> memref<1x512x128xf32, #tpu.memory_space<hbm>>
    %dma_start3A_1687 = tpu.memref_squeeze %dma_start3A_1686 : memref<1x512x128xf32, #tpu.memory_space<hbm>> -> memref<512x128xf32, #tpu.memory_space<hbm>>
    %dma_start3A_1688 = arith.constant 0 : i32
    %dma_start3A_1689 = tpu.memref_slice %arg7[%add3A_1683, %dma_start3A_1688] : memref<4096x128xf32, #tpu.memory_space<vmem_shared>> -> memref<512x128xf32, #tpu.memory_space<vmem_shared>>
    tpu.enqueue_dma source(%dma_start3A_1689 : memref<512x128xf32, #tpu.memory_space<vmem_shared>>) target(%dma_start3A_1687 : memref<512x128xf32, #tpu.memory_space<hbm>>) target_semaphore(%arg8 : memref<!tpu.dma_semaphore, #tpu.memory_space<semaphore_mem>>)
    %add3A_1690 = arith.constant 29 : i32
    %add3A_1691 = arith.addi %mul3A_587, %add3A_1690 : i32
    %sub3A_1692 = arith.constant 2047 : i32
    %sub3A_1693 = arith.subi %sub3A_1692, %add3A_1691 : i32
    %sub3A_1694 = arith.constant 2 : i32
    %sub3A_1695 = arith.subi %sub3A_1693, %sub3A_1694 : i32
    %jit3A_1696 = arith.constant 4 : i32
    %div3A_1697 = arith.divsi %sub3A_1695, %jit3A_1696 : i32
    %sign3A_1698 = arith.constant 0 : i32
    %sign3A_1699 = arith.cmpi sgt, %sub3A_1695, %sign3A_1698 : i32
    %sign3A_1700 = arith.extui %sign3A_1699 : i1 to i32
    %sign3A_1701 = arith.constant 0 : i32
    %sign3A_1702 = arith.cmpi slt, %sub3A_1695, %sign3A_1701 : i32
    %sign3A_1703 = arith.extui %sign3A_1702 : i1 to i32
    %sign3A_1704 = arith.subi %sign3A_1700, %sign3A_1703 : i32
    %sign3A_1705 = arith.constant 0 : i32
    %sign3A_1706 = arith.cmpi sgt, %jit3A_1696, %sign3A_1705 : i32
    %sign3A_1707 = arith.extui %sign3A_1706 : i1 to i32
    %sign3A_1708 = arith.constant 0 : i32
    %sign3A_1709 = arith.cmpi slt, %jit3A_1696, %sign3A_1708 : i32
    %sign3A_1710 = arith.extui %sign3A_1709 : i1 to i32
    %sign3A_1711 = arith.subi %sign3A_1707, %sign3A_1710 : i32
    %ne3A_1712 = arith.cmpi ne, %sign3A_1704, %sign3A_1711 : i32
    %rem3A_1713 = arith.remsi %sub3A_1695, %jit3A_1696 : i32
    %ne3A_1714 = arith.constant 0 : i32
    %ne3A_1715 = arith.cmpi ne, %rem3A_1713, %ne3A_1714 : i32
    %and3A_1716 = arith.andi %ne3A_1712, %ne3A_1715 : i1
    %sub3A_1717 = arith.constant 1 : i32
    %sub3A_1718 = arith.subi %div3A_1697, %sub3A_1717 : i32
    %select_n3A_1719 = arith.select %and3A_1716, %sub3A_1718, %div3A_1697 : i32
    %add3A_1720 = arith.constant 2048 : i32
    %add3A_1721 = arith.addi %add3A_1720, %select_n3A_1719 : i32
    %dma_start3A_1722 = arith.constant 0 : i32
    %dma_start3A_1723 = arith.constant 0 : i32
    %dma_start3A_1724 = tpu.memref_slice %arg3[%add3A_1691, %dma_start3A_1722, %dma_start3A_1723] : memref<2048x512x128xf32, #tpu.memory_space<hbm>> -> memref<1x512x128xf32, #tpu.memory_space<hbm>>
    %dma_start3A_1725 = tpu.memref_squeeze %dma_start3A_1724 : memref<1x512x128xf32, #tpu.memory_space<hbm>> -> memref<512x128xf32, #tpu.memory_space<hbm>>
    %dma_start3A_1726 = arith.constant 0 : i32
    %dma_start3A_1727 = tpu.memref_slice %arg7[%add3A_1721, %dma_start3A_1726] : memref<4096x128xf32, #tpu.memory_space<vmem_shared>> -> memref<512x128xf32, #tpu.memory_space<vmem_shared>>
    tpu.enqueue_dma source(%dma_start3A_1727 : memref<512x128xf32, #tpu.memory_space<vmem_shared>>) target(%dma_start3A_1725 : memref<512x128xf32, #tpu.memory_space<hbm>>) target_semaphore(%arg8 : memref<!tpu.dma_semaphore, #tpu.memory_space<semaphore_mem>>)
    %add3A_1728 = arith.constant 30 : i32
    %add3A_1729 = arith.addi %mul3A_587, %add3A_1728 : i32
    %sub3A_1730 = arith.constant 2047 : i32
    %sub3A_1731 = arith.subi %sub3A_1730, %add3A_1729 : i32
    %sub3A_1732 = arith.constant 1 : i32
    %sub3A_1733 = arith.subi %sub3A_1731, %sub3A_1732 : i32
    %jit3A_1734 = arith.constant 4 : i32
    %div3A_1735 = arith.divsi %sub3A_1733, %jit3A_1734 : i32
    %sign3A_1736 = arith.constant 0 : i32
    %sign3A_1737 = arith.cmpi sgt, %sub3A_1733, %sign3A_1736 : i32
    %sign3A_1738 = arith.extui %sign3A_1737 : i1 to i32
    %sign3A_1739 = arith.constant 0 : i32
    %sign3A_1740 = arith.cmpi slt, %sub3A_1733, %sign3A_1739 : i32
    %sign3A_1741 = arith.extui %sign3A_1740 : i1 to i32
    %sign3A_1742 = arith.subi %sign3A_1738, %sign3A_1741 : i32
    %sign3A_1743 = arith.constant 0 : i32
    %sign3A_1744 = arith.cmpi sgt, %jit3A_1734, %sign3A_1743 : i32
    %sign3A_1745 = arith.extui %sign3A_1744 : i1 to i32
    %sign3A_1746 = arith.constant 0 : i32
    %sign3A_1747 = arith.cmpi slt, %jit3A_1734, %sign3A_1746 : i32
    %sign3A_1748 = arith.extui %sign3A_1747 : i1 to i32
    %sign3A_1749 = arith.subi %sign3A_1745, %sign3A_1748 : i32
    %ne3A_1750 = arith.cmpi ne, %sign3A_1742, %sign3A_1749 : i32
    %rem3A_1751 = arith.remsi %sub3A_1733, %jit3A_1734 : i32
    %ne3A_1752 = arith.constant 0 : i32
    %ne3A_1753 = arith.cmpi ne, %rem3A_1751, %ne3A_1752 : i32
    %and3A_1754 = arith.andi %ne3A_1750, %ne3A_1753 : i1
    %sub3A_1755 = arith.constant 1 : i32
    %sub3A_1756 = arith.subi %div3A_1735, %sub3A_1755 : i32
    %select_n3A_1757 = arith.select %and3A_1754, %sub3A_1756, %div3A_1735 : i32
    %add3A_1758 = arith.constant 1024 : i32
    %add3A_1759 = arith.addi %add3A_1758, %select_n3A_1757 : i32
    %dma_start3A_1760 = arith.constant 0 : i32
    %dma_start3A_1761 = arith.constant 0 : i32
    %dma_start3A_1762 = tpu.memref_slice %arg3[%add3A_1729, %dma_start3A_1760, %dma_start3A_1761] : memref<2048x512x128xf32, #tpu.memory_space<hbm>> -> memref<1x512x128xf32, #tpu.memory_space<hbm>>
    %dma_start3A_1763 = tpu.memref_squeeze %dma_start3A_1762 : memref<1x512x128xf32, #tpu.memory_space<hbm>> -> memref<512x128xf32, #tpu.memory_space<hbm>>
    %dma_start3A_1764 = arith.constant 0 : i32
    %dma_start3A_1765 = tpu.memref_slice %arg7[%add3A_1759, %dma_start3A_1764] : memref<4096x128xf32, #tpu.memory_space<vmem_shared>> -> memref<512x128xf32, #tpu.memory_space<vmem_shared>>
    tpu.enqueue_dma source(%dma_start3A_1765 : memref<512x128xf32, #tpu.memory_space<vmem_shared>>) target(%dma_start3A_1763 : memref<512x128xf32, #tpu.memory_space<hbm>>) target_semaphore(%arg8 : memref<!tpu.dma_semaphore, #tpu.memory_space<semaphore_mem>>)
    %add3A_1766 = arith.constant 31 : i32
    %add3A_1767 = arith.addi %mul3A_587, %add3A_1766 : i32
    %sub3A_1768 = arith.constant 2047 : i32
    %sub3A_1769 = arith.subi %sub3A_1768, %add3A_1767 : i32
    %sub3A_1770 = arith.constant 0 : i32
    %sub3A_1771 = arith.subi %sub3A_1769, %sub3A_1770 : i32
    %jit3A_1772 = arith.constant 4 : i32
    %div3A_1773 = arith.divsi %sub3A_1771, %jit3A_1772 : i32
    %sign3A_1774 = arith.constant 0 : i32
    %sign3A_1775 = arith.cmpi sgt, %sub3A_1771, %sign3A_1774 : i32
    %sign3A_1776 = arith.extui %sign3A_1775 : i1 to i32
    %sign3A_1777 = arith.constant 0 : i32
    %sign3A_1778 = arith.cmpi slt, %sub3A_1771, %sign3A_1777 : i32
    %sign3A_1779 = arith.extui %sign3A_1778 : i1 to i32
    %sign3A_1780 = arith.subi %sign3A_1776, %sign3A_1779 : i32
    %sign3A_1781 = arith.constant 0 : i32
    %sign3A_1782 = arith.cmpi sgt, %jit3A_1772, %sign3A_1781 : i32
    %sign3A_1783 = arith.extui %sign3A_1782 : i1 to i32
    %sign3A_1784 = arith.constant 0 : i32
    %sign3A_1785 = arith.cmpi slt, %jit3A_1772, %sign3A_1784 : i32
    %sign3A_1786 = arith.extui %sign3A_1785 : i1 to i32
    %sign3A_1787 = arith.subi %sign3A_1783, %sign3A_1786 : i32
    %ne3A_1788 = arith.cmpi ne, %sign3A_1780, %sign3A_1787 : i32
    %rem3A_1789 = arith.remsi %sub3A_1771, %jit3A_1772 : i32
    %ne3A_1790 = arith.constant 0 : i32
    %ne3A_1791 = arith.cmpi ne, %rem3A_1789, %ne3A_1790 : i32
    %and3A_1792 = arith.andi %ne3A_1788, %ne3A_1791 : i1
    %sub3A_1793 = arith.constant 1 : i32
    %sub3A_1794 = arith.subi %div3A_1773, %sub3A_1793 : i32
    %select_n3A_1795 = arith.select %and3A_1792, %sub3A_1794, %div3A_1773 : i32
    %add3A_1796 = arith.constant 0 : i32
    %add3A_1797 = arith.addi %add3A_1796, %select_n3A_1795 : i32
    %dma_start3A_1798 = arith.constant 0 : i32
    %dma_start3A_1799 = arith.constant 0 : i32
    %dma_start3A_1800 = tpu.memref_slice %arg3[%add3A_1767, %dma_start3A_1798, %dma_start3A_1799] : memref<2048x512x128xf32, #tpu.memory_space<hbm>> -> memref<1x512x128xf32, #tpu.memory_space<hbm>>
    %dma_start3A_1801 = tpu.memref_squeeze %dma_start3A_1800 : memref<1x512x128xf32, #tpu.memory_space<hbm>> -> memref<512x128xf32, #tpu.memory_space<hbm>>
    %dma_start3A_1802 = arith.constant 0 : i32
    %dma_start3A_1803 = tpu.memref_slice %arg7[%add3A_1797, %dma_start3A_1802] : memref<4096x128xf32, #tpu.memory_space<vmem_shared>> -> memref<512x128xf32, #tpu.memory_space<vmem_shared>>
    tpu.enqueue_dma source(%dma_start3A_1803 : memref<512x128xf32, #tpu.memory_space<vmem_shared>>) target(%dma_start3A_1801 : memref<512x128xf32, #tpu.memory_space<hbm>>) target_semaphore(%arg8 : memref<!tpu.dma_semaphore, #tpu.memory_space<semaphore_mem>>)
    %add3A_1804 = arith.constant 32 : i32
    %add3A_1805 = arith.addi %mul3A_587, %add3A_1804 : i32
    %sub3A_1806 = arith.constant 2047 : i32
    %sub3A_1807 = arith.subi %sub3A_1806, %add3A_1805 : i32
    %sub3A_1808 = arith.constant 3 : i32
    %sub3A_1809 = arith.subi %sub3A_1807, %sub3A_1808 : i32
    %jit3A_1810 = arith.constant 4 : i32
    %div3A_1811 = arith.divsi %sub3A_1809, %jit3A_1810 : i32
    %sign3A_1812 = arith.constant 0 : i32
    %sign3A_1813 = arith.cmpi sgt, %sub3A_1809, %sign3A_1812 : i32
    %sign3A_1814 = arith.extui %sign3A_1813 : i1 to i32
    %sign3A_1815 = arith.constant 0 : i32
    %sign3A_1816 = arith.cmpi slt, %sub3A_1809, %sign3A_1815 : i32
    %sign3A_1817 = arith.extui %sign3A_1816 : i1 to i32
    %sign3A_1818 = arith.subi %sign3A_1814, %sign3A_1817 : i32
    %sign3A_1819 = arith.constant 0 : i32
    %sign3A_1820 = arith.cmpi sgt, %jit3A_1810, %sign3A_1819 : i32
    %sign3A_1821 = arith.extui %sign3A_1820 : i1 to i32
    %sign3A_1822 = arith.constant 0 : i32
    %sign3A_1823 = arith.cmpi slt, %jit3A_1810, %sign3A_1822 : i32
    %sign3A_1824 = arith.extui %sign3A_1823 : i1 to i32
    %sign3A_1825 = arith.subi %sign3A_1821, %sign3A_1824 : i32
    %ne3A_1826 = arith.cmpi ne, %sign3A_1818, %sign3A_1825 : i32
    %rem3A_1827 = arith.remsi %sub3A_1809, %jit3A_1810 : i32
    %ne3A_1828 = arith.constant 0 : i32
    %ne3A_1829 = arith.cmpi ne, %rem3A_1827, %ne3A_1828 : i32
    %and3A_1830 = arith.andi %ne3A_1826, %ne3A_1829 : i1
    %sub3A_1831 = arith.constant 1 : i32
    %sub3A_1832 = arith.subi %div3A_1811, %sub3A_1831 : i32
    %select_n3A_1833 = arith.select %and3A_1830, %sub3A_1832, %div3A_1811 : i32
    %add3A_1834 = arith.constant 3072 : i32
    %add3A_1835 = arith.addi %add3A_1834, %select_n3A_1833 : i32
    %dma_start3A_1836 = arith.constant 0 : i32
    %dma_start3A_1837 = arith.constant 0 : i32
    %dma_start3A_1838 = tpu.memref_slice %arg3[%add3A_1805, %dma_start3A_1836, %dma_start3A_1837] : memref<2048x512x128xf32, #tpu.memory_space<hbm>> -> memref<1x512x128xf32, #tpu.memory_space<hbm>>
    %dma_start3A_1839 = tpu.memref_squeeze %dma_start3A_1838 : memref<1x512x128xf32, #tpu.memory_space<hbm>> -> memref<512x128xf32, #tpu.memory_space<hbm>>
    %dma_start3A_1840 = arith.constant 0 : i32
    %dma_start3A_1841 = tpu.memref_slice %arg7[%add3A_1835, %dma_start3A_1840] : memref<4096x128xf32, #tpu.memory_space<vmem_shared>> -> memref<512x128xf32, #tpu.memory_space<vmem_shared>>
    tpu.enqueue_dma source(%dma_start3A_1841 : memref<512x128xf32, #tpu.memory_space<vmem_shared>>) target(%dma_start3A_1839 : memref<512x128xf32, #tpu.memory_space<hbm>>) target_semaphore(%arg8 : memref<!tpu.dma_semaphore, #tpu.memory_space<semaphore_mem>>)
    %add3A_1842 = arith.constant 33 : i32
    %add3A_1843 = arith.addi %mul3A_587, %add3A_1842 : i32
    %sub3A_1844 = arith.constant 2047 : i32
    %sub3A_1845 = arith.subi %sub3A_1844, %add3A_1843 : i32
    %sub3A_1846 = arith.constant 2 : i32
    %sub3A_1847 = arith.subi %sub3A_1845, %sub3A_1846 : i32
    %jit3A_1848 = arith.constant 4 : i32
    %div3A_1849 = arith.divsi %sub3A_1847, %jit3A_1848 : i32
    %sign3A_1850 = arith.constant 0 : i32
    %sign3A_1851 = arith.cmpi sgt, %sub3A_1847, %sign3A_1850 : i32
    %sign3A_1852 = arith.extui %sign3A_1851 : i1 to i32
    %sign3A_1853 = arith.constant 0 : i32
    %sign3A_1854 = arith.cmpi slt, %sub3A_1847, %sign3A_1853 : i32
    %sign3A_1855 = arith.extui %sign3A_1854 : i1 to i32
    %sign3A_1856 = arith.subi %sign3A_1852, %sign3A_1855 : i32
    %sign3A_1857 = arith.constant 0 : i32
    %sign3A_1858 = arith.cmpi sgt, %jit3A_1848, %sign3A_1857 : i32
    %sign3A_1859 = arith.extui %sign3A_1858 : i1 to i32
    %sign3A_1860 = arith.constant 0 : i32
    %sign3A_1861 = arith.cmpi slt, %jit3A_1848, %sign3A_1860 : i32
    %sign3A_1862 = arith.extui %sign3A_1861 : i1 to i32
    %sign3A_1863 = arith.subi %sign3A_1859, %sign3A_1862 : i32
    %ne3A_1864 = arith.cmpi ne, %sign3A_1856, %sign3A_1863 : i32
    %rem3A_1865 = arith.remsi %sub3A_1847, %jit3A_1848 : i32
    %ne3A_1866 = arith.constant 0 : i32
    %ne3A_1867 = arith.cmpi ne, %rem3A_1865, %ne3A_1866 : i32
    %and3A_1868 = arith.andi %ne3A_1864, %ne3A_1867 : i1
    %sub3A_1869 = arith.constant 1 : i32
    %sub3A_1870 = arith.subi %div3A_1849, %sub3A_1869 : i32
    %select_n3A_1871 = arith.select %and3A_1868, %sub3A_1870, %div3A_1849 : i32
    %add3A_1872 = arith.constant 2048 : i32
    %add3A_1873 = arith.addi %add3A_1872, %select_n3A_1871 : i32
    %dma_start3A_1874 = arith.constant 0 : i32
    %dma_start3A_1875 = arith.constant 0 : i32
    %dma_start3A_1876 = tpu.memref_slice %arg3[%add3A_1843, %dma_start3A_1874, %dma_start3A_1875] : memref<2048x512x128xf32, #tpu.memory_space<hbm>> -> memref<1x512x128xf32, #tpu.memory_space<hbm>>
    %dma_start3A_1877 = tpu.memref_squeeze %dma_start3A_1876 : memref<1x512x128xf32, #tpu.memory_space<hbm>> -> memref<512x128xf32, #tpu.memory_space<hbm>>
    %dma_start3A_1878 = arith.constant 0 : i32
    %dma_start3A_1879 = tpu.memref_slice %arg7[%add3A_1873, %dma_start3A_1878] : memref<4096x128xf32, #tpu.memory_space<vmem_shared>> -> memref<512x128xf32, #tpu.memory_space<vmem_shared>>
    tpu.enqueue_dma source(%dma_start3A_1879 : memref<512x128xf32, #tpu.memory_space<vmem_shared>>) target(%dma_start3A_1877 : memref<512x128xf32, #tpu.memory_space<hbm>>) target_semaphore(%arg8 : memref<!tpu.dma_semaphore, #tpu.memory_space<semaphore_mem>>)
    %add3A_1880 = arith.constant 34 : i32
    %add3A_1881 = arith.addi %mul3A_587, %add3A_1880 : i32
    %sub3A_1882 = arith.constant 2047 : i32
    %sub3A_1883 = arith.subi %sub3A_1882, %add3A_1881 : i32
    %sub3A_1884 = arith.constant 1 : i32
    %sub3A_1885 = arith.subi %sub3A_1883, %sub3A_1884 : i32
    %jit3A_1886 = arith.constant 4 : i32
    %div3A_1887 = arith.divsi %sub3A_1885, %jit3A_1886 : i32
    %sign3A_1888 = arith.constant 0 : i32
    %sign3A_1889 = arith.cmpi sgt, %sub3A_1885, %sign3A_1888 : i32
    %sign3A_1890 = arith.extui %sign3A_1889 : i1 to i32
    %sign3A_1891 = arith.constant 0 : i32
    %sign3A_1892 = arith.cmpi slt, %sub3A_1885, %sign3A_1891 : i32
    %sign3A_1893 = arith.extui %sign3A_1892 : i1 to i32
    %sign3A_1894 = arith.subi %sign3A_1890, %sign3A_1893 : i32
    %sign3A_1895 = arith.constant 0 : i32
    %sign3A_1896 = arith.cmpi sgt, %jit3A_1886, %sign3A_1895 : i32
    %sign3A_1897 = arith.extui %sign3A_1896 : i1 to i32
    %sign3A_1898 = arith.constant 0 : i32
    %sign3A_1899 = arith.cmpi slt, %jit3A_1886, %sign3A_1898 : i32
    %sign3A_1900 = arith.extui %sign3A_1899 : i1 to i32
    %sign3A_1901 = arith.subi %sign3A_1897, %sign3A_1900 : i32
    %ne3A_1902 = arith.cmpi ne, %sign3A_1894, %sign3A_1901 : i32
    %rem3A_1903 = arith.remsi %sub3A_1885, %jit3A_1886 : i32
    %ne3A_1904 = arith.constant 0 : i32
    %ne3A_1905 = arith.cmpi ne, %rem3A_1903, %ne3A_1904 : i32
    %and3A_1906 = arith.andi %ne3A_1902, %ne3A_1905 : i1
    %sub3A_1907 = arith.constant 1 : i32
    %sub3A_1908 = arith.subi %div3A_1887, %sub3A_1907 : i32
    %select_n3A_1909 = arith.select %and3A_1906, %sub3A_1908, %div3A_1887 : i32
    %add3A_1910 = arith.constant 1024 : i32
    %add3A_1911 = arith.addi %add3A_1910, %select_n3A_1909 : i32
    %dma_start3A_1912 = arith.constant 0 : i32
    %dma_start3A_1913 = arith.constant 0 : i32
    %dma_start3A_1914 = tpu.memref_slice %arg3[%add3A_1881, %dma_start3A_1912, %dma_start3A_1913] : memref<2048x512x128xf32, #tpu.memory_space<hbm>> -> memref<1x512x128xf32, #tpu.memory_space<hbm>>
    %dma_start3A_1915 = tpu.memref_squeeze %dma_start3A_1914 : memref<1x512x128xf32, #tpu.memory_space<hbm>> -> memref<512x128xf32, #tpu.memory_space<hbm>>
    %dma_start3A_1916 = arith.constant 0 : i32
    %dma_start3A_1917 = tpu.memref_slice %arg7[%add3A_1911, %dma_start3A_1916] : memref<4096x128xf32, #tpu.memory_space<vmem_shared>> -> memref<512x128xf32, #tpu.memory_space<vmem_shared>>
    tpu.enqueue_dma source(%dma_start3A_1917 : memref<512x128xf32, #tpu.memory_space<vmem_shared>>) target(%dma_start3A_1915 : memref<512x128xf32, #tpu.memory_space<hbm>>) target_semaphore(%arg8 : memref<!tpu.dma_semaphore, #tpu.memory_space<semaphore_mem>>)
    %add3A_1918 = arith.constant 35 : i32
    %add3A_1919 = arith.addi %mul3A_587, %add3A_1918 : i32
    %sub3A_1920 = arith.constant 2047 : i32
    %sub3A_1921 = arith.subi %sub3A_1920, %add3A_1919 : i32
    %sub3A_1922 = arith.constant 0 : i32
    %sub3A_1923 = arith.subi %sub3A_1921, %sub3A_1922 : i32
    %jit3A_1924 = arith.constant 4 : i32
    %div3A_1925 = arith.divsi %sub3A_1923, %jit3A_1924 : i32
    %sign3A_1926 = arith.constant 0 : i32
    %sign3A_1927 = arith.cmpi sgt, %sub3A_1923, %sign3A_1926 : i32
    %sign3A_1928 = arith.extui %sign3A_1927 : i1 to i32
    %sign3A_1929 = arith.constant 0 : i32
    %sign3A_1930 = arith.cmpi slt, %sub3A_1923, %sign3A_1929 : i32
    %sign3A_1931 = arith.extui %sign3A_1930 : i1 to i32
    %sign3A_1932 = arith.subi %sign3A_1928, %sign3A_1931 : i32
    %sign3A_1933 = arith.constant 0 : i32
    %sign3A_1934 = arith.cmpi sgt, %jit3A_1924, %sign3A_1933 : i32
    %sign3A_1935 = arith.extui %sign3A_1934 : i1 to i32
    %sign3A_1936 = arith.constant 0 : i32
    %sign3A_1937 = arith.cmpi slt, %jit3A_1924, %sign3A_1936 : i32
    %sign3A_1938 = arith.extui %sign3A_1937 : i1 to i32
    %sign3A_1939 = arith.subi %sign3A_1935, %sign3A_1938 : i32
    %ne3A_1940 = arith.cmpi ne, %sign3A_1932, %sign3A_1939 : i32
    %rem3A_1941 = arith.remsi %sub3A_1923, %jit3A_1924 : i32
    %ne3A_1942 = arith.constant 0 : i32
    %ne3A_1943 = arith.cmpi ne, %rem3A_1941, %ne3A_1942 : i32
    %and3A_1944 = arith.andi %ne3A_1940, %ne3A_1943 : i1
    %sub3A_1945 = arith.constant 1 : i32
    %sub3A_1946 = arith.subi %div3A_1925, %sub3A_1945 : i32
    %select_n3A_1947 = arith.select %and3A_1944, %sub3A_1946, %div3A_1925 : i32
    %add3A_1948 = arith.constant 0 : i32
    %add3A_1949 = arith.addi %add3A_1948, %select_n3A_1947 : i32
    %dma_start3A_1950 = arith.constant 0 : i32
    %dma_start3A_1951 = arith.constant 0 : i32
    %dma_start3A_1952 = tpu.memref_slice %arg3[%add3A_1919, %dma_start3A_1950, %dma_start3A_1951] : memref<2048x512x128xf32, #tpu.memory_space<hbm>> -> memref<1x512x128xf32, #tpu.memory_space<hbm>>
    %dma_start3A_1953 = tpu.memref_squeeze %dma_start3A_1952 : memref<1x512x128xf32, #tpu.memory_space<hbm>> -> memref<512x128xf32, #tpu.memory_space<hbm>>
    %dma_start3A_1954 = arith.constant 0 : i32
    %dma_start3A_1955 = tpu.memref_slice %arg7[%add3A_1949, %dma_start3A_1954] : memref<4096x128xf32, #tpu.memory_space<vmem_shared>> -> memref<512x128xf32, #tpu.memory_space<vmem_shared>>
    tpu.enqueue_dma source(%dma_start3A_1955 : memref<512x128xf32, #tpu.memory_space<vmem_shared>>) target(%dma_start3A_1953 : memref<512x128xf32, #tpu.memory_space<hbm>>) target_semaphore(%arg8 : memref<!tpu.dma_semaphore, #tpu.memory_space<semaphore_mem>>)
    %add3A_1956 = arith.constant 36 : i32
    %add3A_1957 = arith.addi %mul3A_587, %add3A_1956 : i32
    %sub3A_1958 = arith.constant 2047 : i32
    %sub3A_1959 = arith.subi %sub3A_1958, %add3A_1957 : i32
    %sub3A_1960 = arith.constant 3 : i32
    %sub3A_1961 = arith.subi %sub3A_1959, %sub3A_1960 : i32
    %jit3A_1962 = arith.constant 4 : i32
    %div3A_1963 = arith.divsi %sub3A_1961, %jit3A_1962 : i32
    %sign3A_1964 = arith.constant 0 : i32
    %sign3A_1965 = arith.cmpi sgt, %sub3A_1961, %sign3A_1964 : i32
    %sign3A_1966 = arith.extui %sign3A_1965 : i1 to i32
    %sign3A_1967 = arith.constant 0 : i32
    %sign3A_1968 = arith.cmpi slt, %sub3A_1961, %sign3A_1967 : i32
    %sign3A_1969 = arith.extui %sign3A_1968 : i1 to i32
    %sign3A_1970 = arith.subi %sign3A_1966, %sign3A_1969 : i32
    %sign3A_1971 = arith.constant 0 : i32
    %sign3A_1972 = arith.cmpi sgt, %jit3A_1962, %sign3A_1971 : i32
    %sign3A_1973 = arith.extui %sign3A_1972 : i1 to i32
    %sign3A_1974 = arith.constant 0 : i32
    %sign3A_1975 = arith.cmpi slt, %jit3A_1962, %sign3A_1974 : i32
    %sign3A_1976 = arith.extui %sign3A_1975 : i1 to i32
    %sign3A_1977 = arith.subi %sign3A_1973, %sign3A_1976 : i32
    %ne3A_1978 = arith.cmpi ne, %sign3A_1970, %sign3A_1977 : i32
    %rem3A_1979 = arith.remsi %sub3A_1961, %jit3A_1962 : i32
    %ne3A_1980 = arith.constant 0 : i32
    %ne3A_1981 = arith.cmpi ne, %rem3A_1979, %ne3A_1980 : i32
    %and3A_1982 = arith.andi %ne3A_1978, %ne3A_1981 : i1
    %sub3A_1983 = arith.constant 1 : i32
    %sub3A_1984 = arith.subi %div3A_1963, %sub3A_1983 : i32
    %select_n3A_1985 = arith.select %and3A_1982, %sub3A_1984, %div3A_1963 : i32
    %add3A_1986 = arith.constant 3072 : i32
    %add3A_1987 = arith.addi %add3A_1986, %select_n3A_1985 : i32
    %dma_start3A_1988 = arith.constant 0 : i32
    %dma_start3A_1989 = arith.constant 0 : i32
    %dma_start3A_1990 = tpu.memref_slice %arg3[%add3A_1957, %dma_start3A_1988, %dma_start3A_1989] : memref<2048x512x128xf32, #tpu.memory_space<hbm>> -> memref<1x512x128xf32, #tpu.memory_space<hbm>>
    %dma_start3A_1991 = tpu.memref_squeeze %dma_start3A_1990 : memref<1x512x128xf32, #tpu.memory_space<hbm>> -> memref<512x128xf32, #tpu.memory_space<hbm>>
    %dma_start3A_1992 = arith.constant 0 : i32
    %dma_start3A_1993 = tpu.memref_slice %arg7[%add3A_1987, %dma_start3A_1992] : memref<4096x128xf32, #tpu.memory_space<vmem_shared>> -> memref<512x128xf32, #tpu.memory_space<vmem_shared>>
    tpu.enqueue_dma source(%dma_start3A_1993 : memref<512x128xf32, #tpu.memory_space<vmem_shared>>) target(%dma_start3A_1991 : memref<512x128xf32, #tpu.memory_space<hbm>>) target_semaphore(%arg8 : memref<!tpu.dma_semaphore, #tpu.memory_space<semaphore_mem>>)
    %add3A_1994 = arith.constant 37 : i32
    %add3A_1995 = arith.addi %mul3A_587, %add3A_1994 : i32
    %sub3A_1996 = arith.constant 2047 : i32
    %sub3A_1997 = arith.subi %sub3A_1996, %add3A_1995 : i32
    %sub3A_1998 = arith.constant 2 : i32
    %sub3A_1999 = arith.subi %sub3A_1997, %sub3A_1998 : i32
    %jit3A_2000 = arith.constant 4 : i32
    %div3A_2001 = arith.divsi %sub3A_1999, %jit3A_2000 : i32
    %sign3A_2002 = arith.constant 0 : i32
    %sign3A_2003 = arith.cmpi sgt, %sub3A_1999, %sign3A_2002 : i32
    %sign3A_2004 = arith.extui %sign3A_2003 : i1 to i32
    %sign3A_2005 = arith.constant 0 : i32
    %sign3A_2006 = arith.cmpi slt, %sub3A_1999, %sign3A_2005 : i32
    %sign3A_2007 = arith.extui %sign3A_2006 : i1 to i32
    %sign3A_2008 = arith.subi %sign3A_2004, %sign3A_2007 : i32
    %sign3A_2009 = arith.constant 0 : i32
    %sign3A_2010 = arith.cmpi sgt, %jit3A_2000, %sign3A_2009 : i32
    %sign3A_2011 = arith.extui %sign3A_2010 : i1 to i32
    %sign3A_2012 = arith.constant 0 : i32
    %sign3A_2013 = arith.cmpi slt, %jit3A_2000, %sign3A_2012 : i32
    %sign3A_2014 = arith.extui %sign3A_2013 : i1 to i32
    %sign3A_2015 = arith.subi %sign3A_2011, %sign3A_2014 : i32
    %ne3A_2016 = arith.cmpi ne, %sign3A_2008, %sign3A_2015 : i32
    %rem3A_2017 = arith.remsi %sub3A_1999, %jit3A_2000 : i32
    %ne3A_2018 = arith.constant 0 : i32
    %ne3A_2019 = arith.cmpi ne, %rem3A_2017, %ne3A_2018 : i32
    %and3A_2020 = arith.andi %ne3A_2016, %ne3A_2019 : i1
    %sub3A_2021 = arith.constant 1 : i32
    %sub3A_2022 = arith.subi %div3A_2001, %sub3A_2021 : i32
    %select_n3A_2023 = arith.select %and3A_2020, %sub3A_2022, %div3A_2001 : i32
    %add3A_2024 = arith.constant 2048 : i32
    %add3A_2025 = arith.addi %add3A_2024, %select_n3A_2023 : i32
    %dma_start3A_2026 = arith.constant 0 : i32
    %dma_start3A_2027 = arith.constant 0 : i32
    %dma_start3A_2028 = tpu.memref_slice %arg3[%add3A_1995, %dma_start3A_2026, %dma_start3A_2027] : memref<2048x512x128xf32, #tpu.memory_space<hbm>> -> memref<1x512x128xf32, #tpu.memory_space<hbm>>
    %dma_start3A_2029 = tpu.memref_squeeze %dma_start3A_2028 : memref<1x512x128xf32, #tpu.memory_space<hbm>> -> memref<512x128xf32, #tpu.memory_space<hbm>>
    %dma_start3A_2030 = arith.constant 0 : i32
    %dma_start3A_2031 = tpu.memref_slice %arg7[%add3A_2025, %dma_start3A_2030] : memref<4096x128xf32, #tpu.memory_space<vmem_shared>> -> memref<512x128xf32, #tpu.memory_space<vmem_shared>>
    tpu.enqueue_dma source(%dma_start3A_2031 : memref<512x128xf32, #tpu.memory_space<vmem_shared>>) target(%dma_start3A_2029 : memref<512x128xf32, #tpu.memory_space<hbm>>) target_semaphore(%arg8 : memref<!tpu.dma_semaphore, #tpu.memory_space<semaphore_mem>>)
    %add3A_2032 = arith.constant 38 : i32
    %add3A_2033 = arith.addi %mul3A_587, %add3A_2032 : i32
    %sub3A_2034 = arith.constant 2047 : i32
    %sub3A_2035 = arith.subi %sub3A_2034, %add3A_2033 : i32
    %sub3A_2036 = arith.constant 1 : i32
    %sub3A_2037 = arith.subi %sub3A_2035, %sub3A_2036 : i32
    %jit3A_2038 = arith.constant 4 : i32
    %div3A_2039 = arith.divsi %sub3A_2037, %jit3A_2038 : i32
    %sign3A_2040 = arith.constant 0 : i32
    %sign3A_2041 = arith.cmpi sgt, %sub3A_2037, %sign3A_2040 : i32
    %sign3A_2042 = arith.extui %sign3A_2041 : i1 to i32
    %sign3A_2043 = arith.constant 0 : i32
    %sign3A_2044 = arith.cmpi slt, %sub3A_2037, %sign3A_2043 : i32
    %sign3A_2045 = arith.extui %sign3A_2044 : i1 to i32
    %sign3A_2046 = arith.subi %sign3A_2042, %sign3A_2045 : i32
    %sign3A_2047 = arith.constant 0 : i32
    %sign3A_2048 = arith.cmpi sgt, %jit3A_2038, %sign3A_2047 : i32
    %sign3A_2049 = arith.extui %sign3A_2048 : i1 to i32
    %sign3A_2050 = arith.constant 0 : i32
    %sign3A_2051 = arith.cmpi slt, %jit3A_2038, %sign3A_2050 : i32
    %sign3A_2052 = arith.extui %sign3A_2051 : i1 to i32
    %sign3A_2053 = arith.subi %sign3A_2049, %sign3A_2052 : i32
    %ne3A_2054 = arith.cmpi ne, %sign3A_2046, %sign3A_2053 : i32
    %rem3A_2055 = arith.remsi %sub3A_2037, %jit3A_2038 : i32
    %ne3A_2056 = arith.constant 0 : i32
    %ne3A_2057 = arith.cmpi ne, %rem3A_2055, %ne3A_2056 : i32
    %and3A_2058 = arith.andi %ne3A_2054, %ne3A_2057 : i1
    %sub3A_2059 = arith.constant 1 : i32
    %sub3A_2060 = arith.subi %div3A_2039, %sub3A_2059 : i32
    %select_n3A_2061 = arith.select %and3A_2058, %sub3A_2060, %div3A_2039 : i32
    %add3A_2062 = arith.constant 1024 : i32
    %add3A_2063 = arith.addi %add3A_2062, %select_n3A_2061 : i32
    %dma_start3A_2064 = arith.constant 0 : i32
    %dma_start3A_2065 = arith.constant 0 : i32
    %dma_start3A_2066 = tpu.memref_slice %arg3[%add3A_2033, %dma_start3A_2064, %dma_start3A_2065] : memref<2048x512x128xf32, #tpu.memory_space<hbm>> -> memref<1x512x128xf32, #tpu.memory_space<hbm>>
    %dma_start3A_2067 = tpu.memref_squeeze %dma_start3A_2066 : memref<1x512x128xf32, #tpu.memory_space<hbm>> -> memref<512x128xf32, #tpu.memory_space<hbm>>
    %dma_start3A_2068 = arith.constant 0 : i32
    %dma_start3A_2069 = tpu.memref_slice %arg7[%add3A_2063, %dma_start3A_2068] : memref<4096x128xf32, #tpu.memory_space<vmem_shared>> -> memref<512x128xf32, #tpu.memory_space<vmem_shared>>
    tpu.enqueue_dma source(%dma_start3A_2069 : memref<512x128xf32, #tpu.memory_space<vmem_shared>>) target(%dma_start3A_2067 : memref<512x128xf32, #tpu.memory_space<hbm>>) target_semaphore(%arg8 : memref<!tpu.dma_semaphore, #tpu.memory_space<semaphore_mem>>)
    %add3A_2070 = arith.constant 39 : i32
    %add3A_2071 = arith.addi %mul3A_587, %add3A_2070 : i32
    %sub3A_2072 = arith.constant 2047 : i32
    %sub3A_2073 = arith.subi %sub3A_2072, %add3A_2071 : i32
    %sub3A_2074 = arith.constant 0 : i32
    %sub3A_2075 = arith.subi %sub3A_2073, %sub3A_2074 : i32
    %jit3A_2076 = arith.constant 4 : i32
    %div3A_2077 = arith.divsi %sub3A_2075, %jit3A_2076 : i32
    %sign3A_2078 = arith.constant 0 : i32
    %sign3A_2079 = arith.cmpi sgt, %sub3A_2075, %sign3A_2078 : i32
    %sign3A_2080 = arith.extui %sign3A_2079 : i1 to i32
    %sign3A_2081 = arith.constant 0 : i32
    %sign3A_2082 = arith.cmpi slt, %sub3A_2075, %sign3A_2081 : i32
    %sign3A_2083 = arith.extui %sign3A_2082 : i1 to i32
    %sign3A_2084 = arith.subi %sign3A_2080, %sign3A_2083 : i32
    %sign3A_2085 = arith.constant 0 : i32
    %sign3A_2086 = arith.cmpi sgt, %jit3A_2076, %sign3A_2085 : i32
    %sign3A_2087 = arith.extui %sign3A_2086 : i1 to i32
    %sign3A_2088 = arith.constant 0 : i32
    %sign3A_2089 = arith.cmpi slt, %jit3A_2076, %sign3A_2088 : i32
    %sign3A_2090 = arith.extui %sign3A_2089 : i1 to i32
    %sign3A_2091 = arith.subi %sign3A_2087, %sign3A_2090 : i32
    %ne3A_2092 = arith.cmpi ne, %sign3A_2084, %sign3A_2091 : i32
    %rem3A_2093 = arith.remsi %sub3A_2075, %jit3A_2076 : i32
    %ne3A_2094 = arith.constant 0 : i32
    %ne3A_2095 = arith.cmpi ne, %rem3A_2093, %ne3A_2094 : i32
    %and3A_2096 = arith.andi %ne3A_2092, %ne3A_2095 : i1
    %sub3A_2097 = arith.constant 1 : i32
    %sub3A_2098 = arith.subi %div3A_2077, %sub3A_2097 : i32
    %select_n3A_2099 = arith.select %and3A_2096, %sub3A_2098, %div3A_2077 : i32
    %add3A_2100 = arith.constant 0 : i32
    %add3A_2101 = arith.addi %add3A_2100, %select_n3A_2099 : i32
    %dma_start3A_2102 = arith.constant 0 : i32
    %dma_start3A_2103 = arith.constant 0 : i32
    %dma_start3A_2104 = tpu.memref_slice %arg3[%add3A_2071, %dma_start3A_2102, %dma_start3A_2103] : memref<2048x512x128xf32, #tpu.memory_space<hbm>> -> memref<1x512x128xf32, #tpu.memory_space<hbm>>
    %dma_start3A_2105 = tpu.memref_squeeze %dma_start3A_2104 : memref<1x512x128xf32, #tpu.memory_space<hbm>> -> memref<512x128xf32, #tpu.memory_space<hbm>>
    %dma_start3A_2106 = arith.constant 0 : i32
    %dma_start3A_2107 = tpu.memref_slice %arg7[%add3A_2101, %dma_start3A_2106] : memref<4096x128xf32, #tpu.memory_space<vmem_shared>> -> memref<512x128xf32, #tpu.memory_space<vmem_shared>>
    tpu.enqueue_dma source(%dma_start3A_2107 : memref<512x128xf32, #tpu.memory_space<vmem_shared>>) target(%dma_start3A_2105 : memref<512x128xf32, #tpu.memory_space<hbm>>) target_semaphore(%arg8 : memref<!tpu.dma_semaphore, #tpu.memory_space<semaphore_mem>>)
    %add3A_2108 = arith.constant 40 : i32
    %add3A_2109 = arith.addi %mul3A_587, %add3A_2108 : i32
    %sub3A_2110 = arith.constant 2047 : i32
    %sub3A_2111 = arith.subi %sub3A_2110, %add3A_2109 : i32
    %sub3A_2112 = arith.constant 3 : i32
    %sub3A_2113 = arith.subi %sub3A_2111, %sub3A_2112 : i32
    %jit3A_2114 = arith.constant 4 : i32
    %div3A_2115 = arith.divsi %sub3A_2113, %jit3A_2114 : i32
    %sign3A_2116 = arith.constant 0 : i32
    %sign3A_2117 = arith.cmpi sgt, %sub3A_2113, %sign3A_2116 : i32
    %sign3A_2118 = arith.extui %sign3A_2117 : i1 to i32
    %sign3A_2119 = arith.constant 0 : i32
    %sign3A_2120 = arith.cmpi slt, %sub3A_2113, %sign3A_2119 : i32
    %sign3A_2121 = arith.extui %sign3A_2120 : i1 to i32
    %sign3A_2122 = arith.subi %sign3A_2118, %sign3A_2121 : i32
    %sign3A_2123 = arith.constant 0 : i32
    %sign3A_2124 = arith.cmpi sgt, %jit3A_2114, %sign3A_2123 : i32
    %sign3A_2125 = arith.extui %sign3A_2124 : i1 to i32
    %sign3A_2126 = arith.constant 0 : i32
    %sign3A_2127 = arith.cmpi slt, %jit3A_2114, %sign3A_2126 : i32
    %sign3A_2128 = arith.extui %sign3A_2127 : i1 to i32
    %sign3A_2129 = arith.subi %sign3A_2125, %sign3A_2128 : i32
    %ne3A_2130 = arith.cmpi ne, %sign3A_2122, %sign3A_2129 : i32
    %rem3A_2131 = arith.remsi %sub3A_2113, %jit3A_2114 : i32
    %ne3A_2132 = arith.constant 0 : i32
    %ne3A_2133 = arith.cmpi ne, %rem3A_2131, %ne3A_2132 : i32
    %and3A_2134 = arith.andi %ne3A_2130, %ne3A_2133 : i1
    %sub3A_2135 = arith.constant 1 : i32
    %sub3A_2136 = arith.subi %div3A_2115, %sub3A_2135 : i32
    %select_n3A_2137 = arith.select %and3A_2134, %sub3A_2136, %div3A_2115 : i32
    %add3A_2138 = arith.constant 3072 : i32
    %add3A_2139 = arith.addi %add3A_2138, %select_n3A_2137 : i32
    %dma_start3A_2140 = arith.constant 0 : i32
    %dma_start3A_2141 = arith.constant 0 : i32
    %dma_start3A_2142 = tpu.memref_slice %arg3[%add3A_2109, %dma_start3A_2140, %dma_start3A_2141] : memref<2048x512x128xf32, #tpu.memory_space<hbm>> -> memref<1x512x128xf32, #tpu.memory_space<hbm>>
    %dma_start3A_2143 = tpu.memref_squeeze %dma_start3A_2142 : memref<1x512x128xf32, #tpu.memory_space<hbm>> -> memref<512x128xf32, #tpu.memory_space<hbm>>
    %dma_start3A_2144 = arith.constant 0 : i32
    %dma_start3A_2145 = tpu.memref_slice %arg7[%add3A_2139, %dma_start3A_2144] : memref<4096x128xf32, #tpu.memory_space<vmem_shared>> -> memref<512x128xf32, #tpu.memory_space<vmem_shared>>
    tpu.enqueue_dma source(%dma_start3A_2145 : memref<512x128xf32, #tpu.memory_space<vmem_shared>>) target(%dma_start3A_2143 : memref<512x128xf32, #tpu.memory_space<hbm>>) target_semaphore(%arg8 : memref<!tpu.dma_semaphore, #tpu.memory_space<semaphore_mem>>)
    %add3A_2146 = arith.constant 41 : i32
    %add3A_2147 = arith.addi %mul3A_587, %add3A_2146 : i32
    %sub3A_2148 = arith.constant 2047 : i32
    %sub3A_2149 = arith.subi %sub3A_2148, %add3A_2147 : i32
    %sub3A_2150 = arith.constant 2 : i32
    %sub3A_2151 = arith.subi %sub3A_2149, %sub3A_2150 : i32
    %jit3A_2152 = arith.constant 4 : i32
    %div3A_2153 = arith.divsi %sub3A_2151, %jit3A_2152 : i32
    %sign3A_2154 = arith.constant 0 : i32
    %sign3A_2155 = arith.cmpi sgt, %sub3A_2151, %sign3A_2154 : i32
    %sign3A_2156 = arith.extui %sign3A_2155 : i1 to i32
    %sign3A_2157 = arith.constant 0 : i32
    %sign3A_2158 = arith.cmpi slt, %sub3A_2151, %sign3A_2157 : i32
    %sign3A_2159 = arith.extui %sign3A_2158 : i1 to i32
    %sign3A_2160 = arith.subi %sign3A_2156, %sign3A_2159 : i32
    %sign3A_2161 = arith.constant 0 : i32
    %sign3A_2162 = arith.cmpi sgt, %jit3A_2152, %sign3A_2161 : i32
    %sign3A_2163 = arith.extui %sign3A_2162 : i1 to i32
    %sign3A_2164 = arith.constant 0 : i32
    %sign3A_2165 = arith.cmpi slt, %jit3A_2152, %sign3A_2164 : i32
    %sign3A_2166 = arith.extui %sign3A_2165 : i1 to i32
    %sign3A_2167 = arith.subi %sign3A_2163, %sign3A_2166 : i32
    %ne3A_2168 = arith.cmpi ne, %sign3A_2160, %sign3A_2167 : i32
    %rem3A_2169 = arith.remsi %sub3A_2151, %jit3A_2152 : i32
    %ne3A_2170 = arith.constant 0 : i32
    %ne3A_2171 = arith.cmpi ne, %rem3A_2169, %ne3A_2170 : i32
    %and3A_2172 = arith.andi %ne3A_2168, %ne3A_2171 : i1
    %sub3A_2173 = arith.constant 1 : i32
    %sub3A_2174 = arith.subi %div3A_2153, %sub3A_2173 : i32
    %select_n3A_2175 = arith.select %and3A_2172, %sub3A_2174, %div3A_2153 : i32
    %add3A_2176 = arith.constant 2048 : i32
    %add3A_2177 = arith.addi %add3A_2176, %select_n3A_2175 : i32
    %dma_start3A_2178 = arith.constant 0 : i32
    %dma_start3A_2179 = arith.constant 0 : i32
    %dma_start3A_2180 = tpu.memref_slice %arg3[%add3A_2147, %dma_start3A_2178, %dma_start3A_2179] : memref<2048x512x128xf32, #tpu.memory_space<hbm>> -> memref<1x512x128xf32, #tpu.memory_space<hbm>>
    %dma_start3A_2181 = tpu.memref_squeeze %dma_start3A_2180 : memref<1x512x128xf32, #tpu.memory_space<hbm>> -> memref<512x128xf32, #tpu.memory_space<hbm>>
    %dma_start3A_2182 = arith.constant 0 : i32
    %dma_start3A_2183 = tpu.memref_slice %arg7[%add3A_2177, %dma_start3A_2182] : memref<4096x128xf32, #tpu.memory_space<vmem_shared>> -> memref<512x128xf32, #tpu.memory_space<vmem_shared>>
    tpu.enqueue_dma source(%dma_start3A_2183 : memref<512x128xf32, #tpu.memory_space<vmem_shared>>) target(%dma_start3A_2181 : memref<512x128xf32, #tpu.memory_space<hbm>>) target_semaphore(%arg8 : memref<!tpu.dma_semaphore, #tpu.memory_space<semaphore_mem>>)
    %add3A_2184 = arith.constant 42 : i32
    %add3A_2185 = arith.addi %mul3A_587, %add3A_2184 : i32
    %sub3A_2186 = arith.constant 2047 : i32
    %sub3A_2187 = arith.subi %sub3A_2186, %add3A_2185 : i32
    %sub3A_2188 = arith.constant 1 : i32
    %sub3A_2189 = arith.subi %sub3A_2187, %sub3A_2188 : i32
    %jit3A_2190 = arith.constant 4 : i32
    %div3A_2191 = arith.divsi %sub3A_2189, %jit3A_2190 : i32
    %sign3A_2192 = arith.constant 0 : i32
    %sign3A_2193 = arith.cmpi sgt, %sub3A_2189, %sign3A_2192 : i32
    %sign3A_2194 = arith.extui %sign3A_2193 : i1 to i32
    %sign3A_2195 = arith.constant 0 : i32
    %sign3A_2196 = arith.cmpi slt, %sub3A_2189, %sign3A_2195 : i32
    %sign3A_2197 = arith.extui %sign3A_2196 : i1 to i32
    %sign3A_2198 = arith.subi %sign3A_2194, %sign3A_2197 : i32
    %sign3A_2199 = arith.constant 0 : i32
    %sign3A_2200 = arith.cmpi sgt, %jit3A_2190, %sign3A_2199 : i32
    %sign3A_2201 = arith.extui %sign3A_2200 : i1 to i32
    %sign3A_2202 = arith.constant 0 : i32
    %sign3A_2203 = arith.cmpi slt, %jit3A_2190, %sign3A_2202 : i32
    %sign3A_2204 = arith.extui %sign3A_2203 : i1 to i32
    %sign3A_2205 = arith.subi %sign3A_2201, %sign3A_2204 : i32
    %ne3A_2206 = arith.cmpi ne, %sign3A_2198, %sign3A_2205 : i32
    %rem3A_2207 = arith.remsi %sub3A_2189, %jit3A_2190 : i32
    %ne3A_2208 = arith.constant 0 : i32
    %ne3A_2209 = arith.cmpi ne, %rem3A_2207, %ne3A_2208 : i32
    %and3A_2210 = arith.andi %ne3A_2206, %ne3A_2209 : i1
    %sub3A_2211 = arith.constant 1 : i32
    %sub3A_2212 = arith.subi %div3A_2191, %sub3A_2211 : i32
    %select_n3A_2213 = arith.select %and3A_2210, %sub3A_2212, %div3A_2191 : i32
    %add3A_2214 = arith.constant 1024 : i32
    %add3A_2215 = arith.addi %add3A_2214, %select_n3A_2213 : i32
    %dma_start3A_2216 = arith.constant 0 : i32
    %dma_start3A_2217 = arith.constant 0 : i32
    %dma_start3A_2218 = tpu.memref_slice %arg3[%add3A_2185, %dma_start3A_2216, %dma_start3A_2217] : memref<2048x512x128xf32, #tpu.memory_space<hbm>> -> memref<1x512x128xf32, #tpu.memory_space<hbm>>
    %dma_start3A_2219 = tpu.memref_squeeze %dma_start3A_2218 : memref<1x512x128xf32, #tpu.memory_space<hbm>> -> memref<512x128xf32, #tpu.memory_space<hbm>>
    %dma_start3A_2220 = arith.constant 0 : i32
    %dma_start3A_2221 = tpu.memref_slice %arg7[%add3A_2215, %dma_start3A_2220] : memref<4096x128xf32, #tpu.memory_space<vmem_shared>> -> memref<512x128xf32, #tpu.memory_space<vmem_shared>>
    tpu.enqueue_dma source(%dma_start3A_2221 : memref<512x128xf32, #tpu.memory_space<vmem_shared>>) target(%dma_start3A_2219 : memref<512x128xf32, #tpu.memory_space<hbm>>) target_semaphore(%arg8 : memref<!tpu.dma_semaphore, #tpu.memory_space<semaphore_mem>>)
    %add3A_2222 = arith.constant 43 : i32
    %add3A_2223 = arith.addi %mul3A_587, %add3A_2222 : i32
    %sub3A_2224 = arith.constant 2047 : i32
    %sub3A_2225 = arith.subi %sub3A_2224, %add3A_2223 : i32
    %sub3A_2226 = arith.constant 0 : i32
    %sub3A_2227 = arith.subi %sub3A_2225, %sub3A_2226 : i32
    %jit3A_2228 = arith.constant 4 : i32
    %div3A_2229 = arith.divsi %sub3A_2227, %jit3A_2228 : i32
    %sign3A_2230 = arith.constant 0 : i32
    %sign3A_2231 = arith.cmpi sgt, %sub3A_2227, %sign3A_2230 : i32
    %sign3A_2232 = arith.extui %sign3A_2231 : i1 to i32
    %sign3A_2233 = arith.constant 0 : i32
    %sign3A_2234 = arith.cmpi slt, %sub3A_2227, %sign3A_2233 : i32
    %sign3A_2235 = arith.extui %sign3A_2234 : i1 to i32
    %sign3A_2236 = arith.subi %sign3A_2232, %sign3A_2235 : i32
    %sign3A_2237 = arith.constant 0 : i32
    %sign3A_2238 = arith.cmpi sgt, %jit3A_2228, %sign3A_2237 : i32
    %sign3A_2239 = arith.extui %sign3A_2238 : i1 to i32
    %sign3A_2240 = arith.constant 0 : i32
    %sign3A_2241 = arith.cmpi slt, %jit3A_2228, %sign3A_2240 : i32
    %sign3A_2242 = arith.extui %sign3A_2241 : i1 to i32
    %sign3A_2243 = arith.subi %sign3A_2239, %sign3A_2242 : i32
    %ne3A_2244 = arith.cmpi ne, %sign3A_2236, %sign3A_2243 : i32
    %rem3A_2245 = arith.remsi %sub3A_2227, %jit3A_2228 : i32
    %ne3A_2246 = arith.constant 0 : i32
    %ne3A_2247 = arith.cmpi ne, %rem3A_2245, %ne3A_2246 : i32
    %and3A_2248 = arith.andi %ne3A_2244, %ne3A_2247 : i1
    %sub3A_2249 = arith.constant 1 : i32
    %sub3A_2250 = arith.subi %div3A_2229, %sub3A_2249 : i32
    %select_n3A_2251 = arith.select %and3A_2248, %sub3A_2250, %div3A_2229 : i32
    %add3A_2252 = arith.constant 0 : i32
    %add3A_2253 = arith.addi %add3A_2252, %select_n3A_2251 : i32
    %dma_start3A_2254 = arith.constant 0 : i32
    %dma_start3A_2255 = arith.constant 0 : i32
    %dma_start3A_2256 = tpu.memref_slice %arg3[%add3A_2223, %dma_start3A_2254, %dma_start3A_2255] : memref<2048x512x128xf32, #tpu.memory_space<hbm>> -> memref<1x512x128xf32, #tpu.memory_space<hbm>>
    %dma_start3A_2257 = tpu.memref_squeeze %dma_start3A_2256 : memref<1x512x128xf32, #tpu.memory_space<hbm>> -> memref<512x128xf32, #tpu.memory_space<hbm>>
    %dma_start3A_2258 = arith.constant 0 : i32
    %dma_start3A_2259 = tpu.memref_slice %arg7[%add3A_2253, %dma_start3A_2258] : memref<4096x128xf32, #tpu.memory_space<vmem_shared>> -> memref<512x128xf32, #tpu.memory_space<vmem_shared>>
    tpu.enqueue_dma source(%dma_start3A_2259 : memref<512x128xf32, #tpu.memory_space<vmem_shared>>) target(%dma_start3A_2257 : memref<512x128xf32, #tpu.memory_space<hbm>>) target_semaphore(%arg8 : memref<!tpu.dma_semaphore, #tpu.memory_space<semaphore_mem>>)
    %add3A_2260 = arith.constant 44 : i32
    %add3A_2261 = arith.addi %mul3A_587, %add3A_2260 : i32
    %sub3A_2262 = arith.constant 2047 : i32
    %sub3A_2263 = arith.subi %sub3A_2262, %add3A_2261 : i32
    %sub3A_2264 = arith.constant 3 : i32
    %sub3A_2265 = arith.subi %sub3A_2263, %sub3A_2264 : i32
    %jit3A_2266 = arith.constant 4 : i32
    %div3A_2267 = arith.divsi %sub3A_2265, %jit3A_2266 : i32
    %sign3A_2268 = arith.constant 0 : i32
    %sign3A_2269 = arith.cmpi sgt, %sub3A_2265, %sign3A_2268 : i32
    %sign3A_2270 = arith.extui %sign3A_2269 : i1 to i32
    %sign3A_2271 = arith.constant 0 : i32
    %sign3A_2272 = arith.cmpi slt, %sub3A_2265, %sign3A_2271 : i32
    %sign3A_2273 = arith.extui %sign3A_2272 : i1 to i32
    %sign3A_2274 = arith.subi %sign3A_2270, %sign3A_2273 : i32
    %sign3A_2275 = arith.constant 0 : i32
    %sign3A_2276 = arith.cmpi sgt, %jit3A_2266, %sign3A_2275 : i32
    %sign3A_2277 = arith.extui %sign3A_2276 : i1 to i32
    %sign3A_2278 = arith.constant 0 : i32
    %sign3A_2279 = arith.cmpi slt, %jit3A_2266, %sign3A_2278 : i32
    %sign3A_2280 = arith.extui %sign3A_2279 : i1 to i32
    %sign3A_2281 = arith.subi %sign3A_2277, %sign3A_2280 : i32
    %ne3A_2282 = arith.cmpi ne, %sign3A_2274, %sign3A_2281 : i32
    %rem3A_2283 = arith.remsi %sub3A_2265, %jit3A_2266 : i32
    %ne3A_2284 = arith.constant 0 : i32
    %ne3A_2285 = arith.cmpi ne, %rem3A_2283, %ne3A_2284 : i32
    %and3A_2286 = arith.andi %ne3A_2282, %ne3A_2285 : i1
    %sub3A_2287 = arith.constant 1 : i32
    %sub3A_2288 = arith.subi %div3A_2267, %sub3A_2287 : i32
    %select_n3A_2289 = arith.select %and3A_2286, %sub3A_2288, %div3A_2267 : i32
    %add3A_2290 = arith.constant 3072 : i32
    %add3A_2291 = arith.addi %add3A_2290, %select_n3A_2289 : i32
    %dma_start3A_2292 = arith.constant 0 : i32
    %dma_start3A_2293 = arith.constant 0 : i32
    %dma_start3A_2294 = tpu.memref_slice %arg3[%add3A_2261, %dma_start3A_2292, %dma_start3A_2293] : memref<2048x512x128xf32, #tpu.memory_space<hbm>> -> memref<1x512x128xf32, #tpu.memory_space<hbm>>
    %dma_start3A_2295 = tpu.memref_squeeze %dma_start3A_2294 : memref<1x512x128xf32, #tpu.memory_space<hbm>> -> memref<512x128xf32, #tpu.memory_space<hbm>>
    %dma_start3A_2296 = arith.constant 0 : i32
    %dma_start3A_2297 = tpu.memref_slice %arg7[%add3A_2291, %dma_start3A_2296] : memref<4096x128xf32, #tpu.memory_space<vmem_shared>> -> memref<512x128xf32, #tpu.memory_space<vmem_shared>>
    tpu.enqueue_dma source(%dma_start3A_2297 : memref<512x128xf32, #tpu.memory_space<vmem_shared>>) target(%dma_start3A_2295 : memref<512x128xf32, #tpu.memory_space<hbm>>) target_semaphore(%arg8 : memref<!tpu.dma_semaphore, #tpu.memory_space<semaphore_mem>>)
    %add3A_2298 = arith.constant 45 : i32
    %add3A_2299 = arith.addi %mul3A_587, %add3A_2298 : i32
    %sub3A_2300 = arith.constant 2047 : i32
    %sub3A_2301 = arith.subi %sub3A_2300, %add3A_2299 : i32
    %sub3A_2302 = arith.constant 2 : i32
    %sub3A_2303 = arith.subi %sub3A_2301, %sub3A_2302 : i32
    %jit3A_2304 = arith.constant 4 : i32
    %div3A_2305 = arith.divsi %sub3A_2303, %jit3A_2304 : i32
    %sign3A_2306 = arith.constant 0 : i32
    %sign3A_2307 = arith.cmpi sgt, %sub3A_2303, %sign3A_2306 : i32
    %sign3A_2308 = arith.extui %sign3A_2307 : i1 to i32
    %sign3A_2309 = arith.constant 0 : i32
    %sign3A_2310 = arith.cmpi slt, %sub3A_2303, %sign3A_2309 : i32
    %sign3A_2311 = arith.extui %sign3A_2310 : i1 to i32
    %sign3A_2312 = arith.subi %sign3A_2308, %sign3A_2311 : i32
    %sign3A_2313 = arith.constant 0 : i32
    %sign3A_2314 = arith.cmpi sgt, %jit3A_2304, %sign3A_2313 : i32
    %sign3A_2315 = arith.extui %sign3A_2314 : i1 to i32
    %sign3A_2316 = arith.constant 0 : i32
    %sign3A_2317 = arith.cmpi slt, %jit3A_2304, %sign3A_2316 : i32
    %sign3A_2318 = arith.extui %sign3A_2317 : i1 to i32
    %sign3A_2319 = arith.subi %sign3A_2315, %sign3A_2318 : i32
    %ne3A_2320 = arith.cmpi ne, %sign3A_2312, %sign3A_2319 : i32
    %rem3A_2321 = arith.remsi %sub3A_2303, %jit3A_2304 : i32
    %ne3A_2322 = arith.constant 0 : i32
    %ne3A_2323 = arith.cmpi ne, %rem3A_2321, %ne3A_2322 : i32
    %and3A_2324 = arith.andi %ne3A_2320, %ne3A_2323 : i1
    %sub3A_2325 = arith.constant 1 : i32
    %sub3A_2326 = arith.subi %div3A_2305, %sub3A_2325 : i32
    %select_n3A_2327 = arith.select %and3A_2324, %sub3A_2326, %div3A_2305 : i32
    %add3A_2328 = arith.constant 2048 : i32
    %add3A_2329 = arith.addi %add3A_2328, %select_n3A_2327 : i32
    %dma_start3A_2330 = arith.constant 0 : i32
    %dma_start3A_2331 = arith.constant 0 : i32
    %dma_start3A_2332 = tpu.memref_slice %arg3[%add3A_2299, %dma_start3A_2330, %dma_start3A_2331] : memref<2048x512x128xf32, #tpu.memory_space<hbm>> -> memref<1x512x128xf32, #tpu.memory_space<hbm>>
    %dma_start3A_2333 = tpu.memref_squeeze %dma_start3A_2332 : memref<1x512x128xf32, #tpu.memory_space<hbm>> -> memref<512x128xf32, #tpu.memory_space<hbm>>
    %dma_start3A_2334 = arith.constant 0 : i32
    %dma_start3A_2335 = tpu.memref_slice %arg7[%add3A_2329, %dma_start3A_2334] : memref<4096x128xf32, #tpu.memory_space<vmem_shared>> -> memref<512x128xf32, #tpu.memory_space<vmem_shared>>
    tpu.enqueue_dma source(%dma_start3A_2335 : memref<512x128xf32, #tpu.memory_space<vmem_shared>>) target(%dma_start3A_2333 : memref<512x128xf32, #tpu.memory_space<hbm>>) target_semaphore(%arg8 : memref<!tpu.dma_semaphore, #tpu.memory_space<semaphore_mem>>)
    %add3A_2336 = arith.constant 46 : i32
    %add3A_2337 = arith.addi %mul3A_587, %add3A_2336 : i32
    %sub3A_2338 = arith.constant 2047 : i32
    %sub3A_2339 = arith.subi %sub3A_2338, %add3A_2337 : i32
    %sub3A_2340 = arith.constant 1 : i32
    %sub3A_2341 = arith.subi %sub3A_2339, %sub3A_2340 : i32
    %jit3A_2342 = arith.constant 4 : i32
    %div3A_2343 = arith.divsi %sub3A_2341, %jit3A_2342 : i32
    %sign3A_2344 = arith.constant 0 : i32
    %sign3A_2345 = arith.cmpi sgt, %sub3A_2341, %sign3A_2344 : i32
    %sign3A_2346 = arith.extui %sign3A_2345 : i1 to i32
    %sign3A_2347 = arith.constant 0 : i32
    %sign3A_2348 = arith.cmpi slt, %sub3A_2341, %sign3A_2347 : i32
    %sign3A_2349 = arith.extui %sign3A_2348 : i1 to i32
    %sign3A_2350 = arith.subi %sign3A_2346, %sign3A_2349 : i32
    %sign3A_2351 = arith.constant 0 : i32
    %sign3A_2352 = arith.cmpi sgt, %jit3A_2342, %sign3A_2351 : i32
    %sign3A_2353 = arith.extui %sign3A_2352 : i1 to i32
    %sign3A_2354 = arith.constant 0 : i32
    %sign3A_2355 = arith.cmpi slt, %jit3A_2342, %sign3A_2354 : i32
    %sign3A_2356 = arith.extui %sign3A_2355 : i1 to i32
    %sign3A_2357 = arith.subi %sign3A_2353, %sign3A_2356 : i32
    %ne3A_2358 = arith.cmpi ne, %sign3A_2350, %sign3A_2357 : i32
    %rem3A_2359 = arith.remsi %sub3A_2341, %jit3A_2342 : i32
    %ne3A_2360 = arith.constant 0 : i32
    %ne3A_2361 = arith.cmpi ne, %rem3A_2359, %ne3A_2360 : i32
    %and3A_2362 = arith.andi %ne3A_2358, %ne3A_2361 : i1
    %sub3A_2363 = arith.constant 1 : i32
    %sub3A_2364 = arith.subi %div3A_2343, %sub3A_2363 : i32
    %select_n3A_2365 = arith.select %and3A_2362, %sub3A_2364, %div3A_2343 : i32
    %add3A_2366 = arith.constant 1024 : i32
    %add3A_2367 = arith.addi %add3A_2366, %select_n3A_2365 : i32
    %dma_start3A_2368 = arith.constant 0 : i32
    %dma_start3A_2369 = arith.constant 0 : i32
    %dma_start3A_2370 = tpu.memref_slice %arg3[%add3A_2337, %dma_start3A_2368, %dma_start3A_2369] : memref<2048x512x128xf32, #tpu.memory_space<hbm>> -> memref<1x512x128xf32, #tpu.memory_space<hbm>>
    %dma_start3A_2371 = tpu.memref_squeeze %dma_start3A_2370 : memref<1x512x128xf32, #tpu.memory_space<hbm>> -> memref<512x128xf32, #tpu.memory_space<hbm>>
    %dma_start3A_2372 = arith.constant 0 : i32
    %dma_start3A_2373 = tpu.memref_slice %arg7[%add3A_2367, %dma_start3A_2372] : memref<4096x128xf32, #tpu.memory_space<vmem_shared>> -> memref<512x128xf32, #tpu.memory_space<vmem_shared>>
    tpu.enqueue_dma source(%dma_start3A_2373 : memref<512x128xf32, #tpu.memory_space<vmem_shared>>) target(%dma_start3A_2371 : memref<512x128xf32, #tpu.memory_space<hbm>>) target_semaphore(%arg8 : memref<!tpu.dma_semaphore, #tpu.memory_space<semaphore_mem>>)
    %add3A_2374 = arith.constant 47 : i32
    %add3A_2375 = arith.addi %mul3A_587, %add3A_2374 : i32
    %sub3A_2376 = arith.constant 2047 : i32
    %sub3A_2377 = arith.subi %sub3A_2376, %add3A_2375 : i32
    %sub3A_2378 = arith.constant 0 : i32
    %sub3A_2379 = arith.subi %sub3A_2377, %sub3A_2378 : i32
    %jit3A_2380 = arith.constant 4 : i32
    %div3A_2381 = arith.divsi %sub3A_2379, %jit3A_2380 : i32
    %sign3A_2382 = arith.constant 0 : i32
    %sign3A_2383 = arith.cmpi sgt, %sub3A_2379, %sign3A_2382 : i32
    %sign3A_2384 = arith.extui %sign3A_2383 : i1 to i32
    %sign3A_2385 = arith.constant 0 : i32
    %sign3A_2386 = arith.cmpi slt, %sub3A_2379, %sign3A_2385 : i32
    %sign3A_2387 = arith.extui %sign3A_2386 : i1 to i32
    %sign3A_2388 = arith.subi %sign3A_2384, %sign3A_2387 : i32
    %sign3A_2389 = arith.constant 0 : i32
    %sign3A_2390 = arith.cmpi sgt, %jit3A_2380, %sign3A_2389 : i32
    %sign3A_2391 = arith.extui %sign3A_2390 : i1 to i32
    %sign3A_2392 = arith.constant 0 : i32
    %sign3A_2393 = arith.cmpi slt, %jit3A_2380, %sign3A_2392 : i32
    %sign3A_2394 = arith.extui %sign3A_2393 : i1 to i32
    %sign3A_2395 = arith.subi %sign3A_2391, %sign3A_2394 : i32
    %ne3A_2396 = arith.cmpi ne, %sign3A_2388, %sign3A_2395 : i32
    %rem3A_2397 = arith.remsi %sub3A_2379, %jit3A_2380 : i32
    %ne3A_2398 = arith.constant 0 : i32
    %ne3A_2399 = arith.cmpi ne, %rem3A_2397, %ne3A_2398 : i32
    %and3A_2400 = arith.andi %ne3A_2396, %ne3A_2399 : i1
    %sub3A_2401 = arith.constant 1 : i32
    %sub3A_2402 = arith.subi %div3A_2381, %sub3A_2401 : i32
    %select_n3A_2403 = arith.select %and3A_2400, %sub3A_2402, %div3A_2381 : i32
    %add3A_2404 = arith.constant 0 : i32
    %add3A_2405 = arith.addi %add3A_2404, %select_n3A_2403 : i32
    %dma_start3A_2406 = arith.constant 0 : i32
    %dma_start3A_2407 = arith.constant 0 : i32
    %dma_start3A_2408 = tpu.memref_slice %arg3[%add3A_2375, %dma_start3A_2406, %dma_start3A_2407] : memref<2048x512x128xf32, #tpu.memory_space<hbm>> -> memref<1x512x128xf32, #tpu.memory_space<hbm>>
    %dma_start3A_2409 = tpu.memref_squeeze %dma_start3A_2408 : memref<1x512x128xf32, #tpu.memory_space<hbm>> -> memref<512x128xf32, #tpu.memory_space<hbm>>
    %dma_start3A_2410 = arith.constant 0 : i32
    %dma_start3A_2411 = tpu.memref_slice %arg7[%add3A_2405, %dma_start3A_2410] : memref<4096x128xf32, #tpu.memory_space<vmem_shared>> -> memref<512x128xf32, #tpu.memory_space<vmem_shared>>
    tpu.enqueue_dma source(%dma_start3A_2411 : memref<512x128xf32, #tpu.memory_space<vmem_shared>>) target(%dma_start3A_2409 : memref<512x128xf32, #tpu.memory_space<hbm>>) target_semaphore(%arg8 : memref<!tpu.dma_semaphore, #tpu.memory_space<semaphore_mem>>)
    %add3A_2412 = arith.constant 48 : i32
    %add3A_2413 = arith.addi %mul3A_587, %add3A_2412 : i32
    %sub3A_2414 = arith.constant 2047 : i32
    %sub3A_2415 = arith.subi %sub3A_2414, %add3A_2413 : i32
    %sub3A_2416 = arith.constant 3 : i32
    %sub3A_2417 = arith.subi %sub3A_2415, %sub3A_2416 : i32
    %jit3A_2418 = arith.constant 4 : i32
    %div3A_2419 = arith.divsi %sub3A_2417, %jit3A_2418 : i32
    %sign3A_2420 = arith.constant 0 : i32
    %sign3A_2421 = arith.cmpi sgt, %sub3A_2417, %sign3A_2420 : i32
    %sign3A_2422 = arith.extui %sign3A_2421 : i1 to i32
    %sign3A_2423 = arith.constant 0 : i32
    %sign3A_2424 = arith.cmpi slt, %sub3A_2417, %sign3A_2423 : i32
    %sign3A_2425 = arith.extui %sign3A_2424 : i1 to i32
    %sign3A_2426 = arith.subi %sign3A_2422, %sign3A_2425 : i32
    %sign3A_2427 = arith.constant 0 : i32
    %sign3A_2428 = arith.cmpi sgt, %jit3A_2418, %sign3A_2427 : i32
    %sign3A_2429 = arith.extui %sign3A_2428 : i1 to i32
    %sign3A_2430 = arith.constant 0 : i32
    %sign3A_2431 = arith.cmpi slt, %jit3A_2418, %sign3A_2430 : i32
    %sign3A_2432 = arith.extui %sign3A_2431 : i1 to i32
    %sign3A_2433 = arith.subi %sign3A_2429, %sign3A_2432 : i32
    %ne3A_2434 = arith.cmpi ne, %sign3A_2426, %sign3A_2433 : i32
    %rem3A_2435 = arith.remsi %sub3A_2417, %jit3A_2418 : i32
    %ne3A_2436 = arith.constant 0 : i32
    %ne3A_2437 = arith.cmpi ne, %rem3A_2435, %ne3A_2436 : i32
    %and3A_2438 = arith.andi %ne3A_2434, %ne3A_2437 : i1
    %sub3A_2439 = arith.constant 1 : i32
    %sub3A_2440 = arith.subi %div3A_2419, %sub3A_2439 : i32
    %select_n3A_2441 = arith.select %and3A_2438, %sub3A_2440, %div3A_2419 : i32
    %add3A_2442 = arith.constant 3072 : i32
    %add3A_2443 = arith.addi %add3A_2442, %select_n3A_2441 : i32
    %dma_start3A_2444 = arith.constant 0 : i32
    %dma_start3A_2445 = arith.constant 0 : i32
    %dma_start3A_2446 = tpu.memref_slice %arg3[%add3A_2413, %dma_start3A_2444, %dma_start3A_2445] : memref<2048x512x128xf32, #tpu.memory_space<hbm>> -> memref<1x512x128xf32, #tpu.memory_space<hbm>>
    %dma_start3A_2447 = tpu.memref_squeeze %dma_start3A_2446 : memref<1x512x128xf32, #tpu.memory_space<hbm>> -> memref<512x128xf32, #tpu.memory_space<hbm>>
    %dma_start3A_2448 = arith.constant 0 : i32
    %dma_start3A_2449 = tpu.memref_slice %arg7[%add3A_2443, %dma_start3A_2448] : memref<4096x128xf32, #tpu.memory_space<vmem_shared>> -> memref<512x128xf32, #tpu.memory_space<vmem_shared>>
    tpu.enqueue_dma source(%dma_start3A_2449 : memref<512x128xf32, #tpu.memory_space<vmem_shared>>) target(%dma_start3A_2447 : memref<512x128xf32, #tpu.memory_space<hbm>>) target_semaphore(%arg8 : memref<!tpu.dma_semaphore, #tpu.memory_space<semaphore_mem>>)
    %add3A_2450 = arith.constant 49 : i32
    %add3A_2451 = arith.addi %mul3A_587, %add3A_2450 : i32
    %sub3A_2452 = arith.constant 2047 : i32
    %sub3A_2453 = arith.subi %sub3A_2452, %add3A_2451 : i32
    %sub3A_2454 = arith.constant 2 : i32
    %sub3A_2455 = arith.subi %sub3A_2453, %sub3A_2454 : i32
    %jit3A_2456 = arith.constant 4 : i32
    %div3A_2457 = arith.divsi %sub3A_2455, %jit3A_2456 : i32
    %sign3A_2458 = arith.constant 0 : i32
    %sign3A_2459 = arith.cmpi sgt, %sub3A_2455, %sign3A_2458 : i32
    %sign3A_2460 = arith.extui %sign3A_2459 : i1 to i32
    %sign3A_2461 = arith.constant 0 : i32
    %sign3A_2462 = arith.cmpi slt, %sub3A_2455, %sign3A_2461 : i32
    %sign3A_2463 = arith.extui %sign3A_2462 : i1 to i32
    %sign3A_2464 = arith.subi %sign3A_2460, %sign3A_2463 : i32
    %sign3A_2465 = arith.constant 0 : i32
    %sign3A_2466 = arith.cmpi sgt, %jit3A_2456, %sign3A_2465 : i32
    %sign3A_2467 = arith.extui %sign3A_2466 : i1 to i32
    %sign3A_2468 = arith.constant 0 : i32
    %sign3A_2469 = arith.cmpi slt, %jit3A_2456, %sign3A_2468 : i32
    %sign3A_2470 = arith.extui %sign3A_2469 : i1 to i32
    %sign3A_2471 = arith.subi %sign3A_2467, %sign3A_2470 : i32
    %ne3A_2472 = arith.cmpi ne, %sign3A_2464, %sign3A_2471 : i32
    %rem3A_2473 = arith.remsi %sub3A_2455, %jit3A_2456 : i32
    %ne3A_2474 = arith.constant 0 : i32
    %ne3A_2475 = arith.cmpi ne, %rem3A_2473, %ne3A_2474 : i32
    %and3A_2476 = arith.andi %ne3A_2472, %ne3A_2475 : i1
    %sub3A_2477 = arith.constant 1 : i32
    %sub3A_2478 = arith.subi %div3A_2457, %sub3A_2477 : i32
    %select_n3A_2479 = arith.select %and3A_2476, %sub3A_2478, %div3A_2457 : i32
    %add3A_2480 = arith.constant 2048 : i32
    %add3A_2481 = arith.addi %add3A_2480, %select_n3A_2479 : i32
    %dma_start3A_2482 = arith.constant 0 : i32
    %dma_start3A_2483 = arith.constant 0 : i32
    %dma_start3A_2484 = tpu.memref_slice %arg3[%add3A_2451, %dma_start3A_2482, %dma_start3A_2483] : memref<2048x512x128xf32, #tpu.memory_space<hbm>> -> memref<1x512x128xf32, #tpu.memory_space<hbm>>
    %dma_start3A_2485 = tpu.memref_squeeze %dma_start3A_2484 : memref<1x512x128xf32, #tpu.memory_space<hbm>> -> memref<512x128xf32, #tpu.memory_space<hbm>>
    %dma_start3A_2486 = arith.constant 0 : i32
    %dma_start3A_2487 = tpu.memref_slice %arg7[%add3A_2481, %dma_start3A_2486] : memref<4096x128xf32, #tpu.memory_space<vmem_shared>> -> memref<512x128xf32, #tpu.memory_space<vmem_shared>>
    tpu.enqueue_dma source(%dma_start3A_2487 : memref<512x128xf32, #tpu.memory_space<vmem_shared>>) target(%dma_start3A_2485 : memref<512x128xf32, #tpu.memory_space<hbm>>) target_semaphore(%arg8 : memref<!tpu.dma_semaphore, #tpu.memory_space<semaphore_mem>>)
    %add3A_2488 = arith.constant 50 : i32
    %add3A_2489 = arith.addi %mul3A_587, %add3A_2488 : i32
    %sub3A_2490 = arith.constant 2047 : i32
    %sub3A_2491 = arith.subi %sub3A_2490, %add3A_2489 : i32
    %sub3A_2492 = arith.constant 1 : i32
    %sub3A_2493 = arith.subi %sub3A_2491, %sub3A_2492 : i32
    %jit3A_2494 = arith.constant 4 : i32
    %div3A_2495 = arith.divsi %sub3A_2493, %jit3A_2494 : i32
    %sign3A_2496 = arith.constant 0 : i32
    %sign3A_2497 = arith.cmpi sgt, %sub3A_2493, %sign3A_2496 : i32
    %sign3A_2498 = arith.extui %sign3A_2497 : i1 to i32
    %sign3A_2499 = arith.constant 0 : i32
    %sign3A_2500 = arith.cmpi slt, %sub3A_2493, %sign3A_2499 : i32
    %sign3A_2501 = arith.extui %sign3A_2500 : i1 to i32
    %sign3A_2502 = arith.subi %sign3A_2498, %sign3A_2501 : i32
    %sign3A_2503 = arith.constant 0 : i32
    %sign3A_2504 = arith.cmpi sgt, %jit3A_2494, %sign3A_2503 : i32
    %sign3A_2505 = arith.extui %sign3A_2504 : i1 to i32
    %sign3A_2506 = arith.constant 0 : i32
    %sign3A_2507 = arith.cmpi slt, %jit3A_2494, %sign3A_2506 : i32
    %sign3A_2508 = arith.extui %sign3A_2507 : i1 to i32
    %sign3A_2509 = arith.subi %sign3A_2505, %sign3A_2508 : i32
    %ne3A_2510 = arith.cmpi ne, %sign3A_2502, %sign3A_2509 : i32
    %rem3A_2511 = arith.remsi %sub3A_2493, %jit3A_2494 : i32
    %ne3A_2512 = arith.constant 0 : i32
    %ne3A_2513 = arith.cmpi ne, %rem3A_2511, %ne3A_2512 : i32
    %and3A_2514 = arith.andi %ne3A_2510, %ne3A_2513 : i1
    %sub3A_2515 = arith.constant 1 : i32
    %sub3A_2516 = arith.subi %div3A_2495, %sub3A_2515 : i32
    %select_n3A_2517 = arith.select %and3A_2514, %sub3A_2516, %div3A_2495 : i32
    %add3A_2518 = arith.constant 1024 : i32
    %add3A_2519 = arith.addi %add3A_2518, %select_n3A_2517 : i32
    %dma_start3A_2520 = arith.constant 0 : i32
    %dma_start3A_2521 = arith.constant 0 : i32
    %dma_start3A_2522 = tpu.memref_slice %arg3[%add3A_2489, %dma_start3A_2520, %dma_start3A_2521] : memref<2048x512x128xf32, #tpu.memory_space<hbm>> -> memref<1x512x128xf32, #tpu.memory_space<hbm>>
    %dma_start3A_2523 = tpu.memref_squeeze %dma_start3A_2522 : memref<1x512x128xf32, #tpu.memory_space<hbm>> -> memref<512x128xf32, #tpu.memory_space<hbm>>
    %dma_start3A_2524 = arith.constant 0 : i32
    %dma_start3A_2525 = tpu.memref_slice %arg7[%add3A_2519, %dma_start3A_2524] : memref<4096x128xf32, #tpu.memory_space<vmem_shared>> -> memref<512x128xf32, #tpu.memory_space<vmem_shared>>
    tpu.enqueue_dma source(%dma_start3A_2525 : memref<512x128xf32, #tpu.memory_space<vmem_shared>>) target(%dma_start3A_2523 : memref<512x128xf32, #tpu.memory_space<hbm>>) target_semaphore(%arg8 : memref<!tpu.dma_semaphore, #tpu.memory_space<semaphore_mem>>)
    %add3A_2526 = arith.constant 51 : i32
    %add3A_2527 = arith.addi %mul3A_587, %add3A_2526 : i32
    %sub3A_2528 = arith.constant 2047 : i32
    %sub3A_2529 = arith.subi %sub3A_2528, %add3A_2527 : i32
    %sub3A_2530 = arith.constant 0 : i32
    %sub3A_2531 = arith.subi %sub3A_2529, %sub3A_2530 : i32
    %jit3A_2532 = arith.constant 4 : i32
    %div3A_2533 = arith.divsi %sub3A_2531, %jit3A_2532 : i32
    %sign3A_2534 = arith.constant 0 : i32
    %sign3A_2535 = arith.cmpi sgt, %sub3A_2531, %sign3A_2534 : i32
    %sign3A_2536 = arith.extui %sign3A_2535 : i1 to i32
    %sign3A_2537 = arith.constant 0 : i32
    %sign3A_2538 = arith.cmpi slt, %sub3A_2531, %sign3A_2537 : i32
    %sign3A_2539 = arith.extui %sign3A_2538 : i1 to i32
    %sign3A_2540 = arith.subi %sign3A_2536, %sign3A_2539 : i32
    %sign3A_2541 = arith.constant 0 : i32
    %sign3A_2542 = arith.cmpi sgt, %jit3A_2532, %sign3A_2541 : i32
    %sign3A_2543 = arith.extui %sign3A_2542 : i1 to i32
    %sign3A_2544 = arith.constant 0 : i32
    %sign3A_2545 = arith.cmpi slt, %jit3A_2532, %sign3A_2544 : i32
    %sign3A_2546 = arith.extui %sign3A_2545 : i1 to i32
    %sign3A_2547 = arith.subi %sign3A_2543, %sign3A_2546 : i32
    %ne3A_2548 = arith.cmpi ne, %sign3A_2540, %sign3A_2547 : i32
    %rem3A_2549 = arith.remsi %sub3A_2531, %jit3A_2532 : i32
    %ne3A_2550 = arith.constant 0 : i32
    %ne3A_2551 = arith.cmpi ne, %rem3A_2549, %ne3A_2550 : i32
    %and3A_2552 = arith.andi %ne3A_2548, %ne3A_2551 : i1
    %sub3A_2553 = arith.constant 1 : i32
    %sub3A_2554 = arith.subi %div3A_2533, %sub3A_2553 : i32
    %select_n3A_2555 = arith.select %and3A_2552, %sub3A_2554, %div3A_2533 : i32
    %add3A_2556 = arith.constant 0 : i32
    %add3A_2557 = arith.addi %add3A_2556, %select_n3A_2555 : i32
    %dma_start3A_2558 = arith.constant 0 : i32
    %dma_start3A_2559 = arith.constant 0 : i32
    %dma_start3A_2560 = tpu.memref_slice %arg3[%add3A_2527, %dma_start3A_2558, %dma_start3A_2559] : memref<2048x512x128xf32, #tpu.memory_space<hbm>> -> memref<1x512x128xf32, #tpu.memory_space<hbm>>
    %dma_start3A_2561 = tpu.memref_squeeze %dma_start3A_2560 : memref<1x512x128xf32, #tpu.memory_space<hbm>> -> memref<512x128xf32, #tpu.memory_space<hbm>>
    %dma_start3A_2562 = arith.constant 0 : i32
    %dma_start3A_2563 = tpu.memref_slice %arg7[%add3A_2557, %dma_start3A_2562] : memref<4096x128xf32, #tpu.memory_space<vmem_shared>> -> memref<512x128xf32, #tpu.memory_space<vmem_shared>>
    tpu.enqueue_dma source(%dma_start3A_2563 : memref<512x128xf32, #tpu.memory_space<vmem_shared>>) target(%dma_start3A_2561 : memref<512x128xf32, #tpu.memory_space<hbm>>) target_semaphore(%arg8 : memref<!tpu.dma_semaphore, #tpu.memory_space<semaphore_mem>>)
    %add3A_2564 = arith.constant 52 : i32
    %add3A_2565 = arith.addi %mul3A_587, %add3A_2564 : i32
    %sub3A_2566 = arith.constant 2047 : i32
    %sub3A_2567 = arith.subi %sub3A_2566, %add3A_2565 : i32
    %sub3A_2568 = arith.constant 3 : i32
    %sub3A_2569 = arith.subi %sub3A_2567, %sub3A_2568 : i32
    %jit3A_2570 = arith.constant 4 : i32
    %div3A_2571 = arith.divsi %sub3A_2569, %jit3A_2570 : i32
    %sign3A_2572 = arith.constant 0 : i32
    %sign3A_2573 = arith.cmpi sgt, %sub3A_2569, %sign3A_2572 : i32
    %sign3A_2574 = arith.extui %sign3A_2573 : i1 to i32
    %sign3A_2575 = arith.constant 0 : i32
    %sign3A_2576 = arith.cmpi slt, %sub3A_2569, %sign3A_2575 : i32
    %sign3A_2577 = arith.extui %sign3A_2576 : i1 to i32
    %sign3A_2578 = arith.subi %sign3A_2574, %sign3A_2577 : i32
    %sign3A_2579 = arith.constant 0 : i32
    %sign3A_2580 = arith.cmpi sgt, %jit3A_2570, %sign3A_2579 : i32
    %sign3A_2581 = arith.extui %sign3A_2580 : i1 to i32
    %sign3A_2582 = arith.constant 0 : i32
    %sign3A_2583 = arith.cmpi slt, %jit3A_2570, %sign3A_2582 : i32
    %sign3A_2584 = arith.extui %sign3A_2583 : i1 to i32
    %sign3A_2585 = arith.subi %sign3A_2581, %sign3A_2584 : i32
    %ne3A_2586 = arith.cmpi ne, %sign3A_2578, %sign3A_2585 : i32
    %rem3A_2587 = arith.remsi %sub3A_2569, %jit3A_2570 : i32
    %ne3A_2588 = arith.constant 0 : i32
    %ne3A_2589 = arith.cmpi ne, %rem3A_2587, %ne3A_2588 : i32
    %and3A_2590 = arith.andi %ne3A_2586, %ne3A_2589 : i1
    %sub3A_2591 = arith.constant 1 : i32
    %sub3A_2592 = arith.subi %div3A_2571, %sub3A_2591 : i32
    %select_n3A_2593 = arith.select %and3A_2590, %sub3A_2592, %div3A_2571 : i32
    %add3A_2594 = arith.constant 3072 : i32
    %add3A_2595 = arith.addi %add3A_2594, %select_n3A_2593 : i32
    %dma_start3A_2596 = arith.constant 0 : i32
    %dma_start3A_2597 = arith.constant 0 : i32
    %dma_start3A_2598 = tpu.memref_slice %arg3[%add3A_2565, %dma_start3A_2596, %dma_start3A_2597] : memref<2048x512x128xf32, #tpu.memory_space<hbm>> -> memref<1x512x128xf32, #tpu.memory_space<hbm>>
    %dma_start3A_2599 = tpu.memref_squeeze %dma_start3A_2598 : memref<1x512x128xf32, #tpu.memory_space<hbm>> -> memref<512x128xf32, #tpu.memory_space<hbm>>
    %dma_start3A_2600 = arith.constant 0 : i32
    %dma_start3A_2601 = tpu.memref_slice %arg7[%add3A_2595, %dma_start3A_2600] : memref<4096x128xf32, #tpu.memory_space<vmem_shared>> -> memref<512x128xf32, #tpu.memory_space<vmem_shared>>
    tpu.enqueue_dma source(%dma_start3A_2601 : memref<512x128xf32, #tpu.memory_space<vmem_shared>>) target(%dma_start3A_2599 : memref<512x128xf32, #tpu.memory_space<hbm>>) target_semaphore(%arg8 : memref<!tpu.dma_semaphore, #tpu.memory_space<semaphore_mem>>)
    %add3A_2602 = arith.constant 53 : i32
    %add3A_2603 = arith.addi %mul3A_587, %add3A_2602 : i32
    %sub3A_2604 = arith.constant 2047 : i32
    %sub3A_2605 = arith.subi %sub3A_2604, %add3A_2603 : i32
    %sub3A_2606 = arith.constant 2 : i32
    %sub3A_2607 = arith.subi %sub3A_2605, %sub3A_2606 : i32
    %jit3A_2608 = arith.constant 4 : i32
    %div3A_2609 = arith.divsi %sub3A_2607, %jit3A_2608 : i32
    %sign3A_2610 = arith.constant 0 : i32
    %sign3A_2611 = arith.cmpi sgt, %sub3A_2607, %sign3A_2610 : i32
    %sign3A_2612 = arith.extui %sign3A_2611 : i1 to i32
    %sign3A_2613 = arith.constant 0 : i32
    %sign3A_2614 = arith.cmpi slt, %sub3A_2607, %sign3A_2613 : i32
    %sign3A_2615 = arith.extui %sign3A_2614 : i1 to i32
    %sign3A_2616 = arith.subi %sign3A_2612, %sign3A_2615 : i32
    %sign3A_2617 = arith.constant 0 : i32
    %sign3A_2618 = arith.cmpi sgt, %jit3A_2608, %sign3A_2617 : i32
    %sign3A_2619 = arith.extui %sign3A_2618 : i1 to i32
    %sign3A_2620 = arith.constant 0 : i32
    %sign3A_2621 = arith.cmpi slt, %jit3A_2608, %sign3A_2620 : i32
    %sign3A_2622 = arith.extui %sign3A_2621 : i1 to i32
    %sign3A_2623 = arith.subi %sign3A_2619, %sign3A_2622 : i32
    %ne3A_2624 = arith.cmpi ne, %sign3A_2616, %sign3A_2623 : i32
    %rem3A_2625 = arith.remsi %sub3A_2607, %jit3A_2608 : i32
    %ne3A_2626 = arith.constant 0 : i32
    %ne3A_2627 = arith.cmpi ne, %rem3A_2625, %ne3A_2626 : i32
    %and3A_2628 = arith.andi %ne3A_2624, %ne3A_2627 : i1
    %sub3A_2629 = arith.constant 1 : i32
    %sub3A_2630 = arith.subi %div3A_2609, %sub3A_2629 : i32
    %select_n3A_2631 = arith.select %and3A_2628, %sub3A_2630, %div3A_2609 : i32
    %add3A_2632 = arith.constant 2048 : i32
    %add3A_2633 = arith.addi %add3A_2632, %select_n3A_2631 : i32
    %dma_start3A_2634 = arith.constant 0 : i32
    %dma_start3A_2635 = arith.constant 0 : i32
    %dma_start3A_2636 = tpu.memref_slice %arg3[%add3A_2603, %dma_start3A_2634, %dma_start3A_2635] : memref<2048x512x128xf32, #tpu.memory_space<hbm>> -> memref<1x512x128xf32, #tpu.memory_space<hbm>>
    %dma_start3A_2637 = tpu.memref_squeeze %dma_start3A_2636 : memref<1x512x128xf32, #tpu.memory_space<hbm>> -> memref<512x128xf32, #tpu.memory_space<hbm>>
    %dma_start3A_2638 = arith.constant 0 : i32
    %dma_start3A_2639 = tpu.memref_slice %arg7[%add3A_2633, %dma_start3A_2638] : memref<4096x128xf32, #tpu.memory_space<vmem_shared>> -> memref<512x128xf32, #tpu.memory_space<vmem_shared>>
    tpu.enqueue_dma source(%dma_start3A_2639 : memref<512x128xf32, #tpu.memory_space<vmem_shared>>) target(%dma_start3A_2637 : memref<512x128xf32, #tpu.memory_space<hbm>>) target_semaphore(%arg8 : memref<!tpu.dma_semaphore, #tpu.memory_space<semaphore_mem>>)
    %add3A_2640 = arith.constant 54 : i32
    %add3A_2641 = arith.addi %mul3A_587, %add3A_2640 : i32
    %sub3A_2642 = arith.constant 2047 : i32
    %sub3A_2643 = arith.subi %sub3A_2642, %add3A_2641 : i32
    %sub3A_2644 = arith.constant 1 : i32
    %sub3A_2645 = arith.subi %sub3A_2643, %sub3A_2644 : i32
    %jit3A_2646 = arith.constant 4 : i32
    %div3A_2647 = arith.divsi %sub3A_2645, %jit3A_2646 : i32
    %sign3A_2648 = arith.constant 0 : i32
    %sign3A_2649 = arith.cmpi sgt, %sub3A_2645, %sign3A_2648 : i32
    %sign3A_2650 = arith.extui %sign3A_2649 : i1 to i32
    %sign3A_2651 = arith.constant 0 : i32
    %sign3A_2652 = arith.cmpi slt, %sub3A_2645, %sign3A_2651 : i32
    %sign3A_2653 = arith.extui %sign3A_2652 : i1 to i32
    %sign3A_2654 = arith.subi %sign3A_2650, %sign3A_2653 : i32
    %sign3A_2655 = arith.constant 0 : i32
    %sign3A_2656 = arith.cmpi sgt, %jit3A_2646, %sign3A_2655 : i32
    %sign3A_2657 = arith.extui %sign3A_2656 : i1 to i32
    %sign3A_2658 = arith.constant 0 : i32
    %sign3A_2659 = arith.cmpi slt, %jit3A_2646, %sign3A_2658 : i32
    %sign3A_2660 = arith.extui %sign3A_2659 : i1 to i32
    %sign3A_2661 = arith.subi %sign3A_2657, %sign3A_2660 : i32
    %ne3A_2662 = arith.cmpi ne, %sign3A_2654, %sign3A_2661 : i32
    %rem3A_2663 = arith.remsi %sub3A_2645, %jit3A_2646 : i32
    %ne3A_2664 = arith.constant 0 : i32
    %ne3A_2665 = arith.cmpi ne, %rem3A_2663, %ne3A_2664 : i32
    %and3A_2666 = arith.andi %ne3A_2662, %ne3A_2665 : i1
    %sub3A_2667 = arith.constant 1 : i32
    %sub3A_2668 = arith.subi %div3A_2647, %sub3A_2667 : i32
    %select_n3A_2669 = arith.select %and3A_2666, %sub3A_2668, %div3A_2647 : i32
    %add3A_2670 = arith.constant 1024 : i32
    %add3A_2671 = arith.addi %add3A_2670, %select_n3A_2669 : i32
    %dma_start3A_2672 = arith.constant 0 : i32
    %dma_start3A_2673 = arith.constant 0 : i32
    %dma_start3A_2674 = tpu.memref_slice %arg3[%add3A_2641, %dma_start3A_2672, %dma_start3A_2673] : memref<2048x512x128xf32, #tpu.memory_space<hbm>> -> memref<1x512x128xf32, #tpu.memory_space<hbm>>
    %dma_start3A_2675 = tpu.memref_squeeze %dma_start3A_2674 : memref<1x512x128xf32, #tpu.memory_space<hbm>> -> memref<512x128xf32, #tpu.memory_space<hbm>>
    %dma_start3A_2676 = arith.constant 0 : i32
    %dma_start3A_2677 = tpu.memref_slice %arg7[%add3A_2671, %dma_start3A_2676] : memref<4096x128xf32, #tpu.memory_space<vmem_shared>> -> memref<512x128xf32, #tpu.memory_space<vmem_shared>>
    tpu.enqueue_dma source(%dma_start3A_2677 : memref<512x128xf32, #tpu.memory_space<vmem_shared>>) target(%dma_start3A_2675 : memref<512x128xf32, #tpu.memory_space<hbm>>) target_semaphore(%arg8 : memref<!tpu.dma_semaphore, #tpu.memory_space<semaphore_mem>>)
    %add3A_2678 = arith.constant 55 : i32
    %add3A_2679 = arith.addi %mul3A_587, %add3A_2678 : i32
    %sub3A_2680 = arith.constant 2047 : i32
    %sub3A_2681 = arith.subi %sub3A_2680, %add3A_2679 : i32
    %sub3A_2682 = arith.constant 0 : i32
    %sub3A_2683 = arith.subi %sub3A_2681, %sub3A_2682 : i32
    %jit3A_2684 = arith.constant 4 : i32
    %div3A_2685 = arith.divsi %sub3A_2683, %jit3A_2684 : i32
    %sign3A_2686 = arith.constant 0 : i32
    %sign3A_2687 = arith.cmpi sgt, %sub3A_2683, %sign3A_2686 : i32
    %sign3A_2688 = arith.extui %sign3A_2687 : i1 to i32
    %sign3A_2689 = arith.constant 0 : i32
    %sign3A_2690 = arith.cmpi slt, %sub3A_2683, %sign3A_2689 : i32
    %sign3A_2691 = arith.extui %sign3A_2690 : i1 to i32
    %sign3A_2692 = arith.subi %sign3A_2688, %sign3A_2691 : i32
    %sign3A_2693 = arith.constant 0 : i32
    %sign3A_2694 = arith.cmpi sgt, %jit3A_2684, %sign3A_2693 : i32
    %sign3A_2695 = arith.extui %sign3A_2694 : i1 to i32
    %sign3A_2696 = arith.constant 0 : i32
    %sign3A_2697 = arith.cmpi slt, %jit3A_2684, %sign3A_2696 : i32
    %sign3A_2698 = arith.extui %sign3A_2697 : i1 to i32
    %sign3A_2699 = arith.subi %sign3A_2695, %sign3A_2698 : i32
    %ne3A_2700 = arith.cmpi ne, %sign3A_2692, %sign3A_2699 : i32
    %rem3A_2701 = arith.remsi %sub3A_2683, %jit3A_2684 : i32
    %ne3A_2702 = arith.constant 0 : i32
    %ne3A_2703 = arith.cmpi ne, %rem3A_2701, %ne3A_2702 : i32
    %and3A_2704 = arith.andi %ne3A_2700, %ne3A_2703 : i1
    %sub3A_2705 = arith.constant 1 : i32
    %sub3A_2706 = arith.subi %div3A_2685, %sub3A_2705 : i32
    %select_n3A_2707 = arith.select %and3A_2704, %sub3A_2706, %div3A_2685 : i32
    %add3A_2708 = arith.constant 0 : i32
    %add3A_2709 = arith.addi %add3A_2708, %select_n3A_2707 : i32
    %dma_start3A_2710 = arith.constant 0 : i32
    %dma_start3A_2711 = arith.constant 0 : i32
    %dma_start3A_2712 = tpu.memref_slice %arg3[%add3A_2679, %dma_start3A_2710, %dma_start3A_2711] : memref<2048x512x128xf32, #tpu.memory_space<hbm>> -> memref<1x512x128xf32, #tpu.memory_space<hbm>>
    %dma_start3A_2713 = tpu.memref_squeeze %dma_start3A_2712 : memref<1x512x128xf32, #tpu.memory_space<hbm>> -> memref<512x128xf32, #tpu.memory_space<hbm>>
    %dma_start3A_2714 = arith.constant 0 : i32
    %dma_start3A_2715 = tpu.memref_slice %arg7[%add3A_2709, %dma_start3A_2714] : memref<4096x128xf32, #tpu.memory_space<vmem_shared>> -> memref<512x128xf32, #tpu.memory_space<vmem_shared>>
    tpu.enqueue_dma source(%dma_start3A_2715 : memref<512x128xf32, #tpu.memory_space<vmem_shared>>) target(%dma_start3A_2713 : memref<512x128xf32, #tpu.memory_space<hbm>>) target_semaphore(%arg8 : memref<!tpu.dma_semaphore, #tpu.memory_space<semaphore_mem>>)
    %add3A_2716 = arith.constant 56 : i32
    %add3A_2717 = arith.addi %mul3A_587, %add3A_2716 : i32
    %sub3A_2718 = arith.constant 2047 : i32
    %sub3A_2719 = arith.subi %sub3A_2718, %add3A_2717 : i32
    %sub3A_2720 = arith.constant 3 : i32
    %sub3A_2721 = arith.subi %sub3A_2719, %sub3A_2720 : i32
    %jit3A_2722 = arith.constant 4 : i32
    %div3A_2723 = arith.divsi %sub3A_2721, %jit3A_2722 : i32
    %sign3A_2724 = arith.constant 0 : i32
    %sign3A_2725 = arith.cmpi sgt, %sub3A_2721, %sign3A_2724 : i32
    %sign3A_2726 = arith.extui %sign3A_2725 : i1 to i32
    %sign3A_2727 = arith.constant 0 : i32
    %sign3A_2728 = arith.cmpi slt, %sub3A_2721, %sign3A_2727 : i32
    %sign3A_2729 = arith.extui %sign3A_2728 : i1 to i32
    %sign3A_2730 = arith.subi %sign3A_2726, %sign3A_2729 : i32
    %sign3A_2731 = arith.constant 0 : i32
    %sign3A_2732 = arith.cmpi sgt, %jit3A_2722, %sign3A_2731 : i32
    %sign3A_2733 = arith.extui %sign3A_2732 : i1 to i32
    %sign3A_2734 = arith.constant 0 : i32
    %sign3A_2735 = arith.cmpi slt, %jit3A_2722, %sign3A_2734 : i32
    %sign3A_2736 = arith.extui %sign3A_2735 : i1 to i32
    %sign3A_2737 = arith.subi %sign3A_2733, %sign3A_2736 : i32
    %ne3A_2738 = arith.cmpi ne, %sign3A_2730, %sign3A_2737 : i32
    %rem3A_2739 = arith.remsi %sub3A_2721, %jit3A_2722 : i32
    %ne3A_2740 = arith.constant 0 : i32
    %ne3A_2741 = arith.cmpi ne, %rem3A_2739, %ne3A_2740 : i32
    %and3A_2742 = arith.andi %ne3A_2738, %ne3A_2741 : i1
    %sub3A_2743 = arith.constant 1 : i32
    %sub3A_2744 = arith.subi %div3A_2723, %sub3A_2743 : i32
    %select_n3A_2745 = arith.select %and3A_2742, %sub3A_2744, %div3A_2723 : i32
    %add3A_2746 = arith.constant 3072 : i32
    %add3A_2747 = arith.addi %add3A_2746, %select_n3A_2745 : i32
    %dma_start3A_2748 = arith.constant 0 : i32
    %dma_start3A_2749 = arith.constant 0 : i32
    %dma_start3A_2750 = tpu.memref_slice %arg3[%add3A_2717, %dma_start3A_2748, %dma_start3A_2749] : memref<2048x512x128xf32, #tpu.memory_space<hbm>> -> memref<1x512x128xf32, #tpu.memory_space<hbm>>
    %dma_start3A_2751 = tpu.memref_squeeze %dma_start3A_2750 : memref<1x512x128xf32, #tpu.memory_space<hbm>> -> memref<512x128xf32, #tpu.memory_space<hbm>>
    %dma_start3A_2752 = arith.constant 0 : i32
    %dma_start3A_2753 = tpu.memref_slice %arg7[%add3A_2747, %dma_start3A_2752] : memref<4096x128xf32, #tpu.memory_space<vmem_shared>> -> memref<512x128xf32, #tpu.memory_space<vmem_shared>>
    tpu.enqueue_dma source(%dma_start3A_2753 : memref<512x128xf32, #tpu.memory_space<vmem_shared>>) target(%dma_start3A_2751 : memref<512x128xf32, #tpu.memory_space<hbm>>) target_semaphore(%arg8 : memref<!tpu.dma_semaphore, #tpu.memory_space<semaphore_mem>>)
    %add3A_2754 = arith.constant 57 : i32
    %add3A_2755 = arith.addi %mul3A_587, %add3A_2754 : i32
    %sub3A_2756 = arith.constant 2047 : i32
    %sub3A_2757 = arith.subi %sub3A_2756, %add3A_2755 : i32
    %sub3A_2758 = arith.constant 2 : i32
    %sub3A_2759 = arith.subi %sub3A_2757, %sub3A_2758 : i32
    %jit3A_2760 = arith.constant 4 : i32
    %div3A_2761 = arith.divsi %sub3A_2759, %jit3A_2760 : i32
    %sign3A_2762 = arith.constant 0 : i32
    %sign3A_2763 = arith.cmpi sgt, %sub3A_2759, %sign3A_2762 : i32
    %sign3A_2764 = arith.extui %sign3A_2763 : i1 to i32
    %sign3A_2765 = arith.constant 0 : i32
    %sign3A_2766 = arith.cmpi slt, %sub3A_2759, %sign3A_2765 : i32
    %sign3A_2767 = arith.extui %sign3A_2766 : i1 to i32
    %sign3A_2768 = arith.subi %sign3A_2764, %sign3A_2767 : i32
    %sign3A_2769 = arith.constant 0 : i32
    %sign3A_2770 = arith.cmpi sgt, %jit3A_2760, %sign3A_2769 : i32
    %sign3A_2771 = arith.extui %sign3A_2770 : i1 to i32
    %sign3A_2772 = arith.constant 0 : i32
    %sign3A_2773 = arith.cmpi slt, %jit3A_2760, %sign3A_2772 : i32
    %sign3A_2774 = arith.extui %sign3A_2773 : i1 to i32
    %sign3A_2775 = arith.subi %sign3A_2771, %sign3A_2774 : i32
    %ne3A_2776 = arith.cmpi ne, %sign3A_2768, %sign3A_2775 : i32
    %rem3A_2777 = arith.remsi %sub3A_2759, %jit3A_2760 : i32
    %ne3A_2778 = arith.constant 0 : i32
    %ne3A_2779 = arith.cmpi ne, %rem3A_2777, %ne3A_2778 : i32
    %and3A_2780 = arith.andi %ne3A_2776, %ne3A_2779 : i1
    %sub3A_2781 = arith.constant 1 : i32
    %sub3A_2782 = arith.subi %div3A_2761, %sub3A_2781 : i32
    %select_n3A_2783 = arith.select %and3A_2780, %sub3A_2782, %div3A_2761 : i32
    %add3A_2784 = arith.constant 2048 : i32
    %add3A_2785 = arith.addi %add3A_2784, %select_n3A_2783 : i32
    %dma_start3A_2786 = arith.constant 0 : i32
    %dma_start3A_2787 = arith.constant 0 : i32
    %dma_start3A_2788 = tpu.memref_slice %arg3[%add3A_2755, %dma_start3A_2786, %dma_start3A_2787] : memref<2048x512x128xf32, #tpu.memory_space<hbm>> -> memref<1x512x128xf32, #tpu.memory_space<hbm>>
    %dma_start3A_2789 = tpu.memref_squeeze %dma_start3A_2788 : memref<1x512x128xf32, #tpu.memory_space<hbm>> -> memref<512x128xf32, #tpu.memory_space<hbm>>
    %dma_start3A_2790 = arith.constant 0 : i32
    %dma_start3A_2791 = tpu.memref_slice %arg7[%add3A_2785, %dma_start3A_2790] : memref<4096x128xf32, #tpu.memory_space<vmem_shared>> -> memref<512x128xf32, #tpu.memory_space<vmem_shared>>
    tpu.enqueue_dma source(%dma_start3A_2791 : memref<512x128xf32, #tpu.memory_space<vmem_shared>>) target(%dma_start3A_2789 : memref<512x128xf32, #tpu.memory_space<hbm>>) target_semaphore(%arg8 : memref<!tpu.dma_semaphore, #tpu.memory_space<semaphore_mem>>)
    %add3A_2792 = arith.constant 58 : i32
    %add3A_2793 = arith.addi %mul3A_587, %add3A_2792 : i32
    %sub3A_2794 = arith.constant 2047 : i32
    %sub3A_2795 = arith.subi %sub3A_2794, %add3A_2793 : i32
    %sub3A_2796 = arith.constant 1 : i32
    %sub3A_2797 = arith.subi %sub3A_2795, %sub3A_2796 : i32
    %jit3A_2798 = arith.constant 4 : i32
    %div3A_2799 = arith.divsi %sub3A_2797, %jit3A_2798 : i32
    %sign3A_2800 = arith.constant 0 : i32
    %sign3A_2801 = arith.cmpi sgt, %sub3A_2797, %sign3A_2800 : i32
    %sign3A_2802 = arith.extui %sign3A_2801 : i1 to i32
    %sign3A_2803 = arith.constant 0 : i32
    %sign3A_2804 = arith.cmpi slt, %sub3A_2797, %sign3A_2803 : i32
    %sign3A_2805 = arith.extui %sign3A_2804 : i1 to i32
    %sign3A_2806 = arith.subi %sign3A_2802, %sign3A_2805 : i32
    %sign3A_2807 = arith.constant 0 : i32
    %sign3A_2808 = arith.cmpi sgt, %jit3A_2798, %sign3A_2807 : i32
    %sign3A_2809 = arith.extui %sign3A_2808 : i1 to i32
    %sign3A_2810 = arith.constant 0 : i32
    %sign3A_2811 = arith.cmpi slt, %jit3A_2798, %sign3A_2810 : i32
    %sign3A_2812 = arith.extui %sign3A_2811 : i1 to i32
    %sign3A_2813 = arith.subi %sign3A_2809, %sign3A_2812 : i32
    %ne3A_2814 = arith.cmpi ne, %sign3A_2806, %sign3A_2813 : i32
    %rem3A_2815 = arith.remsi %sub3A_2797, %jit3A_2798 : i32
    %ne3A_2816 = arith.constant 0 : i32
    %ne3A_2817 = arith.cmpi ne, %rem3A_2815, %ne3A_2816 : i32
    %and3A_2818 = arith.andi %ne3A_2814, %ne3A_2817 : i1
    %sub3A_2819 = arith.constant 1 : i32
    %sub3A_2820 = arith.subi %div3A_2799, %sub3A_2819 : i32
    %select_n3A_2821 = arith.select %and3A_2818, %sub3A_2820, %div3A_2799 : i32
    %add3A_2822 = arith.constant 1024 : i32
    %add3A_2823 = arith.addi %add3A_2822, %select_n3A_2821 : i32
    %dma_start3A_2824 = arith.constant 0 : i32
    %dma_start3A_2825 = arith.constant 0 : i32
    %dma_start3A_2826 = tpu.memref_slice %arg3[%add3A_2793, %dma_start3A_2824, %dma_start3A_2825] : memref<2048x512x128xf32, #tpu.memory_space<hbm>> -> memref<1x512x128xf32, #tpu.memory_space<hbm>>
    %dma_start3A_2827 = tpu.memref_squeeze %dma_start3A_2826 : memref<1x512x128xf32, #tpu.memory_space<hbm>> -> memref<512x128xf32, #tpu.memory_space<hbm>>
    %dma_start3A_2828 = arith.constant 0 : i32
    %dma_start3A_2829 = tpu.memref_slice %arg7[%add3A_2823, %dma_start3A_2828] : memref<4096x128xf32, #tpu.memory_space<vmem_shared>> -> memref<512x128xf32, #tpu.memory_space<vmem_shared>>
    tpu.enqueue_dma source(%dma_start3A_2829 : memref<512x128xf32, #tpu.memory_space<vmem_shared>>) target(%dma_start3A_2827 : memref<512x128xf32, #tpu.memory_space<hbm>>) target_semaphore(%arg8 : memref<!tpu.dma_semaphore, #tpu.memory_space<semaphore_mem>>)
    %add3A_2830 = arith.constant 59 : i32
    %add3A_2831 = arith.addi %mul3A_587, %add3A_2830 : i32
    %sub3A_2832 = arith.constant 2047 : i32
    %sub3A_2833 = arith.subi %sub3A_2832, %add3A_2831 : i32
    %sub3A_2834 = arith.constant 0 : i32
    %sub3A_2835 = arith.subi %sub3A_2833, %sub3A_2834 : i32
    %jit3A_2836 = arith.constant 4 : i32
    %div3A_2837 = arith.divsi %sub3A_2835, %jit3A_2836 : i32
    %sign3A_2838 = arith.constant 0 : i32
    %sign3A_2839 = arith.cmpi sgt, %sub3A_2835, %sign3A_2838 : i32
    %sign3A_2840 = arith.extui %sign3A_2839 : i1 to i32
    %sign3A_2841 = arith.constant 0 : i32
    %sign3A_2842 = arith.cmpi slt, %sub3A_2835, %sign3A_2841 : i32
    %sign3A_2843 = arith.extui %sign3A_2842 : i1 to i32
    %sign3A_2844 = arith.subi %sign3A_2840, %sign3A_2843 : i32
    %sign3A_2845 = arith.constant 0 : i32
    %sign3A_2846 = arith.cmpi sgt, %jit3A_2836, %sign3A_2845 : i32
    %sign3A_2847 = arith.extui %sign3A_2846 : i1 to i32
    %sign3A_2848 = arith.constant 0 : i32
    %sign3A_2849 = arith.cmpi slt, %jit3A_2836, %sign3A_2848 : i32
    %sign3A_2850 = arith.extui %sign3A_2849 : i1 to i32
    %sign3A_2851 = arith.subi %sign3A_2847, %sign3A_2850 : i32
    %ne3A_2852 = arith.cmpi ne, %sign3A_2844, %sign3A_2851 : i32
    %rem3A_2853 = arith.remsi %sub3A_2835, %jit3A_2836 : i32
    %ne3A_2854 = arith.constant 0 : i32
    %ne3A_2855 = arith.cmpi ne, %rem3A_2853, %ne3A_2854 : i32
    %and3A_2856 = arith.andi %ne3A_2852, %ne3A_2855 : i1
    %sub3A_2857 = arith.constant 1 : i32
    %sub3A_2858 = arith.subi %div3A_2837, %sub3A_2857 : i32
    %select_n3A_2859 = arith.select %and3A_2856, %sub3A_2858, %div3A_2837 : i32
    %add3A_2860 = arith.constant 0 : i32
    %add3A_2861 = arith.addi %add3A_2860, %select_n3A_2859 : i32
    %dma_start3A_2862 = arith.constant 0 : i32
    %dma_start3A_2863 = arith.constant 0 : i32
    %dma_start3A_2864 = tpu.memref_slice %arg3[%add3A_2831, %dma_start3A_2862, %dma_start3A_2863] : memref<2048x512x128xf32, #tpu.memory_space<hbm>> -> memref<1x512x128xf32, #tpu.memory_space<hbm>>
    %dma_start3A_2865 = tpu.memref_squeeze %dma_start3A_2864 : memref<1x512x128xf32, #tpu.memory_space<hbm>> -> memref<512x128xf32, #tpu.memory_space<hbm>>
    %dma_start3A_2866 = arith.constant 0 : i32
    %dma_start3A_2867 = tpu.memref_slice %arg7[%add3A_2861, %dma_start3A_2866] : memref<4096x128xf32, #tpu.memory_space<vmem_shared>> -> memref<512x128xf32, #tpu.memory_space<vmem_shared>>
    tpu.enqueue_dma source(%dma_start3A_2867 : memref<512x128xf32, #tpu.memory_space<vmem_shared>>) target(%dma_start3A_2865 : memref<512x128xf32, #tpu.memory_space<hbm>>) target_semaphore(%arg8 : memref<!tpu.dma_semaphore, #tpu.memory_space<semaphore_mem>>)
    %add3A_2868 = arith.constant 60 : i32
    %add3A_2869 = arith.addi %mul3A_587, %add3A_2868 : i32
    %sub3A_2870 = arith.constant 2047 : i32
    %sub3A_2871 = arith.subi %sub3A_2870, %add3A_2869 : i32
    %sub3A_2872 = arith.constant 3 : i32
    %sub3A_2873 = arith.subi %sub3A_2871, %sub3A_2872 : i32
    %jit3A_2874 = arith.constant 4 : i32
    %div3A_2875 = arith.divsi %sub3A_2873, %jit3A_2874 : i32
    %sign3A_2876 = arith.constant 0 : i32
    %sign3A_2877 = arith.cmpi sgt, %sub3A_2873, %sign3A_2876 : i32
    %sign3A_2878 = arith.extui %sign3A_2877 : i1 to i32
    %sign3A_2879 = arith.constant 0 : i32
    %sign3A_2880 = arith.cmpi slt, %sub3A_2873, %sign3A_2879 : i32
    %sign3A_2881 = arith.extui %sign3A_2880 : i1 to i32
    %sign3A_2882 = arith.subi %sign3A_2878, %sign3A_2881 : i32
    %sign3A_2883 = arith.constant 0 : i32
    %sign3A_2884 = arith.cmpi sgt, %jit3A_2874, %sign3A_2883 : i32
    %sign3A_2885 = arith.extui %sign3A_2884 : i1 to i32
    %sign3A_2886 = arith.constant 0 : i32
    %sign3A_2887 = arith.cmpi slt, %jit3A_2874, %sign3A_2886 : i32
    %sign3A_2888 = arith.extui %sign3A_2887 : i1 to i32
    %sign3A_2889 = arith.subi %sign3A_2885, %sign3A_2888 : i32
    %ne3A_2890 = arith.cmpi ne, %sign3A_2882, %sign3A_2889 : i32
    %rem3A_2891 = arith.remsi %sub3A_2873, %jit3A_2874 : i32
    %ne3A_2892 = arith.constant 0 : i32
    %ne3A_2893 = arith.cmpi ne, %rem3A_2891, %ne3A_2892 : i32
    %and3A_2894 = arith.andi %ne3A_2890, %ne3A_2893 : i1
    %sub3A_2895 = arith.constant 1 : i32
    %sub3A_2896 = arith.subi %div3A_2875, %sub3A_2895 : i32
    %select_n3A_2897 = arith.select %and3A_2894, %sub3A_2896, %div3A_2875 : i32
    %add3A_2898 = arith.constant 3072 : i32
    %add3A_2899 = arith.addi %add3A_2898, %select_n3A_2897 : i32
    %dma_start3A_2900 = arith.constant 0 : i32
    %dma_start3A_2901 = arith.constant 0 : i32
    %dma_start3A_2902 = tpu.memref_slice %arg3[%add3A_2869, %dma_start3A_2900, %dma_start3A_2901] : memref<2048x512x128xf32, #tpu.memory_space<hbm>> -> memref<1x512x128xf32, #tpu.memory_space<hbm>>
    %dma_start3A_2903 = tpu.memref_squeeze %dma_start3A_2902 : memref<1x512x128xf32, #tpu.memory_space<hbm>> -> memref<512x128xf32, #tpu.memory_space<hbm>>
    %dma_start3A_2904 = arith.constant 0 : i32
    %dma_start3A_2905 = tpu.memref_slice %arg7[%add3A_2899, %dma_start3A_2904] : memref<4096x128xf32, #tpu.memory_space<vmem_shared>> -> memref<512x128xf32, #tpu.memory_space<vmem_shared>>
    tpu.enqueue_dma source(%dma_start3A_2905 : memref<512x128xf32, #tpu.memory_space<vmem_shared>>) target(%dma_start3A_2903 : memref<512x128xf32, #tpu.memory_space<hbm>>) target_semaphore(%arg8 : memref<!tpu.dma_semaphore, #tpu.memory_space<semaphore_mem>>)
    %add3A_2906 = arith.constant 61 : i32
    %add3A_2907 = arith.addi %mul3A_587, %add3A_2906 : i32
    %sub3A_2908 = arith.constant 2047 : i32
    %sub3A_2909 = arith.subi %sub3A_2908, %add3A_2907 : i32
    %sub3A_2910 = arith.constant 2 : i32
    %sub3A_2911 = arith.subi %sub3A_2909, %sub3A_2910 : i32
    %jit3A_2912 = arith.constant 4 : i32
    %div3A_2913 = arith.divsi %sub3A_2911, %jit3A_2912 : i32
    %sign3A_2914 = arith.constant 0 : i32
    %sign3A_2915 = arith.cmpi sgt, %sub3A_2911, %sign3A_2914 : i32
    %sign3A_2916 = arith.extui %sign3A_2915 : i1 to i32
    %sign3A_2917 = arith.constant 0 : i32
    %sign3A_2918 = arith.cmpi slt, %sub3A_2911, %sign3A_2917 : i32
    %sign3A_2919 = arith.extui %sign3A_2918 : i1 to i32
    %sign3A_2920 = arith.subi %sign3A_2916, %sign3A_2919 : i32
    %sign3A_2921 = arith.constant 0 : i32
    %sign3A_2922 = arith.cmpi sgt, %jit3A_2912, %sign3A_2921 : i32
    %sign3A_2923 = arith.extui %sign3A_2922 : i1 to i32
    %sign3A_2924 = arith.constant 0 : i32
    %sign3A_2925 = arith.cmpi slt, %jit3A_2912, %sign3A_2924 : i32
    %sign3A_2926 = arith.extui %sign3A_2925 : i1 to i32
    %sign3A_2927 = arith.subi %sign3A_2923, %sign3A_2926 : i32
    %ne3A_2928 = arith.cmpi ne, %sign3A_2920, %sign3A_2927 : i32
    %rem3A_2929 = arith.remsi %sub3A_2911, %jit3A_2912 : i32
    %ne3A_2930 = arith.constant 0 : i32
    %ne3A_2931 = arith.cmpi ne, %rem3A_2929, %ne3A_2930 : i32
    %and3A_2932 = arith.andi %ne3A_2928, %ne3A_2931 : i1
    %sub3A_2933 = arith.constant 1 : i32
    %sub3A_2934 = arith.subi %div3A_2913, %sub3A_2933 : i32
    %select_n3A_2935 = arith.select %and3A_2932, %sub3A_2934, %div3A_2913 : i32
    %add3A_2936 = arith.constant 2048 : i32
    %add3A_2937 = arith.addi %add3A_2936, %select_n3A_2935 : i32
    %dma_start3A_2938 = arith.constant 0 : i32
    %dma_start3A_2939 = arith.constant 0 : i32
    %dma_start3A_2940 = tpu.memref_slice %arg3[%add3A_2907, %dma_start3A_2938, %dma_start3A_2939] : memref<2048x512x128xf32, #tpu.memory_space<hbm>> -> memref<1x512x128xf32, #tpu.memory_space<hbm>>
    %dma_start3A_2941 = tpu.memref_squeeze %dma_start3A_2940 : memref<1x512x128xf32, #tpu.memory_space<hbm>> -> memref<512x128xf32, #tpu.memory_space<hbm>>
    %dma_start3A_2942 = arith.constant 0 : i32
    %dma_start3A_2943 = tpu.memref_slice %arg7[%add3A_2937, %dma_start3A_2942] : memref<4096x128xf32, #tpu.memory_space<vmem_shared>> -> memref<512x128xf32, #tpu.memory_space<vmem_shared>>
    tpu.enqueue_dma source(%dma_start3A_2943 : memref<512x128xf32, #tpu.memory_space<vmem_shared>>) target(%dma_start3A_2941 : memref<512x128xf32, #tpu.memory_space<hbm>>) target_semaphore(%arg8 : memref<!tpu.dma_semaphore, #tpu.memory_space<semaphore_mem>>)
    %add3A_2944 = arith.constant 62 : i32
    %add3A_2945 = arith.addi %mul3A_587, %add3A_2944 : i32
    %sub3A_2946 = arith.constant 2047 : i32
    %sub3A_2947 = arith.subi %sub3A_2946, %add3A_2945 : i32
    %sub3A_2948 = arith.constant 1 : i32
    %sub3A_2949 = arith.subi %sub3A_2947, %sub3A_2948 : i32
    %jit3A_2950 = arith.constant 4 : i32
    %div3A_2951 = arith.divsi %sub3A_2949, %jit3A_2950 : i32
    %sign3A_2952 = arith.constant 0 : i32
    %sign3A_2953 = arith.cmpi sgt, %sub3A_2949, %sign3A_2952 : i32
    %sign3A_2954 = arith.extui %sign3A_2953 : i1 to i32
    %sign3A_2955 = arith.constant 0 : i32
    %sign3A_2956 = arith.cmpi slt, %sub3A_2949, %sign3A_2955 : i32
    %sign3A_2957 = arith.extui %sign3A_2956 : i1 to i32
    %sign3A_2958 = arith.subi %sign3A_2954, %sign3A_2957 : i32
    %sign3A_2959 = arith.constant 0 : i32
    %sign3A_2960 = arith.cmpi sgt, %jit3A_2950, %sign3A_2959 : i32
    %sign3A_2961 = arith.extui %sign3A_2960 : i1 to i32
    %sign3A_2962 = arith.constant 0 : i32
    %sign3A_2963 = arith.cmpi slt, %jit3A_2950, %sign3A_2962 : i32
    %sign3A_2964 = arith.extui %sign3A_2963 : i1 to i32
    %sign3A_2965 = arith.subi %sign3A_2961, %sign3A_2964 : i32
    %ne3A_2966 = arith.cmpi ne, %sign3A_2958, %sign3A_2965 : i32
    %rem3A_2967 = arith.remsi %sub3A_2949, %jit3A_2950 : i32
    %ne3A_2968 = arith.constant 0 : i32
    %ne3A_2969 = arith.cmpi ne, %rem3A_2967, %ne3A_2968 : i32
    %and3A_2970 = arith.andi %ne3A_2966, %ne3A_2969 : i1
    %sub3A_2971 = arith.constant 1 : i32
    %sub3A_2972 = arith.subi %div3A_2951, %sub3A_2971 : i32
    %select_n3A_2973 = arith.select %and3A_2970, %sub3A_2972, %div3A_2951 : i32
    %add3A_2974 = arith.constant 1024 : i32
    %add3A_2975 = arith.addi %add3A_2974, %select_n3A_2973 : i32
    %dma_start3A_2976 = arith.constant 0 : i32
    %dma_start3A_2977 = arith.constant 0 : i32
    %dma_start3A_2978 = tpu.memref_slice %arg3[%add3A_2945, %dma_start3A_2976, %dma_start3A_2977] : memref<2048x512x128xf32, #tpu.memory_space<hbm>> -> memref<1x512x128xf32, #tpu.memory_space<hbm>>
    %dma_start3A_2979 = tpu.memref_squeeze %dma_start3A_2978 : memref<1x512x128xf32, #tpu.memory_space<hbm>> -> memref<512x128xf32, #tpu.memory_space<hbm>>
    %dma_start3A_2980 = arith.constant 0 : i32
    %dma_start3A_2981 = tpu.memref_slice %arg7[%add3A_2975, %dma_start3A_2980] : memref<4096x128xf32, #tpu.memory_space<vmem_shared>> -> memref<512x128xf32, #tpu.memory_space<vmem_shared>>
    tpu.enqueue_dma source(%dma_start3A_2981 : memref<512x128xf32, #tpu.memory_space<vmem_shared>>) target(%dma_start3A_2979 : memref<512x128xf32, #tpu.memory_space<hbm>>) target_semaphore(%arg8 : memref<!tpu.dma_semaphore, #tpu.memory_space<semaphore_mem>>)
    %add3A_2982 = arith.constant 63 : i32
    %add3A_2983 = arith.addi %mul3A_587, %add3A_2982 : i32
    %sub3A_2984 = arith.constant 2047 : i32
    %sub3A_2985 = arith.subi %sub3A_2984, %add3A_2983 : i32
    %sub3A_2986 = arith.constant 0 : i32
    %sub3A_2987 = arith.subi %sub3A_2985, %sub3A_2986 : i32
    %jit3A_2988 = arith.constant 4 : i32
    %div3A_2989 = arith.divsi %sub3A_2987, %jit3A_2988 : i32
    %sign3A_2990 = arith.constant 0 : i32
    %sign3A_2991 = arith.cmpi sgt, %sub3A_2987, %sign3A_2990 : i32
    %sign3A_2992 = arith.extui %sign3A_2991 : i1 to i32
    %sign3A_2993 = arith.constant 0 : i32
    %sign3A_2994 = arith.cmpi slt, %sub3A_2987, %sign3A_2993 : i32
    %sign3A_2995 = arith.extui %sign3A_2994 : i1 to i32
    %sign3A_2996 = arith.subi %sign3A_2992, %sign3A_2995 : i32
    %sign3A_2997 = arith.constant 0 : i32
    %sign3A_2998 = arith.cmpi sgt, %jit3A_2988, %sign3A_2997 : i32
    %sign3A_2999 = arith.extui %sign3A_2998 : i1 to i32
    %sign3A_3000 = arith.constant 0 : i32
    %sign3A_3001 = arith.cmpi slt, %jit3A_2988, %sign3A_3000 : i32
    %sign3A_3002 = arith.extui %sign3A_3001 : i1 to i32
    %sign3A_3003 = arith.subi %sign3A_2999, %sign3A_3002 : i32
    %ne3A_3004 = arith.cmpi ne, %sign3A_2996, %sign3A_3003 : i32
    %rem3A_3005 = arith.remsi %sub3A_2987, %jit3A_2988 : i32
    %ne3A_3006 = arith.constant 0 : i32
    %ne3A_3007 = arith.cmpi ne, %rem3A_3005, %ne3A_3006 : i32
    %and3A_3008 = arith.andi %ne3A_3004, %ne3A_3007 : i1
    %sub3A_3009 = arith.constant 1 : i32
    %sub3A_3010 = arith.subi %div3A_2989, %sub3A_3009 : i32
    %select_n3A_3011 = arith.select %and3A_3008, %sub3A_3010, %div3A_2989 : i32
    %add3A_3012 = arith.constant 0 : i32
    %add3A_3013 = arith.addi %add3A_3012, %select_n3A_3011 : i32
    %dma_start3A_3014 = arith.constant 0 : i32
    %dma_start3A_3015 = arith.constant 0 : i32
    %dma_start3A_3016 = tpu.memref_slice %arg3[%add3A_2983, %dma_start3A_3014, %dma_start3A_3015] : memref<2048x512x128xf32, #tpu.memory_space<hbm>> -> memref<1x512x128xf32, #tpu.memory_space<hbm>>
    %dma_start3A_3017 = tpu.memref_squeeze %dma_start3A_3016 : memref<1x512x128xf32, #tpu.memory_space<hbm>> -> memref<512x128xf32, #tpu.memory_space<hbm>>
    %dma_start3A_3018 = arith.constant 0 : i32
    %dma_start3A_3019 = tpu.memref_slice %arg7[%add3A_3013, %dma_start3A_3018] : memref<4096x128xf32, #tpu.memory_space<vmem_shared>> -> memref<512x128xf32, #tpu.memory_space<vmem_shared>>
    tpu.enqueue_dma source(%dma_start3A_3019 : memref<512x128xf32, #tpu.memory_space<vmem_shared>>) target(%dma_start3A_3017 : memref<512x128xf32, #tpu.memory_space<hbm>>) target_semaphore(%arg8 : memref<!tpu.dma_semaphore, #tpu.memory_space<semaphore_mem>>)
    %dma_wait3A_3020 = arith.constant 0 : i32
    %dma_wait3A_3021 = arith.constant 0 : i32
    %dma_wait3A_3022 = tpu.memref_slice %arg3[%add3A_589, %dma_wait3A_3020, %dma_wait3A_3021] : memref<2048x512x128xf32, #tpu.memory_space<hbm>> -> memref<1x512x128xf32, #tpu.memory_space<hbm>>
    %dma_wait3A_3023 = tpu.memref_squeeze %dma_wait3A_3022 : memref<1x512x128xf32, #tpu.memory_space<hbm>> -> memref<512x128xf32, #tpu.memory_space<hbm>>
    %dma_wait3A_3024 = arith.constant 0 : i32
    %dma_wait3A_3025 = tpu.memref_slice %arg7[%add3A_619, %dma_wait3A_3024] : memref<4096x128xf32, #tpu.memory_space<vmem_shared>> -> memref<512x128xf32, #tpu.memory_space<vmem_shared>>
    tpu.wait_dma2 semaphore(%arg8 : memref<!tpu.dma_semaphore, #tpu.memory_space<semaphore_mem>>) src(%dma_wait3A_3025 : memref<512x128xf32, #tpu.memory_space<vmem_shared>>) dst(%dma_wait3A_3023 : memref<512x128xf32, #tpu.memory_space<hbm>>)
    %dma_wait3A_3026 = arith.constant 0 : i32
    %dma_wait3A_3027 = arith.constant 0 : i32
    %dma_wait3A_3028 = tpu.memref_slice %arg3[%add3A_627, %dma_wait3A_3026, %dma_wait3A_3027] : memref<2048x512x128xf32, #tpu.memory_space<hbm>> -> memref<1x512x128xf32, #tpu.memory_space<hbm>>
    %dma_wait3A_3029 = tpu.memref_squeeze %dma_wait3A_3028 : memref<1x512x128xf32, #tpu.memory_space<hbm>> -> memref<512x128xf32, #tpu.memory_space<hbm>>
    %dma_wait3A_3030 = arith.constant 0 : i32
    %dma_wait3A_3031 = tpu.memref_slice %arg7[%add3A_657, %dma_wait3A_3030] : memref<4096x128xf32, #tpu.memory_space<vmem_shared>> -> memref<512x128xf32, #tpu.memory_space<vmem_shared>>
    tpu.wait_dma2 semaphore(%arg8 : memref<!tpu.dma_semaphore, #tpu.memory_space<semaphore_mem>>) src(%dma_wait3A_3031 : memref<512x128xf32, #tpu.memory_space<vmem_shared>>) dst(%dma_wait3A_3029 : memref<512x128xf32, #tpu.memory_space<hbm>>)
    %dma_wait3A_3032 = arith.constant 0 : i32
    %dma_wait3A_3033 = arith.constant 0 : i32
    %dma_wait3A_3034 = tpu.memref_slice %arg3[%add3A_665, %dma_wait3A_3032, %dma_wait3A_3033] : memref<2048x512x128xf32, #tpu.memory_space<hbm>> -> memref<1x512x128xf32, #tpu.memory_space<hbm>>
    %dma_wait3A_3035 = tpu.memref_squeeze %dma_wait3A_3034 : memref<1x512x128xf32, #tpu.memory_space<hbm>> -> memref<512x128xf32, #tpu.memory_space<hbm>>
    %dma_wait3A_3036 = arith.constant 0 : i32
    %dma_wait3A_3037 = tpu.memref_slice %arg7[%add3A_695, %dma_wait3A_3036] : memref<4096x128xf32, #tpu.memory_space<vmem_shared>> -> memref<512x128xf32, #tpu.memory_space<vmem_shared>>
    tpu.wait_dma2 semaphore(%arg8 : memref<!tpu.dma_semaphore, #tpu.memory_space<semaphore_mem>>) src(%dma_wait3A_3037 : memref<512x128xf32, #tpu.memory_space<vmem_shared>>) dst(%dma_wait3A_3035 : memref<512x128xf32, #tpu.memory_space<hbm>>)
    %dma_wait3A_3038 = arith.constant 0 : i32
    %dma_wait3A_3039 = arith.constant 0 : i32
    %dma_wait3A_3040 = tpu.memref_slice %arg3[%add3A_703, %dma_wait3A_3038, %dma_wait3A_3039] : memref<2048x512x128xf32, #tpu.memory_space<hbm>> -> memref<1x512x128xf32, #tpu.memory_space<hbm>>
    %dma_wait3A_3041 = tpu.memref_squeeze %dma_wait3A_3040 : memref<1x512x128xf32, #tpu.memory_space<hbm>> -> memref<512x128xf32, #tpu.memory_space<hbm>>
    %dma_wait3A_3042 = arith.constant 0 : i32
    %dma_wait3A_3043 = tpu.memref_slice %arg7[%add3A_733, %dma_wait3A_3042] : memref<4096x128xf32, #tpu.memory_space<vmem_shared>> -> memref<512x128xf32, #tpu.memory_space<vmem_shared>>
    tpu.wait_dma2 semaphore(%arg8 : memref<!tpu.dma_semaphore, #tpu.memory_space<semaphore_mem>>) src(%dma_wait3A_3043 : memref<512x128xf32, #tpu.memory_space<vmem_shared>>) dst(%dma_wait3A_3041 : memref<512x128xf32, #tpu.memory_space<hbm>>)
    %dma_wait3A_3044 = arith.constant 0 : i32
    %dma_wait3A_3045 = arith.constant 0 : i32
    %dma_wait3A_3046 = tpu.memref_slice %arg3[%add3A_741, %dma_wait3A_3044, %dma_wait3A_3045] : memref<2048x512x128xf32, #tpu.memory_space<hbm>> -> memref<1x512x128xf32, #tpu.memory_space<hbm>>
    %dma_wait3A_3047 = tpu.memref_squeeze %dma_wait3A_3046 : memref<1x512x128xf32, #tpu.memory_space<hbm>> -> memref<512x128xf32, #tpu.memory_space<hbm>>
    %dma_wait3A_3048 = arith.constant 0 : i32
    %dma_wait3A_3049 = tpu.memref_slice %arg7[%add3A_771, %dma_wait3A_3048] : memref<4096x128xf32, #tpu.memory_space<vmem_shared>> -> memref<512x128xf32, #tpu.memory_space<vmem_shared>>
    tpu.wait_dma2 semaphore(%arg8 : memref<!tpu.dma_semaphore, #tpu.memory_space<semaphore_mem>>) src(%dma_wait3A_3049 : memref<512x128xf32, #tpu.memory_space<vmem_shared>>) dst(%dma_wait3A_3047 : memref<512x128xf32, #tpu.memory_space<hbm>>)
    %dma_wait3A_3050 = arith.constant 0 : i32
    %dma_wait3A_3051 = arith.constant 0 : i32
    %dma_wait3A_3052 = tpu.memref_slice %arg3[%add3A_779, %dma_wait3A_3050, %dma_wait3A_3051] : memref<2048x512x128xf32, #tpu.memory_space<hbm>> -> memref<1x512x128xf32, #tpu.memory_space<hbm>>
    %dma_wait3A_3053 = tpu.memref_squeeze %dma_wait3A_3052 : memref<1x512x128xf32, #tpu.memory_space<hbm>> -> memref<512x128xf32, #tpu.memory_space<hbm>>
    %dma_wait3A_3054 = arith.constant 0 : i32
    %dma_wait3A_3055 = tpu.memref_slice %arg7[%add3A_809, %dma_wait3A_3054] : memref<4096x128xf32, #tpu.memory_space<vmem_shared>> -> memref<512x128xf32, #tpu.memory_space<vmem_shared>>
    tpu.wait_dma2 semaphore(%arg8 : memref<!tpu.dma_semaphore, #tpu.memory_space<semaphore_mem>>) src(%dma_wait3A_3055 : memref<512x128xf32, #tpu.memory_space<vmem_shared>>) dst(%dma_wait3A_3053 : memref<512x128xf32, #tpu.memory_space<hbm>>)
    %dma_wait3A_3056 = arith.constant 0 : i32
    %dma_wait3A_3057 = arith.constant 0 : i32
    %dma_wait3A_3058 = tpu.memref_slice %arg3[%add3A_817, %dma_wait3A_3056, %dma_wait3A_3057] : memref<2048x512x128xf32, #tpu.memory_space<hbm>> -> memref<1x512x128xf32, #tpu.memory_space<hbm>>
    %dma_wait3A_3059 = tpu.memref_squeeze %dma_wait3A_3058 : memref<1x512x128xf32, #tpu.memory_space<hbm>> -> memref<512x128xf32, #tpu.memory_space<hbm>>
    %dma_wait3A_3060 = arith.constant 0 : i32
    %dma_wait3A_3061 = tpu.memref_slice %arg7[%add3A_847, %dma_wait3A_3060] : memref<4096x128xf32, #tpu.memory_space<vmem_shared>> -> memref<512x128xf32, #tpu.memory_space<vmem_shared>>
    tpu.wait_dma2 semaphore(%arg8 : memref<!tpu.dma_semaphore, #tpu.memory_space<semaphore_mem>>) src(%dma_wait3A_3061 : memref<512x128xf32, #tpu.memory_space<vmem_shared>>) dst(%dma_wait3A_3059 : memref<512x128xf32, #tpu.memory_space<hbm>>)
    %dma_wait3A_3062 = arith.constant 0 : i32
    %dma_wait3A_3063 = arith.constant 0 : i32
    %dma_wait3A_3064 = tpu.memref_slice %arg3[%add3A_855, %dma_wait3A_3062, %dma_wait3A_3063] : memref<2048x512x128xf32, #tpu.memory_space<hbm>> -> memref<1x512x128xf32, #tpu.memory_space<hbm>>
    %dma_wait3A_3065 = tpu.memref_squeeze %dma_wait3A_3064 : memref<1x512x128xf32, #tpu.memory_space<hbm>> -> memref<512x128xf32, #tpu.memory_space<hbm>>
    %dma_wait3A_3066 = arith.constant 0 : i32
    %dma_wait3A_3067 = tpu.memref_slice %arg7[%add3A_885, %dma_wait3A_3066] : memref<4096x128xf32, #tpu.memory_space<vmem_shared>> -> memref<512x128xf32, #tpu.memory_space<vmem_shared>>
    tpu.wait_dma2 semaphore(%arg8 : memref<!tpu.dma_semaphore, #tpu.memory_space<semaphore_mem>>) src(%dma_wait3A_3067 : memref<512x128xf32, #tpu.memory_space<vmem_shared>>) dst(%dma_wait3A_3065 : memref<512x128xf32, #tpu.memory_space<hbm>>)
    %dma_wait3A_3068 = arith.constant 0 : i32
    %dma_wait3A_3069 = arith.constant 0 : i32
    %dma_wait3A_3070 = tpu.memref_slice %arg3[%add3A_893, %dma_wait3A_3068, %dma_wait3A_3069] : memref<2048x512x128xf32, #tpu.memory_space<hbm>> -> memref<1x512x128xf32, #tpu.memory_space<hbm>>
    %dma_wait3A_3071 = tpu.memref_squeeze %dma_wait3A_3070 : memref<1x512x128xf32, #tpu.memory_space<hbm>> -> memref<512x128xf32, #tpu.memory_space<hbm>>
    %dma_wait3A_3072 = arith.constant 0 : i32
    %dma_wait3A_3073 = tpu.memref_slice %arg7[%add3A_923, %dma_wait3A_3072] : memref<4096x128xf32, #tpu.memory_space<vmem_shared>> -> memref<512x128xf32, #tpu.memory_space<vmem_shared>>
    tpu.wait_dma2 semaphore(%arg8 : memref<!tpu.dma_semaphore, #tpu.memory_space<semaphore_mem>>) src(%dma_wait3A_3073 : memref<512x128xf32, #tpu.memory_space<vmem_shared>>) dst(%dma_wait3A_3071 : memref<512x128xf32, #tpu.memory_space<hbm>>)
    %dma_wait3A_3074 = arith.constant 0 : i32
    %dma_wait3A_3075 = arith.constant 0 : i32
    %dma_wait3A_3076 = tpu.memref_slice %arg3[%add3A_931, %dma_wait3A_3074, %dma_wait3A_3075] : memref<2048x512x128xf32, #tpu.memory_space<hbm>> -> memref<1x512x128xf32, #tpu.memory_space<hbm>>
    %dma_wait3A_3077 = tpu.memref_squeeze %dma_wait3A_3076 : memref<1x512x128xf32, #tpu.memory_space<hbm>> -> memref<512x128xf32, #tpu.memory_space<hbm>>
    %dma_wait3A_3078 = arith.constant 0 : i32
    %dma_wait3A_3079 = tpu.memref_slice %arg7[%add3A_961, %dma_wait3A_3078] : memref<4096x128xf32, #tpu.memory_space<vmem_shared>> -> memref<512x128xf32, #tpu.memory_space<vmem_shared>>
    tpu.wait_dma2 semaphore(%arg8 : memref<!tpu.dma_semaphore, #tpu.memory_space<semaphore_mem>>) src(%dma_wait3A_3079 : memref<512x128xf32, #tpu.memory_space<vmem_shared>>) dst(%dma_wait3A_3077 : memref<512x128xf32, #tpu.memory_space<hbm>>)
    %dma_wait3A_3080 = arith.constant 0 : i32
    %dma_wait3A_3081 = arith.constant 0 : i32
    %dma_wait3A_3082 = tpu.memref_slice %arg3[%add3A_969, %dma_wait3A_3080, %dma_wait3A_3081] : memref<2048x512x128xf32, #tpu.memory_space<hbm>> -> memref<1x512x128xf32, #tpu.memory_space<hbm>>
    %dma_wait3A_3083 = tpu.memref_squeeze %dma_wait3A_3082 : memref<1x512x128xf32, #tpu.memory_space<hbm>> -> memref<512x128xf32, #tpu.memory_space<hbm>>
    %dma_wait3A_3084 = arith.constant 0 : i32
    %dma_wait3A_3085 = tpu.memref_slice %arg7[%add3A_999, %dma_wait3A_3084] : memref<4096x128xf32, #tpu.memory_space<vmem_shared>> -> memref<512x128xf32, #tpu.memory_space<vmem_shared>>
    tpu.wait_dma2 semaphore(%arg8 : memref<!tpu.dma_semaphore, #tpu.memory_space<semaphore_mem>>) src(%dma_wait3A_3085 : memref<512x128xf32, #tpu.memory_space<vmem_shared>>) dst(%dma_wait3A_3083 : memref<512x128xf32, #tpu.memory_space<hbm>>)
    %dma_wait3A_3086 = arith.constant 0 : i32
    %dma_wait3A_3087 = arith.constant 0 : i32
    %dma_wait3A_3088 = tpu.memref_slice %arg3[%add3A_1007, %dma_wait3A_3086, %dma_wait3A_3087] : memref<2048x512x128xf32, #tpu.memory_space<hbm>> -> memref<1x512x128xf32, #tpu.memory_space<hbm>>
    %dma_wait3A_3089 = tpu.memref_squeeze %dma_wait3A_3088 : memref<1x512x128xf32, #tpu.memory_space<hbm>> -> memref<512x128xf32, #tpu.memory_space<hbm>>
    %dma_wait3A_3090 = arith.constant 0 : i32
    %dma_wait3A_3091 = tpu.memref_slice %arg7[%add3A_1037, %dma_wait3A_3090] : memref<4096x128xf32, #tpu.memory_space<vmem_shared>> -> memref<512x128xf32, #tpu.memory_space<vmem_shared>>
    tpu.wait_dma2 semaphore(%arg8 : memref<!tpu.dma_semaphore, #tpu.memory_space<semaphore_mem>>) src(%dma_wait3A_3091 : memref<512x128xf32, #tpu.memory_space<vmem_shared>>) dst(%dma_wait3A_3089 : memref<512x128xf32, #tpu.memory_space<hbm>>)
    %dma_wait3A_3092 = arith.constant 0 : i32
    %dma_wait3A_3093 = arith.constant 0 : i32
    %dma_wait3A_3094 = tpu.memref_slice %arg3[%add3A_1045, %dma_wait3A_3092, %dma_wait3A_3093] : memref<2048x512x128xf32, #tpu.memory_space<hbm>> -> memref<1x512x128xf32, #tpu.memory_space<hbm>>
    %dma_wait3A_3095 = tpu.memref_squeeze %dma_wait3A_3094 : memref<1x512x128xf32, #tpu.memory_space<hbm>> -> memref<512x128xf32, #tpu.memory_space<hbm>>
    %dma_wait3A_3096 = arith.constant 0 : i32
    %dma_wait3A_3097 = tpu.memref_slice %arg7[%add3A_1075, %dma_wait3A_3096] : memref<4096x128xf32, #tpu.memory_space<vmem_shared>> -> memref<512x128xf32, #tpu.memory_space<vmem_shared>>
    tpu.wait_dma2 semaphore(%arg8 : memref<!tpu.dma_semaphore, #tpu.memory_space<semaphore_mem>>) src(%dma_wait3A_3097 : memref<512x128xf32, #tpu.memory_space<vmem_shared>>) dst(%dma_wait3A_3095 : memref<512x128xf32, #tpu.memory_space<hbm>>)
    %dma_wait3A_3098 = arith.constant 0 : i32
    %dma_wait3A_3099 = arith.constant 0 : i32
    %dma_wait3A_3100 = tpu.memref_slice %arg3[%add3A_1083, %dma_wait3A_3098, %dma_wait3A_3099] : memref<2048x512x128xf32, #tpu.memory_space<hbm>> -> memref<1x512x128xf32, #tpu.memory_space<hbm>>
    %dma_wait3A_3101 = tpu.memref_squeeze %dma_wait3A_3100 : memref<1x512x128xf32, #tpu.memory_space<hbm>> -> memref<512x128xf32, #tpu.memory_space<hbm>>
    %dma_wait3A_3102 = arith.constant 0 : i32
    %dma_wait3A_3103 = tpu.memref_slice %arg7[%add3A_1113, %dma_wait3A_3102] : memref<4096x128xf32, #tpu.memory_space<vmem_shared>> -> memref<512x128xf32, #tpu.memory_space<vmem_shared>>
    tpu.wait_dma2 semaphore(%arg8 : memref<!tpu.dma_semaphore, #tpu.memory_space<semaphore_mem>>) src(%dma_wait3A_3103 : memref<512x128xf32, #tpu.memory_space<vmem_shared>>) dst(%dma_wait3A_3101 : memref<512x128xf32, #tpu.memory_space<hbm>>)
    %dma_wait3A_3104 = arith.constant 0 : i32
    %dma_wait3A_3105 = arith.constant 0 : i32
    %dma_wait3A_3106 = tpu.memref_slice %arg3[%add3A_1121, %dma_wait3A_3104, %dma_wait3A_3105] : memref<2048x512x128xf32, #tpu.memory_space<hbm>> -> memref<1x512x128xf32, #tpu.memory_space<hbm>>
    %dma_wait3A_3107 = tpu.memref_squeeze %dma_wait3A_3106 : memref<1x512x128xf32, #tpu.memory_space<hbm>> -> memref<512x128xf32, #tpu.memory_space<hbm>>
    %dma_wait3A_3108 = arith.constant 0 : i32
    %dma_wait3A_3109 = tpu.memref_slice %arg7[%add3A_1151, %dma_wait3A_3108] : memref<4096x128xf32, #tpu.memory_space<vmem_shared>> -> memref<512x128xf32, #tpu.memory_space<vmem_shared>>
    tpu.wait_dma2 semaphore(%arg8 : memref<!tpu.dma_semaphore, #tpu.memory_space<semaphore_mem>>) src(%dma_wait3A_3109 : memref<512x128xf32, #tpu.memory_space<vmem_shared>>) dst(%dma_wait3A_3107 : memref<512x128xf32, #tpu.memory_space<hbm>>)
    %dma_wait3A_3110 = arith.constant 0 : i32
    %dma_wait3A_3111 = arith.constant 0 : i32
    %dma_wait3A_3112 = tpu.memref_slice %arg3[%add3A_1159, %dma_wait3A_3110, %dma_wait3A_3111] : memref<2048x512x128xf32, #tpu.memory_space<hbm>> -> memref<1x512x128xf32, #tpu.memory_space<hbm>>
    %dma_wait3A_3113 = tpu.memref_squeeze %dma_wait3A_3112 : memref<1x512x128xf32, #tpu.memory_space<hbm>> -> memref<512x128xf32, #tpu.memory_space<hbm>>
    %dma_wait3A_3114 = arith.constant 0 : i32
    %dma_wait3A_3115 = tpu.memref_slice %arg7[%add3A_1189, %dma_wait3A_3114] : memref<4096x128xf32, #tpu.memory_space<vmem_shared>> -> memref<512x128xf32, #tpu.memory_space<vmem_shared>>
    tpu.wait_dma2 semaphore(%arg8 : memref<!tpu.dma_semaphore, #tpu.memory_space<semaphore_mem>>) src(%dma_wait3A_3115 : memref<512x128xf32, #tpu.memory_space<vmem_shared>>) dst(%dma_wait3A_3113 : memref<512x128xf32, #tpu.memory_space<hbm>>)
    %dma_wait3A_3116 = arith.constant 0 : i32
    %dma_wait3A_3117 = arith.constant 0 : i32
    %dma_wait3A_3118 = tpu.memref_slice %arg3[%add3A_1197, %dma_wait3A_3116, %dma_wait3A_3117] : memref<2048x512x128xf32, #tpu.memory_space<hbm>> -> memref<1x512x128xf32, #tpu.memory_space<hbm>>
    %dma_wait3A_3119 = tpu.memref_squeeze %dma_wait3A_3118 : memref<1x512x128xf32, #tpu.memory_space<hbm>> -> memref<512x128xf32, #tpu.memory_space<hbm>>
    %dma_wait3A_3120 = arith.constant 0 : i32
    %dma_wait3A_3121 = tpu.memref_slice %arg7[%add3A_1227, %dma_wait3A_3120] : memref<4096x128xf32, #tpu.memory_space<vmem_shared>> -> memref<512x128xf32, #tpu.memory_space<vmem_shared>>
    tpu.wait_dma2 semaphore(%arg8 : memref<!tpu.dma_semaphore, #tpu.memory_space<semaphore_mem>>) src(%dma_wait3A_3121 : memref<512x128xf32, #tpu.memory_space<vmem_shared>>) dst(%dma_wait3A_3119 : memref<512x128xf32, #tpu.memory_space<hbm>>)
    %dma_wait3A_3122 = arith.constant 0 : i32
    %dma_wait3A_3123 = arith.constant 0 : i32
    %dma_wait3A_3124 = tpu.memref_slice %arg3[%add3A_1235, %dma_wait3A_3122, %dma_wait3A_3123] : memref<2048x512x128xf32, #tpu.memory_space<hbm>> -> memref<1x512x128xf32, #tpu.memory_space<hbm>>
    %dma_wait3A_3125 = tpu.memref_squeeze %dma_wait3A_3124 : memref<1x512x128xf32, #tpu.memory_space<hbm>> -> memref<512x128xf32, #tpu.memory_space<hbm>>
    %dma_wait3A_3126 = arith.constant 0 : i32
    %dma_wait3A_3127 = tpu.memref_slice %arg7[%add3A_1265, %dma_wait3A_3126] : memref<4096x128xf32, #tpu.memory_space<vmem_shared>> -> memref<512x128xf32, #tpu.memory_space<vmem_shared>>
    tpu.wait_dma2 semaphore(%arg8 : memref<!tpu.dma_semaphore, #tpu.memory_space<semaphore_mem>>) src(%dma_wait3A_3127 : memref<512x128xf32, #tpu.memory_space<vmem_shared>>) dst(%dma_wait3A_3125 : memref<512x128xf32, #tpu.memory_space<hbm>>)
    %dma_wait3A_3128 = arith.constant 0 : i32
    %dma_wait3A_3129 = arith.constant 0 : i32
    %dma_wait3A_3130 = tpu.memref_slice %arg3[%add3A_1273, %dma_wait3A_3128, %dma_wait3A_3129] : memref<2048x512x128xf32, #tpu.memory_space<hbm>> -> memref<1x512x128xf32, #tpu.memory_space<hbm>>
    %dma_wait3A_3131 = tpu.memref_squeeze %dma_wait3A_3130 : memref<1x512x128xf32, #tpu.memory_space<hbm>> -> memref<512x128xf32, #tpu.memory_space<hbm>>
    %dma_wait3A_3132 = arith.constant 0 : i32
    %dma_wait3A_3133 = tpu.memref_slice %arg7[%add3A_1303, %dma_wait3A_3132] : memref<4096x128xf32, #tpu.memory_space<vmem_shared>> -> memref<512x128xf32, #tpu.memory_space<vmem_shared>>
    tpu.wait_dma2 semaphore(%arg8 : memref<!tpu.dma_semaphore, #tpu.memory_space<semaphore_mem>>) src(%dma_wait3A_3133 : memref<512x128xf32, #tpu.memory_space<vmem_shared>>) dst(%dma_wait3A_3131 : memref<512x128xf32, #tpu.memory_space<hbm>>)
    %dma_wait3A_3134 = arith.constant 0 : i32
    %dma_wait3A_3135 = arith.constant 0 : i32
    %dma_wait3A_3136 = tpu.memref_slice %arg3[%add3A_1311, %dma_wait3A_3134, %dma_wait3A_3135] : memref<2048x512x128xf32, #tpu.memory_space<hbm>> -> memref<1x512x128xf32, #tpu.memory_space<hbm>>
    %dma_wait3A_3137 = tpu.memref_squeeze %dma_wait3A_3136 : memref<1x512x128xf32, #tpu.memory_space<hbm>> -> memref<512x128xf32, #tpu.memory_space<hbm>>
    %dma_wait3A_3138 = arith.constant 0 : i32
    %dma_wait3A_3139 = tpu.memref_slice %arg7[%add3A_1341, %dma_wait3A_3138] : memref<4096x128xf32, #tpu.memory_space<vmem_shared>> -> memref<512x128xf32, #tpu.memory_space<vmem_shared>>
    tpu.wait_dma2 semaphore(%arg8 : memref<!tpu.dma_semaphore, #tpu.memory_space<semaphore_mem>>) src(%dma_wait3A_3139 : memref<512x128xf32, #tpu.memory_space<vmem_shared>>) dst(%dma_wait3A_3137 : memref<512x128xf32, #tpu.memory_space<hbm>>)
    %dma_wait3A_3140 = arith.constant 0 : i32
    %dma_wait3A_3141 = arith.constant 0 : i32
    %dma_wait3A_3142 = tpu.memref_slice %arg3[%add3A_1349, %dma_wait3A_3140, %dma_wait3A_3141] : memref<2048x512x128xf32, #tpu.memory_space<hbm>> -> memref<1x512x128xf32, #tpu.memory_space<hbm>>
    %dma_wait3A_3143 = tpu.memref_squeeze %dma_wait3A_3142 : memref<1x512x128xf32, #tpu.memory_space<hbm>> -> memref<512x128xf32, #tpu.memory_space<hbm>>
    %dma_wait3A_3144 = arith.constant 0 : i32
    %dma_wait3A_3145 = tpu.memref_slice %arg7[%add3A_1379, %dma_wait3A_3144] : memref<4096x128xf32, #tpu.memory_space<vmem_shared>> -> memref<512x128xf32, #tpu.memory_space<vmem_shared>>
    tpu.wait_dma2 semaphore(%arg8 : memref<!tpu.dma_semaphore, #tpu.memory_space<semaphore_mem>>) src(%dma_wait3A_3145 : memref<512x128xf32, #tpu.memory_space<vmem_shared>>) dst(%dma_wait3A_3143 : memref<512x128xf32, #tpu.memory_space<hbm>>)
    %dma_wait3A_3146 = arith.constant 0 : i32
    %dma_wait3A_3147 = arith.constant 0 : i32
    %dma_wait3A_3148 = tpu.memref_slice %arg3[%add3A_1387, %dma_wait3A_3146, %dma_wait3A_3147] : memref<2048x512x128xf32, #tpu.memory_space<hbm>> -> memref<1x512x128xf32, #tpu.memory_space<hbm>>
    %dma_wait3A_3149 = tpu.memref_squeeze %dma_wait3A_3148 : memref<1x512x128xf32, #tpu.memory_space<hbm>> -> memref<512x128xf32, #tpu.memory_space<hbm>>
    %dma_wait3A_3150 = arith.constant 0 : i32
    %dma_wait3A_3151 = tpu.memref_slice %arg7[%add3A_1417, %dma_wait3A_3150] : memref<4096x128xf32, #tpu.memory_space<vmem_shared>> -> memref<512x128xf32, #tpu.memory_space<vmem_shared>>
    tpu.wait_dma2 semaphore(%arg8 : memref<!tpu.dma_semaphore, #tpu.memory_space<semaphore_mem>>) src(%dma_wait3A_3151 : memref<512x128xf32, #tpu.memory_space<vmem_shared>>) dst(%dma_wait3A_3149 : memref<512x128xf32, #tpu.memory_space<hbm>>)
    %dma_wait3A_3152 = arith.constant 0 : i32
    %dma_wait3A_3153 = arith.constant 0 : i32
    %dma_wait3A_3154 = tpu.memref_slice %arg3[%add3A_1425, %dma_wait3A_3152, %dma_wait3A_3153] : memref<2048x512x128xf32, #tpu.memory_space<hbm>> -> memref<1x512x128xf32, #tpu.memory_space<hbm>>
    %dma_wait3A_3155 = tpu.memref_squeeze %dma_wait3A_3154 : memref<1x512x128xf32, #tpu.memory_space<hbm>> -> memref<512x128xf32, #tpu.memory_space<hbm>>
    %dma_wait3A_3156 = arith.constant 0 : i32
    %dma_wait3A_3157 = tpu.memref_slice %arg7[%add3A_1455, %dma_wait3A_3156] : memref<4096x128xf32, #tpu.memory_space<vmem_shared>> -> memref<512x128xf32, #tpu.memory_space<vmem_shared>>
    tpu.wait_dma2 semaphore(%arg8 : memref<!tpu.dma_semaphore, #tpu.memory_space<semaphore_mem>>) src(%dma_wait3A_3157 : memref<512x128xf32, #tpu.memory_space<vmem_shared>>) dst(%dma_wait3A_3155 : memref<512x128xf32, #tpu.memory_space<hbm>>)
    %dma_wait3A_3158 = arith.constant 0 : i32
    %dma_wait3A_3159 = arith.constant 0 : i32
    %dma_wait3A_3160 = tpu.memref_slice %arg3[%add3A_1463, %dma_wait3A_3158, %dma_wait3A_3159] : memref<2048x512x128xf32, #tpu.memory_space<hbm>> -> memref<1x512x128xf32, #tpu.memory_space<hbm>>
    %dma_wait3A_3161 = tpu.memref_squeeze %dma_wait3A_3160 : memref<1x512x128xf32, #tpu.memory_space<hbm>> -> memref<512x128xf32, #tpu.memory_space<hbm>>
    %dma_wait3A_3162 = arith.constant 0 : i32
    %dma_wait3A_3163 = tpu.memref_slice %arg7[%add3A_1493, %dma_wait3A_3162] : memref<4096x128xf32, #tpu.memory_space<vmem_shared>> -> memref<512x128xf32, #tpu.memory_space<vmem_shared>>
    tpu.wait_dma2 semaphore(%arg8 : memref<!tpu.dma_semaphore, #tpu.memory_space<semaphore_mem>>) src(%dma_wait3A_3163 : memref<512x128xf32, #tpu.memory_space<vmem_shared>>) dst(%dma_wait3A_3161 : memref<512x128xf32, #tpu.memory_space<hbm>>)
    %dma_wait3A_3164 = arith.constant 0 : i32
    %dma_wait3A_3165 = arith.constant 0 : i32
    %dma_wait3A_3166 = tpu.memref_slice %arg3[%add3A_1501, %dma_wait3A_3164, %dma_wait3A_3165] : memref<2048x512x128xf32, #tpu.memory_space<hbm>> -> memref<1x512x128xf32, #tpu.memory_space<hbm>>
    %dma_wait3A_3167 = tpu.memref_squeeze %dma_wait3A_3166 : memref<1x512x128xf32, #tpu.memory_space<hbm>> -> memref<512x128xf32, #tpu.memory_space<hbm>>
    %dma_wait3A_3168 = arith.constant 0 : i32
    %dma_wait3A_3169 = tpu.memref_slice %arg7[%add3A_1531, %dma_wait3A_3168] : memref<4096x128xf32, #tpu.memory_space<vmem_shared>> -> memref<512x128xf32, #tpu.memory_space<vmem_shared>>
    tpu.wait_dma2 semaphore(%arg8 : memref<!tpu.dma_semaphore, #tpu.memory_space<semaphore_mem>>) src(%dma_wait3A_3169 : memref<512x128xf32, #tpu.memory_space<vmem_shared>>) dst(%dma_wait3A_3167 : memref<512x128xf32, #tpu.memory_space<hbm>>)
    %dma_wait3A_3170 = arith.constant 0 : i32
    %dma_wait3A_3171 = arith.constant 0 : i32
    %dma_wait3A_3172 = tpu.memref_slice %arg3[%add3A_1539, %dma_wait3A_3170, %dma_wait3A_3171] : memref<2048x512x128xf32, #tpu.memory_space<hbm>> -> memref<1x512x128xf32, #tpu.memory_space<hbm>>
    %dma_wait3A_3173 = tpu.memref_squeeze %dma_wait3A_3172 : memref<1x512x128xf32, #tpu.memory_space<hbm>> -> memref<512x128xf32, #tpu.memory_space<hbm>>
    %dma_wait3A_3174 = arith.constant 0 : i32
    %dma_wait3A_3175 = tpu.memref_slice %arg7[%add3A_1569, %dma_wait3A_3174] : memref<4096x128xf32, #tpu.memory_space<vmem_shared>> -> memref<512x128xf32, #tpu.memory_space<vmem_shared>>
    tpu.wait_dma2 semaphore(%arg8 : memref<!tpu.dma_semaphore, #tpu.memory_space<semaphore_mem>>) src(%dma_wait3A_3175 : memref<512x128xf32, #tpu.memory_space<vmem_shared>>) dst(%dma_wait3A_3173 : memref<512x128xf32, #tpu.memory_space<hbm>>)
    %dma_wait3A_3176 = arith.constant 0 : i32
    %dma_wait3A_3177 = arith.constant 0 : i32
    %dma_wait3A_3178 = tpu.memref_slice %arg3[%add3A_1577, %dma_wait3A_3176, %dma_wait3A_3177] : memref<2048x512x128xf32, #tpu.memory_space<hbm>> -> memref<1x512x128xf32, #tpu.memory_space<hbm>>
    %dma_wait3A_3179 = tpu.memref_squeeze %dma_wait3A_3178 : memref<1x512x128xf32, #tpu.memory_space<hbm>> -> memref<512x128xf32, #tpu.memory_space<hbm>>
    %dma_wait3A_3180 = arith.constant 0 : i32
    %dma_wait3A_3181 = tpu.memref_slice %arg7[%add3A_1607, %dma_wait3A_3180] : memref<4096x128xf32, #tpu.memory_space<vmem_shared>> -> memref<512x128xf32, #tpu.memory_space<vmem_shared>>
    tpu.wait_dma2 semaphore(%arg8 : memref<!tpu.dma_semaphore, #tpu.memory_space<semaphore_mem>>) src(%dma_wait3A_3181 : memref<512x128xf32, #tpu.memory_space<vmem_shared>>) dst(%dma_wait3A_3179 : memref<512x128xf32, #tpu.memory_space<hbm>>)
    %dma_wait3A_3182 = arith.constant 0 : i32
    %dma_wait3A_3183 = arith.constant 0 : i32
    %dma_wait3A_3184 = tpu.memref_slice %arg3[%add3A_1615, %dma_wait3A_3182, %dma_wait3A_3183] : memref<2048x512x128xf32, #tpu.memory_space<hbm>> -> memref<1x512x128xf32, #tpu.memory_space<hbm>>
    %dma_wait3A_3185 = tpu.memref_squeeze %dma_wait3A_3184 : memref<1x512x128xf32, #tpu.memory_space<hbm>> -> memref<512x128xf32, #tpu.memory_space<hbm>>
    %dma_wait3A_3186 = arith.constant 0 : i32
    %dma_wait3A_3187 = tpu.memref_slice %arg7[%add3A_1645, %dma_wait3A_3186] : memref<4096x128xf32, #tpu.memory_space<vmem_shared>> -> memref<512x128xf32, #tpu.memory_space<vmem_shared>>
    tpu.wait_dma2 semaphore(%arg8 : memref<!tpu.dma_semaphore, #tpu.memory_space<semaphore_mem>>) src(%dma_wait3A_3187 : memref<512x128xf32, #tpu.memory_space<vmem_shared>>) dst(%dma_wait3A_3185 : memref<512x128xf32, #tpu.memory_space<hbm>>)
    %dma_wait3A_3188 = arith.constant 0 : i32
    %dma_wait3A_3189 = arith.constant 0 : i32
    %dma_wait3A_3190 = tpu.memref_slice %arg3[%add3A_1653, %dma_wait3A_3188, %dma_wait3A_3189] : memref<2048x512x128xf32, #tpu.memory_space<hbm>> -> memref<1x512x128xf32, #tpu.memory_space<hbm>>
    %dma_wait3A_3191 = tpu.memref_squeeze %dma_wait3A_3190 : memref<1x512x128xf32, #tpu.memory_space<hbm>> -> memref<512x128xf32, #tpu.memory_space<hbm>>
    %dma_wait3A_3192 = arith.constant 0 : i32
    %dma_wait3A_3193 = tpu.memref_slice %arg7[%add3A_1683, %dma_wait3A_3192] : memref<4096x128xf32, #tpu.memory_space<vmem_shared>> -> memref<512x128xf32, #tpu.memory_space<vmem_shared>>
    tpu.wait_dma2 semaphore(%arg8 : memref<!tpu.dma_semaphore, #tpu.memory_space<semaphore_mem>>) src(%dma_wait3A_3193 : memref<512x128xf32, #tpu.memory_space<vmem_shared>>) dst(%dma_wait3A_3191 : memref<512x128xf32, #tpu.memory_space<hbm>>)
    %dma_wait3A_3194 = arith.constant 0 : i32
    %dma_wait3A_3195 = arith.constant 0 : i32
    %dma_wait3A_3196 = tpu.memref_slice %arg3[%add3A_1691, %dma_wait3A_3194, %dma_wait3A_3195] : memref<2048x512x128xf32, #tpu.memory_space<hbm>> -> memref<1x512x128xf32, #tpu.memory_space<hbm>>
    %dma_wait3A_3197 = tpu.memref_squeeze %dma_wait3A_3196 : memref<1x512x128xf32, #tpu.memory_space<hbm>> -> memref<512x128xf32, #tpu.memory_space<hbm>>
    %dma_wait3A_3198 = arith.constant 0 : i32
    %dma_wait3A_3199 = tpu.memref_slice %arg7[%add3A_1721, %dma_wait3A_3198] : memref<4096x128xf32, #tpu.memory_space<vmem_shared>> -> memref<512x128xf32, #tpu.memory_space<vmem_shared>>
    tpu.wait_dma2 semaphore(%arg8 : memref<!tpu.dma_semaphore, #tpu.memory_space<semaphore_mem>>) src(%dma_wait3A_3199 : memref<512x128xf32, #tpu.memory_space<vmem_shared>>) dst(%dma_wait3A_3197 : memref<512x128xf32, #tpu.memory_space<hbm>>)
    %dma_wait3A_3200 = arith.constant 0 : i32
    %dma_wait3A_3201 = arith.constant 0 : i32
    %dma_wait3A_3202 = tpu.memref_slice %arg3[%add3A_1729, %dma_wait3A_3200, %dma_wait3A_3201] : memref<2048x512x128xf32, #tpu.memory_space<hbm>> -> memref<1x512x128xf32, #tpu.memory_space<hbm>>
    %dma_wait3A_3203 = tpu.memref_squeeze %dma_wait3A_3202 : memref<1x512x128xf32, #tpu.memory_space<hbm>> -> memref<512x128xf32, #tpu.memory_space<hbm>>
    %dma_wait3A_3204 = arith.constant 0 : i32
    %dma_wait3A_3205 = tpu.memref_slice %arg7[%add3A_1759, %dma_wait3A_3204] : memref<4096x128xf32, #tpu.memory_space<vmem_shared>> -> memref<512x128xf32, #tpu.memory_space<vmem_shared>>
    tpu.wait_dma2 semaphore(%arg8 : memref<!tpu.dma_semaphore, #tpu.memory_space<semaphore_mem>>) src(%dma_wait3A_3205 : memref<512x128xf32, #tpu.memory_space<vmem_shared>>) dst(%dma_wait3A_3203 : memref<512x128xf32, #tpu.memory_space<hbm>>)
    %dma_wait3A_3206 = arith.constant 0 : i32
    %dma_wait3A_3207 = arith.constant 0 : i32
    %dma_wait3A_3208 = tpu.memref_slice %arg3[%add3A_1767, %dma_wait3A_3206, %dma_wait3A_3207] : memref<2048x512x128xf32, #tpu.memory_space<hbm>> -> memref<1x512x128xf32, #tpu.memory_space<hbm>>
    %dma_wait3A_3209 = tpu.memref_squeeze %dma_wait3A_3208 : memref<1x512x128xf32, #tpu.memory_space<hbm>> -> memref<512x128xf32, #tpu.memory_space<hbm>>
    %dma_wait3A_3210 = arith.constant 0 : i32
    %dma_wait3A_3211 = tpu.memref_slice %arg7[%add3A_1797, %dma_wait3A_3210] : memref<4096x128xf32, #tpu.memory_space<vmem_shared>> -> memref<512x128xf32, #tpu.memory_space<vmem_shared>>
    tpu.wait_dma2 semaphore(%arg8 : memref<!tpu.dma_semaphore, #tpu.memory_space<semaphore_mem>>) src(%dma_wait3A_3211 : memref<512x128xf32, #tpu.memory_space<vmem_shared>>) dst(%dma_wait3A_3209 : memref<512x128xf32, #tpu.memory_space<hbm>>)
    %dma_wait3A_3212 = arith.constant 0 : i32
    %dma_wait3A_3213 = arith.constant 0 : i32
    %dma_wait3A_3214 = tpu.memref_slice %arg3[%add3A_1805, %dma_wait3A_3212, %dma_wait3A_3213] : memref<2048x512x128xf32, #tpu.memory_space<hbm>> -> memref<1x512x128xf32, #tpu.memory_space<hbm>>
    %dma_wait3A_3215 = tpu.memref_squeeze %dma_wait3A_3214 : memref<1x512x128xf32, #tpu.memory_space<hbm>> -> memref<512x128xf32, #tpu.memory_space<hbm>>
    %dma_wait3A_3216 = arith.constant 0 : i32
    %dma_wait3A_3217 = tpu.memref_slice %arg7[%add3A_1835, %dma_wait3A_3216] : memref<4096x128xf32, #tpu.memory_space<vmem_shared>> -> memref<512x128xf32, #tpu.memory_space<vmem_shared>>
    tpu.wait_dma2 semaphore(%arg8 : memref<!tpu.dma_semaphore, #tpu.memory_space<semaphore_mem>>) src(%dma_wait3A_3217 : memref<512x128xf32, #tpu.memory_space<vmem_shared>>) dst(%dma_wait3A_3215 : memref<512x128xf32, #tpu.memory_space<hbm>>)
    %dma_wait3A_3218 = arith.constant 0 : i32
    %dma_wait3A_3219 = arith.constant 0 : i32
    %dma_wait3A_3220 = tpu.memref_slice %arg3[%add3A_1843, %dma_wait3A_3218, %dma_wait3A_3219] : memref<2048x512x128xf32, #tpu.memory_space<hbm>> -> memref<1x512x128xf32, #tpu.memory_space<hbm>>
    %dma_wait3A_3221 = tpu.memref_squeeze %dma_wait3A_3220 : memref<1x512x128xf32, #tpu.memory_space<hbm>> -> memref<512x128xf32, #tpu.memory_space<hbm>>
    %dma_wait3A_3222 = arith.constant 0 : i32
    %dma_wait3A_3223 = tpu.memref_slice %arg7[%add3A_1873, %dma_wait3A_3222] : memref<4096x128xf32, #tpu.memory_space<vmem_shared>> -> memref<512x128xf32, #tpu.memory_space<vmem_shared>>
    tpu.wait_dma2 semaphore(%arg8 : memref<!tpu.dma_semaphore, #tpu.memory_space<semaphore_mem>>) src(%dma_wait3A_3223 : memref<512x128xf32, #tpu.memory_space<vmem_shared>>) dst(%dma_wait3A_3221 : memref<512x128xf32, #tpu.memory_space<hbm>>)
    %dma_wait3A_3224 = arith.constant 0 : i32
    %dma_wait3A_3225 = arith.constant 0 : i32
    %dma_wait3A_3226 = tpu.memref_slice %arg3[%add3A_1881, %dma_wait3A_3224, %dma_wait3A_3225] : memref<2048x512x128xf32, #tpu.memory_space<hbm>> -> memref<1x512x128xf32, #tpu.memory_space<hbm>>
    %dma_wait3A_3227 = tpu.memref_squeeze %dma_wait3A_3226 : memref<1x512x128xf32, #tpu.memory_space<hbm>> -> memref<512x128xf32, #tpu.memory_space<hbm>>
    %dma_wait3A_3228 = arith.constant 0 : i32
    %dma_wait3A_3229 = tpu.memref_slice %arg7[%add3A_1911, %dma_wait3A_3228] : memref<4096x128xf32, #tpu.memory_space<vmem_shared>> -> memref<512x128xf32, #tpu.memory_space<vmem_shared>>
    tpu.wait_dma2 semaphore(%arg8 : memref<!tpu.dma_semaphore, #tpu.memory_space<semaphore_mem>>) src(%dma_wait3A_3229 : memref<512x128xf32, #tpu.memory_space<vmem_shared>>) dst(%dma_wait3A_3227 : memref<512x128xf32, #tpu.memory_space<hbm>>)
    %dma_wait3A_3230 = arith.constant 0 : i32
    %dma_wait3A_3231 = arith.constant 0 : i32
    %dma_wait3A_3232 = tpu.memref_slice %arg3[%add3A_1919, %dma_wait3A_3230, %dma_wait3A_3231] : memref<2048x512x128xf32, #tpu.memory_space<hbm>> -> memref<1x512x128xf32, #tpu.memory_space<hbm>>
    %dma_wait3A_3233 = tpu.memref_squeeze %dma_wait3A_3232 : memref<1x512x128xf32, #tpu.memory_space<hbm>> -> memref<512x128xf32, #tpu.memory_space<hbm>>
    %dma_wait3A_3234 = arith.constant 0 : i32
    %dma_wait3A_3235 = tpu.memref_slice %arg7[%add3A_1949, %dma_wait3A_3234] : memref<4096x128xf32, #tpu.memory_space<vmem_shared>> -> memref<512x128xf32, #tpu.memory_space<vmem_shared>>
    tpu.wait_dma2 semaphore(%arg8 : memref<!tpu.dma_semaphore, #tpu.memory_space<semaphore_mem>>) src(%dma_wait3A_3235 : memref<512x128xf32, #tpu.memory_space<vmem_shared>>) dst(%dma_wait3A_3233 : memref<512x128xf32, #tpu.memory_space<hbm>>)
    %dma_wait3A_3236 = arith.constant 0 : i32
    %dma_wait3A_3237 = arith.constant 0 : i32
    %dma_wait3A_3238 = tpu.memref_slice %arg3[%add3A_1957, %dma_wait3A_3236, %dma_wait3A_3237] : memref<2048x512x128xf32, #tpu.memory_space<hbm>> -> memref<1x512x128xf32, #tpu.memory_space<hbm>>
    %dma_wait3A_3239 = tpu.memref_squeeze %dma_wait3A_3238 : memref<1x512x128xf32, #tpu.memory_space<hbm>> -> memref<512x128xf32, #tpu.memory_space<hbm>>
    %dma_wait3A_3240 = arith.constant 0 : i32
    %dma_wait3A_3241 = tpu.memref_slice %arg7[%add3A_1987, %dma_wait3A_3240] : memref<4096x128xf32, #tpu.memory_space<vmem_shared>> -> memref<512x128xf32, #tpu.memory_space<vmem_shared>>
    tpu.wait_dma2 semaphore(%arg8 : memref<!tpu.dma_semaphore, #tpu.memory_space<semaphore_mem>>) src(%dma_wait3A_3241 : memref<512x128xf32, #tpu.memory_space<vmem_shared>>) dst(%dma_wait3A_3239 : memref<512x128xf32, #tpu.memory_space<hbm>>)
    %dma_wait3A_3242 = arith.constant 0 : i32
    %dma_wait3A_3243 = arith.constant 0 : i32
    %dma_wait3A_3244 = tpu.memref_slice %arg3[%add3A_1995, %dma_wait3A_3242, %dma_wait3A_3243] : memref<2048x512x128xf32, #tpu.memory_space<hbm>> -> memref<1x512x128xf32, #tpu.memory_space<hbm>>
    %dma_wait3A_3245 = tpu.memref_squeeze %dma_wait3A_3244 : memref<1x512x128xf32, #tpu.memory_space<hbm>> -> memref<512x128xf32, #tpu.memory_space<hbm>>
    %dma_wait3A_3246 = arith.constant 0 : i32
    %dma_wait3A_3247 = tpu.memref_slice %arg7[%add3A_2025, %dma_wait3A_3246] : memref<4096x128xf32, #tpu.memory_space<vmem_shared>> -> memref<512x128xf32, #tpu.memory_space<vmem_shared>>
    tpu.wait_dma2 semaphore(%arg8 : memref<!tpu.dma_semaphore, #tpu.memory_space<semaphore_mem>>) src(%dma_wait3A_3247 : memref<512x128xf32, #tpu.memory_space<vmem_shared>>) dst(%dma_wait3A_3245 : memref<512x128xf32, #tpu.memory_space<hbm>>)
    %dma_wait3A_3248 = arith.constant 0 : i32
    %dma_wait3A_3249 = arith.constant 0 : i32
    %dma_wait3A_3250 = tpu.memref_slice %arg3[%add3A_2033, %dma_wait3A_3248, %dma_wait3A_3249] : memref<2048x512x128xf32, #tpu.memory_space<hbm>> -> memref<1x512x128xf32, #tpu.memory_space<hbm>>
    %dma_wait3A_3251 = tpu.memref_squeeze %dma_wait3A_3250 : memref<1x512x128xf32, #tpu.memory_space<hbm>> -> memref<512x128xf32, #tpu.memory_space<hbm>>
    %dma_wait3A_3252 = arith.constant 0 : i32
    %dma_wait3A_3253 = tpu.memref_slice %arg7[%add3A_2063, %dma_wait3A_3252] : memref<4096x128xf32, #tpu.memory_space<vmem_shared>> -> memref<512x128xf32, #tpu.memory_space<vmem_shared>>
    tpu.wait_dma2 semaphore(%arg8 : memref<!tpu.dma_semaphore, #tpu.memory_space<semaphore_mem>>) src(%dma_wait3A_3253 : memref<512x128xf32, #tpu.memory_space<vmem_shared>>) dst(%dma_wait3A_3251 : memref<512x128xf32, #tpu.memory_space<hbm>>)
    %dma_wait3A_3254 = arith.constant 0 : i32
    %dma_wait3A_3255 = arith.constant 0 : i32
    %dma_wait3A_3256 = tpu.memref_slice %arg3[%add3A_2071, %dma_wait3A_3254, %dma_wait3A_3255] : memref<2048x512x128xf32, #tpu.memory_space<hbm>> -> memref<1x512x128xf32, #tpu.memory_space<hbm>>
    %dma_wait3A_3257 = tpu.memref_squeeze %dma_wait3A_3256 : memref<1x512x128xf32, #tpu.memory_space<hbm>> -> memref<512x128xf32, #tpu.memory_space<hbm>>
    %dma_wait3A_3258 = arith.constant 0 : i32
    %dma_wait3A_3259 = tpu.memref_slice %arg7[%add3A_2101, %dma_wait3A_3258] : memref<4096x128xf32, #tpu.memory_space<vmem_shared>> -> memref<512x128xf32, #tpu.memory_space<vmem_shared>>
    tpu.wait_dma2 semaphore(%arg8 : memref<!tpu.dma_semaphore, #tpu.memory_space<semaphore_mem>>) src(%dma_wait3A_3259 : memref<512x128xf32, #tpu.memory_space<vmem_shared>>) dst(%dma_wait3A_3257 : memref<512x128xf32, #tpu.memory_space<hbm>>)
    %dma_wait3A_3260 = arith.constant 0 : i32
    %dma_wait3A_3261 = arith.constant 0 : i32
    %dma_wait3A_3262 = tpu.memref_slice %arg3[%add3A_2109, %dma_wait3A_3260, %dma_wait3A_3261] : memref<2048x512x128xf32, #tpu.memory_space<hbm>> -> memref<1x512x128xf32, #tpu.memory_space<hbm>>
    %dma_wait3A_3263 = tpu.memref_squeeze %dma_wait3A_3262 : memref<1x512x128xf32, #tpu.memory_space<hbm>> -> memref<512x128xf32, #tpu.memory_space<hbm>>
    %dma_wait3A_3264 = arith.constant 0 : i32
    %dma_wait3A_3265 = tpu.memref_slice %arg7[%add3A_2139, %dma_wait3A_3264] : memref<4096x128xf32, #tpu.memory_space<vmem_shared>> -> memref<512x128xf32, #tpu.memory_space<vmem_shared>>
    tpu.wait_dma2 semaphore(%arg8 : memref<!tpu.dma_semaphore, #tpu.memory_space<semaphore_mem>>) src(%dma_wait3A_3265 : memref<512x128xf32, #tpu.memory_space<vmem_shared>>) dst(%dma_wait3A_3263 : memref<512x128xf32, #tpu.memory_space<hbm>>)
    %dma_wait3A_3266 = arith.constant 0 : i32
    %dma_wait3A_3267 = arith.constant 0 : i32
    %dma_wait3A_3268 = tpu.memref_slice %arg3[%add3A_2147, %dma_wait3A_3266, %dma_wait3A_3267] : memref<2048x512x128xf32, #tpu.memory_space<hbm>> -> memref<1x512x128xf32, #tpu.memory_space<hbm>>
    %dma_wait3A_3269 = tpu.memref_squeeze %dma_wait3A_3268 : memref<1x512x128xf32, #tpu.memory_space<hbm>> -> memref<512x128xf32, #tpu.memory_space<hbm>>
    %dma_wait3A_3270 = arith.constant 0 : i32
    %dma_wait3A_3271 = tpu.memref_slice %arg7[%add3A_2177, %dma_wait3A_3270] : memref<4096x128xf32, #tpu.memory_space<vmem_shared>> -> memref<512x128xf32, #tpu.memory_space<vmem_shared>>
    tpu.wait_dma2 semaphore(%arg8 : memref<!tpu.dma_semaphore, #tpu.memory_space<semaphore_mem>>) src(%dma_wait3A_3271 : memref<512x128xf32, #tpu.memory_space<vmem_shared>>) dst(%dma_wait3A_3269 : memref<512x128xf32, #tpu.memory_space<hbm>>)
    %dma_wait3A_3272 = arith.constant 0 : i32
    %dma_wait3A_3273 = arith.constant 0 : i32
    %dma_wait3A_3274 = tpu.memref_slice %arg3[%add3A_2185, %dma_wait3A_3272, %dma_wait3A_3273] : memref<2048x512x128xf32, #tpu.memory_space<hbm>> -> memref<1x512x128xf32, #tpu.memory_space<hbm>>
    %dma_wait3A_3275 = tpu.memref_squeeze %dma_wait3A_3274 : memref<1x512x128xf32, #tpu.memory_space<hbm>> -> memref<512x128xf32, #tpu.memory_space<hbm>>
    %dma_wait3A_3276 = arith.constant 0 : i32
    %dma_wait3A_3277 = tpu.memref_slice %arg7[%add3A_2215, %dma_wait3A_3276] : memref<4096x128xf32, #tpu.memory_space<vmem_shared>> -> memref<512x128xf32, #tpu.memory_space<vmem_shared>>
    tpu.wait_dma2 semaphore(%arg8 : memref<!tpu.dma_semaphore, #tpu.memory_space<semaphore_mem>>) src(%dma_wait3A_3277 : memref<512x128xf32, #tpu.memory_space<vmem_shared>>) dst(%dma_wait3A_3275 : memref<512x128xf32, #tpu.memory_space<hbm>>)
    %dma_wait3A_3278 = arith.constant 0 : i32
    %dma_wait3A_3279 = arith.constant 0 : i32
    %dma_wait3A_3280 = tpu.memref_slice %arg3[%add3A_2223, %dma_wait3A_3278, %dma_wait3A_3279] : memref<2048x512x128xf32, #tpu.memory_space<hbm>> -> memref<1x512x128xf32, #tpu.memory_space<hbm>>
    %dma_wait3A_3281 = tpu.memref_squeeze %dma_wait3A_3280 : memref<1x512x128xf32, #tpu.memory_space<hbm>> -> memref<512x128xf32, #tpu.memory_space<hbm>>
    %dma_wait3A_3282 = arith.constant 0 : i32
    %dma_wait3A_3283 = tpu.memref_slice %arg7[%add3A_2253, %dma_wait3A_3282] : memref<4096x128xf32, #tpu.memory_space<vmem_shared>> -> memref<512x128xf32, #tpu.memory_space<vmem_shared>>
    tpu.wait_dma2 semaphore(%arg8 : memref<!tpu.dma_semaphore, #tpu.memory_space<semaphore_mem>>) src(%dma_wait3A_3283 : memref<512x128xf32, #tpu.memory_space<vmem_shared>>) dst(%dma_wait3A_3281 : memref<512x128xf32, #tpu.memory_space<hbm>>)
    %dma_wait3A_3284 = arith.constant 0 : i32
    %dma_wait3A_3285 = arith.constant 0 : i32
    %dma_wait3A_3286 = tpu.memref_slice %arg3[%add3A_2261, %dma_wait3A_3284, %dma_wait3A_3285] : memref<2048x512x128xf32, #tpu.memory_space<hbm>> -> memref<1x512x128xf32, #tpu.memory_space<hbm>>
    %dma_wait3A_3287 = tpu.memref_squeeze %dma_wait3A_3286 : memref<1x512x128xf32, #tpu.memory_space<hbm>> -> memref<512x128xf32, #tpu.memory_space<hbm>>
    %dma_wait3A_3288 = arith.constant 0 : i32
    %dma_wait3A_3289 = tpu.memref_slice %arg7[%add3A_2291, %dma_wait3A_3288] : memref<4096x128xf32, #tpu.memory_space<vmem_shared>> -> memref<512x128xf32, #tpu.memory_space<vmem_shared>>
    tpu.wait_dma2 semaphore(%arg8 : memref<!tpu.dma_semaphore, #tpu.memory_space<semaphore_mem>>) src(%dma_wait3A_3289 : memref<512x128xf32, #tpu.memory_space<vmem_shared>>) dst(%dma_wait3A_3287 : memref<512x128xf32, #tpu.memory_space<hbm>>)
    %dma_wait3A_3290 = arith.constant 0 : i32
    %dma_wait3A_3291 = arith.constant 0 : i32
    %dma_wait3A_3292 = tpu.memref_slice %arg3[%add3A_2299, %dma_wait3A_3290, %dma_wait3A_3291] : memref<2048x512x128xf32, #tpu.memory_space<hbm>> -> memref<1x512x128xf32, #tpu.memory_space<hbm>>
    %dma_wait3A_3293 = tpu.memref_squeeze %dma_wait3A_3292 : memref<1x512x128xf32, #tpu.memory_space<hbm>> -> memref<512x128xf32, #tpu.memory_space<hbm>>
    %dma_wait3A_3294 = arith.constant 0 : i32
    %dma_wait3A_3295 = tpu.memref_slice %arg7[%add3A_2329, %dma_wait3A_3294] : memref<4096x128xf32, #tpu.memory_space<vmem_shared>> -> memref<512x128xf32, #tpu.memory_space<vmem_shared>>
    tpu.wait_dma2 semaphore(%arg8 : memref<!tpu.dma_semaphore, #tpu.memory_space<semaphore_mem>>) src(%dma_wait3A_3295 : memref<512x128xf32, #tpu.memory_space<vmem_shared>>) dst(%dma_wait3A_3293 : memref<512x128xf32, #tpu.memory_space<hbm>>)
    %dma_wait3A_3296 = arith.constant 0 : i32
    %dma_wait3A_3297 = arith.constant 0 : i32
    %dma_wait3A_3298 = tpu.memref_slice %arg3[%add3A_2337, %dma_wait3A_3296, %dma_wait3A_3297] : memref<2048x512x128xf32, #tpu.memory_space<hbm>> -> memref<1x512x128xf32, #tpu.memory_space<hbm>>
    %dma_wait3A_3299 = tpu.memref_squeeze %dma_wait3A_3298 : memref<1x512x128xf32, #tpu.memory_space<hbm>> -> memref<512x128xf32, #tpu.memory_space<hbm>>
    %dma_wait3A_3300 = arith.constant 0 : i32
    %dma_wait3A_3301 = tpu.memref_slice %arg7[%add3A_2367, %dma_wait3A_3300] : memref<4096x128xf32, #tpu.memory_space<vmem_shared>> -> memref<512x128xf32, #tpu.memory_space<vmem_shared>>
    tpu.wait_dma2 semaphore(%arg8 : memref<!tpu.dma_semaphore, #tpu.memory_space<semaphore_mem>>) src(%dma_wait3A_3301 : memref<512x128xf32, #tpu.memory_space<vmem_shared>>) dst(%dma_wait3A_3299 : memref<512x128xf32, #tpu.memory_space<hbm>>)
    %dma_wait3A_3302 = arith.constant 0 : i32
    %dma_wait3A_3303 = arith.constant 0 : i32
    %dma_wait3A_3304 = tpu.memref_slice %arg3[%add3A_2375, %dma_wait3A_3302, %dma_wait3A_3303] : memref<2048x512x128xf32, #tpu.memory_space<hbm>> -> memref<1x512x128xf32, #tpu.memory_space<hbm>>
    %dma_wait3A_3305 = tpu.memref_squeeze %dma_wait3A_3304 : memref<1x512x128xf32, #tpu.memory_space<hbm>> -> memref<512x128xf32, #tpu.memory_space<hbm>>
    %dma_wait3A_3306 = arith.constant 0 : i32
    %dma_wait3A_3307 = tpu.memref_slice %arg7[%add3A_2405, %dma_wait3A_3306] : memref<4096x128xf32, #tpu.memory_space<vmem_shared>> -> memref<512x128xf32, #tpu.memory_space<vmem_shared>>
    tpu.wait_dma2 semaphore(%arg8 : memref<!tpu.dma_semaphore, #tpu.memory_space<semaphore_mem>>) src(%dma_wait3A_3307 : memref<512x128xf32, #tpu.memory_space<vmem_shared>>) dst(%dma_wait3A_3305 : memref<512x128xf32, #tpu.memory_space<hbm>>)
    %dma_wait3A_3308 = arith.constant 0 : i32
    %dma_wait3A_3309 = arith.constant 0 : i32
    %dma_wait3A_3310 = tpu.memref_slice %arg3[%add3A_2413, %dma_wait3A_3308, %dma_wait3A_3309] : memref<2048x512x128xf32, #tpu.memory_space<hbm>> -> memref<1x512x128xf32, #tpu.memory_space<hbm>>
    %dma_wait3A_3311 = tpu.memref_squeeze %dma_wait3A_3310 : memref<1x512x128xf32, #tpu.memory_space<hbm>> -> memref<512x128xf32, #tpu.memory_space<hbm>>
    %dma_wait3A_3312 = arith.constant 0 : i32
    %dma_wait3A_3313 = tpu.memref_slice %arg7[%add3A_2443, %dma_wait3A_3312] : memref<4096x128xf32, #tpu.memory_space<vmem_shared>> -> memref<512x128xf32, #tpu.memory_space<vmem_shared>>
    tpu.wait_dma2 semaphore(%arg8 : memref<!tpu.dma_semaphore, #tpu.memory_space<semaphore_mem>>) src(%dma_wait3A_3313 : memref<512x128xf32, #tpu.memory_space<vmem_shared>>) dst(%dma_wait3A_3311 : memref<512x128xf32, #tpu.memory_space<hbm>>)
    %dma_wait3A_3314 = arith.constant 0 : i32
    %dma_wait3A_3315 = arith.constant 0 : i32
    %dma_wait3A_3316 = tpu.memref_slice %arg3[%add3A_2451, %dma_wait3A_3314, %dma_wait3A_3315] : memref<2048x512x128xf32, #tpu.memory_space<hbm>> -> memref<1x512x128xf32, #tpu.memory_space<hbm>>
    %dma_wait3A_3317 = tpu.memref_squeeze %dma_wait3A_3316 : memref<1x512x128xf32, #tpu.memory_space<hbm>> -> memref<512x128xf32, #tpu.memory_space<hbm>>
    %dma_wait3A_3318 = arith.constant 0 : i32
    %dma_wait3A_3319 = tpu.memref_slice %arg7[%add3A_2481, %dma_wait3A_3318] : memref<4096x128xf32, #tpu.memory_space<vmem_shared>> -> memref<512x128xf32, #tpu.memory_space<vmem_shared>>
    tpu.wait_dma2 semaphore(%arg8 : memref<!tpu.dma_semaphore, #tpu.memory_space<semaphore_mem>>) src(%dma_wait3A_3319 : memref<512x128xf32, #tpu.memory_space<vmem_shared>>) dst(%dma_wait3A_3317 : memref<512x128xf32, #tpu.memory_space<hbm>>)
    %dma_wait3A_3320 = arith.constant 0 : i32
    %dma_wait3A_3321 = arith.constant 0 : i32
    %dma_wait3A_3322 = tpu.memref_slice %arg3[%add3A_2489, %dma_wait3A_3320, %dma_wait3A_3321] : memref<2048x512x128xf32, #tpu.memory_space<hbm>> -> memref<1x512x128xf32, #tpu.memory_space<hbm>>
    %dma_wait3A_3323 = tpu.memref_squeeze %dma_wait3A_3322 : memref<1x512x128xf32, #tpu.memory_space<hbm>> -> memref<512x128xf32, #tpu.memory_space<hbm>>
    %dma_wait3A_3324 = arith.constant 0 : i32
    %dma_wait3A_3325 = tpu.memref_slice %arg7[%add3A_2519, %dma_wait3A_3324] : memref<4096x128xf32, #tpu.memory_space<vmem_shared>> -> memref<512x128xf32, #tpu.memory_space<vmem_shared>>
    tpu.wait_dma2 semaphore(%arg8 : memref<!tpu.dma_semaphore, #tpu.memory_space<semaphore_mem>>) src(%dma_wait3A_3325 : memref<512x128xf32, #tpu.memory_space<vmem_shared>>) dst(%dma_wait3A_3323 : memref<512x128xf32, #tpu.memory_space<hbm>>)
    %dma_wait3A_3326 = arith.constant 0 : i32
    %dma_wait3A_3327 = arith.constant 0 : i32
    %dma_wait3A_3328 = tpu.memref_slice %arg3[%add3A_2527, %dma_wait3A_3326, %dma_wait3A_3327] : memref<2048x512x128xf32, #tpu.memory_space<hbm>> -> memref<1x512x128xf32, #tpu.memory_space<hbm>>
    %dma_wait3A_3329 = tpu.memref_squeeze %dma_wait3A_3328 : memref<1x512x128xf32, #tpu.memory_space<hbm>> -> memref<512x128xf32, #tpu.memory_space<hbm>>
    %dma_wait3A_3330 = arith.constant 0 : i32
    %dma_wait3A_3331 = tpu.memref_slice %arg7[%add3A_2557, %dma_wait3A_3330] : memref<4096x128xf32, #tpu.memory_space<vmem_shared>> -> memref<512x128xf32, #tpu.memory_space<vmem_shared>>
    tpu.wait_dma2 semaphore(%arg8 : memref<!tpu.dma_semaphore, #tpu.memory_space<semaphore_mem>>) src(%dma_wait3A_3331 : memref<512x128xf32, #tpu.memory_space<vmem_shared>>) dst(%dma_wait3A_3329 : memref<512x128xf32, #tpu.memory_space<hbm>>)
    %dma_wait3A_3332 = arith.constant 0 : i32
    %dma_wait3A_3333 = arith.constant 0 : i32
    %dma_wait3A_3334 = tpu.memref_slice %arg3[%add3A_2565, %dma_wait3A_3332, %dma_wait3A_3333] : memref<2048x512x128xf32, #tpu.memory_space<hbm>> -> memref<1x512x128xf32, #tpu.memory_space<hbm>>
    %dma_wait3A_3335 = tpu.memref_squeeze %dma_wait3A_3334 : memref<1x512x128xf32, #tpu.memory_space<hbm>> -> memref<512x128xf32, #tpu.memory_space<hbm>>
    %dma_wait3A_3336 = arith.constant 0 : i32
    %dma_wait3A_3337 = tpu.memref_slice %arg7[%add3A_2595, %dma_wait3A_3336] : memref<4096x128xf32, #tpu.memory_space<vmem_shared>> -> memref<512x128xf32, #tpu.memory_space<vmem_shared>>
    tpu.wait_dma2 semaphore(%arg8 : memref<!tpu.dma_semaphore, #tpu.memory_space<semaphore_mem>>) src(%dma_wait3A_3337 : memref<512x128xf32, #tpu.memory_space<vmem_shared>>) dst(%dma_wait3A_3335 : memref<512x128xf32, #tpu.memory_space<hbm>>)
    %dma_wait3A_3338 = arith.constant 0 : i32
    %dma_wait3A_3339 = arith.constant 0 : i32
    %dma_wait3A_3340 = tpu.memref_slice %arg3[%add3A_2603, %dma_wait3A_3338, %dma_wait3A_3339] : memref<2048x512x128xf32, #tpu.memory_space<hbm>> -> memref<1x512x128xf32, #tpu.memory_space<hbm>>
    %dma_wait3A_3341 = tpu.memref_squeeze %dma_wait3A_3340 : memref<1x512x128xf32, #tpu.memory_space<hbm>> -> memref<512x128xf32, #tpu.memory_space<hbm>>
    %dma_wait3A_3342 = arith.constant 0 : i32
    %dma_wait3A_3343 = tpu.memref_slice %arg7[%add3A_2633, %dma_wait3A_3342] : memref<4096x128xf32, #tpu.memory_space<vmem_shared>> -> memref<512x128xf32, #tpu.memory_space<vmem_shared>>
    tpu.wait_dma2 semaphore(%arg8 : memref<!tpu.dma_semaphore, #tpu.memory_space<semaphore_mem>>) src(%dma_wait3A_3343 : memref<512x128xf32, #tpu.memory_space<vmem_shared>>) dst(%dma_wait3A_3341 : memref<512x128xf32, #tpu.memory_space<hbm>>)
    %dma_wait3A_3344 = arith.constant 0 : i32
    %dma_wait3A_3345 = arith.constant 0 : i32
    %dma_wait3A_3346 = tpu.memref_slice %arg3[%add3A_2641, %dma_wait3A_3344, %dma_wait3A_3345] : memref<2048x512x128xf32, #tpu.memory_space<hbm>> -> memref<1x512x128xf32, #tpu.memory_space<hbm>>
    %dma_wait3A_3347 = tpu.memref_squeeze %dma_wait3A_3346 : memref<1x512x128xf32, #tpu.memory_space<hbm>> -> memref<512x128xf32, #tpu.memory_space<hbm>>
    %dma_wait3A_3348 = arith.constant 0 : i32
    %dma_wait3A_3349 = tpu.memref_slice %arg7[%add3A_2671, %dma_wait3A_3348] : memref<4096x128xf32, #tpu.memory_space<vmem_shared>> -> memref<512x128xf32, #tpu.memory_space<vmem_shared>>
    tpu.wait_dma2 semaphore(%arg8 : memref<!tpu.dma_semaphore, #tpu.memory_space<semaphore_mem>>) src(%dma_wait3A_3349 : memref<512x128xf32, #tpu.memory_space<vmem_shared>>) dst(%dma_wait3A_3347 : memref<512x128xf32, #tpu.memory_space<hbm>>)
    %dma_wait3A_3350 = arith.constant 0 : i32
    %dma_wait3A_3351 = arith.constant 0 : i32
    %dma_wait3A_3352 = tpu.memref_slice %arg3[%add3A_2679, %dma_wait3A_3350, %dma_wait3A_3351] : memref<2048x512x128xf32, #tpu.memory_space<hbm>> -> memref<1x512x128xf32, #tpu.memory_space<hbm>>
    %dma_wait3A_3353 = tpu.memref_squeeze %dma_wait3A_3352 : memref<1x512x128xf32, #tpu.memory_space<hbm>> -> memref<512x128xf32, #tpu.memory_space<hbm>>
    %dma_wait3A_3354 = arith.constant 0 : i32
    %dma_wait3A_3355 = tpu.memref_slice %arg7[%add3A_2709, %dma_wait3A_3354] : memref<4096x128xf32, #tpu.memory_space<vmem_shared>> -> memref<512x128xf32, #tpu.memory_space<vmem_shared>>
    tpu.wait_dma2 semaphore(%arg8 : memref<!tpu.dma_semaphore, #tpu.memory_space<semaphore_mem>>) src(%dma_wait3A_3355 : memref<512x128xf32, #tpu.memory_space<vmem_shared>>) dst(%dma_wait3A_3353 : memref<512x128xf32, #tpu.memory_space<hbm>>)
    %dma_wait3A_3356 = arith.constant 0 : i32
    %dma_wait3A_3357 = arith.constant 0 : i32
    %dma_wait3A_3358 = tpu.memref_slice %arg3[%add3A_2717, %dma_wait3A_3356, %dma_wait3A_3357] : memref<2048x512x128xf32, #tpu.memory_space<hbm>> -> memref<1x512x128xf32, #tpu.memory_space<hbm>>
    %dma_wait3A_3359 = tpu.memref_squeeze %dma_wait3A_3358 : memref<1x512x128xf32, #tpu.memory_space<hbm>> -> memref<512x128xf32, #tpu.memory_space<hbm>>
    %dma_wait3A_3360 = arith.constant 0 : i32
    %dma_wait3A_3361 = tpu.memref_slice %arg7[%add3A_2747, %dma_wait3A_3360] : memref<4096x128xf32, #tpu.memory_space<vmem_shared>> -> memref<512x128xf32, #tpu.memory_space<vmem_shared>>
    tpu.wait_dma2 semaphore(%arg8 : memref<!tpu.dma_semaphore, #tpu.memory_space<semaphore_mem>>) src(%dma_wait3A_3361 : memref<512x128xf32, #tpu.memory_space<vmem_shared>>) dst(%dma_wait3A_3359 : memref<512x128xf32, #tpu.memory_space<hbm>>)
    %dma_wait3A_3362 = arith.constant 0 : i32
    %dma_wait3A_3363 = arith.constant 0 : i32
    %dma_wait3A_3364 = tpu.memref_slice %arg3[%add3A_2755, %dma_wait3A_3362, %dma_wait3A_3363] : memref<2048x512x128xf32, #tpu.memory_space<hbm>> -> memref<1x512x128xf32, #tpu.memory_space<hbm>>
    %dma_wait3A_3365 = tpu.memref_squeeze %dma_wait3A_3364 : memref<1x512x128xf32, #tpu.memory_space<hbm>> -> memref<512x128xf32, #tpu.memory_space<hbm>>
    %dma_wait3A_3366 = arith.constant 0 : i32
    %dma_wait3A_3367 = tpu.memref_slice %arg7[%add3A_2785, %dma_wait3A_3366] : memref<4096x128xf32, #tpu.memory_space<vmem_shared>> -> memref<512x128xf32, #tpu.memory_space<vmem_shared>>
    tpu.wait_dma2 semaphore(%arg8 : memref<!tpu.dma_semaphore, #tpu.memory_space<semaphore_mem>>) src(%dma_wait3A_3367 : memref<512x128xf32, #tpu.memory_space<vmem_shared>>) dst(%dma_wait3A_3365 : memref<512x128xf32, #tpu.memory_space<hbm>>)
    %dma_wait3A_3368 = arith.constant 0 : i32
    %dma_wait3A_3369 = arith.constant 0 : i32
    %dma_wait3A_3370 = tpu.memref_slice %arg3[%add3A_2793, %dma_wait3A_3368, %dma_wait3A_3369] : memref<2048x512x128xf32, #tpu.memory_space<hbm>> -> memref<1x512x128xf32, #tpu.memory_space<hbm>>
    %dma_wait3A_3371 = tpu.memref_squeeze %dma_wait3A_3370 : memref<1x512x128xf32, #tpu.memory_space<hbm>> -> memref<512x128xf32, #tpu.memory_space<hbm>>
    %dma_wait3A_3372 = arith.constant 0 : i32
    %dma_wait3A_3373 = tpu.memref_slice %arg7[%add3A_2823, %dma_wait3A_3372] : memref<4096x128xf32, #tpu.memory_space<vmem_shared>> -> memref<512x128xf32, #tpu.memory_space<vmem_shared>>
    tpu.wait_dma2 semaphore(%arg8 : memref<!tpu.dma_semaphore, #tpu.memory_space<semaphore_mem>>) src(%dma_wait3A_3373 : memref<512x128xf32, #tpu.memory_space<vmem_shared>>) dst(%dma_wait3A_3371 : memref<512x128xf32, #tpu.memory_space<hbm>>)
    %dma_wait3A_3374 = arith.constant 0 : i32
    %dma_wait3A_3375 = arith.constant 0 : i32
    %dma_wait3A_3376 = tpu.memref_slice %arg3[%add3A_2831, %dma_wait3A_3374, %dma_wait3A_3375] : memref<2048x512x128xf32, #tpu.memory_space<hbm>> -> memref<1x512x128xf32, #tpu.memory_space<hbm>>
    %dma_wait3A_3377 = tpu.memref_squeeze %dma_wait3A_3376 : memref<1x512x128xf32, #tpu.memory_space<hbm>> -> memref<512x128xf32, #tpu.memory_space<hbm>>
    %dma_wait3A_3378 = arith.constant 0 : i32
    %dma_wait3A_3379 = tpu.memref_slice %arg7[%add3A_2861, %dma_wait3A_3378] : memref<4096x128xf32, #tpu.memory_space<vmem_shared>> -> memref<512x128xf32, #tpu.memory_space<vmem_shared>>
    tpu.wait_dma2 semaphore(%arg8 : memref<!tpu.dma_semaphore, #tpu.memory_space<semaphore_mem>>) src(%dma_wait3A_3379 : memref<512x128xf32, #tpu.memory_space<vmem_shared>>) dst(%dma_wait3A_3377 : memref<512x128xf32, #tpu.memory_space<hbm>>)
    %dma_wait3A_3380 = arith.constant 0 : i32
    %dma_wait3A_3381 = arith.constant 0 : i32
    %dma_wait3A_3382 = tpu.memref_slice %arg3[%add3A_2869, %dma_wait3A_3380, %dma_wait3A_3381] : memref<2048x512x128xf32, #tpu.memory_space<hbm>> -> memref<1x512x128xf32, #tpu.memory_space<hbm>>
    %dma_wait3A_3383 = tpu.memref_squeeze %dma_wait3A_3382 : memref<1x512x128xf32, #tpu.memory_space<hbm>> -> memref<512x128xf32, #tpu.memory_space<hbm>>
    %dma_wait3A_3384 = arith.constant 0 : i32
    %dma_wait3A_3385 = tpu.memref_slice %arg7[%add3A_2899, %dma_wait3A_3384] : memref<4096x128xf32, #tpu.memory_space<vmem_shared>> -> memref<512x128xf32, #tpu.memory_space<vmem_shared>>
    tpu.wait_dma2 semaphore(%arg8 : memref<!tpu.dma_semaphore, #tpu.memory_space<semaphore_mem>>) src(%dma_wait3A_3385 : memref<512x128xf32, #tpu.memory_space<vmem_shared>>) dst(%dma_wait3A_3383 : memref<512x128xf32, #tpu.memory_space<hbm>>)
    %dma_wait3A_3386 = arith.constant 0 : i32
    %dma_wait3A_3387 = arith.constant 0 : i32
    %dma_wait3A_3388 = tpu.memref_slice %arg3[%add3A_2907, %dma_wait3A_3386, %dma_wait3A_3387] : memref<2048x512x128xf32, #tpu.memory_space<hbm>> -> memref<1x512x128xf32, #tpu.memory_space<hbm>>
    %dma_wait3A_3389 = tpu.memref_squeeze %dma_wait3A_3388 : memref<1x512x128xf32, #tpu.memory_space<hbm>> -> memref<512x128xf32, #tpu.memory_space<hbm>>
    %dma_wait3A_3390 = arith.constant 0 : i32
    %dma_wait3A_3391 = tpu.memref_slice %arg7[%add3A_2937, %dma_wait3A_3390] : memref<4096x128xf32, #tpu.memory_space<vmem_shared>> -> memref<512x128xf32, #tpu.memory_space<vmem_shared>>
    tpu.wait_dma2 semaphore(%arg8 : memref<!tpu.dma_semaphore, #tpu.memory_space<semaphore_mem>>) src(%dma_wait3A_3391 : memref<512x128xf32, #tpu.memory_space<vmem_shared>>) dst(%dma_wait3A_3389 : memref<512x128xf32, #tpu.memory_space<hbm>>)
    %dma_wait3A_3392 = arith.constant 0 : i32
    %dma_wait3A_3393 = arith.constant 0 : i32
    %dma_wait3A_3394 = tpu.memref_slice %arg3[%add3A_2945, %dma_wait3A_3392, %dma_wait3A_3393] : memref<2048x512x128xf32, #tpu.memory_space<hbm>> -> memref<1x512x128xf32, #tpu.memory_space<hbm>>
    %dma_wait3A_3395 = tpu.memref_squeeze %dma_wait3A_3394 : memref<1x512x128xf32, #tpu.memory_space<hbm>> -> memref<512x128xf32, #tpu.memory_space<hbm>>
    %dma_wait3A_3396 = arith.constant 0 : i32
    %dma_wait3A_3397 = tpu.memref_slice %arg7[%add3A_2975, %dma_wait3A_3396] : memref<4096x128xf32, #tpu.memory_space<vmem_shared>> -> memref<512x128xf32, #tpu.memory_space<vmem_shared>>
    tpu.wait_dma2 semaphore(%arg8 : memref<!tpu.dma_semaphore, #tpu.memory_space<semaphore_mem>>) src(%dma_wait3A_3397 : memref<512x128xf32, #tpu.memory_space<vmem_shared>>) dst(%dma_wait3A_3395 : memref<512x128xf32, #tpu.memory_space<hbm>>)
    %dma_wait3A_3398 = arith.constant 0 : i32
    %dma_wait3A_3399 = arith.constant 0 : i32
    %dma_wait3A_3400 = tpu.memref_slice %arg3[%add3A_2983, %dma_wait3A_3398, %dma_wait3A_3399] : memref<2048x512x128xf32, #tpu.memory_space<hbm>> -> memref<1x512x128xf32, #tpu.memory_space<hbm>>
    %dma_wait3A_3401 = tpu.memref_squeeze %dma_wait3A_3400 : memref<1x512x128xf32, #tpu.memory_space<hbm>> -> memref<512x128xf32, #tpu.memory_space<hbm>>
    %dma_wait3A_3402 = arith.constant 0 : i32
    %dma_wait3A_3403 = tpu.memref_slice %arg7[%add3A_3013, %dma_wait3A_3402] : memref<4096x128xf32, #tpu.memory_space<vmem_shared>> -> memref<512x128xf32, #tpu.memory_space<vmem_shared>>
    tpu.wait_dma2 semaphore(%arg8 : memref<!tpu.dma_semaphore, #tpu.memory_space<semaphore_mem>>) src(%dma_wait3A_3403 : memref<512x128xf32, #tpu.memory_space<vmem_shared>>) dst(%dma_wait3A_3401 : memref<512x128xf32, #tpu.memory_space<hbm>>)
    return
  }
}

</mosaic_0001>

<sc_bundles>
// kernel: kernel.3.cloned.1.call-start
scs
__scs_entry_jumppad:
0x0: {  	(pc) =	sbr.rel $0x88, $3  }
0x1: {  	(tag) =	ssettag $0x0;
	lr =	simm.s32 $0x1  }
0x2: {  	[smem:$0x3FA0] =	sst lr;
	_ =	strace $0xD0000000  }
0x3: {  	_ = 	snop  }
0x4: {  	_ = 	snop  }
0x5: {  	_ = 	snop  }
0x6: {  	_ = 	snop  }
0x7: {  	_ = 	snop  }
__scs_overlays_trampoline_lowered:
0x8: {  	[smem:$0x3FAF] =	sst s0  }
0x9: {  	[smem:$0x3FB0] =	sst s1  }
0xa: {  	[smem:$0x3FB1] =	sst s2  }
0xb: {  	[smem:$0x3FB2] =	sst s3  }
0xc: {  	[smem:$0x3FB3] =	sst s4  }
0xd: {  	[smem:$0x3FB4] =	sst s5  }
0xe: {  	[smem:$0x3FB5] =	sst s6  }
0xf: {  	[smem:$0x3FB6] =	sst s7  }
0x10: {  	[smem:$0x3FB7] =	sst s8  }
0x11: {  	[smem:$0x3FB8] =	sst s9;
	s0 =	simm.s32 @!p0 $0x0  }
0x12: {  	s1 =	sld [smem:$0x3F9E];
	s0 =	simm.s32 @p0 $0x1  }
0x13: {  	[smem:$0x3FB9] =	sst s0;
	s0 =	simm.s32 @!p1 $0x0  }
0x14: {  	s2 =	sld [smem:$0x3F9D];
	s0 =	simm.s32 @p1 $0x1  }
0x15: {  	[smem:$0x3FBA] =	sst s0;
	s0 =	simm.s32 @!p2 $0x0  }
0x16: {  	s3 =	sld [smem:$0x3FDB];
	s0 =	simm.s32 @p2 $0x1  }
0x17: {  	s4 =	simm.s32 $0x1BF5;
	[smem:$0x3FBC] =	sst s0  }
0x18: {  	s0 =	sld [smem:$0x3F9F];
	_ =	swait.ge [sflag:s4], $0x0  }
0x19: {  	s7 =	sld [smem:$0x3FA0]  }
0x1a: {  	s8 =	sadd.s32 $0xFFFFE003, lr  }
0x1b: {  	s9 =	sadd.s32 $0xFFFFFEF7, lr;
	s5 =	simm.s32 $0xFFFFFFFF;
	p2 =	slt.u32 s8, $0xFFFFF086  }
0x1c: {  	p1 =	slt.u32 s9, $0xF7A;
	s5 =	simm.s32 @!p2 $0x0  }
0x1d: {  	s5 =	simm.s32 @p1 $0x1;
	p0 =	seq.s32 s7, s2  }
0x1e: {  	s7 =	smul.u32 @!p0 $0xF7A, s2;
	p2 =	seq.s32 @!p0 s5, $0x0  }
0x1f: {  	s9 =	smul.u32 $0xF7A, s1;
	s8 =	simm.s32 @!p0 $0x1BF5;
	p2 =	por !p2, p0  }
0x20: {  	[sflag:s8] =	ssyncset.s32 @!p0 $0xFFFFF086;
	s6 =	sadd.s32 @!p0 s3, s7;
	s7 =	simm.s32 @!p0 $0x108  }
0x21: {  	s3 =	sadd.s32 s3, s9;
	s6 =	sadd.s32 @!p0 $0x88, s6;
	s7 =	simm.s32 @p2 $0x1082  }
0x22: {  	[simem:s7], [sflag:s8] =	dma.local @!p0 [hbm:s6], $0xF7A  }
0x23: {  	s9 =	sor.u32 $0xD0000000, s2;
	s6 =	simm.s32 $0x108;
	_ =	swait.ge @!p0 [sflag:s8], $0x0  }
0x24: {  	s3 =	sadd.s32 $0x88, s3;
	s6 =	simm.s32 @!p1 $0x1082;
	[sflag:s4] =	ssyncset.s32 $0xFFFFF086  }
0x25: {  	[simem:s6], [sflag:s4] =	dma.local [hbm:s3], $0xF7A  }
0x26: {  	[smem:$0x3FA0] =	sst s1;
	(tag) =	ssettag s2;
	_ =	strace s9  }
0x27: {  	s1 =	sld [smem:$0x3FB0]  }
0x28: {  	s2 =	sld [smem:$0x3FB1]  }
0x29: {  	s4 =	sld [smem:$0x3FB3]  }
0x2a: {  	p0 =	seq.s32 s5, $0x0;
	s5 =	sld [smem:$0x3FB4]  }
0x2b: {  	s6 =	sld [smem:$0x3FB5]  }
0x2c: {  	s7 =	sld [smem:$0x3FB6]  }
0x2d: {  	s3 =	simm.s32 $0x108;
	s8 =	sld [smem:$0x3FB7]  }
0x2e: {  	s3 =	simm.s32 @!p0 $0x1082;
	s9 =	sld [smem:$0x3FB8]  }
0x2f: {  	lr =	sadd.s32 s0, s3;
	s0 =	sld [smem:$0x3FAF]  }
0x30: {  	s3 =	sld [smem:$0x3FB2]  }
0x31: {  	[smem:$0x3FBB] =	sst s10  }
0x32: {  	s10 =	sld [smem:$0x3FB9];
	_ =	sdelay $0x3  }
0x33: {  	p0 =	seq.s32 s10, $0x1;
	s10 =	sld [smem:$0x3FBB];
	_ =	sdelay $0x3  }
0x34: {  	[smem:$0x3FBB] =	sst s10  }
0x35: {  	s10 =	sld [smem:$0x3FBA];
	_ =	sdelay $0x3  }
0x36: {  	p1 =	seq.s32 s10, $0x1;
	s10 =	sld [smem:$0x3FBB];
	_ =	sdelay $0x3  }
0x37: {  	[smem:$0x3FBB] =	sst s10  }
0x38: {  	s10 =	sld [smem:$0x3FBC]  }
0x39: {  	_ = 	snop;
	(pc) =	sbr.ind lr, $3  }
0x3a: {  	_ = 	snop  }
0x3b: {  	_ = 	snop  }
0x3c: {  	p2 =	seq.s32 s10, $0x1;
	s10 =	sld [smem:$0x3FBB]  }
0x3d: {  	_ =	shalt  }
0x3e: {  	_ =	shalt  }
0x3f: {  	_ =	shalt  }
0x40: {  	_ =	shalt  }
0x41: {  	_ =	shalt  }
0x42: {  	_ =	shalt  }
0x43: {  	_ =	shalt  }
0x44: {  	_ =	shalt  }
0x45: {  	_ =	shalt  }
0x46: {  	_ =	shalt  }
0x47: {  	_ =	shalt  }
0x48: {  	_ =	shalt  }
0x49: {  	_ =	shalt  }
0x4a: {  	_ =	shalt  }
0x4b: {  	_ =	shalt  }
0x4c: {  	_ =	shalt  }
0x4d: {  	_ =	shalt  }
0x4e: {  	_ =	shalt  }
0x4f: {  	_ =	shalt  }
0x50: {  	_ =	shalt  }
0x51: {  	_ =	shalt  }
0x52: {  	_ =	shalt  }
0x53: {  	_ =	shalt  }
0x54: {  	_ =	shalt  }
0x55: {  	_ =	shalt  }
0x56: {  	_ =	shalt  }
0x57: {  	_ =	shalt  }
0x58: {  	_ =	shalt  }
0x59: {  	_ =	shalt  }
0x5a: {  	_ =	shalt  }
0x5b: {  	_ =	shalt  }
0x5c: {  	_ =	shalt  }
0x5d: {  	_ =	shalt  }
0x5e: {  	_ =	shalt  }
0x5f: {  	_ =	shalt  }
0x60: {  	_ =	shalt  }
0x61: {  	_ =	shalt  }
0x62: {  	_ =	shalt  }
0x63: {  	_ =	shalt  }
0x64: {  	_ =	shalt  }
0x65: {  	_ =	shalt  }
0x66: {  	_ =	shalt  }
0x67: {  	_ =	shalt  }
0x68: {  	_ =	shalt  }
0x69: {  	_ =	shalt  }
0x6a: {  	_ =	shalt  }
0x6b: {  	_ =	shalt  }
0x6c: {  	_ =	shalt  }
0x6d: {  	_ =	shalt  }
0x6e: {  	_ =	shalt  }
0x6f: {  	_ =	shalt  }
0x70: {  	_ =	shalt  }
0x71: {  	_ =	shalt  }
0x72: {  	_ =	shalt  }
0x73: {  	_ =	shalt  }
0x74: {  	_ =	shalt  }
0x75: {  	_ =	shalt  }
0x76: {  	_ =	shalt  }
0x77: {  	_ =	shalt  }
0x78: {  	_ =	shalt  }
0x79: {  	_ =	shalt  }
0x7a: {  	_ =	shalt  }
0x7b: {  	_ =	shalt  }
0x7c: {  	_ =	shalt  }
0x7d: {  	_ =	shalt  }
0x7e: {  	_ =	shalt  }
0x7f: {  	_ =	shalt  }
0x80: {  	_ =	shalt  }
0x81: {  	_ =	shalt  }
0x82: {  	_ =	shalt  }
0x83: {  	_ =	shalt  }
0x84: {  	_ =	shalt  }
0x85: {  	_ =	shalt  }
0x86: {  	_ =	shalt  }
0x87: {  	_ =	shalt  }
.Lfunc_end0:
.L_simem_size_0:
called_computation.2_lowered:
.L_overlay_start_0:
0x88: {  	s2 =	sld [smem:$0x3FD9]  }
0x89: {  	s3 =	sld [smem:$0x3FFE];
	_ =	sdelay $0x1  }
0x8a: {  	s1 =	srdreg.scid  }
0x8b: {  	s0 =	sand.u32 $0x1, s1  }
0x8c: {  	s17 =	sshll.u32 s0, $0xA;
	s2 =	sadd.s32 s3, s2  }
0x8d: {  	s2 =	sadd.s32 s2, s17  }
0x8e: {  	[smem:$0x3FC7] =	sst s2  }
0x8f: {  	_ = 	snop  }
0x90: {  	s2 =	sld [smem:$0x3FD0];
	(tm) =	ssettm $0x1  }
0x91: {  	s18 =	sld [smem:$0x3FFB];
	_ =	sdelay $0x3  }
0x92: {  	_ =	strace s18  }
0x93: {  	s3 =	sld [smem:$0x3FFC];
	_ =	sdelay $0x3  }
0x94: {  	_ =	strace s3  }
0x95: {  	s3 =	sld [smem:$0x3FFD];
	_ =	sdelay $0x3  }
0x96: {  	_ =	strace s3  }
0x97: {  	_ =	strace $0x8FFFFFFF  }
0x98: {  	s19 =	sld [smem:$0x3FDB];
	_ =	sdelay $0x1  }
0x99: {  	s4 =	simm.s32 $_scs_section_size  }
0x9a: {  	s5 =	simm.s32 $_size__tile_overlayer_lowered;
	s6 =	simm.s32 $_tile_overlayer_lowered  }
0x9b: {  	s22 =	simm.s32 $0x1BFF;
	s21 =	sshll.u32 s6, $0x1;
	s3 =	sadd.s32 s4, s19  }
0x9c: {  	s7 =	simm.s32 $0x0;
	s20 =	sshll.u32 s5, $0x1;
	s5 =	sadd.s32 s21, s3  }
0x9d: {  	[timem:s7], [sflag:s22] =	dma.local [hbm:s5], s20  }
0x9e: {  	_ =	swait.ge [sflag:s22], s20  }
0x9f: {  	s4 =	ssub.s32 $0x0, s20;
	[sflag:s22] =	ssyncset.done $0x0  }
0xa0: {  	[sflag:s22] =	ssyncadd.s32 s4;
	_ =	sdelay $0x1  }
0xa1: {  	s23 =	simm.s32 $0x1B8B  }
0xa2: {  	_ =	swait.ge [sflag:s23], $0x1  }
0xa3: {  	[sflag:s23] =	ssyncset.done $0x0  }
0xa4: {  	s25 =	simm.s32 $0x1B8E;
	s24 =	sld [smem:$0x3FFE];
	[sflag:s23] =	ssyncadd.s32 $0xFFFFFFFF  }
0xa5: {  	s26 =	simm.s32 $execute0_lowered;
	[smem:$0x3FD2] =	sst s25  }
0xa6: {  	s5 =	sshll.u32 s26, $0x1;
	_ =	strace $0x80000046;
	[dreg:$0x1] =	wrdreg $0xFFFFFFFF  }
0xa7: {  	s28 =	simm.s32 $_size_execute0_lowered;
	s3 =	sadd.s32 s3, s5;
	[dreg:$0x0] =	wrdreg $0x0  }
0xa8: {  	s5 =	sshll.u32 s28, $0x1;
	[dreg:$0x2] =	wrdreg s3  }
0xa9: {  	[dreg:$0x3] =	wrdreg s5  }
0xaa: {  	[dreg:$0x4] =	wrdreg $0xC0  }
0xab: {  	_ =	task [dreg:s7], $0x5FFFF  }
0xac: {  	[dreg:$0x1] =	wrdreg $0xFFFFFFFF  }
0xad: {  	[dreg:$0x0] =	wrdreg $0x60  }
0xae: {  	[dreg:$0x2] =	wrdreg s24  }
0xaf: {  	[dreg:$0x3] =	wrdreg s2  }
0xb0: {  	[dreg:$0x4] =	wrdreg $0x81000  }
0xb1: {  	[dreg:$0x5] =	wrdreg $0x9  }
0xb2: {  	_ =	task.clear_ibuf [dreg:s7], $0x6FFFF;
	_ =	strace $0x90000046  }
0xb3: {  	s29 =	simm.s32 $0x9;
	_ =	strace $0x80000048  }
0xb4: {  	_ =	swait.ge [sflag:s29], $0x1  }
0xb5: {  	[sflag:s29] =	ssyncadd.s32 $0xFFFFFFFF  }
0xb6: {  	_ =	strace $0x90000048  }
0xb7: {  	_ =	sfence  }
0xb8: {  	s30 =	sld [smem:$0x0];
	_ =	sdelay $0x2  }
0xb9: {  	s31 =	sshll.u32 s1, $0xD;
	s1 =	sshrl.u32 s1, $0x2  }
0xba: {  	s3 =	sand.u32 $0x4000, s31;
	s1 =	sadd.s32 s1, s30  }
0xbb: {  	s0 =	sor.u32 s3, s0;
	s1 =	sshll.u32 s1, $0x11  }
0xbc: {  	s0 =	sor.u32 s1, s0  }
0xbd: {  	s0 =	sadd.s32 $0x8F2B, s0  }
0xbe: {  	[sflag:s0] =	ssyncadd.remote.s32 $0x1  }
0xbf: {  	_ =	sfence.sel $0xFFFF  }
0xc0: {  	[dreg:$0x0] =	wrdreg $0xFFFFFFFF;
	(pc) =	sbr.abs _section_cstart, $3  }
0xc1: {  	[dreg:$0x1] =	wrdreg $0xFFFFFFFF  }
0xc2: {  	_ =	task.clear_ibuf [dreg:s7], $0x2FFFF;
	_ =	strace $0x9FFFFFFF  }
0xc3: {  	(tm) =	ssettm $0x7FFFFFFF  }
tec
execute0_lowered:
.L_overlay_start_1:
0x0: {  	(tag) =	ssettag $0x1  }
0x1: {  	s23 =	rddreg [dreg:$0x0]  }
0x2: {  	s6 =	rddreg [dreg:$0x1]  }
0x3: {  	s1 =	rddreg [dreg:$0x2];
	s3 =	stileid.u32  }
0x4: {  	s4 =	srdreg.scid;
	s21 =	sshrl.u32 s3, $0x2;
	s5 =	sshll.u32 s3, $0x8  }
0x5: {  	s24 =	sand.u32 $0x1, s4;
	s8 =	sshll.u32 s3, $0x7;
	s20 =	sand.u32 $0x300, s5  }
0x6: {  	s31 =	sshll.u32 s21, $0xE;
	s9 =	sshll.u32 s24, $0x6;
	s7 =	sshll.u32 s20, $0x4  }
0x7: {  	s4 =	sadd.s32 $0x1A00, s23;
	s5 =	sor.u32 s31, s7;
	s7 =	sor.u32 s9, s8  }
0x8: {  	s2 =	simm.s32 $0x0;
	s5 =	sadd.s32 s4, s5;
	s8 =	sshll.u32 s7, $0xD  }
0x9: {  	[smem:$0x7FF] =	sst s2;
	s0 =	sadd.s32 $0x800, s5;
	s6 =	sadd.s32 s6, s8  }
0xa: {  	_ =	strace $0x80000047;
	[dreg:$0x4] =	wrdreg s0;
	s8 =	sadd.s32 $0x2000, s6  }
0xb: {  	s10 =	sadd.s32 $0x4000, s6;
	[dreg:$0x5] =	wrdreg s8  }
0xc: {  	s11 =	sadd.s32 $0x6000, s6;
	[dreg:$0x6] =	wrdreg s10  }
0xd: {  	s12 =	sadd.s32 $0x8000, s6;
	[dreg:$0x7] =	wrdreg s11  }
0xe: {  	s13 =	sadd.s32 $0xA000, s6;
	[dreg:$0x8] =	wrdreg s12  }
0xf: {  	s14 =	sadd.s32 $0xC000, s6;
	[dreg:$0x9] =	wrdreg s13  }
0x10: {  	s15 =	sadd.s32 $0xE000, s6;
	[dreg:$0xa] =	wrdreg s14  }
0x11: {  	s16 =	sadd.s32 $0x10000, s6;
	[dreg:$0xb] =	wrdreg s15  }
0x12: {  	s17 =	sadd.s32 $0x12000, s6;
	[dreg:$0xc] =	wrdreg s16  }
0x13: {  	s18 =	sadd.s32 $0x14000, s6;
	[dreg:$0xd] =	wrdreg s17  }
0x14: {  	s19 =	sadd.s32 $0x16000, s6;
	[dreg:$0xe] =	wrdreg s18  }
0x15: {  	s22 =	sadd.s32 $0x18000, s6;
	[dreg:$0xf] =	wrdreg s19  }
0x16: {  	s25 =	sadd.s32 $0x1A000, s6;
	[dreg:$0x10] =	wrdreg s22  }
0x17: {  	s26 =	sadd.s32 $0x1C000, s6;
	[dreg:$0x11] =	wrdreg s25  }
0x18: {  	s30 =	sadd.s32 $0x1E000, s6;
	[dreg:$0x12] =	wrdreg s26  }
0x19: {  	s31 =	sadd.s32 $0x20000, s6;
	[dreg:$0x13] =	wrdreg s30  }
0x1a: {  	s0 =	sadd.s32 $0x22000, s6;
	[dreg:$0x14] =	wrdreg s31  }
0x1b: {  	s9 =	sadd.s32 $0x24000, s6;
	[dreg:$0x15] =	wrdreg s0  }
0x1c: {  	[dreg:$0x16] =	wrdreg s9;
	s10 =	sadd.s32 $0x26000, s6  }
0x1d: {  	s11 =	sadd.s32 $0x28000, s6;
	[dreg:$0x17] =	wrdreg s10  }
0x1e: {  	s12 =	sadd.s32 $0x2A000, s6;
	[dreg:$0x18] =	wrdreg s11  }
0x1f: {  	s13 =	sadd.s32 $0x2C000, s6;
	[dreg:$0x19] =	wrdreg s12  }
0x20: {  	s14 =	sadd.s32 $0x2E000, s6;
	[dreg:$0x1a] =	wrdreg s13  }
0x21: {  	s15 =	sadd.s32 $0x30000, s6;
	[dreg:$0x1b] =	wrdreg s14  }
0x22: {  	s16 =	sadd.s32 $0x32000, s6;
	[dreg:$0x1c] =	wrdreg s15  }
0x23: {  	s17 =	sadd.s32 $0x34000, s6;
	[dreg:$0x1d] =	wrdreg s16  }
0x24: {  	s18 =	sadd.s32 $0x36000, s6;
	[dreg:$0x1e] =	wrdreg s17  }
0x25: {  	s19 =	sadd.s32 $0x38000, s6;
	[dreg:$0x1f] =	wrdreg s18  }
0x26: {  	s22 =	sadd.s32 $0x3A000, s6;
	[smem:$0x7AA] =	sst s19  }
0x27: {  	s25 =	sadd.s32 $0x3C000, s6;
	[smem:$0x7AB] =	sst s22  }
0x28: {  	s26 =	sadd.s32 $0x3E000, s6;
	[smem:$0x7AC] =	sst s25  }
0x29: {  	s30 =	sadd.s32 $0x40000, s6;
	[smem:$0x7AD] =	sst s26  }
0x2a: {  	s31 =	sadd.s32 $0x42000, s6;
	[smem:$0x7AE] =	sst s30  }
0x2b: {  	s0 =	sadd.s32 $0x44000, s6;
	[smem:$0x7AF] =	sst s31  }
0x2c: {  	s9 =	sadd.s32 $0x46000, s6;
	[smem:$0x7B0] =	sst s0  }
0x2d: {  	s8 =	sadd.s32 $0x68000, s6;
	[smem:$0x7B1] =	sst s9  }
0x2e: {  	s10 =	sadd.s32 $0x48000, s6;
	[smem:$0x7C2] =	sst s8  }
0x2f: {  	s11 =	sadd.s32 $0x4A000, s6;
	[smem:$0x7B2] =	sst s10  }
0x30: {  	s12 =	sadd.s32 $0x4C000, s6;
	[smem:$0x7B3] =	sst s11  }
0x31: {  	s13 =	sadd.s32 $0x4E000, s6;
	[smem:$0x7B4] =	sst s12  }
0x32: {  	s14 =	sadd.s32 $0x50000, s6;
	[smem:$0x7B5] =	sst s13  }
0x33: {  	s15 =	sadd.s32 $0x52000, s6;
	[smem:$0x7B6] =	sst s14  }
0x34: {  	s16 =	sadd.s32 $0x54000, s6;
	[smem:$0x7B7] =	sst s15  }
0x35: {  	s17 =	sadd.s32 $0x56000, s6;
	[smem:$0x7B8] =	sst s16  }
0x36: {  	s18 =	sadd.s32 $0x58000, s6;
	[smem:$0x7B9] =	sst s17  }
0x37: {  	s19 =	sadd.s32 $0x5A000, s6;
	[smem:$0x7BA] =	sst s18  }
0x38: {  	s22 =	sadd.s32 $0x5C000, s6;
	[smem:$0x7BB] =	sst s19  }
0x39: {  	s25 =	sadd.s32 $0x5E000, s6;
	[smem:$0x7BC] =	sst s22  }
0x3a: {  	s26 =	sadd.s32 $0x60000, s6;
	[smem:$0x7BD] =	sst s25  }
0x3b: {  	s29 =	simm.s32 $0x1;
	s30 =	sadd.s32 $0x62000, s6;
	[smem:$0x7BE] =	sst s26  }
0x3c: {  	s23 =	sadd.s32 $0x1000, s23;
	s31 =	sadd.s32 $0x64000, s6;
	[smem:$0x7BF] =	sst s30  }
0x3d: {  	p0 =	sne.s32 s3, $0x0;
	s0 =	sadd.s32 $0x66000, s6;
	[smem:$0x7C0] =	sst s31  }
0x3e: {  	s24 =	ssub.s32 $0x2, s24;
	[smem:$0x7C1] =	sst s0;
	s10 =	sadd.s32 $0x6A000, s6  }
0x3f: {  	s28 =	sor.u32 $0x70, s20;
	s11 =	sadd.s32 $0x6C000, s6;
	[smem:$0x7C3] =	sst s10  }
0x40: {  	v8 =	vmov s28;
	s28 =	simm.s32 $0x4100;
	s12 =	sadd.s32 $0x6E000, s6;
	[smem:$0x7C4] =	sst s11  }
0x41: {  	s15 =	sor.u32 $0x10, s20;
	s13 =	sadd.s32 $0x70000, s6;
	[smem:$0x7C5] =	sst s12  }
0x42: {  	s17 =	sor.u32 $0x20, s20;
	s14 =	sadd.s32 $0x72000, s6;
	[smem:$0x7C6] =	sst s13  }
0x43: {  	s16 =	sor.u32 $0x30, s20;
	s19 =	sadd.s32 $0x76000, s6;
	[smem:$0x7C7] =	sst s14  }
0x44: {  	s22 =	sshll.u32 s7, $0x5;
	s25 =	sadd.s32 $0x78000, s6;
	[smem:$0x7C9] =	sst s19  }
0x45: {  	s26 =	sadd.s32 $0x7A000, s6;
	s30 =	sadd.s32 $0x7C000, s6;
	[smem:$0x7CA] =	sst s25  }
0x46: {  	s9 =	sxor.u32 $0xFF80, s22;
	s18 =	sxor.u32 $0xFF00, s22;
	[smem:$0x7CB] =	sst s26  }
0x47: {  	s13 =	sadd.s32 $0x74000, s6;
	s19 =	sxor.u32 $0xFE80, s22;
	[smem:$0x7CC] =	sst s30  }
0x48: {  	s25 =	sadd.s32 $0x7E000, s6;
	s0 =	sxor.u32 $0xFE00, s22;
	v2 =	vmov s17;
	s17 =	sor.u32 $0x80, s20  }
0x49: {  	s7 =	sadd.s32 s9, s1;
	s8 =	sadd.s32 s18, s1;
	[smem:$0x7C8] =	sst s13  }
0x4a: {  	s9 =	sadd.s32 s19, s1;
	[smem:$0x7CD] =	sst s25;
	s10 =	sadd.s32 $0x60000, s7  }
0x4b: {  	s11 =	sadd.s32 $0x40000, s7;
	s12 =	sadd.s32 $0x20000, s7;
	s13 =	sadd.s32 $0x60000, s8  }
0x4c: {  	s14 =	sadd.s32 $0x40000, s8;
	s18 =	sadd.s32 $0x20000, s8;
	s10 =	sshrl.u32 s10, $0x3  }
0x4d: {  	s19 =	sadd.s32 $0x60000, s9;
	s31 =	sshrl.u32 s11, $0x3;
	[smem:$0x7CE] =	sst s10  }
0x4e: {  	s25 =	sadd.s32 $0x40000, s9;
	s12 =	sshrl.u32 s12, $0x3;
	[smem:$0x7CF] =	sst s31  }
0x4f: {  	s26 =	sadd.s32 $0x20000, s9;
	s13 =	sshrl.u32 s13, $0x3;
	[smem:$0x7D0] =	sst s12  }
0x50: {  	s14 =	sshrl.u32 s14, $0x3;
	s30 =	sshrl.u32 s18, $0x3;
	[smem:$0x7D1] =	sst s13  }
0x51: {  	s26 =	sshrl.u32 s26, $0x3;
	s10 =	sadd.s32 s0, s1;
	[smem:$0x7D2] =	sst s14  }
0x52: {  	[smem:$0x7D3] =	sst s30;
	s31 =	sxor.u32 $0xFD80, s22;
	s0 =	sshrl.u32 s19, $0x3  }
0x53: {  	s19 =	sshrl.u32 s25, $0x3;
	[smem:$0x7D6] =	sst s26;
	s12 =	sadd.s32 $0x60000, s10  }
0x54: {  	s13 =	sadd.s32 $0x40000, s10;
	s14 =	sadd.s32 $0x20000, s10;
	[smem:$0x7D4] =	sst s0  }
0x55: {  	s11 =	sadd.s32 s31, s1;
	[smem:$0x7D5] =	sst s19;
	s0 =	sxor.u32 $0xFD00, s22  }
0x56: {  	s25 =	sadd.s32 $0x60000, s11;
	s30 =	sadd.s32 $0x40000, s11;
	s12 =	sshrl.u32 s12, $0x3  }
0x57: {  	s18 =	sadd.s32 $0x20000, s11;
	s31 =	sshrl.u32 s13, $0x3;
	[smem:$0x7D7] =	sst s12  }
0x58: {  	s14 =	sshrl.u32 s14, $0x3;
	[smem:$0x7D8] =	sst s31;
	s12 =	sadd.s32 s0, s1  }
0x59: {  	[smem:$0x7D9] =	sst s14;
	s14 =	sshrl.u32 s25, $0x3;
	s26 =	sshrl.u32 s30, $0x3  }
0x5a: {  	s31 =	sxor.u32 $0xFC80, s22;
	s18 =	sshrl.u32 s18, $0x3;
	[smem:$0x7DA] =	sst s14  }
0x5b: {  	s19 =	sadd.s32 $0x60000, s12;
	s30 =	sadd.s32 $0x40000, s12;
	[smem:$0x7DB] =	sst s26  }
0x5c: {  	s0 =	sadd.s32 $0x20000, s12;
	s13 =	sadd.s32 s31, s1;
	[smem:$0x7DC] =	sst s18  }
0x5d: {  	s18 =	sadd.s32 $0x60000, s13;
	s14 =	sshrl.u32 s19, $0x3;
	s25 =	sadd.s32 $0x40000, s13  }
0x5e: {  	s30 =	sshrl.u32 s30, $0x3;
	s19 =	sadd.s32 $0x20000, s13;
	[smem:$0x7DD] =	sst s14  }
0x5f: {  	s31 =	sshrl.u32 s0, $0x3;
	s0 =	sxor.u32 $0xFC00, s22;
	[smem:$0x7DE] =	sst s30  }
0x60: {  	v1 =	vlaneseq.u32;
	[smem:$0x7DF] =	sst s31;
	s18 =	sshrl.u32 s18, $0x3;
	s14 =	sadd.s32 s0, s1  }
0x61: {  	v1 =	vmul.u32 $0x4, v1;
	v4 =	vmov s20;
	s26 =	sshrl.u32 s25, $0x3;
	s31 =	sshrl.u32 s19, $0x3;
	[smem:$0x7E0] =	sst s18  }
0x62: {  	v4 =	vshll.u32 v4, $0x2;
	s19 =	sor.u32 $0x40, s20;
	s25 =	sor.u32 $0x50, s20;
	[smem:$0x7E1] =	sst s26  }
0x63: {  	v4 =	vor.u32 v1, v4;
	v8 =	vshll.u32 v8, $0x2;
	s30 =	sadd.s32 $0x60000, s14;
	[smem:$0x7E2] =	sst s31;
	s26 =	sadd.s32 $0x40000, s14  }
0x64: {  	v4 =	vor.u32 s21, v4;
	s31 =	sxor.u32 $0xFB80, s22;
	v5 =	vmov s19;
	v6 =	vmov s25;
	s19 =	sor.u32 $0xA0, s20;
	s25 =	sor.u32 $0xB0, s20  }
0x65: {  	v8 =	vor.u32 v1, v8;
	v4 =	vmax.u32 v4, $0x7BC;
	s0 =	sshrl.u32 s30, $0x3;
	s18 =	sshrl.u32 s26, $0x3;
	s26 =	sor.u32 $0x60, s20  }
0x66: {  	v8 =	vor.u32 s21, v8;
	v4 =	vmin.u32 v4, $0x83F;
	v0 =	vmov s15;
	s30 =	sadd.s32 $0x20000, s14;
	s15 =	sadd.s32 s31, s1;
	[smem:$0x7E3] =	sst s0  }
0x67: {  	v3 =	vmov s16;
	v0 =	vshll.u32 v0, $0x2;
	v9 =	vmov s17;
	[smem:$0x7E4] =	sst s18;
	s0 =	sshrl.u32 s30, $0x3;
	s18 =	sor.u32 $0x90, s20  }
0x68: {  	v2 =	vshll.u32 v2, $0x2;
	v3 =	vshll.u32 v3, $0x2;
	v0 =	vor.u32 v1, v0;
	s30 =	sadd.s32 $0x60000, s15;
	s31 =	sadd.s32 $0x40000, s15;
	[smem:$0x7E5] =	sst s0  }
0x69: {  	v2 =	vor.u32 v1, v2;
	v3 =	vor.u32 v1, v3;
	v7 =	vmov s26;
	s16 =	sshrl.u32 s30, $0x3;
	s0 =	sxor.u32 $0xFB00, s22;
	s26 =	sshrl.u32 s31, $0x3  }
0x6a: {  	v9 =	vshll.u32 v9, $0x2;
	v0 =	vor.u32 s21, v0;
	s30 =	sadd.s32 $0x20000, s15;
	v10 =	vmov s18;
	s18 =	sor.u32 $0xC0, s20;
	[smem:$0x7E6] =	sst s16  }
0x6b: {  	v2 =	vor.u32 s21, v2;
	v3 =	vor.u32 s21, v3;
	v9 =	vor.u32 v1, v9;
	s16 =	sadd.s32 s0, s1;
	[smem:$0x7E7] =	sst s26;
	s0 =	sshrl.u32 s30, $0x3  }
0x6c: {  	v11 =	vmax.u32 v0, $0x7BC;
	v0 =	vadd.s32 $0xFFFFF844, v4;
	v2 =	vmax.u32 v2, $0x7BC;
	s30 =	sxor.u32 $0xFA80, s22;
	s31 =	sadd.s32 $0x60000, s16;
	[smem:$0x7E8] =	sst s0  }
0x6d: {  	v3 =	vmax.u32 v3, $0x7BC;
	v9 =	vor.u32 s21, v9;
	v4 =	vmin.u32 v11, $0x83F;
	s26 =	sadd.s32 $0x40000, s16;
	s17 =	sshrl.u32 s31, $0x3;
	s31 =	sadd.s32 $0x20000, s16  }
0x6e: {  	v11 =	vmov s19;
	v5 =	vshll.u32 v5, $0x2;
	v6 =	vshll.u32 v6, $0x2;
	s19 =	sshrl.u32 s26, $0x3;
	s26 =	sor.u32 $0xD0, s20;
	[smem:$0x7E9] =	sst s17  }
0x6f: {  	v12 =	vmov s25;
	v5 =	vor.u32 v1, v5;
	v6 =	vor.u32 v1, v6;
	s17 =	sadd.s32 s30, s1;
	[smem:$0x7EA] =	sst s19;
	s25 =	sshrl.u32 s31, $0x3  }
0x70: {  	v11 =	vshll.u32 v11, $0x2;
	v12 =	vshll.u32 v12, $0x2;
	v5 =	vor.u32 s21, v5;
	s31 =	sxor.u32 $0xFA00, s22;
	s0 =	sadd.s32 $0x60000, s17;
	[smem:$0x7EB] =	sst s25  }
0x71: {  	v7 =	vshll.u32 v7, $0x2;
	v6 =	vor.u32 s21, v6;
	v13 =	vmov s18;
	s30 =	sadd.s32 $0x40000, s17;
	s18 =	sadd.s32 s31, s1;
	s31 =	sor.u32 $0xE0, s20  }
0x72: {  	v11 =	vor.u32 v1, v11;
	v12 =	vor.u32 v1, v12;
	v7 =	vor.u32 v1, v7;
	s20 =	sor.u32 $0xF0, s20;
	s19 =	sshrl.u32 s0, $0x3;
	s0 =	sadd.s32 $0x20000, s17  }
0x73: {  	v10 =	vshll.u32 v10, $0x2;
	v11 =	vor.u32 s21, v11;
	v14 =	vmov s26;
	s26 =	sshrl.u32 s30, $0x3;
	s30 =	sadd.s32 $0x60000, s18;
	[smem:$0x7EC] =	sst s19  }
0x74: {  	v12 =	vor.u32 s21, v12;
	v10 =	vor.u32 v1, v10;
	v13 =	vshll.u32 v13, $0x2;
	[smem:$0x7ED] =	sst s26;
	s19 =	sshrl.u32 s0, $0x3;
	s25 =	sshrl.u32 s30, $0x3  }
0x75: {  	v7 =	vor.u32 s21, v7;
	v10 =	vor.u32 s21, v10;
	v13 =	vor.u32 v1, v13;
	s0 =	sadd.s32 $0x40000, s18;
	s30 =	sxor.u32 $0xF980, s22;
	[smem:$0x7EE] =	sst s19  }
0x76: {  	v13 =	vor.u32 s21, v13;
	v15 =	vmov s31;
	v16 =	vmov s20;
	[smem:$0x7EF] =	sst s25;
	s19 =	sadd.s32 s30, s1;
	s31 =	sshrl.u32 s0, $0x3  }
0x77: {  	v14 =	vshll.u32 v14, $0x2;
	v15 =	vshll.u32 v15, $0x2;
	v16 =	vshll.u32 v16, $0x2;
	s0 =	sadd.s32 $0x20000, s18;
	s25 =	sxor.u32 $0xF880, s22;
	[smem:$0x7F0] =	sst s31  }
0x78: {  	v14 =	vor.u32 v1, v14;
	v15 =	vor.u32 v1, v15;
	v1 =	vor.u32 v1, v16;
	s26 =	sshrl.u32 s0, $0x3;
	s30 =	sadd.s32 $0x60000, s19;
	s0 =	sadd.s32 $0x40000, s19  }
0x79: {  	v14 =	vor.u32 s21, v14;
	v15 =	vor.u32 s21, v15;
	v16 =	vor.u32 s21, v1;
	s21 =	sadd.s32 s25, s1;
	[smem:$0x7F1] =	sst s26;
	s31 =	sshrl.u32 s30, $0x3  }
0x7a: {  	v2 =	vmin.u32 v2, $0x83F;
	v3 =	vmin.u32 v3, $0x83F;
	s30 =	sxor.u32 $0xF900, s22;
	s22 =	sxor.u32 $0xF800, s22;
	[smem:$0x7F2] =	sst s31  }
0x7b: {  	v2 =	vadd.s32 $0xFFFFF844, v2;
	v3 =	vadd.s32 $0xFFFFF844, v3;
	v1 =	vadd.s32 $0xFFFFF844, v4;
	s20 =	sadd.s32 s30, s1;
	s31 =	sshrl.u32 s0, $0x3;
	s0 =	sadd.s32 $0x20000, s19  }
0x7c: {  	v4 =	vmax.u32 v5, $0x7BC;
	v5 =	vmax.u32 v6, $0x7BC;
	v6 =	vmax.u32 v7, $0x7BC;
	[smem:$0x7F3] =	sst s31;
	s26 =	sshrl.u32 s0, $0x3;
	s30 =	sadd.s32 $0x60000, s20  }
0x7d: {  	v7 =	vmax.u32 v8, $0x7BC;
	v8 =	vmax.u32 v9, $0x7BC;
	v9 =	vmax.u32 v10, $0x7BC;
	s0 =	sadd.s32 $0x40000, s20;
	[smem:$0x7F4] =	sst s26;
	s31 =	sshrl.u32 s30, $0x3  }
0x7e: {  	v10 =	vmax.u32 v11, $0x7BC;
	v11 =	vmax.u32 v12, $0x7BC;
	v12 =	vmax.u32 v13, $0x7BC;
	s26 =	sshrl.u32 s0, $0x3;
	s30 =	sadd.s32 $0x20000, s20;
	[smem:$0x7F5] =	sst s31  }
0x7f: {  	v13 =	vmax.u32 v14, $0x7BC;
	v4 =	vmin.u32 v4, $0x83F;
	v5 =	vmin.u32 v5, $0x83F;
	s0 =	sadd.s32 $0x60000, s21;
	[smem:$0x7F6] =	sst s26;
	s31 =	sshrl.u32 s30, $0x3  }
0x80: {  	v6 =	vmin.u32 v6, $0x83F;
	v7 =	vmin.u32 v7, $0x83F;
	v8 =	vmin.u32 v8, $0x83F;
	s22 =	sadd.s32 s22, s1;
	s30 =	sshrl.u32 s0, $0x3;
	[smem:$0x7F7] =	sst s31  }
0x81: {  	v9 =	vmin.u32 v9, $0x83F;
	v10 =	vmin.u32 v10, $0x83F;
	v11 =	vmin.u32 v11, $0x83F;
	s0 =	sadd.s32 $0x20000, s21;
	[smem:$0x7F8] =	sst s30;
	s31 =	sadd.s32 $0x40000, s21  }
0x82: {  	v12 =	vmin.u32 v12, $0x83F;
	v14 =	vmax.u32 v15, $0x7BC;
	v15 =	vmax.u32 v16, $0x7BC;
	s26 =	sshrl.u32 s0, $0x3;
	s30 =	sadd.s32 $0x60000, s22;
	s25 =	sshrl.u32 s31, $0x3  }
0x83: {  	v13 =	vmin.u32 v13, $0x83F;
	v4 =	vadd.s32 $0xFFFFF844, v4;
	v5 =	vadd.s32 $0xFFFFF844, v5;
	[smem:$0x7FA] =	sst s26;
	s31 =	sadd.s32 $0x40000, s22;
	s26 =	simm.s32 $0x100  }
0x84: {  	v6 =	vadd.s32 $0xFFFFF844, v6;
	v7 =	vadd.s32 $0xFFFFF844, v7;
	v8 =	vadd.s32 $0xFFFFF844, v8;
	[smem:$0x7F9] =	sst s25;
	s25 =	sshrl.u32 s30, $0x3;
	s0 =	sshrl.u32 s31, $0x3  }
0x85: {  	v9 =	vadd.s32 $0xFFFFF844, v9;
	v10 =	vadd.s32 $0xFFFFF844, v10;
	v11 =	vadd.s32 $0xFFFFF844, v11;
	s30 =	sshrl.u32 s24, $0x1;
	s31 =	sadd.s32 $0x20000, s22;
	[smem:$0x7FB] =	sst s25  }
0x86: {  	v12 =	vadd.s32 $0xFFFFF844, v12;
	v14 =	vmin.u32 v14, $0x83F;
	v15 =	vmin.u32 v15, $0x83F;
	s24 =	ssub.s32 s24, s30;
	[smem:$0x7FC] =	sst s0;
	s25 =	sshrl.u32 s31, $0x3  }
0x87: {  	v13 =	vadd.s32 $0xFFFFF844, v13;
	v14 =	vadd.s32 $0xFFFFF844, v14;
	v15 =	vadd.s32 $0xFFFFF844, v15;
	s24 =	smax.u32 s24, $0x1;
	[smem:$0x7FD] =	sst s25;
	s25 =	simm.s32 $0x80  }
.LBB2_1:
0x88: {  	[tilespmem:$0x0] =	vst v0  }
0x89: {  	[tilespmem:$0x10] =	vst v1  }
0x8a: {  	[tilespmem:$0x20] =	vst v2  }
0x8b: {  	[tilespmem:$0x30] =	vst v3  }
0x8c: {  	[tilespmem:$0x40] =	vst v4  }
0x8d: {  	[tilespmem:$0x50] =	vst v5  }
0x8e: {  	[tilespmem:$0x60] =	vst v6  }
0x8f: {  	[tilespmem:$0x70] =	vst v7  }
0x90: {  	[tilespmem:$0x80] =	vst v8  }
0x91: {  	[tilespmem:$0x90] =	vst v9  }
0x92: {  	[tilespmem:$0xA0] =	vst v10  }
0x93: {  	[tilespmem:$0xB0] =	vst v11  }
0x94: {  	[tilespmem:$0xC0] =	vst v12  }
0x95: {  	[tilespmem:$0xD0] =	vst v13  }
0x96: {  	[tilespmem:$0xE0] =	vst v14  }
0x97: {  	[tilespmem:$0xF0] =	vst v15  }
0x98: {  	[tilespmem:s26], [sflag:$0x1] =	stream.indirect.gather [hbm4b:s23+s25], $0x80, s2, s25, $0xb8;
	[tilespmem:$0x10100] =	vst v63  }
0x99: {  	_ = 	snop  }
0x9a: {  	[tilespmem:s28], [sflag:$0x1] =	stream.indirect.gather [hbm4b:s23+s25], $0x80, s25, s25, $0xb8;
	[tilespmem:$0x10100] =	vst v63  }
0x9b: {  	_ =	swait.ge [sflag:s29], $0x4000  }
0x9c: {  	[sflag:s29] =	ssyncset.done $0x0  }
0x9d: {  	[sflag:s29] =	ssyncadd.s32 $0xFFFFC000  }
0x9e: {  	_ =	swait.ge [sflag:s29], $0x4000  }
0x9f: {  	[sflag:s29] =	ssyncset.done $0x0  }
0xa0: {  	[sflag:s29] =	ssyncadd.s32 $0xFFFFC000  }
0xa1: {  	[hbm4b:s5+s2] =	stream.linear.scatter [tilespmem:s26], [sflag:$0x1], $0x4000, $0x38;
	[tilespmem:$0x10100] =	vst v63  }
0xa2: {  	s30 =	rddreg [dreg:$0x4]  }
0xa3: {  	[hbm4b:s30+s2] =	stream.linear.scatter [tilespmem:s28], [sflag:$0x1], $0x4000, $0x38;
	[tilespmem:$0x10100] =	vst v63  }
0xa4: {  	_ =	swait.ge [sflag:s29], $0x4000  }
0xa5: {  	[sflag:s29] =	ssyncset.done $0x0  }
0xa6: {  	[sflag:s29] =	ssyncadd.s32 $0xFFFFC000  }
0xa7: {  	_ =	swait.ge [sflag:s29], $0x4000  }
0xa8: {  	[sflag:s29] =	ssyncset.done $0x0  }
0xa9: {  	[sflag:s29] =	ssyncadd.s32 $0xFFFFC000  }
0xaa: {  	s31 =	simm.s32 @!p0 $0x1C02;
	s30 =	sshrl.u32 @!p0 s1, $0x3;
	[bflag:$0x0] =	sbarrier.arrive $0xFFFF  }
0xab: {  	[spmem:s30], [sflag:s31] =	dma.local @!p0 [hbm:s4], $0x10000  }
0xac: {  	s30 =	simm.s32 @!p0 $0x2  }
0xad: {  	_ =	swait.ge @!p0 [sflag:s30], $0x10000  }
0xae: {  	[sflag:s30] =	ssyncset.done @!p0 $0x0  }
0xaf: {  	[sflag:s30] =	ssyncadd.s32 @!p0 $0xFFFF0000  }
0xb0: {  	[bflag:$0x0] =	sbarrier.arrive $0xFFFF  }
0xb1: {  	s31 =	sld [smem:$0x7CE]  }
0xb2: {  	s0 =	sshll.u32 s3, $0x6  }
0xb3: {  	s30 =	sor.u32 $0x1C01, s0  }
0xb4: {  	[hbm:s6], [sflag:s30] =	dma.local [spmem:s31], $0x2000  }
0xb5: {  	s0 =	sld [smem:$0x7CF];
	_ =	sdelay $0x1  }
0xb6: {  	s31 =	rddreg [dreg:$0x5]  }
0xb7: {  	[hbm:s31], [sflag:s30] =	dma.local [spmem:s0], $0x2000  }
0xb8: {  	s31 =	sld [smem:$0x7D0];
	_ =	sdelay $0x1  }
0xb9: {  	s0 =	rddreg [dreg:$0x6]  }
0xba: {  	[hbm:s0], [sflag:s30] =	dma.local [spmem:s31], $0x2000  }
0xbb: {  	s31 =	sshrl.u32 s7, $0x3;
	s0 =	rddreg [dreg:$0x7]  }
0xbc: {  	[hbm:s0], [sflag:s30] =	dma.local [spmem:s31], $0x2000  }
0xbd: {  	s31 =	sld [smem:$0x7D1];
	_ =	sdelay $0x1  }
0xbe: {  	s0 =	rddreg [dreg:$0x8]  }
0xbf: {  	[hbm:s0], [sflag:s30] =	dma.local [spmem:s31], $0x2000  }
0xc0: {  	s31 =	sld [smem:$0x7D2];
	_ =	sdelay $0x1  }
0xc1: {  	s0 =	rddreg [dreg:$0x9]  }
0xc2: {  	[hbm:s0], [sflag:s30] =	dma.local [spmem:s31], $0x2000  }
0xc3: {  	s31 =	sld [smem:$0x7D3];
	_ =	sdelay $0x1  }
0xc4: {  	s0 =	rddreg [dreg:$0xa]  }
0xc5: {  	[hbm:s0], [sflag:s30] =	dma.local [spmem:s31], $0x2000  }
0xc6: {  	s31 =	sshrl.u32 s8, $0x3;
	s0 =	rddreg [dreg:$0xb]  }
0xc7: {  	[hbm:s0], [sflag:s30] =	dma.local [spmem:s31], $0x2000  }
0xc8: {  	s31 =	sld [smem:$0x7D4];
	_ =	sdelay $0x1  }
0xc9: {  	s0 =	rddreg [dreg:$0xc]  }
0xca: {  	[hbm:s0], [sflag:s30] =	dma.local [spmem:s31], $0x2000  }
0xcb: {  	s31 =	sld [smem:$0x7D5];
	_ =	sdelay $0x1  }
0xcc: {  	s0 =	rddreg [dreg:$0xd]  }
0xcd: {  	[hbm:s0], [sflag:s30] =	dma.local [spmem:s31], $0x2000  }
0xce: {  	s31 =	sld [smem:$0x7D6];
	_ =	sdelay $0x1  }
0xcf: {  	s0 =	rddreg [dreg:$0xe]  }
0xd0: {  	[hbm:s0], [sflag:s30] =	dma.local [spmem:s31], $0x2000  }
0xd1: {  	s31 =	sshrl.u32 s9, $0x3;
	s0 =	rddreg [dreg:$0xf]  }
0xd2: {  	[hbm:s0], [sflag:s30] =	dma.local [spmem:s31], $0x2000  }
0xd3: {  	s31 =	sld [smem:$0x7D7];
	_ =	sdelay $0x1  }
0xd4: {  	s0 =	rddreg [dreg:$0x10]  }
0xd5: {  	[hbm:s0], [sflag:s30] =	dma.local [spmem:s31], $0x2000  }
0xd6: {  	s31 =	sld [smem:$0x7D8];
	_ =	sdelay $0x1  }
0xd7: {  	s0 =	rddreg [dreg:$0x11]  }
0xd8: {  	[hbm:s0], [sflag:s30] =	dma.local [spmem:s31], $0x2000  }
0xd9: {  	s31 =	sld [smem:$0x7D9];
	_ =	sdelay $0x1  }
0xda: {  	s0 =	rddreg [dreg:$0x12]  }
0xdb: {  	[hbm:s0], [sflag:s30] =	dma.local [spmem:s31], $0x2000  }
0xdc: {  	s31 =	sshrl.u32 s10, $0x3;
	s0 =	rddreg [dreg:$0x13]  }
0xdd: {  	[hbm:s0], [sflag:s30] =	dma.local [spmem:s31], $0x2000  }
0xde: {  	s31 =	sld [smem:$0x7DA];
	_ =	sdelay $0x1  }
0xdf: {  	s0 =	rddreg [dreg:$0x14]  }
0xe0: {  	[hbm:s0], [sflag:s30] =	dma.local [spmem:s31], $0x2000  }
0xe1: {  	s31 =	sld [smem:$0x7DB];
	_ =	sdelay $0x1  }
0xe2: {  	s0 =	rddreg [dreg:$0x15]  }
0xe3: {  	[hbm:s0], [sflag:s30] =	dma.local [spmem:s31], $0x2000  }
0xe4: {  	s31 =	sld [smem:$0x7DC];
	_ =	sdelay $0x1  }
0xe5: {  	s0 =	rddreg [dreg:$0x16]  }
0xe6: {  	[hbm:s0], [sflag:s30] =	dma.local [spmem:s31], $0x2000  }
0xe7: {  	s31 =	sshrl.u32 s11, $0x3;
	s0 =	rddreg [dreg:$0x17]  }
0xe8: {  	[hbm:s0], [sflag:s30] =	dma.local [spmem:s31], $0x2000  }
0xe9: {  	s31 =	sld [smem:$0x7DD];
	_ =	sdelay $0x1  }
0xea: {  	s0 =	rddreg [dreg:$0x18]  }
0xeb: {  	[hbm:s0], [sflag:s30] =	dma.local [spmem:s31], $0x2000  }
0xec: {  	s31 =	sld [smem:$0x7DE];
	_ =	sdelay $0x1  }
0xed: {  	s0 =	rddreg [dreg:$0x19]  }
0xee: {  	[hbm:s0], [sflag:s30] =	dma.local [spmem:s31], $0x2000  }
0xef: {  	s31 =	sld [smem:$0x7DF];
	_ =	sdelay $0x1  }
0xf0: {  	s0 =	rddreg [dreg:$0x1a]  }
0xf1: {  	[hbm:s0], [sflag:s30] =	dma.local [spmem:s31], $0x2000  }
0xf2: {  	s31 =	sshrl.u32 s12, $0x3;
	s0 =	rddreg [dreg:$0x1b]  }
0xf3: {  	[hbm:s0], [sflag:s30] =	dma.local [spmem:s31], $0x2000  }
0xf4: {  	s31 =	sld [smem:$0x7E0];
	_ =	sdelay $0x1  }
0xf5: {  	s0 =	rddreg [dreg:$0x1c]  }
0xf6: {  	[hbm:s0], [sflag:s30] =	dma.local [spmem:s31], $0x2000  }
0xf7: {  	s31 =	sld [smem:$0x7E1];
	_ =	sdelay $0x1  }
0xf8: {  	s0 =	rddreg [dreg:$0x1d]  }
0xf9: {  	[hbm:s0], [sflag:s30] =	dma.local [spmem:s31], $0x2000  }
0xfa: {  	s31 =	sld [smem:$0x7E2];
	_ =	sdelay $0x1  }
0xfb: {  	s0 =	rddreg [dreg:$0x1e]  }
0xfc: {  	[hbm:s0], [sflag:s30] =	dma.local [spmem:s31], $0x2000  }
0xfd: {  	s31 =	sshrl.u32 s13, $0x3;
	s0 =	rddreg [dreg:$0x1f]  }
0xfe: {  	[hbm:s0], [sflag:s30] =	dma.local [spmem:s31], $0x2000  }
0xff: {  	s0 =	sld [smem:$0x7AA]  }
0x100: {  	s31 =	sld [smem:$0x7E3];
	_ =	sdelay $0x2  }
0x101: {  	[hbm:s0], [sflag:s30] =	dma.local [spmem:s31], $0x2000  }
0x102: {  	s0 =	sld [smem:$0x7AB]  }
0x103: {  	s31 =	sld [smem:$0x7E4];
	_ =	sdelay $0x2  }
0x104: {  	[hbm:s0], [sflag:s30] =	dma.local [spmem:s31], $0x2000  }
0x105: {  	s0 =	sld [smem:$0x7AC]  }
0x106: {  	s31 =	sld [smem:$0x7E5];
	_ =	sdelay $0x2  }
0x107: {  	[hbm:s0], [sflag:s30] =	dma.local [spmem:s31], $0x2000  }
0x108: {  	s0 =	sld [smem:$0x7AD];
	_ =	sdelay $0x1  }
0x109: {  	s31 =	sshrl.u32 s14, $0x3  }
0x10a: {  	[hbm:s0], [sflag:s30] =	dma.local [spmem:s31], $0x2000  }
0x10b: {  	s0 =	sld [smem:$0x7AE]  }
0x10c: {  	s31 =	sld [smem:$0x7E6];
	_ =	sdelay $0x2  }
0x10d: {  	[hbm:s0], [sflag:s30] =	dma.local [spmem:s31], $0x2000  }
0x10e: {  	s0 =	sld [smem:$0x7AF]  }
0x10f: {  	s31 =	sld [smem:$0x7E7];
	_ =	sdelay $0x2  }
0x110: {  	[hbm:s0], [sflag:s30] =	dma.local [spmem:s31], $0x2000  }
0x111: {  	s0 =	sld [smem:$0x7B0]  }
0x112: {  	s31 =	sld [smem:$0x7E8];
	_ =	sdelay $0x2  }
0x113: {  	[hbm:s0], [sflag:s30] =	dma.local [spmem:s31], $0x2000  }
0x114: {  	s0 =	sld [smem:$0x7B1];
	_ =	sdelay $0x1  }
0x115: {  	s31 =	sshrl.u32 s15, $0x3  }
0x116: {  	[hbm:s0], [sflag:s30] =	dma.local [spmem:s31], $0x2000  }
0x117: {  	s0 =	sld [smem:$0x7B2]  }
0x118: {  	s31 =	sld [smem:$0x7E9];
	_ =	sdelay $0x2  }
0x119: {  	[hbm:s0], [sflag:s30] =	dma.local [spmem:s31], $0x2000  }
0x11a: {  	s0 =	sld [smem:$0x7B3]  }
0x11b: {  	s31 =	sld [smem:$0x7EA];
	_ =	sdelay $0x2  }
0x11c: {  	[hbm:s0], [sflag:s30] =	dma.local [spmem:s31], $0x2000  }
0x11d: {  	s0 =	sld [smem:$0x7B4]  }
0x11e: {  	s31 =	sld [smem:$0x7EB];
	_ =	sdelay $0x2  }
0x11f: {  	[hbm:s0], [sflag:s30] =	dma.local [spmem:s31], $0x2000  }
0x120: {  	s0 =	sld [smem:$0x7B5];
	_ =	sdelay $0x1  }
0x121: {  	s31 =	sshrl.u32 s16, $0x3  }
0x122: {  	[hbm:s0], [sflag:s30] =	dma.local [spmem:s31], $0x2000  }
0x123: {  	s0 =	sld [smem:$0x7B6]  }
0x124: {  	s31 =	sld [smem:$0x7EC];
	_ =	sdelay $0x2  }
0x125: {  	[hbm:s0], [sflag:s30] =	dma.local [spmem:s31], $0x2000  }
0x126: {  	s0 =	sld [smem:$0x7B7]  }
0x127: {  	s31 =	sld [smem:$0x7ED];
	_ =	sdelay $0x2  }
0x128: {  	[hbm:s0], [sflag:s30] =	dma.local [spmem:s31], $0x2000  }
0x129: {  	s0 =	sld [smem:$0x7B8]  }
0x12a: {  	s31 =	sld [smem:$0x7EE];
	_ =	sdelay $0x2  }
0x12b: {  	[hbm:s0], [sflag:s30] =	dma.local [spmem:s31], $0x2000  }
0x12c: {  	s0 =	sld [smem:$0x7B9];
	_ =	sdelay $0x1  }
0x12d: {  	s31 =	sshrl.u32 s17, $0x3  }
0x12e: {  	[hbm:s0], [sflag:s30] =	dma.local [spmem:s31], $0x2000  }
0x12f: {  	s0 =	sld [smem:$0x7BA]  }
0x130: {  	s31 =	sld [smem:$0x7EF];
	_ =	sdelay $0x2  }
0x131: {  	[hbm:s0], [sflag:s30] =	dma.local [spmem:s31], $0x2000  }
0x132: {  	s0 =	sld [smem:$0x7BB]  }
0x133: {  	s31 =	sld [smem:$0x7F0];
	_ =	sdelay $0x2  }
0x134: {  	[hbm:s0], [sflag:s30] =	dma.local [spmem:s31], $0x2000  }
0x135: {  	s0 =	sld [smem:$0x7BC]  }
0x136: {  	s31 =	sld [smem:$0x7F1];
	_ =	sdelay $0x2  }
0x137: {  	[hbm:s0], [sflag:s30] =	dma.local [spmem:s31], $0x2000  }
0x138: {  	s0 =	sld [smem:$0x7BD];
	_ =	sdelay $0x1  }
0x139: {  	s31 =	sshrl.u32 s18, $0x3  }
0x13a: {  	[hbm:s0], [sflag:s30] =	dma.local [spmem:s31], $0x2000  }
0x13b: {  	s0 =	sld [smem:$0x7BE]  }
0x13c: {  	s31 =	sld [smem:$0x7F2];
	_ =	sdelay $0x2  }
0x13d: {  	[hbm:s0], [sflag:s30] =	dma.local [spmem:s31], $0x2000  }
0x13e: {  	s0 =	sld [smem:$0x7BF]  }
0x13f: {  	s31 =	sld [smem:$0x7F3];
	_ =	sdelay $0x2  }
0x140: {  	[hbm:s0], [sflag:s30] =	dma.local [spmem:s31], $0x2000  }
0x141: {  	s0 =	sld [smem:$0x7C0]  }
0x142: {  	s31 =	sld [smem:$0x7F4];
	_ =	sdelay $0x2  }
0x143: {  	[hbm:s0], [sflag:s30] =	dma.local [spmem:s31], $0x2000  }
0x144: {  	s0 =	sld [smem:$0x7C1];
	_ =	sdelay $0x1  }
0x145: {  	s31 =	sshrl.u32 s19, $0x3  }
0x146: {  	[hbm:s0], [sflag:s30] =	dma.local [spmem:s31], $0x2000  }
0x147: {  	s0 =	sld [smem:$0x7C2]  }
0x148: {  	s31 =	sld [smem:$0x7F5];
	_ =	sdelay $0x2  }
0x149: {  	[hbm:s0], [sflag:s30] =	dma.local [spmem:s31], $0x2000  }
0x14a: {  	s0 =	sld [smem:$0x7C3]  }
0x14b: {  	s31 =	sld [smem:$0x7F6];
	_ =	sdelay $0x2  }
0x14c: {  	[hbm:s0], [sflag:s30] =	dma.local [spmem:s31], $0x2000  }
0x14d: {  	s0 =	sld [smem:$0x7C4]  }
0x14e: {  	s31 =	sld [smem:$0x7F7];
	_ =	sdelay $0x2  }
0x14f: {  	[hbm:s0], [sflag:s30] =	dma.local [spmem:s31], $0x2000  }
0x150: {  	s0 =	sld [smem:$0x7C5];
	_ =	sdelay $0x1  }
0x151: {  	s31 =	sshrl.u32 s20, $0x3  }
0x152: {  	[hbm:s0], [sflag:s30] =	dma.local [spmem:s31], $0x2000  }
0x153: {  	s0 =	sld [smem:$0x7C6]  }
0x154: {  	s31 =	sld [smem:$0x7F8];
	_ =	sdelay $0x2  }
0x155: {  	[hbm:s0], [sflag:s30] =	dma.local [spmem:s31], $0x2000  }
0x156: {  	s0 =	sld [smem:$0x7C7]  }
0x157: {  	s31 =	sld [smem:$0x7F9];
	_ =	sdelay $0x2  }
0x158: {  	[hbm:s0], [sflag:s30] =	dma.local [spmem:s31], $0x2000  }
0x159: {  	s0 =	sld [smem:$0x7C8]  }
0x15a: {  	s31 =	sld [smem:$0x7FA];
	_ =	sdelay $0x2  }
0x15b: {  	[hbm:s0], [sflag:s30] =	dma.local [spmem:s31], $0x2000  }
0x15c: {  	s0 =	sld [smem:$0x7C9];
	_ =	sdelay $0x1  }
0x15d: {  	s31 =	sshrl.u32 s21, $0x3  }
0x15e: {  	[hbm:s0], [sflag:s30] =	dma.local [spmem:s31], $0x2000  }
0x15f: {  	s0 =	sld [smem:$0x7CA]  }
0x160: {  	s31 =	sld [smem:$0x7FB];
	_ =	sdelay $0x2  }
0x161: {  	[hbm:s0], [sflag:s30] =	dma.local [spmem:s31], $0x2000  }
0x162: {  	s0 =	sld [smem:$0x7CB]  }
0x163: {  	s31 =	sld [smem:$0x7FC];
	_ =	sdelay $0x2  }
0x164: {  	[hbm:s0], [sflag:s30] =	dma.local [spmem:s31], $0x2000  }
0x165: {  	s0 =	sld [smem:$0x7CC]  }
0x166: {  	s31 =	sld [smem:$0x7FD];
	_ =	sdelay $0x2  }
0x167: {  	[hbm:s0], [sflag:s30] =	dma.local [spmem:s31], $0x2000  }
0x168: {  	s0 =	sld [smem:$0x7CD];
	_ =	sdelay $0x1  }
0x169: {  	s31 =	sshrl.u32 s22, $0x3  }
0x16a: {  	[hbm:s0], [sflag:s30] =	dma.local [spmem:s31], $0x2000  }
0x16b: {  	_ =	swait.ge [sflag:s29], $0x2000  }
0x16c: {  	[sflag:s29] =	ssyncset.done $0x0  }
0x16d: {  	[sflag:s29] =	ssyncadd.s32 $0xFFFFE000  }
0x16e: {  	_ =	swait.ge [sflag:s29], $0x2000  }
0x16f: {  	[sflag:s29] =	ssyncset.done $0x0  }
0x170: {  	[sflag:s29] =	ssyncadd.s32 $0xFFFFE000  }
0x171: {  	_ =	swait.ge [sflag:s29], $0x2000  }
0x172: {  	[sflag:s29] =	ssyncset.done $0x0  }
0x173: {  	[sflag:s29] =	ssyncadd.s32 $0xFFFFE000  }
0x174: {  	_ =	swait.ge [sflag:s29], $0x2000  }
0x175: {  	[sflag:s29] =	ssyncset.done $0x0  }
0x176: {  	[sflag:s29] =	ssyncadd.s32 $0xFFFFE000  }
0x177: {  	_ =	swait.ge [sflag:s29], $0x2000  }
0x178: {  	[sflag:s29] =	ssyncset.done $0x0  }
0x179: {  	[sflag:s29] =	ssyncadd.s32 $0xFFFFE000  }
0x17a: {  	_ =	swait.ge [sflag:s29], $0x2000  }
0x17b: {  	[sflag:s29] =	ssyncset.done $0x0  }
0x17c: {  	[sflag:s29] =	ssyncadd.s32 $0xFFFFE000  }
0x17d: {  	_ =	swait.ge [sflag:s29], $0x2000  }
0x17e: {  	[sflag:s29] =	ssyncset.done $0x0  }
0x17f: {  	[sflag:s29] =	ssyncadd.s32 $0xFFFFE000  }
0x180: {  	_ =	swait.ge [sflag:s29], $0x2000  }
0x181: {  	[sflag:s29] =	ssyncset.done $0x0  }
0x182: {  	[sflag:s29] =	ssyncadd.s32 $0xFFFFE000  }
0x183: {  	_ =	swait.ge [sflag:s29], $0x2000  }
0x184: {  	[sflag:s29] =	ssyncset.done $0x0  }
0x185: {  	[sflag:s29] =	ssyncadd.s32 $0xFFFFE000  }
0x186: {  	_ =	swait.ge [sflag:s29], $0x2000  }
0x187: {  	[sflag:s29] =	ssyncset.done $0x0  }
0x188: {  	[sflag:s29] =	ssyncadd.s32 $0xFFFFE000  }
0x189: {  	_ =	swait.ge [sflag:s29], $0x2000  }
0x18a: {  	[sflag:s29] =	ssyncset.done $0x0  }
0x18b: {  	[sflag:s29] =	ssyncadd.s32 $0xFFFFE000  }
0x18c: {  	_ =	swait.ge [sflag:s29], $0x2000  }
0x18d: {  	[sflag:s29] =	ssyncset.done $0x0  }
0x18e: {  	[sflag:s29] =	ssyncadd.s32 $0xFFFFE000  }
0x18f: {  	_ =	swait.ge [sflag:s29], $0x2000  }
0x190: {  	[sflag:s29] =	ssyncset.done $0x0  }
0x191: {  	[sflag:s29] =	ssyncadd.s32 $0xFFFFE000  }
0x192: {  	_ =	swait.ge [sflag:s29], $0x2000  }
0x193: {  	[sflag:s29] =	ssyncset.done $0x0  }
0x194: {  	[sflag:s29] =	ssyncadd.s32 $0xFFFFE000  }
0x195: {  	_ =	swait.ge [sflag:s29], $0x2000  }
0x196: {  	[sflag:s29] =	ssyncset.done $0x0  }
0x197: {  	[sflag:s29] =	ssyncadd.s32 $0xFFFFE000  }
0x198: {  	_ =	swait.ge [sflag:s29], $0x2000  }
0x199: {  	[sflag:s29] =	ssyncset.done $0x0  }
0x19a: {  	[sflag:s29] =	ssyncadd.s32 $0xFFFFE000  }
0x19b: {  	_ =	swait.ge [sflag:s29], $0x2000  }
0x19c: {  	[sflag:s29] =	ssyncset.done $0x0  }
0x19d: {  	[sflag:s29] =	ssyncadd.s32 $0xFFFFE000  }
0x19e: {  	_ =	swait.ge [sflag:s29], $0x2000  }
0x19f: {  	[sflag:s29] =	ssyncset.done $0x0  }
0x1a0: {  	[sflag:s29] =	ssyncadd.s32 $0xFFFFE000  }
0x1a1: {  	_ =	swait.ge [sflag:s29], $0x2000  }
0x1a2: {  	[sflag:s29] =	ssyncset.done $0x0  }
0x1a3: {  	[sflag:s29] =	ssyncadd.s32 $0xFFFFE000  }
0x1a4: {  	_ =	swait.ge [sflag:s29], $0x2000  }
0x1a5: {  	[sflag:s29] =	ssyncset.done $0x0  }
0x1a6: {  	[sflag:s29] =	ssyncadd.s32 $0xFFFFE000  }
0x1a7: {  	_ =	swait.ge [sflag:s29], $0x2000  }
0x1a8: {  	[sflag:s29] =	ssyncset.done $0x0  }
0x1a9: {  	[sflag:s29] =	ssyncadd.s32 $0xFFFFE000  }
0x1aa: {  	_ =	swait.ge [sflag:s29], $0x2000  }
0x1ab: {  	[sflag:s29] =	ssyncset.done $0x0  }
0x1ac: {  	[sflag:s29] =	ssyncadd.s32 $0xFFFFE000  }
0x1ad: {  	_ =	swait.ge [sflag:s29], $0x2000  }
0x1ae: {  	[sflag:s29] =	ssyncset.done $0x0  }
0x1af: {  	[sflag:s29] =	ssyncadd.s32 $0xFFFFE000  }
0x1b0: {  	_ =	swait.ge [sflag:s29], $0x2000  }
0x1b1: {  	[sflag:s29] =	ssyncset.done $0x0  }
0x1b2: {  	[sflag:s29] =	ssyncadd.s32 $0xFFFFE000  }
0x1b3: {  	_ =	swait.ge [sflag:s29], $0x2000  }
0x1b4: {  	[sflag:s29] =	ssyncset.done $0x0  }
0x1b5: {  	[sflag:s29] =	ssyncadd.s32 $0xFFFFE000  }
0x1b6: {  	_ =	swait.ge [sflag:s29], $0x2000  }
0x1b7: {  	[sflag:s29] =	ssyncset.done $0x0  }
0x1b8: {  	[sflag:s29] =	ssyncadd.s32 $0xFFFFE000  }
0x1b9: {  	_ =	swait.ge [sflag:s29], $0x2000  }
0x1ba: {  	[sflag:s29] =	ssyncset.done $0x0  }
0x1bb: {  	[sflag:s29] =	ssyncadd.s32 $0xFFFFE000  }
0x1bc: {  	_ =	swait.ge [sflag:s29], $0x2000  }
0x1bd: {  	[sflag:s29] =	ssyncset.done $0x0  }
0x1be: {  	[sflag:s29] =	ssyncadd.s32 $0xFFFFE000  }
0x1bf: {  	_ =	swait.ge [sflag:s29], $0x2000  }
0x1c0: {  	[sflag:s29] =	ssyncset.done $0x0  }
0x1c1: {  	[sflag:s29] =	ssyncadd.s32 $0xFFFFE000  }
0x1c2: {  	_ =	swait.ge [sflag:s29], $0x2000  }
0x1c3: {  	[sflag:s29] =	ssyncset.done $0x0  }
0x1c4: {  	[sflag:s29] =	ssyncadd.s32 $0xFFFFE000  }
0x1c5: {  	_ =	swait.ge [sflag:s29], $0x2000  }
0x1c6: {  	[sflag:s29] =	ssyncset.done $0x0  }
0x1c7: {  	[sflag:s29] =	ssyncadd.s32 $0xFFFFE000  }
0x1c8: {  	_ =	swait.ge [sflag:s29], $0x2000  }
0x1c9: {  	[sflag:s29] =	ssyncset.done $0x0  }
0x1ca: {  	[sflag:s29] =	ssyncadd.s32 $0xFFFFE000  }
0x1cb: {  	_ =	swait.ge [sflag:s29], $0x2000  }
0x1cc: {  	[sflag:s29] =	ssyncset.done $0x0  }
0x1cd: {  	[sflag:s29] =	ssyncadd.s32 $0xFFFFE000  }
0x1ce: {  	_ =	swait.ge [sflag:s29], $0x2000  }
0x1cf: {  	[sflag:s29] =	ssyncset.done $0x0  }
0x1d0: {  	[sflag:s29] =	ssyncadd.s32 $0xFFFFE000  }
0x1d1: {  	_ =	swait.ge [sflag:s29], $0x2000  }
0x1d2: {  	[sflag:s29] =	ssyncset.done $0x0  }
0x1d3: {  	[sflag:s29] =	ssyncadd.s32 $0xFFFFE000  }
0x1d4: {  	_ =	swait.ge [sflag:s29], $0x2000  }
0x1d5: {  	[sflag:s29] =	ssyncset.done $0x0  }
0x1d6: {  	[sflag:s29] =	ssyncadd.s32 $0xFFFFE000  }
0x1d7: {  	_ =	swait.ge [sflag:s29], $0x2000  }
0x1d8: {  	[sflag:s29] =	ssyncset.done $0x0  }
0x1d9: {  	[sflag:s29] =	ssyncadd.s32 $0xFFFFE000  }
0x1da: {  	_ =	swait.ge [sflag:s29], $0x2000  }
0x1db: {  	[sflag:s29] =	ssyncset.done $0x0  }
0x1dc: {  	[sflag:s29] =	ssyncadd.s32 $0xFFFFE000  }
0x1dd: {  	_ =	swait.ge [sflag:s29], $0x2000  }
0x1de: {  	[sflag:s29] =	ssyncset.done $0x0  }
0x1df: {  	[sflag:s29] =	ssyncadd.s32 $0xFFFFE000  }
0x1e0: {  	_ =	swait.ge [sflag:s29], $0x2000  }
0x1e1: {  	[sflag:s29] =	ssyncset.done $0x0  }
0x1e2: {  	[sflag:s29] =	ssyncadd.s32 $0xFFFFE000  }
0x1e3: {  	_ =	swait.ge [sflag:s29], $0x2000  }
0x1e4: {  	[sflag:s29] =	ssyncset.done $0x0  }
0x1e5: {  	[sflag:s29] =	ssyncadd.s32 $0xFFFFE000  }
0x1e6: {  	_ =	swait.ge [sflag:s29], $0x2000  }
0x1e7: {  	[sflag:s29] =	ssyncset.done $0x0  }
0x1e8: {  	[sflag:s29] =	ssyncadd.s32 $0xFFFFE000  }
0x1e9: {  	_ =	swait.ge [sflag:s29], $0x2000  }
0x1ea: {  	[sflag:s29] =	ssyncset.done $0x0  }
0x1eb: {  	[sflag:s29] =	ssyncadd.s32 $0xFFFFE000  }
0x1ec: {  	_ =	swait.ge [sflag:s29], $0x2000  }
0x1ed: {  	[sflag:s29] =	ssyncset.done $0x0  }
0x1ee: {  	[sflag:s29] =	ssyncadd.s32 $0xFFFFE000  }
0x1ef: {  	_ =	swait.ge [sflag:s29], $0x2000  }
0x1f0: {  	[sflag:s29] =	ssyncset.done $0x0  }
0x1f1: {  	[sflag:s29] =	ssyncadd.s32 $0xFFFFE000  }
0x1f2: {  	_ =	swait.ge [sflag:s29], $0x2000  }
0x1f3: {  	[sflag:s29] =	ssyncset.done $0x0  }
0x1f4: {  	[sflag:s29] =	ssyncadd.s32 $0xFFFFE000  }
0x1f5: {  	_ =	swait.ge [sflag:s29], $0x2000  }
0x1f6: {  	[sflag:s29] =	ssyncset.done $0x0  }
0x1f7: {  	[sflag:s29] =	ssyncadd.s32 $0xFFFFE000  }
0x1f8: {  	_ =	swait.ge [sflag:s29], $0x2000  }
0x1f9: {  	[sflag:s29] =	ssyncset.done $0x0  }
0x1fa: {  	[sflag:s29] =	ssyncadd.s32 $0xFFFFE000  }
0x1fb: {  	_ =	swait.ge [sflag:s29], $0x2000  }
0x1fc: {  	[sflag:s29] =	ssyncset.done $0x0  }
0x1fd: {  	[sflag:s29] =	ssyncadd.s32 $0xFFFFE000  }
0x1fe: {  	_ =	swait.ge [sflag:s29], $0x2000  }
0x1ff: {  	[sflag:s29] =	ssyncset.done $0x0  }
0x200: {  	[sflag:s29] =	ssyncadd.s32 $0xFFFFE000  }
0x201: {  	_ =	swait.ge [sflag:s29], $0x2000  }
0x202: {  	[sflag:s29] =	ssyncset.done $0x0  }
0x203: {  	[sflag:s29] =	ssyncadd.s32 $0xFFFFE000  }
0x204: {  	_ =	swait.ge [sflag:s29], $0x2000  }
0x205: {  	[sflag:s29] =	ssyncset.done $0x0  }
0x206: {  	[sflag:s29] =	ssyncadd.s32 $0xFFFFE000  }
0x207: {  	_ =	swait.ge [sflag:s29], $0x2000  }
0x208: {  	[sflag:s29] =	ssyncset.done $0x0  }
0x209: {  	[sflag:s29] =	ssyncadd.s32 $0xFFFFE000  }
0x20a: {  	_ =	swait.ge [sflag:s29], $0x2000  }
0x20b: {  	[sflag:s29] =	ssyncset.done $0x0  }
0x20c: {  	[sflag:s29] =	ssyncadd.s32 $0xFFFFE000  }
0x20d: {  	_ =	swait.ge [sflag:s29], $0x2000  }
0x20e: {  	[sflag:s29] =	ssyncset.done $0x0  }
0x20f: {  	[sflag:s29] =	ssyncadd.s32 $0xFFFFE000  }
0x210: {  	_ =	swait.ge [sflag:s29], $0x2000  }
0x211: {  	[sflag:s29] =	ssyncset.done $0x0  }
0x212: {  	[sflag:s29] =	ssyncadd.s32 $0xFFFFE000  }
0x213: {  	_ =	swait.ge [sflag:s29], $0x2000  }
0x214: {  	[sflag:s29] =	ssyncset.done $0x0  }
0x215: {  	[sflag:s29] =	ssyncadd.s32 $0xFFFFE000  }
0x216: {  	_ =	swait.ge [sflag:s29], $0x2000  }
0x217: {  	[sflag:s29] =	ssyncset.done $0x0  }
0x218: {  	[sflag:s29] =	ssyncadd.s32 $0xFFFFE000  }
0x219: {  	_ =	swait.ge [sflag:s29], $0x2000  }
0x21a: {  	[sflag:s29] =	ssyncset.done $0x0  }
0x21b: {  	[sflag:s29] =	ssyncadd.s32 $0xFFFFE000  }
0x21c: {  	_ =	swait.ge [sflag:s29], $0x2000  }
0x21d: {  	[sflag:s29] =	ssyncset.done $0x0  }
0x21e: {  	[sflag:s29] =	ssyncadd.s32 $0xFFFFE000  }
0x21f: {  	_ =	swait.ge [sflag:s29], $0x2000  }
0x220: {  	[sflag:s29] =	ssyncset.done $0x0  }
0x221: {  	[sflag:s29] =	ssyncadd.s32 $0xFFFFE000  }
0x222: {  	_ =	swait.ge [sflag:s29], $0x2000  }
0x223: {  	[sflag:s29] =	ssyncset.done $0x0  }
0x224: {  	s24 =	sadd.s32 $0xFFFFFFFF, s24;
	[sflag:s29] =	ssyncadd.s32 $0xFFFFE000  }
0x225: {  	p1 =	sne.s32 s24, $0x0;
	_ =	swait.ge [sflag:s29], $0x2000  }
.Ltmp0:
0x226: {  	[sflag:s29] =	ssyncset.done $0x0;
	(pc) =	sbr.rel @p1 .LBB2_1-.Ltmp0, $4  }
0x227: {  	[sflag:s29] =	ssyncadd.s32 $0xFFFFE000  }
0x228: {  	_ =	swait.ge [sflag:s29], $0x2000  }
0x229: {  	[sflag:s29] =	ssyncset.done $0x0  }
0x22a: {  	[sflag:s29] =	ssyncadd.s32 $0xFFFFE000  }
0x22b: {  	_ =	sfence.sel $0x180000  }
0x22c: {  	[bflag:$0x0] =	sbarrier.arrive $0xFFFF  }
0x22d: {  	_ =	strace $0x90000047  }
0x22e: {  	[bflag:$0x2] =	sbarrier.arrive $0xFFFF  }
0x22f: {  	s0 =	rddreg [dreg:$0x3]  }
0x230: {  	s0 =	sadd.s32 @!p0 $0x100000, s0  }
0x231: {  	[sflag:s0] =	ssyncadd.tile.s32 @!p0 $0x1;
	_ =	shalt  }
.Lfunc_end2:
_tile_overlayer_lowered:
.L_overlay_start_2:
0x232: {  	(tag) =	ssettag $0x2  }
0x233: {  	s0 =	rddreg [dreg:$0x0];
	s2 =	stileid.u32  }
0x234: {  	s1 =	rddreg [dreg:$0x1];
	p0 =	sne.s32 s2, $0x0  }
0x235: {  	s3 =	rddreg [dreg:$0x2];
	[bflag:$0x3] =	sbarrier.arrive $0xFFFF;
	s2 =	simm.s32 @!p0 $0x1C02  }
0x236: {  	[timem:s3], [sflag:s2] =	dma.local @!p0 [hbm:s0], s1  }
0x237: {  	s0 =	simm.s32 @!p0 $0x2  }
0x238: {  	_ =	swait.ge @!p0 [sflag:s0], s1  }
0x239: {  	s1 =	ssub.s32 @!p0 $0x0, s1;
	[sflag:s0] =	ssyncset.done @!p0 $0x0  }
0x23a: {  	[sflag:s0] =	ssyncadd.s32 @!p0 s1  }
0x23b: {  	[bflag:$0x3] =	sbarrier.arrive $0xFFFF  }
0x23c: {  	_ =	shalt  }

// kernel: sparse-core-data-format-call.1.cloned.1.call-start
scs
called_computation.1_lowered:
.L_overlay_start_0:
0x0: {  	s2 =	sld [smem:$0x3FD9]  }
0x1: {  	s3 =	sld [smem:$0x3FFE];
	_ =	sdelay $0x1  }
0x2: {  	s1 =	srdreg.scid  }
0x3: {  	s0 =	sand.u32 $0x1, s1  }
0x4: {  	s18 =	sshll.u32 s0, $0xA;
	s2 =	sadd.s32 s3, s2  }
0x5: {  	s2 =	sadd.s32 s2, s18  }
0x6: {  	[smem:$0x3FC7] =	sst s2  }
0x7: {  	_ = 	snop  }
0x8: {  	s2 =	sld [smem:$0x3FD0];
	(tm) =	ssettm $0x1  }
0x9: {  	s19 =	sld [smem:$0x3FFB];
	_ =	sdelay $0x3  }
0xa: {  	_ =	strace s19  }
0xb: {  	s3 =	sld [smem:$0x3FFC];
	_ =	sdelay $0x3  }
0xc: {  	_ =	strace s3  }
0xd: {  	s3 =	sld [smem:$0x3FFD];
	_ =	sdelay $0x3  }
0xe: {  	_ =	strace s3  }
0xf: {  	_ =	strace $0x8FFFFFFF  }
0x10: {  	s20 =	sld [smem:$0x3FDB];
	_ =	sdelay $0x1  }
0x11: {  	s4 =	simm.s32 $_scs_section_size  }
0x12: {  	s5 =	simm.s32 $_size__tile_overlayer_lowered;
	s6 =	simm.s32 $_tile_overlayer_lowered  }
0x13: {  	s23 =	simm.s32 $0x1BFF;
	s22 =	sshll.u32 s6, $0x1;
	s3 =	sadd.s32 s4, s20  }
0x14: {  	s7 =	simm.s32 $0x0;
	s21 =	sshll.u32 s5, $0x1;
	s5 =	sadd.s32 s22, s3  }
0x15: {  	[timem:s7], [sflag:s23] =	dma.local [hbm:s5], s21  }
0x16: {  	_ =	swait.ge [sflag:s23], s21  }
0x17: {  	s4 =	ssub.s32 $0x0, s21;
	[sflag:s23] =	ssyncset.done $0x0  }
0x18: {  	[sflag:s23] =	ssyncadd.s32 s4;
	_ =	sdelay $0x1  }
0x19: {  	s24 =	simm.s32 $0x1B8B  }
0x1a: {  	_ =	swait.ge [sflag:s24], $0x1  }
0x1b: {  	[sflag:s24] =	ssyncset.done $0x0  }
0x1c: {  	s26 =	simm.s32 $0x1B8E;
	s25 =	sld [smem:$0x3FFE];
	[sflag:s24] =	ssyncadd.s32 $0xFFFFFFFF  }
0x1d: {  	s27 =	simm.s32 $execute0_lowered;
	[smem:$0x3FD2] =	sst s26  }
0x1e: {  	s5 =	sshll.u32 s27, $0x1;
	_ =	strace $0x80000049;
	[dreg:$0x1] =	wrdreg $0xFFFFFFFF  }
0x1f: {  	s28 =	simm.s32 $_size_execute0_lowered;
	s3 =	sadd.s32 s3, s5;
	[dreg:$0x0] =	wrdreg $0x0  }
0x20: {  	s5 =	sshll.u32 s28, $0x1;
	[dreg:$0x2] =	wrdreg s3  }
0x21: {  	[dreg:$0x3] =	wrdreg s5  }
0x22: {  	[dreg:$0x4] =	wrdreg $0xC0  }
0x23: {  	_ =	task [dreg:s7], $0x5FFFF  }
0x24: {  	[dreg:$0x1] =	wrdreg $0xFFFFFFFF  }
0x25: {  	[dreg:$0x0] =	wrdreg $0x60  }
0x26: {  	[dreg:$0x2] =	wrdreg s2  }
0x27: {  	[dreg:$0x3] =	wrdreg s25  }
0x28: {  	[dreg:$0x4] =	wrdreg $0x9  }
0x29: {  	_ =	task.clear_ibuf [dreg:s7], $0x5FFFF;
	_ =	strace $0x90000049  }
0x2a: {  	s29 =	simm.s32 $0x9;
	_ =	strace $0x8000004B  }
0x2b: {  	_ =	swait.ge [sflag:s29], $0x1  }
0x2c: {  	[sflag:s29] =	ssyncadd.s32 $0xFFFFFFFF  }
0x2d: {  	_ =	strace $0x9000004B  }
0x2e: {  	_ =	sfence  }
0x2f: {  	s30 =	sld [smem:$0x0];
	_ =	sdelay $0x2  }
0x30: {  	s31 =	sshll.u32 s1, $0xD;
	s1 =	sshrl.u32 s1, $0x2  }
0x31: {  	s3 =	sand.u32 $0x4000, s31;
	s1 =	sadd.s32 s1, s30  }
0x32: {  	s0 =	sor.u32 s3, s0;
	s1 =	sshll.u32 s1, $0x11  }
0x33: {  	s0 =	sor.u32 s1, s0  }
0x34: {  	s0 =	sadd.s32 $0x8F2B, s0  }
0x35: {  	[sflag:s0] =	ssyncadd.remote.s32 $0x1  }
0x36: {  	_ =	sfence.sel $0xFFFF  }
0x37: {  	[dreg:$0x0] =	wrdreg $0xFFFFFFFF;
	(pc) =	sbr.abs _section_cstart, $3  }
0x38: {  	[dreg:$0x1] =	wrdreg $0xFFFFFFFF  }
0x39: {  	_ =	task.clear_ibuf [dreg:s7], $0x2FFFF;
	_ =	strace $0x9FFFFFFF  }
0x3a: {  	(tm) =	ssettm $0x7FFFFFFF  }
0x3b: {  	_ =	shalt  }
tec
execute0_lowered:
.L_overlay_start_1:
0x0: {  	(tag) =	ssettag $0x1  }
0x1: {  	s2 =	rddreg [dreg:$0x0]  }
0x2: {  	s0 =	stileid.u32;
	s7 =	rddreg [dreg:$0x1]  }
0x3: {  	s1 =	rddreg [dreg:$0x2];
	s4 =	srdreg.scid;
	_ =	strace $0x8000004A  }
0x4: {  	s31 =	simm.s32 $0x2;
	s13 =	simm.s32 $0x0;
	s3 =	sshll.u32 s0, $0x7  }
0x5: {  	s14 =	simm.s32 $0x0;
	s4 =	sand.u32 $0x1, s4;
	s5 =	ssub.s32 $0x800, s3  }
0x6: {  	s12 =	simm.s32 $0x0;
	s8 =	ssub.s32 $0x200, s4;
	s6 =	sand.u32 $0x780, s5  }
0x7: {  	s9 =	sshrl.u32 s5, $0xB;
	p0 =	sne.s32 s6, $0x0;
	s6 =	simm.s32 $0x1  }
.Ltmp0:
0x8: {  	s10 =	sshrl.u32 s8, $0x1;
	s6 =	simm.s32 @!p0 $0x0;
	(pc) =	sbr.rel .LBB1_1-.Ltmp0, $4  }
0x9: {  	s5 =	simm.s32 $0x1;
	s8 =	ssub.s32 s8, s10;
	s6 =	sadd.s32 s6, s9  }
0xa: {  	s7 =	sadd.s32 $0x1000, s7;
	[sflag:s5] =	ssyncpa.u1 $0x0;
	s6 =	smul.u32 s8, s6  }
0xb: {  	s11 =	smov.u32 s3;
	s10 =	smov.u32 s4;
	[sflag:s31] =	ssyncpa.u1 $0x0  }
0xc: {  	p0 =	por $0x0, $0x0;
	s9 =	simm.s32 $0x4000;
	s8 =	sadd.s32 $0x1, s6  }
.LBB1_4:
0xd: {  	v5 =	vld [tilespmem:s18+$0xFFFFFFD0];
	[tilespmem:s17+$0x2040 ss:$0x81] =	vst.msk $0xffff, v1  }
0xe: {  	v58 =	vld [tilespmem:s18+$0xFFFFFFE0];
	[tilespmem:s17+$0x2850 ss:$0x81] =	vst.msk $0xffff, v2  }
0xf: {  	s19 =	sshra.s32 s19, $0x2;
	v59 =	vld [tilespmem:s18+$0xFFFFFFF0];
	[tilespmem:s17+$0x3060 ss:$0x81] =	vst.msk $0xffff, v3  }
0x10: {  	v60 =	vld [tilespmem:s18+$0x0];
	[tilespmem:s17+$0x0 ss:$0x81] =	vst.msk $0xffff, v0;
	s16 =	sadd.s32 s19, s16  }
0x11: {  	v61 =	vld [tilespmem:s18+$0x10];
	[tilespmem:s16+$0x3870 ss:$0x81] =	vst.msk $0xffff, v4  }
0x12: {  	v62 =	vld [tilespmem:s18+$0x20];
	[tilespmem:s16+$0x810 ss:$0x81] =	vst.msk $0xffff, v5  }
0x13: {  	v63 =	vld [tilespmem:s18+$0xFFFFFFC0];
	[tilespmem:s16+$0x1020 ss:$0x81] =	vst.msk $0xffff, v58  }
0x14: {  	s28 =	sshll.u32 s14, $0x3;
	s29 =	sand.u32 $0x78, s14;
	[tilespmem:s16+$0x1830 ss:$0x81] =	vst.msk $0xffff, v59  }
0x15: {  	s30 =	sand.u32 $0x7F00, s14;
	s13 =	sshll.u32 s13, $0xF;
	s17 =	sand.u32 $0x400, s28;
	[tilespmem:s16+$0x2040 ss:$0x81] =	vst.msk $0xffff, v60  }
0x16: {  	s31 =	sand.u32 $0x7, s14;
	s18 =	sadd.s32 s7, s30;
	s17 =	sor.u32 s29, s17;
	[tilespmem:s16+$0x2850 ss:$0x81] =	vst.msk $0xffff, v61  }
0x17: {  	s14 =	sshll.u32 s31, $0x12;
	s13 =	sadd.s32 s13, s18;
	s17 =	sshrl.u32 s17, $0x3;
	[tilespmem:s16+$0x3060 ss:$0x81] =	vst.msk $0xffff, v62  }
0x18: {  	s14 =	sor.u32 $0x400, s14;
	s13 =	sadd.s32 s17, s13;
	[tilespmem:s16+$0x0 ss:$0x81] =	vst.msk $0xffff, v63  }
0x19: {  	[hbm4b:s13+s14] =	stream.strided.scatter [tilespmem:s15], [sflag:$0x2], $0x4000, s9, s14, $0x20;
	[tilespmem:$0x10100] =	vst v63  }
.LBB1_5:
0x1a: {  	s15 =	sadd.s32 $0x2, s10  }
0x1b: {  	s13 =	sadd.s32 $0x800, s11;
	s17 =	smov.u32 s11;
	p2 =	sgt.s32 s15, $0x1FF  }
0x1c: {  	s17 =	smov.u32 @p2 s13  }
0x1d: {  	s15 =	smov.u32 @p2 s4;
	p2 =	sgt.s32 s17, $0x7FF  }
0x1e: {  	s17 =	smov.u32 @p2 s3;
	p2 =	sne.s32 s12, s8  }
.Ltmp1:
0x1f: {  	p1 =	slt.u32 s12, $0x2;
	(pc) =	sbr.rel @!p2 .LBB1_6-.Ltmp1, $4  }
0x20: {  	s16 =	simm.s32 @!p1 $0x2  }
0x21: {  	s14 =	smov.u32 s11;
	p0 =	por !p0, !p0;
	_ =	swait.ge @!p1 [sflag:s16], $0x4000  }
0x22: {  	s13 =	smov.u32 s10;
	[sflag:s16] =	ssyncset.done @!p1 $0x0;
	s10 =	smov.u32 s15  }
0x23: {  	s12 =	sadd.s32 $0x1, s12;
	[sflag:s16] =	ssyncadd.s32 @!p1 $0xFFFFC000;
	s11 =	smov.u32 s17  }
.LBB1_1:
0x24: {  	p1 =	sge.u32 s12, s6  }
0x25: {  	s31 =	sadd.s32 $0xFFFFFFFF, s12;
	s15 =	sxor.u32 @!p1 $0xFFFFFFFF, s12  }
0x26: {  	s16 =	sshll.u32 @!p1 s11, $0xD;
	s17 =	sshll.u32 @!p1 s10, $0x4;
	s18 =	simm.s32 @!p1 $0x10000  }
0x27: {  	s15 =	sshll.u32 @!p1 s15, $0xE;
	s17 =	sand.u32 @!p1 $0x1FF0, s17;
	s16 =	sadd.s32 @!p1 s2, s16  }
0x28: {  	s15 =	sand.u32 @!p1 $0x4000, s15;
	s16 =	sadd.s32 @!p1 s17, s16;
	s17 =	simm.s32 @!p1 $0x80  }
0x29: {  	[tilespmem:s15], [sflag:$0x1] =	stream.strided.gather @!p1 [hbm4b:s16+s17], $0x4000, s18, s17, $0x38;
	[tilespmem:$0x10100] =	vst v63  }
0x2a: {  	p1 =	sge.u32 s31, s6  }
.Ltmp2:
0x2b: {  	_ = 	snop;
	(pc) =	sbr.rel @p1 .LBB1_5-.Ltmp2, $1  }
0x2c: {  	_ =	sdelay $0x3  }
0x2d: {  	s15 =	simm.s32 $0x1  }
0x2e: {  	_ =	swait.ge [sflag:s5], $0x4000;
	s15 =	simm.s32 @!p0 $0x0  }
0x2f: {  	[sflag:s5] =	ssyncset.done $0x0;
	s16 =	sshll.u32 s15, $0xE  }
0x30: {  	[sflag:s5] =	ssyncadd.s32 $0xFFFFC000;
	s18 =	sor.u32 $0x40, s16  }
0x31: {  	s15 =	smul.u32 $0x10200, s15;
	v0 =	vld [tilespmem:s18+$0x30]  }
0x32: {  	v3 =	vld [tilespmem:s18+$0xFFFFFFD0]  }
0x33: {  	s15 =	sshrl.u32 s15, $0x2;
	v4 =	vld [tilespmem:s18+$0xFFFFFFE0]  }
0x34: {  	v5 =	vld [tilespmem:s18+$0xFFFFFFF0];
	s16 =	sor.u32 $0x8000, s15  }
0x35: {  	s31 =	sand.u32 $0x1, s12;
	v1 =	vld [tilespmem:s18+$0x0];
	s17 =	sadd.s32 $0x0, s16  }
0x36: {  	v2 =	vld [tilespmem:s18+$0x10];
	s15 =	smul.u32 $0x10200, s31;
	[tilespmem:s17+$0x3870 ss:$0x81] =	vst.msk $0xffff, v0  }
0x37: {  	[tilespmem:s17+$0x810 ss:$0x81] =	vst.msk $0xffff, v3;
	v3 =	vld [tilespmem:s18+$0x20]  }
0x38: {  	s15 =	sshrl.u32 s15, $0x2;
	v0 =	vld [tilespmem:s18+$0xFFFFFFC0];
	[tilespmem:s17+$0x1020 ss:$0x81] =	vst.msk $0xffff, v4;
	s18 =	sadd.s32 $0x80, s18  }
0x39: {  	s19 =	simm.s32 $0x4;
	s20 =	simm.s32 $0x8;
	s15 =	sor.u32 $0x8000, s15;
	[tilespmem:s17+$0x1830 ss:$0x81] =	vst.msk $0xffff, v5;
	v4 =	vld [tilespmem:s18+$0x30]  }
.LBB1_3:
0x3a: {  	p1 =	sne.s32 s20, $0x1FC;
	v5 =	vld [tilespmem:s18+$0xFFFFFFD0];
	[tilespmem:s17+$0x2040 ss:$0x81] =	vst.msk $0xffff, v1  }
0x3b: {  	v6 =	vld [tilespmem:s18+$0xFFFFFFE0];
	[tilespmem:s17+$0x2850 ss:$0x81] =	vst.msk $0xffff, v2  }
0x3c: {  	s21 =	sshra.s32 s19, $0x2;
	s19 =	smov.u32 s20;
	v7 =	vld [tilespmem:s18+$0xFFFFFFF0];
	[tilespmem:s17+$0x3060 ss:$0x81] =	vst.msk $0xffff, v3  }
.Ltmp3:
0x3d: {  	v1 =	vld [tilespmem:s18+$0x0];
	[tilespmem:s17+$0x0 ss:$0x81] =	vst.msk $0xffff, v0;
	s17 =	sadd.s32 s21, s16;
	(pc) =	sbr.rel @p1 .LBB1_3-.Ltmp3, $4  }
0x3e: {  	v2 =	vld [tilespmem:s18+$0x10];
	[tilespmem:s17+$0x3870 ss:$0x81] =	vst.msk $0xffff, v4  }
0x3f: {  	[tilespmem:s17+$0x810 ss:$0x81] =	vst.msk $0xffff, v5;
	v3 =	vld [tilespmem:s18+$0x20]  }
0x40: {  	v0 =	vld [tilespmem:s18+$0xFFFFFFC0];
	[tilespmem:s17+$0x1020 ss:$0x81] =	vst.msk $0xffff, v6;
	s18 =	sadd.s32 $0x80, s18  }
0x41: {  	s20 =	sadd.s32 $0x4, s20;
	v4 =	vld [tilespmem:s18+$0x30];
	[tilespmem:s17+$0x1830 ss:$0x81] =	vst.msk $0xffff, v7  }
.Ltmp4:
0x42: {  	_ = 	snop;
	(pc) =	sbr.rel .LBB1_4-.Ltmp4, $1  }
0x43: {  	_ =	sdelay $0x3  }
.LBB1_6:
0x44: {  	_ =	sfence.sel $0x180000  }
0x45: {  	s2 =	simm.s32 $0x1;
	[bflag:$0x0] =	sbarrier.arrive $0xFFFF  }
0x46: {  	s31 =	simm.s32 $0x2;
	[sflag:s2] =	ssyncpa.u1 $0x1  }
0x47: {  	[sflag:s31] =	ssyncpa.u1 $0x1  }
0x48: {  	p0 =	sne.s32 s0, $0x0;
	_ =	strace $0x9000004A  }
0x49: {  	s0 =	sadd.s32 @!p0 $0x100000, s1;
	[bflag:$0x2] =	sbarrier.arrive $0xFFFF  }
0x4a: {  	[sflag:s0] =	ssyncadd.tile.s32 @!p0 $0x1;
	_ =	shalt  }
.Lfunc_end1:
_tile_overlayer_lowered:
.L_overlay_start_2:
0x4b: {  	(tag) =	ssettag $0x2  }
0x4c: {  	s0 =	rddreg [dreg:$0x0];
	s2 =	stileid.u32  }
0x4d: {  	s1 =	rddreg [dreg:$0x1];
	p0 =	sne.s32 s2, $0x0  }
0x4e: {  	s3 =	rddreg [dreg:$0x2];
	[bflag:$0x3] =	sbarrier.arrive $0xFFFF;
	s2 =	simm.s32 @!p0 $0x1C01  }
0x4f: {  	[timem:s3], [sflag:s2] =	dma.local @!p0 [hbm:s0], s1  }
0x50: {  	s0 =	simm.s32 @!p0 $0x1  }
0x51: {  	_ =	swait.ge @!p0 [sflag:s0], s1  }
0x52: {  	s1 =	ssub.s32 @!p0 $0x0, s1;
	[sflag:s0] =	ssyncset.done @!p0 $0x0  }
0x53: {  	[sflag:s0] =	ssyncadd.s32 @!p0 s1  }
0x54: {  	[bflag:$0x3] =	sbarrier.arrive $0xFFFF  }
0x55: {  	_ =	shalt  }

// kernel: sparse-core-data-format-call.cloned.1.call-start
scs
called_computation_lowered:
.L_overlay_start_0:
0x0: {  	s2 =	sld [smem:$0x3FD9]  }
0x1: {  	s3 =	sld [smem:$0x3FFE];
	_ =	sdelay $0x1  }
0x2: {  	s1 =	srdreg.scid  }
0x3: {  	s0 =	sand.u32 $0x1, s1  }
0x4: {  	s18 =	sshll.u32 s0, $0xA;
	s2 =	sadd.s32 s3, s2  }
0x5: {  	s2 =	sadd.s32 s2, s18  }
0x6: {  	[smem:$0x3FC7] =	sst s2  }
0x7: {  	_ = 	snop  }
0x8: {  	s2 =	sld [smem:$0x3FD0];
	(tm) =	ssettm $0x1  }
0x9: {  	s19 =	sld [smem:$0x3FFB];
	_ =	sdelay $0x3  }
0xa: {  	_ =	strace s19  }
0xb: {  	s3 =	sld [smem:$0x3FFC];
	_ =	sdelay $0x3  }
0xc: {  	_ =	strace s3  }
0xd: {  	s3 =	sld [smem:$0x3FFD];
	_ =	sdelay $0x3  }
0xe: {  	_ =	strace s3  }
0xf: {  	_ =	strace $0x8FFFFFFF  }
0x10: {  	s20 =	sld [smem:$0x3FDB];
	_ =	sdelay $0x1  }
0x11: {  	s4 =	simm.s32 $_scs_section_size  }
0x12: {  	s5 =	simm.s32 $_size__tile_overlayer_lowered;
	s6 =	simm.s32 $_tile_overlayer_lowered  }
0x13: {  	s23 =	simm.s32 $0x1BFF;
	s22 =	sshll.u32 s6, $0x1;
	s3 =	sadd.s32 s4, s20  }
0x14: {  	s7 =	simm.s32 $0x0;
	s21 =	sshll.u32 s5, $0x1;
	s5 =	sadd.s32 s22, s3  }
0x15: {  	[timem:s7], [sflag:s23] =	dma.local [hbm:s5], s21  }
0x16: {  	_ =	swait.ge [sflag:s23], s21  }
0x17: {  	s4 =	ssub.s32 $0x0, s21;
	[sflag:s23] =	ssyncset.done $0x0  }
0x18: {  	[sflag:s23] =	ssyncadd.s32 s4;
	_ =	sdelay $0x1  }
0x19: {  	s24 =	simm.s32 $0x1B8B  }
0x1a: {  	_ =	swait.ge [sflag:s24], $0x1  }
0x1b: {  	[sflag:s24] =	ssyncset.done $0x0  }
0x1c: {  	s26 =	simm.s32 $0x1B8E;
	s25 =	sld [smem:$0x3FFE];
	[sflag:s24] =	ssyncadd.s32 $0xFFFFFFFF  }
0x1d: {  	s27 =	simm.s32 $execute0_lowered;
	[smem:$0x3FD2] =	sst s26  }
0x1e: {  	s5 =	sshll.u32 s27, $0x1;
	_ =	strace $0x8000004C;
	[dreg:$0x1] =	wrdreg $0xFFFFFFFF  }
0x1f: {  	s28 =	simm.s32 $_size_execute0_lowered;
	s3 =	sadd.s32 s3, s5;
	[dreg:$0x0] =	wrdreg $0x0  }
0x20: {  	s5 =	sshll.u32 s28, $0x1;
	[dreg:$0x2] =	wrdreg s3  }
0x21: {  	[dreg:$0x3] =	wrdreg s5  }
0x22: {  	[dreg:$0x4] =	wrdreg $0xC0  }
0x23: {  	_ =	task [dreg:s7], $0x5FFFF  }
0x24: {  	[dreg:$0x1] =	wrdreg $0xFFFFFFFF  }
0x25: {  	[dreg:$0x0] =	wrdreg $0x60  }
0x26: {  	[dreg:$0x2] =	wrdreg s25  }
0x27: {  	[dreg:$0x3] =	wrdreg s2  }
0x28: {  	[dreg:$0x4] =	wrdreg $0x9  }
0x29: {  	_ =	task.clear_ibuf [dreg:s7], $0x5FFFF;
	_ =	strace $0x9000004C  }
0x2a: {  	s29 =	simm.s32 $0x9;
	_ =	strace $0x8000004E  }
0x2b: {  	_ =	swait.ge [sflag:s29], $0x1  }
0x2c: {  	[sflag:s29] =	ssyncadd.s32 $0xFFFFFFFF  }
0x2d: {  	_ =	strace $0x9000004E  }
0x2e: {  	_ =	sfence  }
0x2f: {  	s30 =	sld [smem:$0x0];
	_ =	sdelay $0x2  }
0x30: {  	s31 =	sshll.u32 s1, $0xD;
	s1 =	sshrl.u32 s1, $0x2  }
0x31: {  	s3 =	sand.u32 $0x4000, s31;
	s1 =	sadd.s32 s1, s30  }
0x32: {  	s0 =	sor.u32 s3, s0;
	s1 =	sshll.u32 s1, $0x11  }
0x33: {  	s0 =	sor.u32 s1, s0  }
0x34: {  	s0 =	sadd.s32 $0x8F2B, s0  }
0x35: {  	[sflag:s0] =	ssyncadd.remote.s32 $0x1  }
0x36: {  	_ =	sfence.sel $0xFFFF  }
0x37: {  	[dreg:$0x0] =	wrdreg $0xFFFFFFFF;
	(pc) =	sbr.abs _section_cstart, $3  }
0x38: {  	[dreg:$0x1] =	wrdreg $0xFFFFFFFF  }
0x39: {  	_ =	task.clear_ibuf [dreg:s7], $0x2FFFF;
	_ =	strace $0x9FFFFFFF  }
0x3a: {  	(tm) =	ssettm $0x7FFFFFFF  }
0x3b: {  	_ =	shalt  }
tec
execute0_lowered:
.L_overlay_start_1:
0x0: {  	(tag) =	ssettag $0x1  }
0x1: {  	s0 =	stileid.u32  }
0x2: {  	s2 =	srdreg.scid;
	s5 =	rddreg [dreg:$0x0]  }
0x3: {  	s6 =	simm.s32 $0x1;
	s31 =	simm.s32 $0x2;
	s14 =	simm.s32 $0x0  }
0x4: {  	s9 =	simm.s32 $0x10000;
	s16 =	simm.s32 $0x0;
	s1 =	sshll.u32 s0, $0x7  }
0x5: {  	s15 =	simm.s32 $0x0;
	s10 =	simm.s32 $0x0;
	s3 =	ssub.s32 $0x800, s1  }
0x6: {  	s13 =	simm.s32 $0x0;
	s2 =	sand.u32 $0x1, s2;
	s4 =	sand.u32 $0x780, s3  }
0x7: {  	s5 =	sadd.s32 $0x1000, s5;
	s7 =	ssub.s32 $0x20, s2;
	p0 =	sne.s32 s4, $0x0  }
0x8: {  	s3 =	sshrl.u32 s3, $0xB;
	s8 =	sshrl.u32 s7, $0x1;
	s6 =	simm.s32 @!p0 $0x0  }
.Ltmp0:
0x9: {  	s7 =	ssub.s32 s7, s8;
	s6 =	sadd.s32 s6, s3;
	(pc) =	sbr.rel .LBB1_1-.Ltmp0, $4  }
0xa: {  	s11 =	smov.u32 s2;
	s4 =	rddreg [dreg:$0x1];
	s7 =	smul.u32 s6, s7  }
0xb: {  	s3 =	rddreg [dreg:$0x2];
	_ =	strace $0x8000004D;
	s6 =	simm.s32 $0x1  }
0xc: {  	s12 =	smov.u32 s1;
	[sflag:s6] =	ssyncpa.u1 $0x0;
	s7 =	sshll.u32 s7, $0x4  }
0xd: {  	p0 =	por $0x0, $0x0;
	[sflag:s31] =	ssyncpa.u1 $0x0;
	s8 =	sor.u32 $0x1, s7  }
.LBB1_4:
0xe: {  	v5 =	vld [tilespmem:s19+$0xFFFFFFD0];
	[tilespmem:s20+$0x2040 ss:$0x81] =	vst.msk $0xffff, v1  }
0xf: {  	v58 =	vld [tilespmem:s19+$0xFFFFFFE0];
	[tilespmem:s20+$0x2850 ss:$0x81] =	vst.msk $0xffff, v2  }
0x10: {  	s21 =	sshra.s32 s21, $0x2;
	v59 =	vld [tilespmem:s19+$0xFFFFFFF0];
	[tilespmem:s20+$0x3060 ss:$0x81] =	vst.msk $0xffff, v3  }
0x11: {  	v60 =	vld [tilespmem:s19+$0x0];
	[tilespmem:s20+$0x0 ss:$0x81] =	vst.msk $0xffff, v0;
	s18 =	sadd.s32 s21, s18  }
0x12: {  	v61 =	vld [tilespmem:s19+$0x10];
	s26 =	sshll.u32 s16, $0xB;
	[tilespmem:s18+$0x3870 ss:$0x81] =	vst.msk $0xffff, v4  }
0x13: {  	v62 =	vld [tilespmem:s19+$0x20];
	s27 =	sand.u32 $0x78, s15;
	s22 =	sshll.u32 s15, $0x3;
	s29 =	sshll.u32 s16, $0x7;
	[tilespmem:s18+$0x810 ss:$0x81] =	vst.msk $0xffff, v5  }
0x14: {  	v63 =	vld [tilespmem:s19+$0xFFFFFFC0];
	s14 =	sshll.u32 s14, $0xD;
	s20 =	sand.u32 $0xC000, s26;
	s28 =	sand.u32 $0xFC00, s22;
	[tilespmem:s18+$0x1020 ss:$0x81] =	vst.msk $0xffff, v58  }
0x15: {  	s31 =	sand.u32 $0x7, s15;
	s22 =	sand.u32 $0x400, s22;
	s19 =	sadd.s32 s28, s20;
	[tilespmem:s18+$0x1830 ss:$0x81] =	vst.msk $0xffff, v59  }
0x16: {  	s16 =	sand.u32 $0x380, s29;
	s30 =	sor.u32 s27, s22;
	s19 =	sshrl.u32 s19, $0x3;
	[tilespmem:s18+$0x2040 ss:$0x81] =	vst.msk $0xffff, v60  }
0x17: {  	s14 =	sadd.s32 s4, s14;
	s16 =	sor.u32 s16, s30;
	s19 =	sand.u32 $0x1F00, s19;
	[tilespmem:s18+$0x2850 ss:$0x81] =	vst.msk $0xffff, v61  }
0x18: {  	s15 =	sshll.u32 s31, $0x12;
	s16 =	sshrl.u32 s16, $0x3;
	[tilespmem:s18+$0x3060 ss:$0x81] =	vst.msk $0xffff, v62;
	s14 =	sadd.s32 s19, s14  }
0x19: {  	s15 =	sor.u32 $0x80, s15;
	[tilespmem:s18+$0x0 ss:$0x81] =	vst.msk $0xffff, v63;
	s14 =	sadd.s32 s16, s14  }
0x1a: {  	[hbm4b:s14+s15] =	stream.strided.scatter [tilespmem:s17], [sflag:$0x2], $0x4000, s9, s15, $0x20;
	[tilespmem:$0x10100] =	vst v63  }
.LBB1_5:
0x1b: {  	s17 =	sadd.s32 $0x80, s10  }
0x1c: {  	s14 =	sadd.s32 $0x2, s11;
	s18 =	smov.u32 s11;
	p2 =	sgt.s32 s17, $0x7FF  }
0x1d: {  	s18 =	smov.u32 @p2 s14  }
0x1e: {  	s20 =	smov.u32 s12;
	s14 =	sadd.s32 $0x800, s12;
	p3 =	sgt.s32 s18, $0x1F  }
0x1f: {  	s20 =	smov.u32 @p3 s14  }
0x20: {  	s17 =	simm.s32 @p2 $0x0;
	p2 =	sgt.s32 s20, $0x7FF  }
0x21: {  	p1 =	slt.u32 s13, $0x2;
	s20 =	smov.u32 @p2 s1;
	p2 =	sne.s32 s13, s8  }
.Ltmp1:
0x22: {  	s19 =	simm.s32 @!p1 $0x2;
	(pc) =	sbr.rel @!p2 .LBB1_6-.Ltmp1, $4  }
0x23: {  	s16 =	smov.u32 s11;
	s15 =	smov.u32 s12;
	_ =	swait.ge @!p1 [sflag:s19], $0x4000  }
0x24: {  	p0 =	por !p0, !p0;
	[sflag:s19] =	ssyncset.done @!p1 $0x0;
	s18 =	smov.u32 @p3 s2  }
0x25: {  	s14 =	smov.u32 s10;
	[sflag:s19] =	ssyncadd.s32 @!p1 $0xFFFFC000;
	s10 =	smov.u32 s17  }
0x26: {  	s11 =	smov.u32 s18;
	s13 =	sadd.s32 $0x1, s13;
	s12 =	smov.u32 s20  }
.LBB1_1:
0x27: {  	p1 =	sge.u32 s13, s7;
	s31 =	sadd.s32 $0xFFFFFFFF, s13  }
0x28: {  	s17 =	sxor.u32 @!p1 $0xFFFFFFFF, s13;
	s18 =	sand.u32 @!p1 $0x78, s10;
	s19 =	sshll.u32 @!p1 s11, $0xB  }
0x29: {  	s20 =	sshll.u32 @!p1 s11, $0x7;
	s21 =	sshll.u32 @!p1 s10, $0x3;
	s17 =	sshll.u32 @!p1 s17, $0xE  }
0x2a: {  	s19 =	sand.u32 @!p1 $0xC000, s19;
	s20 =	sand.u32 @!p1 $0x380, s20;
	s17 =	sand.u32 @!p1 $0x4000, s17  }
0x2b: {  	s19 =	sadd.s32 @!p1 s19, s21;
	s21 =	sand.u32 @!p1 $0x400, s21;
	s18 =	sor.u32 @!p1 s20, s18  }
0x2c: {  	s20 =	sshll.u32 @!p1 s12, $0xD;
	s18 =	sor.u32 @!p1 s21, s18;
	s19 =	sshrl.u32 @!p1 s19, $0x3  }
0x2d: {  	s20 =	sadd.s32 @!p1 s5, s20;
	s21 =	sand.u32 @!p1 $0x7, s10;
	s19 =	sand.u32 @!p1 $0x1F00, s19  }
0x2e: {  	s18 =	sshrl.u32 @!p1 s18, $0x3;
	s19 =	sadd.s32 @!p1 s19, s20;
	s20 =	sshll.u32 @!p1 s21, $0x12  }
0x2f: {  	s18 =	sadd.s32 @!p1 s18, s19;
	s19 =	sor.u32 @!p1 $0x80, s20;
	s20 =	simm.s32 @!p1 $0x10000  }
0x30: {  	[tilespmem:s17], [sflag:$0x1] =	stream.strided.gather @!p1 [hbm4b:s18+s19], $0x4000, s20, s19, $0x38;
	[tilespmem:$0x10100] =	vst v63  }
0x31: {  	p1 =	sge.u32 s31, s7  }
.Ltmp2:
0x32: {  	_ = 	snop;
	(pc) =	sbr.rel @p1 .LBB1_5-.Ltmp2, $1  }
0x33: {  	_ =	sdelay $0x3  }
0x34: {  	s17 =	simm.s32 $0x1  }
0x35: {  	_ =	swait.ge [sflag:s6], $0x4000;
	s17 =	simm.s32 @!p0 $0x0  }
0x36: {  	[sflag:s6] =	ssyncset.done $0x0;
	s18 =	sshll.u32 s17, $0xE  }
0x37: {  	[sflag:s6] =	ssyncadd.s32 $0xFFFFC000;
	s19 =	sor.u32 $0x40, s18  }
0x38: {  	s17 =	smul.u32 $0x10200, s17;
	v0 =	vld [tilespmem:s19+$0x30]  }
0x39: {  	v3 =	vld [tilespmem:s19+$0xFFFFFFD0]  }
0x3a: {  	s17 =	sshrl.u32 s17, $0x2;
	v4 =	vld [tilespmem:s19+$0xFFFFFFE0]  }
0x3b: {  	v5 =	vld [tilespmem:s19+$0xFFFFFFF0];
	s18 =	sor.u32 $0x8000, s17  }
0x3c: {  	s31 =	sand.u32 $0x1, s13;
	v1 =	vld [tilespmem:s19+$0x0];
	s20 =	sadd.s32 $0x0, s18  }
0x3d: {  	v2 =	vld [tilespmem:s19+$0x10];
	s17 =	smul.u32 $0x10200, s31;
	[tilespmem:s20+$0x3870 ss:$0x81] =	vst.msk $0xffff, v0  }
0x3e: {  	[tilespmem:s20+$0x810 ss:$0x81] =	vst.msk $0xffff, v3;
	v3 =	vld [tilespmem:s19+$0x20]  }
0x3f: {  	s17 =	sshrl.u32 s17, $0x2;
	v0 =	vld [tilespmem:s19+$0xFFFFFFC0];
	[tilespmem:s20+$0x1020 ss:$0x81] =	vst.msk $0xffff, v4;
	s19 =	sadd.s32 $0x80, s19  }
0x40: {  	s21 =	simm.s32 $0x4;
	s22 =	simm.s32 $0x8;
	s17 =	sor.u32 $0x8000, s17;
	[tilespmem:s20+$0x1830 ss:$0x81] =	vst.msk $0xffff, v5;
	v4 =	vld [tilespmem:s19+$0x30]  }
.LBB1_3:
0x41: {  	p1 =	sne.s32 s22, $0x1FC;
	v5 =	vld [tilespmem:s19+$0xFFFFFFD0];
	[tilespmem:s20+$0x2040 ss:$0x81] =	vst.msk $0xffff, v1  }
0x42: {  	v6 =	vld [tilespmem:s19+$0xFFFFFFE0];
	[tilespmem:s20+$0x2850 ss:$0x81] =	vst.msk $0xffff, v2  }
0x43: {  	s23 =	sshra.s32 s21, $0x2;
	s21 =	smov.u32 s22;
	v7 =	vld [tilespmem:s19+$0xFFFFFFF0];
	[tilespmem:s20+$0x3060 ss:$0x81] =	vst.msk $0xffff, v3  }
.Ltmp3:
0x44: {  	v1 =	vld [tilespmem:s19+$0x0];
	[tilespmem:s20+$0x0 ss:$0x81] =	vst.msk $0xffff, v0;
	s20 =	sadd.s32 s23, s18;
	(pc) =	sbr.rel @p1 .LBB1_3-.Ltmp3, $4  }
0x45: {  	v2 =	vld [tilespmem:s19+$0x10];
	[tilespmem:s20+$0x3870 ss:$0x81] =	vst.msk $0xffff, v4  }
0x46: {  	[tilespmem:s20+$0x810 ss:$0x81] =	vst.msk $0xffff, v5;
	v3 =	vld [tilespmem:s19+$0x20]  }
0x47: {  	v0 =	vld [tilespmem:s19+$0xFFFFFFC0];
	[tilespmem:s20+$0x1020 ss:$0x81] =	vst.msk $0xffff, v6;
	s19 =	sadd.s32 $0x80, s19  }
0x48: {  	s22 =	sadd.s32 $0x4, s22;
	v4 =	vld [tilespmem:s19+$0x30];
	[tilespmem:s20+$0x1830 ss:$0x81] =	vst.msk $0xffff, v7  }
.Ltmp4:
0x49: {  	_ = 	snop;
	(pc) =	sbr.rel .LBB1_4-.Ltmp4, $1  }
0x4a: {  	_ =	sdelay $0x3  }
.LBB1_6:
0x4b: {  	_ =	sfence.sel $0x180000  }
0x4c: {  	s1 =	simm.s32 $0x1;
	[bflag:$0x0] =	sbarrier.arrive $0xFFFF  }
0x4d: {  	s31 =	simm.s32 $0x2;
	[sflag:s1] =	ssyncpa.u1 $0x1  }
0x4e: {  	[sflag:s31] =	ssyncpa.u1 $0x1  }
0x4f: {  	p0 =	sne.s32 s0, $0x0;
	_ =	strace $0x9000004D  }
0x50: {  	s0 =	sadd.s32 @!p0 $0x100000, s3;
	[bflag:$0x2] =	sbarrier.arrive $0xFFFF  }
0x51: {  	[sflag:s0] =	ssyncadd.tile.s32 @!p0 $0x1;
	_ =	shalt  }
.Lfunc_end1:
_tile_overlayer_lowered:
.L_overlay_start_2:
0x52: {  	(tag) =	ssettag $0x2  }
0x53: {  	s0 =	rddreg [dreg:$0x0];
	s2 =	stileid.u32  }
0x54: {  	s1 =	rddreg [dreg:$0x1];
	p0 =	sne.s32 s2, $0x0  }
0x55: {  	s3 =	rddreg [dreg:$0x2];
	[bflag:$0x3] =	sbarrier.arrive $0xFFFF;
	s2 =	simm.s32 @!p0 $0x1C01  }
0x56: {  	[timem:s3], [sflag:s2] =	dma.local @!p0 [hbm:s0], s1  }
0x57: {  	s0 =	simm.s32 @!p0 $0x1  }
0x58: {  	_ =	swait.ge @!p0 [sflag:s0], s1  }
0x59: {  	s1 =	ssub.s32 @!p0 $0x0, s1;
	[sflag:s0] =	ssyncset.done @!p0 $0x0  }
0x5a: {  	[sflag:s0] =	ssyncadd.s32 @!p0 s1  }
0x5b: {  	[bflag:$0x3] =	sbarrier.arrive $0xFFFF  }
0x5c: {  	_ =	shalt  }

</sc_bundles>
